<compile_context>
chip_gen: v7x
topology: tpu7x:2x2x1
jax: 0.10.2.dev20260603
libtpu: 0.0.44.dev20260713+nightly
codegen_flags: <defaults>
</compile_context>

<pallas_src>
import functools
import jax
import jax.numpy as jnp
from jax import lax
from jax.experimental import pallas as pl
from jax.experimental.pallas import tpu as pltpu
from jax.experimental.pallas import tpu_sc as plsc

N_NODES = 10000
N_EDGES = 320000
D = 128
BLK = 2560
assert N_EDGES % BLK == 0

NC = 2
NS = 16
CH = 80
NBUF = 2

STRIPE = 624
TAIL0 = NS * STRIPE
TAILN = N_NODES - TAIL0


def _zero_rows(buf, nrows):
    zv = jnp.zeros((16,), jnp.float32)

    def body(i, _):
        for c in range(D // 16):
            buf[i, pl.ds(c * 16, 16)] = zv
        return 0

    lax.fori_loop(0, nrows, body, 0)


def _zero_spmem_stripe(sh, row0, nrows, zbuf, zrows):
    full, rem = nrows // zrows, nrows % zrows
    for k in range(full):
        pltpu.sync_copy(zbuf.at[pl.ds(0, zrows)],
                        sh.at[pl.ds(row0 + k * zrows, zrows)])
    if rem:
        pltpu.sync_copy(zbuf.at[pl.ds(0, rem)],
                        sh.at[pl.ds(row0 + full * zrows, rem)])


NBUF1 = 4
LA1 = 2


def _s1_body(m_hbm, dst_hbm, src_hbm, out_hbm, *rest):
    bufs = rest[0:NBUF1]
    idxs = rest[NBUF1:2 * NBUF1]
    sh_h = rest[2 * NBUF1]
    sem_is = rest[2 * NBUF1 + 1:2 * NBUF1 + 1 + NBUF1]
    sem_ds = rest[2 * NBUF1 + 1 + NBUF1:2 * NBUF1 + 1 + 2 * NBUF1]
    sem_ss = rest[2 * NBUF1 + 1 + 2 * NBUF1:2 * NBUF1 + 1 + 3 * NBUF1]

    cid = lax.axis_index("c")
    sid = lax.axis_index("s")
    epw = N_EDGES // NS
    nchunk = epw // CH
    ebase = sid * epw

    _zero_rows(bufs[0], CH)
    r0 = sid * STRIPE
    _zero_spmem_stripe(sh_h, r0, STRIPE, bufs[0], CH)

    @pl.when(sid == NS - 1)
    def _():
        pltpu.sync_copy(bufs[0].at[pl.ds(0, TAILN)],
                        sh_h.at[pl.ds(TAIL0, TAILN)])

    plsc.subcore_barrier()

    def run_pipeline(idx_hbm):
        def issue(j, b):
            off = ebase + j * CH
            pltpu.async_copy(idx_hbm.at[pl.ds(off, CH)], idxs[b], sem_is[b])
            pltpu.async_copy(m_hbm.at[pl.ds(off, CH)], bufs[b], sem_ds[b])

        for b in range(LA1):
            issue(b, b)

        def chunk_step(j, b):
            bb = (b + LA1) % NBUF1

            @pl.when(j + LA1 < nchunk)
            def _():
                @pl.when(j >= NBUF1 - LA1)
                def _():
                    pltpu.make_async_copy(bufs[bb], sh_h.at[idxs[bb]],
                                          sem_ss[bb]).wait()
                issue(j + LA1, bb)

            pltpu.make_async_copy(idx_hbm.at[pl.ds(0, CH)],
                                  idxs[b], sem_is[b]).wait()
            pltpu.make_async_copy(m_hbm.at[pl.ds(0, CH)],
                                  bufs[b], sem_ds[b]).wait()
            pltpu.async_copy(bufs[b], sh_h.at[idxs[b]], sem_ss[b], add=True)

        def round_body(g, _):
            for b in range(NBUF1):
                chunk_step(g + b, b)
            return 0

        lax.fori_loop(0, nchunk // NBUF1,
                      lambda g, x: round_body(g * NBUF1, x), 0, unroll=False)
        for k in range(nchunk % NBUF1):
            j = (nchunk // NBUF1) * NBUF1 + k
            chunk_step(j, j % NBUF1)
        for b in range(NBUF1):
            pltpu.make_async_copy(bufs[b], sh_h.at[idxs[b]], sem_ss[b]).wait()

    @pl.when(cid == 0)
    def _():
        run_pipeline(dst_hbm)

    @pl.when(cid == 1)
    def _():
        run_pipeline(src_hbm)

    plsc.subcore_barrier()

    pltpu.sync_copy(sh_h.at[pl.ds(r0, STRIPE)],
                    out_hbm.at[cid, pl.ds(r0, STRIPE)])

    @pl.when(sid == NS - 1)
    def _():
        pltpu.sync_copy(sh_h.at[pl.ds(TAIL0, TAILN)],
                        out_hbm.at[cid, pl.ds(TAIL0, TAILN)])


def _s1(m, ei):
    mesh = plsc.VectorSubcoreMesh(core_axis_name="c", subcore_axis_name="s")
    f = functools.partial(
        pl.kernel,
        mesh=mesh,
        out_type=jax.ShapeDtypeStruct((NC, N_NODES, D), jnp.float32),
        scratch_types=(
            [pltpu.VMEM((CH, D), jnp.float32)] * NBUF1
            + [pltpu.VMEM((CH,), jnp.int32)] * NBUF1
            + [pltpu.VMEM_SHARED((N_NODES, D), jnp.float32)]
            + [pltpu.SemaphoreType.DMA] * (3 * NBUF1)
        ),
    )(_s1_body)
    return f(m, ei[1], ei[0])


def _scnt_body(src_hbm, cnt_hbm, idx0, idx1, ones_v, zc_v, sh_c,
               sem_i0, sem_i1):
    cid = lax.axis_index("c")
    sid = lax.axis_index("s")
    epw = N_EDGES // (NC * NS)
    nchunk = epw // CH
    ebase = (cid * NS + sid) * epw

    idxs = (idx0, idx1)
    sem_is = (sem_i0, sem_i1)

    ov = jnp.ones((16,), jnp.float32)

    def fill(i, _):
        for cc in range(D // 16):
            ones_v[i, pl.ds(cc * 16, 16)] = ov
        return 0
    lax.fori_loop(0, CH, fill, 0)
    _zero_rows(zc_v, CH)

    r0 = sid * STRIPE
    _zero_spmem_stripe(sh_c, r0, STRIPE, zc_v, CH)

    @pl.when(sid == NS - 1)
    def _():
        pltpu.sync_copy(zc_v.at[pl.ds(0, TAILN)], sh_c.at[pl.ds(TAIL0, TAILN)])

    plsc.subcore_barrier()

    def issue(j, b):
        pltpu.async_copy(src_hbm.at[pl.ds(ebase + j * CH, CH)],
                         idxs[b], sem_is[b])

    for b in range(NBUF):
        issue(b, b)

    def chunk_step(j, b):
        pltpu.make_async_copy(src_hbm.at[pl.ds(0, CH)],
                              idxs[b], sem_is[b]).wait()
        pltpu.sync_copy(ones_v, sh_c.at[idxs[b]], add=True)

        @pl.when(j + NBUF < nchunk)
        def _():
            issue(j + NBUF, b)

    def round_body(g, _):
        for b in range(NBUF):
            chunk_step(g + b, b)
        return 0

    lax.fori_loop(0, nchunk // NBUF,
                  lambda g, x: round_body(g * NBUF, x), 0, unroll=False)
    for b in range(nchunk % NBUF):
        chunk_step((nchunk // NBUF) * NBUF + b, b)

    plsc.subcore_barrier()
    pltpu.sync_copy(sh_c.at[pl.ds(r0, STRIPE)],
                    cnt_hbm.at[cid, pl.ds(r0, STRIPE)])

    @pl.when(sid == NS - 1)
    def _():
        pltpu.sync_copy(sh_c.at[pl.ds(TAIL0, TAILN)],
                        cnt_hbm.at[cid, pl.ds(TAIL0, TAILN)])


def _scnt(src):
    mesh = plsc.VectorSubcoreMesh(core_axis_name="c", subcore_axis_name="s")
    f = functools.partial(
        pl.kernel,
        mesh=mesh,
        out_type=jax.ShapeDtypeStruct((NC, N_NODES, D), jnp.float32),
        scratch_types=[
            pltpu.VMEM((CH,), jnp.int32),
            pltpu.VMEM((CH,), jnp.int32),
            pltpu.VMEM((CH, D), jnp.float32),
            pltpu.VMEM((CH, D), jnp.float32),
            pltpu.VMEM_SHARED((N_NODES, D), jnp.float32),
            pltpu.SemaphoreType.DMA,
            pltpu.SemaphoreType.DMA,
        ],
    )(_scnt_body)
    return f(src)


def _sgather_body(pa_hbm, src_hbm, r_hbm, idx0, idx1, buf0, buf1, sh_p,
                  sem_i0, sem_i1, sem_w0, sem_w1):
    cid = lax.axis_index("c")
    sid = lax.axis_index("s")
    epw = N_EDGES // (NC * NS)
    nchunk = epw // CH
    ebase = (cid * NS + sid) * epw

    idxs = (idx0, idx1)
    bufs = (buf0, buf1)
    sem_is = (sem_i0, sem_i1)
    sem_ws = (sem_w0, sem_w1)

    r0 = sid * STRIPE
    pltpu.sync_copy(pa_hbm.at[pl.ds(r0, STRIPE)], sh_p.at[pl.ds(r0, STRIPE)])

    @pl.when(sid == NS - 1)
    def _():
        pltpu.sync_copy(pa_hbm.at[pl.ds(TAIL0, TAILN)],
                        sh_p.at[pl.ds(TAIL0, TAILN)])

    plsc.subcore_barrier()

    def issue(j, b):
        pltpu.async_copy(src_hbm.at[pl.ds(ebase + j * CH, CH)],
                         idxs[b], sem_is[b])

    for b in range(NBUF):
        issue(b, b)

    def chunk_step(j, b):
        @pl.when(j >= NBUF)
        def _():
            pltpu.make_async_copy(bufs[b], r_hbm.at[pl.ds(0, CH)],
                                  sem_ws[b]).wait()
        pltpu.make_async_copy(src_hbm.at[pl.ds(0, CH)],
                              idxs[b], sem_is[b]).wait()
        pltpu.sync_copy(sh_p.at[idxs[b]], bufs[b])
        pltpu.async_copy(bufs[b], r_hbm.at[pl.ds(ebase + j * CH, CH)],
                         sem_ws[b])

        @pl.when(j + NBUF < nchunk)
        def _():
            issue(j + NBUF, b)

    def round_body(g, _):
        for b in range(NBUF):
            chunk_step(g + b, b)
        return 0

    lax.fori_loop(0, nchunk // NBUF,
                  lambda g, x: round_body(g * NBUF, x), 0, unroll=False)
    for b in range(nchunk % NBUF):
        chunk_step((nchunk // NBUF) * NBUF + b, b)
    for b in range(NBUF):
        pltpu.make_async_copy(bufs[b], r_hbm.at[pl.ds(0, CH)],
                              sem_ws[b]).wait()


def _sgather(pa, src):
    mesh = plsc.VectorSubcoreMesh(core_axis_name="c", subcore_axis_name="s")
    f = functools.partial(
        pl.kernel,
        mesh=mesh,
        out_type=jax.ShapeDtypeStruct((N_EDGES, D), jnp.float32),
        scratch_types=[
            pltpu.VMEM((CH,), jnp.int32),
            pltpu.VMEM((CH,), jnp.int32),
            pltpu.VMEM((CH, D), jnp.float32),
            pltpu.VMEM((CH, D), jnp.float32),
            pltpu.VMEM_SHARED((N_NODES, D), jnp.float32),
            pltpu.SemaphoreType.DMA,
            pltpu.SemaphoreType.DMA,
            pltpu.SemaphoreType.DMA,
            pltpu.SemaphoreType.DMA,
        ],
    )(_sgather_body)
    return f(pa, src)


def _s2_body(y_hbm, dst_hbm, out_hbm, *rest):
    bufs = rest[0:NBUF1]
    idxs = rest[NBUF1:2 * NBUF1]
    sh_h = rest[2 * NBUF1]
    sem_is = rest[2 * NBUF1 + 1:2 * NBUF1 + 1 + NBUF1]
    sem_ds = rest[2 * NBUF1 + 1 + NBUF1:2 * NBUF1 + 1 + 2 * NBUF1]
    sem_ss = rest[2 * NBUF1 + 1 + 2 * NBUF1:2 * NBUF1 + 1 + 3 * NBUF1]

    cid = lax.axis_index("c")
    sid = lax.axis_index("s")
    epw = N_EDGES // (NC * NS)
    nchunk = epw // CH
    ebase = (cid * NS + sid) * epw

    _zero_rows(bufs[0], CH)
    r0 = sid * STRIPE
    _zero_spmem_stripe(sh_h, r0, STRIPE, bufs[0], CH)

    @pl.when(sid == NS - 1)
    def _():
        pltpu.sync_copy(bufs[0].at[pl.ds(0, TAILN)],
                        sh_h.at[pl.ds(TAIL0, TAILN)])

    plsc.subcore_barrier()

    def issue(j, b):
        off = ebase + j * CH
        pltpu.async_copy(dst_hbm.at[pl.ds(off, CH)], idxs[b], sem_is[b])
        pltpu.async_copy(y_hbm.at[pl.ds(off, CH)], bufs[b], sem_ds[b])

    for b in range(LA1):
        issue(b, b)

    def chunk_step(j, b):
        bb = (b + LA1) % NBUF1

        @pl.when(j + LA1 < nchunk)
        def _():
            @pl.when(j >= NBUF1 - LA1)
            def _():
                pltpu.make_async_copy(bufs[bb], sh_h.at[idxs[bb]],
                                      sem_ss[bb]).wait()
            issue(j + LA1, bb)

        pltpu.make_async_copy(dst_hbm.at[pl.ds(0, CH)],
                              idxs[b], sem_is[b]).wait()
        pltpu.make_async_copy(y_hbm.at[pl.ds(0, CH)],
                              bufs[b], sem_ds[b]).wait()
        pltpu.async_copy(bufs[b], sh_h.at[idxs[b]], sem_ss[b], add=True)

    def round_body(g, _):
        for b in range(NBUF1):
            chunk_step(g + b, b)
        return 0

    lax.fori_loop(0, nchunk // NBUF1,
                  lambda g, x: round_body(g * NBUF1, x), 0, unroll=False)
    for k in range(nchunk % NBUF1):
        j = (nchunk // NBUF1) * NBUF1 + k
        chunk_step(j, j % NBUF1)
    for b in range(NBUF1):
        pltpu.make_async_copy(bufs[b], sh_h.at[idxs[b]], sem_ss[b]).wait()

    plsc.subcore_barrier()
    pltpu.sync_copy(sh_h.at[pl.ds(r0, STRIPE)],
                    out_hbm.at[cid, pl.ds(r0, STRIPE)])

    @pl.when(sid == NS - 1)
    def _():
        pltpu.sync_copy(sh_h.at[pl.ds(TAIL0, TAILN)],
                        out_hbm.at[cid, pl.ds(TAIL0, TAILN)])


def _s2(y, dst):
    mesh = plsc.VectorSubcoreMesh(core_axis_name="c", subcore_axis_name="s")
    f = functools.partial(
        pl.kernel,
        mesh=mesh,
        out_type=jax.ShapeDtypeStruct((NC, N_NODES, D), jnp.float32),
        scratch_types=(
            [pltpu.VMEM((CH, D), jnp.float32)] * NBUF1
            + [pltpu.VMEM((CH,), jnp.int32)] * NBUF1
            + [pltpu.VMEM_SHARED((N_NODES, D), jnp.float32)]
            + [pltpu.SemaphoreType.DMA] * (3 * NBUF1)
        ),
    )(_s2_body)
    return f(y, dst)


NBLK = 2000


def _tadd_body(a_ref, b_ref, o_ref):
    o_ref[...] = a_ref[0] + b_ref[0]


def _tadd(parts):
    grid = (N_NODES // NBLK,)
    return pl.pallas_call(
        _tadd_body,
        grid=grid,
        in_specs=[
            pl.BlockSpec((1, NBLK, D), lambda i: (0, i, 0)),
            pl.BlockSpec((1, NBLK, D), lambda i: (1, i, 0)),
        ],
        out_specs=pl.BlockSpec((NBLK, D), lambda i: (i, 0)),
        out_shape=jax.ShapeDtypeStruct((N_NODES, D), jnp.float32),
    )(parts, parts)


def _t2_body(m_ref, w_ref, r_ref, e0_ref, y_ref):
    acc = jnp.dot(m_ref[...], w_ref[...], preferred_element_type=jnp.float32,
                  precision=jax.lax.Precision.HIGHEST)
    y_ref[...] = jnp.maximum(acc + r_ref[...] + e0_ref[...], 0.0)


def _t2(m, wbp_t, r, e0):
    grid = (N_EDGES // BLK,)
    return pl.pallas_call(
        _t2_body,
        grid=grid,
        in_specs=[
            pl.BlockSpec((BLK, D), lambda i: (i, 0)),
            pl.BlockSpec((D, D), lambda i: (0, 0)),
            pl.BlockSpec((BLK, D), lambda i: (i, 0)),
            pl.BlockSpec((1, D), lambda i: (0, 0)),
        ],
        out_specs=pl.BlockSpec((BLK, D), lambda i: (i, 0)),
        out_shape=jax.ShapeDtypeStruct((N_EDGES, D), jnp.float32),
    )(m, wbp_t, r, e0)


def _tg_body(m_ref, g_ref, s_ref):
    @pl.when(pl.program_id(0) == 0)
    def _():
        g_ref[...] = jnp.zeros_like(g_ref)
        s_ref[...] = jnp.zeros_like(s_ref)

    blk = m_ref[...]
    g_ref[...] += jnp.dot(blk.T, blk, preferred_element_type=jnp.float32,
                          precision=jax.lax.Precision.HIGHEST)
    s_ref[...] += jnp.sum(blk, axis=0, keepdims=True)


def _tg(m):
    grid = (N_EDGES // BLK,)
    return pl.pallas_call(
        _tg_body,
        grid=grid,
        in_specs=[pl.BlockSpec((BLK, D), lambda i: (i, 0))],
        out_specs=[
            pl.BlockSpec((D, D), lambda i: (0, 0)),
            pl.BlockSpec((1, D), lambda i: (0, 0)),
        ],
        out_shape=[
            jax.ShapeDtypeStruct((D, D), jnp.float32),
            jax.ShapeDtypeStruct((1, D), jnp.float32),
        ],
    )(m)


NBLK_S = 2000
NB_S = N_NODES // NBLK_S
E_F = float(N_EDGES)


def _tstats_body(hd_ref, hsrc_ref, c0_ref, c1_ref, g_ref, sm_ref, w_ref,
                 b1_ref, g1_ref, be1_ref,
                 pa_ref, e0_ref, wbp_ref,
                 sr_acc, srr_acc, x_acc, a_scr, e0_scr):
    i = pl.program_id(0)
    hp = jax.lax.Precision.HIGHEST
    wa_t = w_ref[:, :D].T
    wb = w_ref[:, D:]

    @pl.when(i == 0)
    def _():
        sr_acc[...] = jnp.zeros_like(sr_acc)
        srr_acc[...] = jnp.zeros_like(srr_acc)
        x_acc[...] = jnp.zeros_like(x_acc)

    @pl.when(i < NB_S)
    def _():
        p_blk = jnp.dot(hd_ref[...], wa_t, preferred_element_type=jnp.float32,
                        precision=hp)
        q_blk = jnp.dot(hsrc_ref[...], wb.T,
                        preferred_element_type=jnp.float32, precision=hp)
        c_blk = c0_ref[0][:, 0:1] + c1_ref[0][:, 0:1]
        sr_acc[...] += jnp.sum(c_blk * p_blk, axis=0, keepdims=True)
        srr_acc[...] += jnp.sum(c_blk * p_blk * p_blk, axis=0, keepdims=True)
        x_acc[...] += jnp.sum(p_blk * q_blk, axis=0, keepdims=True)
        pa_ref[...] = jnp.zeros_like(pa_ref)
        e0_ref[...] = jnp.zeros_like(e0_ref)
        wbp_ref[...] = jnp.zeros_like(wbp_ref)

    @pl.when(i == NB_S)
    def _():
        b1 = b1_ref[...]
        colsum_q = jnp.dot(sm_ref[...], wb.T,
                           preferred_element_type=jnp.float32, precision=hp)
        wbg = jnp.dot(wb, g_ref[...], preferred_element_type=jnp.float32,
                      precision=hp)
        colsumsq_q = jnp.sum(wbg * wb, axis=1, keepdims=True).T
        sum_z = colsum_q + sr_acc[...] + E_F * b1
        sumsq_z = (colsumsq_q + srr_acc[...] + E_F * b1 * b1
                   + 2.0 * x_acc[...] + 2.0 * b1 * colsum_q
                   + 2.0 * b1 * sr_acc[...])
        mean = sum_z / E_F
        var = sumsq_z / E_F - mean * mean
        a = g1_ref[...] / jnp.sqrt(var + 1e-5)
        a_scr[...] = a
        e0_scr[...] = a * (b1 - mean) + be1_ref[...]

    @pl.when(i >= NB_S)
    def _():
        a = a_scr[...]
        p_blk = jnp.dot(hd_ref[...], wa_t, preferred_element_type=jnp.float32,
                        precision=hp)
        pa_ref[...] = p_blk * a
        e0_ref[...] = e0_scr[...]
        wbp_ref[...] = wb.T * a


def _tstats(h_dst, h_src, cnt, G, sm, W1, b1, g1, be1):
    grid = (2 * NB_S,)
    bm = lambda i: (i % NB_S, 0)
    zero2 = lambda i: (0, 0)
    return pl.pallas_call(
        _tstats_body,
        grid=grid,
        in_specs=[
            pl.BlockSpec((NBLK_S, D), bm),
            pl.BlockSpec((NBLK_S, D), bm),
            pl.BlockSpec((1, NBLK_S, D), lambda i: (0, i % NB_S, 0)),
            pl.BlockSpec((1, NBLK_S, D), lambda i: (1, i % NB_S, 0)),
            pl.BlockSpec((D, D), zero2),
            pl.BlockSpec((1, D), zero2),
            pl.BlockSpec((D, 2 * D), zero2),
            pl.BlockSpec((1, D), zero2),
            pl.BlockSpec((1, D), zero2),
            pl.BlockSpec((1, D), zero2),
        ],
        out_specs=[
            pl.BlockSpec((NBLK_S, D), bm),
            pl.BlockSpec((1, D), zero2),
            pl.BlockSpec((D, D), zero2),
        ],
        out_shape=[
            jax.ShapeDtypeStruct((N_NODES, D), jnp.float32),
            jax.ShapeDtypeStruct((1, D), jnp.float32),
            jax.ShapeDtypeStruct((D, D), jnp.float32),
        ],
        scratch_shapes=[
            pltpu.VMEM((1, D), jnp.float32),
            pltpu.VMEM((1, D), jnp.float32),
            pltpu.VMEM((1, D), jnp.float32),
            pltpu.VMEM((1, D), jnp.float32),
            pltpu.VMEM((1, D), jnp.float32),
        ],
    )(h_dst, h_src, cnt, cnt, G, sm, W1,
      b1[None, :], g1[None, :], be1[None, :])


def kernel(m, edge_index, W1, b1, g1, be1, W2, b2, g2, be2):
    ei = edge_index.astype(jnp.int32)
    src = ei[0]
    dst = ei[1]

    hh = _s1(m, ei)
    cnt = _scnt(src)
    G, sm = _tg(m)
    pa, e0, wbp_t = _tstats(hh[0], hh[1], cnt, G, sm, W1, b1, g1, be1)
    r = _sgather(pa, src)
    y = _t2(m, wbp_t, r, e0)
    parts = _s2(y, dst)
    h2 = _tadd(parts)
    return h2

# --- scband reference (transcript-rebuilt; emitter-appended) ---
"""Pipeline reference for scband-simple-edge-encoder-47278999994906 (READ-ONLY COPY).

The authoritative reference and input builder live on the scoring server;
editing this copy changes nothing except your own understanding.
"""

import jax, jax.numpy as jnp
import numpy as np

N_NODES = 10000
N_EDGES = 320000
D = 128


def _gnn_edges_layer(m, src, dst, W, b, gamma, beta, n_nodes):
    # send_and_recv(copy_e('m','s'), sum('s','h')): scatter-add edge feats to dst nodes
    h = jax.ops.segment_sum(m, dst, num_segments=n_nodes)
    # apply_edges: cat(h[src], m) -> Linear -> BatchNorm1d (training stats) -> activation
    cat = jnp.concatenate([h[src], m], axis=1)
    z = cat @ W.T + b
    mean = jnp.mean(z, axis=0)
    var = jnp.var(z, axis=0)
    zn = (z - mean) / jnp.sqrt(var + 1e-5) * gamma + beta
    m_new = jax.nn.relu(zn)
    return m_new, h


def setup_inputs(seed: int = 0) -> dict:
    key = jax.random.key(seed)
    k1, k2, k3, k4 = jax.random.split(key, 4)
    m = jax.random.normal(k1, (N_EDGES, D), dtype=jnp.float32)
    edge_index = jax.random.randint(k2, (2, N_EDGES), 0, N_NODES, dtype=jnp.int64)
    # Layer 1: Linear(2*128 -> 128), BatchNorm1d(128)
    lim1 = 1.0 / np.sqrt(2 * D)
    W1 = jax.random.uniform(k3, (D, 2 * D), dtype=jnp.float32, minval=-lim1, maxval=lim1)
    b1 = jnp.zeros((D,), dtype=jnp.float32)
    g1 = jnp.ones((D,), dtype=jnp.float32)
    be1 = jnp.zeros((D,), dtype=jnp.float32)
    # Layer 2: Linear(2*128 -> 128), BatchNorm1d(128)
    W2 = jax.random.uniform(k4, (D, 2 * D), dtype=jnp.float32, minval=-lim1, maxval=lim1)
    b2 = jnp.zeros((D,), dtype=jnp.float32)
    g2 = jnp.ones((D,), dtype=jnp.float32)
    be2 = jnp.zeros((D,), dtype=jnp.float32)
    return {"m": m, "edge_index": edge_index, "W1": W1, "b1": b1, "g1": g1, "be1": be1,
            "W2": W2, "b2": b2, "g2": g2, "be2": be2}


def reference(m, edge_index, W1, b1, g1, be1, W2, b2, g2, be2):
    src = edge_index[0]
    dst = edge_index[1]
    m1, h1 = _gnn_edges_layer(m, src, dst, W1, b1, g1, be1, N_NODES)
    m2, h2 = _gnn_edges_layer(m1, src, dst, W2, b2, g2, be2, N_NODES)
    # Simple_edge_encoder returns feat_nodes from the last layer
    return h2

if __name__ == "__main__":
    import jax
    _d = setup_inputs()
    print(jax.jit(kernel)(*tuple(_d.values())))

</pallas_src>

<mosaic_0001>
#map = affine_map<(d0, d1) -> (0)>
#map1 = affine_map<(d0, d1) -> (0, 0, 0)>
module attributes {stable_mosaic.version = 14 : i64} {
  func.func @_scnt_body(%arg0: i32, %arg1: i32, %arg2: memref<320000xi32, #tpu.memory_space<hbm>>, %arg3: memref<2x10000x128xf32, #tpu.memory_space<hbm>>, %arg4: memref<80xi32, #tpu.memory_space<vmem>>, %arg5: memref<80xi32, #tpu.memory_space<vmem>>, %arg6: memref<80x128xf32, #tpu.memory_space<vmem>>, %arg7: memref<80x128xf32, #tpu.memory_space<vmem>>, %arg8: memref<10000x128xf32, #tpu.memory_space<vmem_shared>>, %arg9: memref<!tpu.dma_semaphore, #tpu.memory_space<semaphore_mem>>, %arg10: memref<!tpu.dma_semaphore, #tpu.memory_space<semaphore_mem>>) attributes {dimension_semantics = [#tpu.dimension_semantics<core_parallel>, #tpu.dimension_semantics<subcore_parallel>], iteration_bounds = array<i64: 2, 16>, scalar_prefetch = 0 : i64, scratch_operands = 7 : i64, tpu.core_type = #tpu.core_type<sc_vector_subcore>, window_params = [{transform_indices = #map}, {transform_indices = #map1}]} {
    %mul3A = arith.constant 16 : i32
    %mul3A_0 = arith.muli %arg0, %mul3A : i32
    %add3A = arith.addi %mul3A_0, %arg1 : i32
    %mul3A_1 = arith.constant 10000 : i32
    %mul3A_2 = arith.muli %add3A, %mul3A_1 : i32
    %broadcast_in_dim3A = arith.constant 1.000000e+00 : f32
    %broadcast_in_dim3A_3 = vector.broadcast %broadcast_in_dim3A : f32 to vector<16xf32>
    %scan3A = arith.constant 0 : i32
    %scan3A_4 = arith.constant 0 : i32
    %scan3A_5 = arith.constant 80 : i32
    %scan3A_6 = arith.addi %scan3A_4, %scan3A_5 : i32
    %scan3A_7 = arith.constant 1 : i32
    %scan3A_8 = scf.for %scan3A_62 = %scan3A_4 to %scan3A_6 step %scan3A_7 iter_args(%scan3A_63 = %scan3A) -> (i32)  : i32 {
      %swap3A = arith.index_cast %scan3A_62 : i32 to index
      %swap3A_64 = arith.constant 0 : index
      %swap3A_65 = tpu.vector_load %arg6[%swap3A, %swap3A_64] {strides = array<i32>} : memref<80x128xf32, #tpu.memory_space<vmem>>, vector<1x16xf32>,
      %swap3A_66 = vector.shape_cast %swap3A_65 : vector<1x16xf32> to vector<16xf32>
      %swap3A_67 = vector.shape_cast %broadcast_in_dim3A_3 : vector<16xf32> to vector<1x16xf32>
      tpu.vector_store %arg6[%swap3A, %swap3A_64], %swap3A_67 {strides = array<i32>} : memref<80x128xf32, #tpu.memory_space<vmem>>, vector<1x16xf32>,
      %swap3A_68 = arith.index_cast %scan3A_62 : i32 to index
      %swap3A_69 = arith.constant 16 : index
      %swap3A_70 = tpu.vector_load %arg6[%swap3A_68, %swap3A_69] {strides = array<i32>} : memref<80x128xf32, #tpu.memory_space<vmem>>, vector<1x16xf32>,
      %swap3A_71 = vector.shape_cast %swap3A_70 : vector<1x16xf32> to vector<16xf32>
      %swap3A_72 = vector.shape_cast %broadcast_in_dim3A_3 : vector<16xf32> to vector<1x16xf32>
      tpu.vector_store %arg6[%swap3A_68, %swap3A_69], %swap3A_72 {strides = array<i32>} : memref<80x128xf32, #tpu.memory_space<vmem>>, vector<1x16xf32>,
      %swap3A_73 = arith.index_cast %scan3A_62 : i32 to index
      %swap3A_74 = arith.constant 32 : index
      %swap3A_75 = tpu.vector_load %arg6[%swap3A_73, %swap3A_74] {strides = array<i32>} : memref<80x128xf32, #tpu.memory_space<vmem>>, vector<1x16xf32>,
      %swap3A_76 = vector.shape_cast %swap3A_75 : vector<1x16xf32> to vector<16xf32>
      %swap3A_77 = vector.shape_cast %broadcast_in_dim3A_3 : vector<16xf32> to vector<1x16xf32>
      tpu.vector_store %arg6[%swap3A_73, %swap3A_74], %swap3A_77 {strides = array<i32>} : memref<80x128xf32, #tpu.memory_space<vmem>>, vector<1x16xf32>,
      %swap3A_78 = arith.index_cast %scan3A_62 : i32 to index
      %swap3A_79 = arith.constant 48 : index
      %swap3A_80 = tpu.vector_load %arg6[%swap3A_78, %swap3A_79] {strides = array<i32>} : memref<80x128xf32, #tpu.memory_space<vmem>>, vector<1x16xf32>,
      %swap3A_81 = vector.shape_cast %swap3A_80 : vector<1x16xf32> to vector<16xf32>
      %swap3A_82 = vector.shape_cast %broadcast_in_dim3A_3 : vector<16xf32> to vector<1x16xf32>
      tpu.vector_store %arg6[%swap3A_78, %swap3A_79], %swap3A_82 {strides = array<i32>} : memref<80x128xf32, #tpu.memory_space<vmem>>, vector<1x16xf32>,
      %swap3A_83 = arith.index_cast %scan3A_62 : i32 to index
      %swap3A_84 = arith.constant 64 : index
      %swap3A_85 = tpu.vector_load %arg6[%swap3A_83, %swap3A_84] {strides = array<i32>} : memref<80x128xf32, #tpu.memory_space<vmem>>, vector<1x16xf32>,
      %swap3A_86 = vector.shape_cast %swap3A_85 : vector<1x16xf32> to vector<16xf32>
      %swap3A_87 = vector.shape_cast %broadcast_in_dim3A_3 : vector<16xf32> to vector<1x16xf32>
      tpu.vector_store %arg6[%swap3A_83, %swap3A_84], %swap3A_87 {strides = array<i32>} : memref<80x128xf32, #tpu.memory_space<vmem>>, vector<1x16xf32>,
      %swap3A_88 = arith.index_cast %scan3A_62 : i32 to index
      %swap3A_89 = arith.constant 80 : index
      %swap3A_90 = tpu.vector_load %arg6[%swap3A_88, %swap3A_89] {strides = array<i32>} : memref<80x128xf32, #tpu.memory_space<vmem>>, vector<1x16xf32>,
      %swap3A_91 = vector.shape_cast %swap3A_90 : vector<1x16xf32> to vector<16xf32>
      %swap3A_92 = vector.shape_cast %broadcast_in_dim3A_3 : vector<16xf32> to vector<1x16xf32>
      tpu.vector_store %arg6[%swap3A_88, %swap3A_89], %swap3A_92 {strides = array<i32>} : memref<80x128xf32, #tpu.memory_space<vmem>>, vector<1x16xf32>,
      %swap3A_93 = arith.index_cast %scan3A_62 : i32 to index
      %swap3A_94 = arith.constant 96 : index
      %swap3A_95 = tpu.vector_load %arg6[%swap3A_93, %swap3A_94] {strides = array<i32>} : memref<80x128xf32, #tpu.memory_space<vmem>>, vector<1x16xf32>,
      %swap3A_96 = vector.shape_cast %swap3A_95 : vector<1x16xf32> to vector<16xf32>
      %swap3A_97 = vector.shape_cast %broadcast_in_dim3A_3 : vector<16xf32> to vector<1x16xf32>
      tpu.vector_store %arg6[%swap3A_93, %swap3A_94], %swap3A_97 {strides = array<i32>} : memref<80x128xf32, #tpu.memory_space<vmem>>, vector<1x16xf32>,
      %swap3A_98 = arith.index_cast %scan3A_62 : i32 to index
      %swap3A_99 = arith.constant 112 : index
      %swap3A_100 = tpu.vector_load %arg6[%swap3A_98, %swap3A_99] {strides = array<i32>} : memref<80x128xf32, #tpu.memory_space<vmem>>, vector<1x16xf32>,
      %swap3A_101 = vector.shape_cast %swap3A_100 : vector<1x16xf32> to vector<16xf32>
      %swap3A_102 = vector.shape_cast %broadcast_in_dim3A_3 : vector<16xf32> to vector<1x16xf32>
      tpu.vector_store %arg6[%swap3A_98, %swap3A_99], %swap3A_102 {strides = array<i32>} : memref<80x128xf32, #tpu.memory_space<vmem>>, vector<1x16xf32>,
      %scan3A_103 = arith.constant 0 : i32
      scf.yield %scan3A_103 : i32
    }
    %scan3A_9 = arith.constant 80 : i32
    %broadcast_in_dim3A_10 = arith.constant 0.000000e+00 : f32
    %broadcast_in_dim3A_11 = vector.broadcast %broadcast_in_dim3A_10 : f32 to vector<16xf32>
    %scan3A_12 = arith.constant 0 : i32
    %scan3A_13 = arith.constant 0 : i32
    %scan3A_14 = arith.constant 80 : i32
    %scan3A_15 = arith.addi %scan3A_13, %scan3A_14 : i32
    %scan3A_16 = arith.constant 1 : i32
    %scan3A_17 = scf.for %scan3A_62 = %scan3A_13 to %scan3A_15 step %scan3A_16 iter_args(%scan3A_63 = %scan3A_12) -> (i32)  : i32 {
      %swap3A = arith.index_cast %scan3A_62 : i32 to index
      %swap3A_64 = arith.constant 0 : index
      %swap3A_65 = tpu.vector_load %arg7[%swap3A, %swap3A_64] {strides = array<i32>} : memref<80x128xf32, #tpu.memory_space<vmem>>, vector<1x16xf32>,
      %swap3A_66 = vector.shape_cast %swap3A_65 : vector<1x16xf32> to vector<16xf32>
      %swap3A_67 = vector.shape_cast %broadcast_in_dim3A_11 : vector<16xf32> to vector<1x16xf32>
      tpu.vector_store %arg7[%swap3A, %swap3A_64], %swap3A_67 {strides = array<i32>} : memref<80x128xf32, #tpu.memory_space<vmem>>, vector<1x16xf32>,
      %swap3A_68 = arith.index_cast %scan3A_62 : i32 to index
      %swap3A_69 = arith.constant 16 : index
      %swap3A_70 = tpu.vector_load %arg7[%swap3A_68, %swap3A_69] {strides = array<i32>} : memref<80x128xf32, #tpu.memory_space<vmem>>, vector<1x16xf32>,
      %swap3A_71 = vector.shape_cast %swap3A_70 : vector<1x16xf32> to vector<16xf32>
      %swap3A_72 = vector.shape_cast %broadcast_in_dim3A_11 : vector<16xf32> to vector<1x16xf32>
      tpu.vector_store %arg7[%swap3A_68, %swap3A_69], %swap3A_72 {strides = array<i32>} : memref<80x128xf32, #tpu.memory_space<vmem>>, vector<1x16xf32>,
      %swap3A_73 = arith.index_cast %scan3A_62 : i32 to index
      %swap3A_74 = arith.constant 32 : index
      %swap3A_75 = tpu.vector_load %arg7[%swap3A_73, %swap3A_74] {strides = array<i32>} : memref<80x128xf32, #tpu.memory_space<vmem>>, vector<1x16xf32>,
      %swap3A_76 = vector.shape_cast %swap3A_75 : vector<1x16xf32> to vector<16xf32>
      %swap3A_77 = vector.shape_cast %broadcast_in_dim3A_11 : vector<16xf32> to vector<1x16xf32>
      tpu.vector_store %arg7[%swap3A_73, %swap3A_74], %swap3A_77 {strides = array<i32>} : memref<80x128xf32, #tpu.memory_space<vmem>>, vector<1x16xf32>,
      %swap3A_78 = arith.index_cast %scan3A_62 : i32 to index
      %swap3A_79 = arith.constant 48 : index
      %swap3A_80 = tpu.vector_load %arg7[%swap3A_78, %swap3A_79] {strides = array<i32>} : memref<80x128xf32, #tpu.memory_space<vmem>>, vector<1x16xf32>,
      %swap3A_81 = vector.shape_cast %swap3A_80 : vector<1x16xf32> to vector<16xf32>
      %swap3A_82 = vector.shape_cast %broadcast_in_dim3A_11 : vector<16xf32> to vector<1x16xf32>
      tpu.vector_store %arg7[%swap3A_78, %swap3A_79], %swap3A_82 {strides = array<i32>} : memref<80x128xf32, #tpu.memory_space<vmem>>, vector<1x16xf32>,
      %swap3A_83 = arith.index_cast %scan3A_62 : i32 to index
      %swap3A_84 = arith.constant 64 : index
      %swap3A_85 = tpu.vector_load %arg7[%swap3A_83, %swap3A_84] {strides = array<i32>} : memref<80x128xf32, #tpu.memory_space<vmem>>, vector<1x16xf32>,
      %swap3A_86 = vector.shape_cast %swap3A_85 : vector<1x16xf32> to vector<16xf32>
      %swap3A_87 = vector.shape_cast %broadcast_in_dim3A_11 : vector<16xf32> to vector<1x16xf32>
      tpu.vector_store %arg7[%swap3A_83, %swap3A_84], %swap3A_87 {strides = array<i32>} : memref<80x128xf32, #tpu.memory_space<vmem>>, vector<1x16xf32>,
      %swap3A_88 = arith.index_cast %scan3A_62 : i32 to index
      %swap3A_89 = arith.constant 80 : index
      %swap3A_90 = tpu.vector_load %arg7[%swap3A_88, %swap3A_89] {strides = array<i32>} : memref<80x128xf32, #tpu.memory_space<vmem>>, vector<1x16xf32>,
      %swap3A_91 = vector.shape_cast %swap3A_90 : vector<1x16xf32> to vector<16xf32>
      %swap3A_92 = vector.shape_cast %broadcast_in_dim3A_11 : vector<16xf32> to vector<1x16xf32>
      tpu.vector_store %arg7[%swap3A_88, %swap3A_89], %swap3A_92 {strides = array<i32>} : memref<80x128xf32, #tpu.memory_space<vmem>>, vector<1x16xf32>,
      %swap3A_93 = arith.index_cast %scan3A_62 : i32 to index
      %swap3A_94 = arith.constant 96 : index
      %swap3A_95 = tpu.vector_load %arg7[%swap3A_93, %swap3A_94] {strides = array<i32>} : memref<80x128xf32, #tpu.memory_space<vmem>>, vector<1x16xf32>,
      %swap3A_96 = vector.shape_cast %swap3A_95 : vector<1x16xf32> to vector<16xf32>
      %swap3A_97 = vector.shape_cast %broadcast_in_dim3A_11 : vector<16xf32> to vector<1x16xf32>
      tpu.vector_store %arg7[%swap3A_93, %swap3A_94], %swap3A_97 {strides = array<i32>} : memref<80x128xf32, #tpu.memory_space<vmem>>, vector<1x16xf32>,
      %swap3A_98 = arith.index_cast %scan3A_62 : i32 to index
      %swap3A_99 = arith.constant 112 : index
      %swap3A_100 = tpu.vector_load %arg7[%swap3A_98, %swap3A_99] {strides = array<i32>} : memref<80x128xf32, #tpu.memory_space<vmem>>, vector<1x16xf32>,
      %swap3A_101 = vector.shape_cast %swap3A_100 : vector<1x16xf32> to vector<16xf32>
      %swap3A_102 = vector.shape_cast %broadcast_in_dim3A_11 : vector<16xf32> to vector<1x16xf32>
      tpu.vector_store %arg7[%swap3A_98, %swap3A_99], %swap3A_102 {strides = array<i32>} : memref<80x128xf32, #tpu.memory_space<vmem>>, vector<1x16xf32>,
      %scan3A_103 = arith.constant 0 : i32
      scf.yield %scan3A_103 : i32
    }
    %scan3A_18 = arith.constant 80 : i32
    %mul3A_19 = arith.constant 624 : i32
    %mul3A_20 = arith.muli %arg1, %mul3A_19 : i32
    %add3A_21 = arith.constant 0 : i32
    %add3A_22 = arith.addi %mul3A_20, %add3A_21 : i32
    "tpu.region"() ({
      %run_scoped3A = tpu.sem_alloc : memref<!tpu.dma_semaphore, #tpu.memory_space<semaphore_mem>>
      %dma_start3A_62 = arith.constant 0 : i32
      %dma_start3A_63 = arith.constant 0 : i32
      %dma_start3A_64 = tpu.memref_slice %arg7[%dma_start3A_62, %dma_start3A_63] : memref<80x128xf32, #tpu.memory_space<vmem>> -> memref<80x128xf32, #tpu.memory_space<vmem>>
      %dma_start3A_65 = arith.constant 0 : i32
      %dma_start3A_66 = tpu.memref_slice %arg8[%add3A_22, %dma_start3A_65] : memref<10000x128xf32, #tpu.memory_space<vmem_shared>> -> memref<80x128xf32, #tpu.memory_space<vmem_shared>>
      %dma_start3A_67 = arith.constant 0 : i32
      %dma_start3A_68 = tpu.memref_slice %arg8[%add3A_22, %dma_start3A_67] : memref<10000x128xf32, #tpu.memory_space<vmem_shared>> -> memref<80x128xf32, #tpu.memory_space<vmem_shared>>
      %dma_start3A_69 = arith.constant 0 : i32
      %dma_start3A_70 = arith.constant 0 : i32
      %dma_start3A_71 = tpu.memref_slice %arg7[%dma_start3A_69, %dma_start3A_70] : memref<80x128xf32, #tpu.memory_space<vmem>> -> memref<80x128xf32, #tpu.memory_space<vmem>>
      tpu.enqueue_dma source(%dma_start3A_71 : memref<80x128xf32, #tpu.memory_space<vmem>>) target(%dma_start3A_68 : memref<80x128xf32, #tpu.memory_space<vmem_shared>>) target_semaphore(%run_scoped3A : memref<!tpu.dma_semaphore, #tpu.memory_space<semaphore_mem>>)
      %dma_wait3A_72 = arith.constant 0 : i32
      %dma_wait3A_73 = arith.constant 0 : i32
      %dma_wait3A_74 = tpu.memref_slice %arg7[%dma_wait3A_72, %dma_wait3A_73] : memref<80x128xf32, #tpu.memory_space<vmem>> -> memref<80x128xf32, #tpu.memory_space<vmem>>
      %dma_wait3A_75 = arith.constant 0 : i32
      %dma_wait3A_76 = tpu.memref_slice %arg8[%add3A_22, %dma_wait3A_75] : memref<10000x128xf32, #tpu.memory_space<vmem_shared>> -> memref<80x128xf32, #tpu.memory_space<vmem_shared>>
      %dma_wait3A_77 = arith.constant 0 : i32
      %dma_wait3A_78 = tpu.memref_slice %arg8[%add3A_22, %dma_wait3A_77] : memref<10000x128xf32, #tpu.memory_space<vmem_shared>> -> memref<80x128xf32, #tpu.memory_space<vmem_shared>>
      %dma_wait3A_79 = arith.constant 0 : i32
      %dma_wait3A_80 = arith.constant 0 : i32
      %dma_wait3A_81 = tpu.memref_slice %arg7[%dma_wait3A_79, %dma_wait3A_80] : memref<80x128xf32, #tpu.memory_space<vmem>> -> memref<80x128xf32, #tpu.memory_space<vmem>>
      tpu.wait_dma2 semaphore(%run_scoped3A : memref<!tpu.dma_semaphore, #tpu.memory_space<semaphore_mem>>) src(%dma_wait3A_81 : memref<80x128xf32, #tpu.memory_space<vmem>>) dst(%dma_wait3A_78 : memref<80x128xf32, #tpu.memory_space<vmem_shared>>)
      tpu.yield
    }) : () -> ()
    %add3A_23 = arith.constant 80 : i32
    %add3A_24 = arith.addi %mul3A_20, %add3A_23 : i32
    "tpu.region"() ({
      %run_scoped3A = tpu.sem_alloc : memref<!tpu.dma_semaphore, #tpu.memory_space<semaphore_mem>>
      %dma_start3A_62 = arith.constant 0 : i32
      %dma_start3A_63 = arith.constant 0 : i32
      %dma_start3A_64 = tpu.memref_slice %arg7[%dma_start3A_62, %dma_start3A_63] : memref<80x128xf32, #tpu.memory_space<vmem>> -> memref<80x128xf32, #tpu.memory_space<vmem>>
      %dma_start3A_65 = arith.constant 0 : i32
      %dma_start3A_66 = tpu.memref_slice %arg8[%add3A_24, %dma_start3A_65] : memref<10000x128xf32, #tpu.memory_space<vmem_shared>> -> memref<80x128xf32, #tpu.memory_space<vmem_shared>>
      %dma_start3A_67 = arith.constant 0 : i32
      %dma_start3A_68 = tpu.memref_slice %arg8[%add3A_24, %dma_start3A_67] : memref<10000x128xf32, #tpu.memory_space<vmem_shared>> -> memref<80x128xf32, #tpu.memory_space<vmem_shared>>
      %dma_start3A_69 = arith.constant 0 : i32
      %dma_start3A_70 = arith.constant 0 : i32
      %dma_start3A_71 = tpu.memref_slice %arg7[%dma_start3A_69, %dma_start3A_70] : memref<80x128xf32, #tpu.memory_space<vmem>> -> memref<80x128xf32, #tpu.memory_space<vmem>>
      tpu.enqueue_dma source(%dma_start3A_71 : memref<80x128xf32, #tpu.memory_space<vmem>>) target(%dma_start3A_68 : memref<80x128xf32, #tpu.memory_space<vmem_shared>>) target_semaphore(%run_scoped3A : memref<!tpu.dma_semaphore, #tpu.memory_space<semaphore_mem>>)
      %dma_wait3A_72 = arith.constant 0 : i32
      %dma_wait3A_73 = arith.constant 0 : i32
      %dma_wait3A_74 = tpu.memref_slice %arg7[%dma_wait3A_72, %dma_wait3A_73] : memref<80x128xf32, #tpu.memory_space<vmem>> -> memref<80x128xf32, #tpu.memory_space<vmem>>
      %dma_wait3A_75 = arith.constant 0 : i32
      %dma_wait3A_76 = tpu.memref_slice %arg8[%add3A_24, %dma_wait3A_75] : memref<10000x128xf32, #tpu.memory_space<vmem_shared>> -> memref<80x128xf32, #tpu.memory_space<vmem_shared>>
      %dma_wait3A_77 = arith.constant 0 : i32
      %dma_wait3A_78 = tpu.memref_slice %arg8[%add3A_24, %dma_wait3A_77] : memref<10000x128xf32, #tpu.memory_space<vmem_shared>> -> memref<80x128xf32, #tpu.memory_space<vmem_shared>>
      %dma_wait3A_79 = arith.constant 0 : i32
      %dma_wait3A_80 = arith.constant 0 : i32
      %dma_wait3A_81 = tpu.memref_slice %arg7[%dma_wait3A_79, %dma_wait3A_80] : memref<80x128xf32, #tpu.memory_space<vmem>> -> memref<80x128xf32, #tpu.memory_space<vmem>>
      tpu.wait_dma2 semaphore(%run_scoped3A : memref<!tpu.dma_semaphore, #tpu.memory_space<semaphore_mem>>) src(%dma_wait3A_81 : memref<80x128xf32, #tpu.memory_space<vmem>>) dst(%dma_wait3A_78 : memref<80x128xf32, #tpu.memory_space<vmem_shared>>)
      tpu.yield
    }) : () -> ()
    %add3A_25 = arith.constant 160 : i32
    %add3A_26 = arith.addi %mul3A_20, %add3A_25 : i32
    "tpu.region"() ({
      %run_scoped3A = tpu.sem_alloc : memref<!tpu.dma_semaphore, #tpu.memory_space<semaphore_mem>>
      %dma_start3A_62 = arith.constant 0 : i32
      %dma_start3A_63 = arith.constant 0 : i32
      %dma_start3A_64 = tpu.memref_slice %arg7[%dma_start3A_62, %dma_start3A_63] : memref<80x128xf32, #tpu.memory_space<vmem>> -> memref<80x128xf32, #tpu.memory_space<vmem>>
      %dma_start3A_65 = arith.constant 0 : i32
      %dma_start3A_66 = tpu.memref_slice %arg8[%add3A_26, %dma_start3A_65] : memref<10000x128xf32, #tpu.memory_space<vmem_shared>> -> memref<80x128xf32, #tpu.memory_space<vmem_shared>>
      %dma_start3A_67 = arith.constant 0 : i32
      %dma_start3A_68 = tpu.memref_slice %arg8[%add3A_26, %dma_start3A_67] : memref<10000x128xf32, #tpu.memory_space<vmem_shared>> -> memref<80x128xf32, #tpu.memory_space<vmem_shared>>
      %dma_start3A_69 = arith.constant 0 : i32
      %dma_start3A_70 = arith.constant 0 : i32
      %dma_start3A_71 = tpu.memref_slice %arg7[%dma_start3A_69, %dma_start3A_70] : memref<80x128xf32, #tpu.memory_space<vmem>> -> memref<80x128xf32, #tpu.memory_space<vmem>>
      tpu.enqueue_dma source(%dma_start3A_71 : memref<80x128xf32, #tpu.memory_space<vmem>>) target(%dma_start3A_68 : memref<80x128xf32, #tpu.memory_space<vmem_shared>>) target_semaphore(%run_scoped3A : memref<!tpu.dma_semaphore, #tpu.memory_space<semaphore_mem>>)
      %dma_wait3A_72 = arith.constant 0 : i32
      %dma_wait3A_73 = arith.constant 0 : i32
      %dma_wait3A_74 = tpu.memref_slice %arg7[%dma_wait3A_72, %dma_wait3A_73] : memref<80x128xf32, #tpu.memory_space<vmem>> -> memref<80x128xf32, #tpu.memory_space<vmem>>
      %dma_wait3A_75 = arith.constant 0 : i32
      %dma_wait3A_76 = tpu.memref_slice %arg8[%add3A_26, %dma_wait3A_75] : memref<10000x128xf32, #tpu.memory_space<vmem_shared>> -> memref<80x128xf32, #tpu.memory_space<vmem_shared>>
      %dma_wait3A_77 = arith.constant 0 : i32
      %dma_wait3A_78 = tpu.memref_slice %arg8[%add3A_26, %dma_wait3A_77] : memref<10000x128xf32, #tpu.memory_space<vmem_shared>> -> memref<80x128xf32, #tpu.memory_space<vmem_shared>>
      %dma_wait3A_79 = arith.constant 0 : i32
      %dma_wait3A_80 = arith.constant 0 : i32
      %dma_wait3A_81 = tpu.memref_slice %arg7[%dma_wait3A_79, %dma_wait3A_80] : memref<80x128xf32, #tpu.memory_space<vmem>> -> memref<80x128xf32, #tpu.memory_space<vmem>>
      tpu.wait_dma2 semaphore(%run_scoped3A : memref<!tpu.dma_semaphore, #tpu.memory_space<semaphore_mem>>) src(%dma_wait3A_81 : memref<80x128xf32, #tpu.memory_space<vmem>>) dst(%dma_wait3A_78 : memref<80x128xf32, #tpu.memory_space<vmem_shared>>)
      tpu.yield
    }) : () -> ()
    %add3A_27 = arith.constant 240 : i32
    %add3A_28 = arith.addi %mul3A_20, %add3A_27 : i32
    "tpu.region"() ({
      %run_scoped3A = tpu.sem_alloc : memref<!tpu.dma_semaphore, #tpu.memory_space<semaphore_mem>>
      %dma_start3A_62 = arith.constant 0 : i32
      %dma_start3A_63 = arith.constant 0 : i32
      %dma_start3A_64 = tpu.memref_slice %arg7[%dma_start3A_62, %dma_start3A_63] : memref<80x128xf32, #tpu.memory_space<vmem>> -> memref<80x128xf32, #tpu.memory_space<vmem>>
      %dma_start3A_65 = arith.constant 0 : i32
      %dma_start3A_66 = tpu.memref_slice %arg8[%add3A_28, %dma_start3A_65] : memref<10000x128xf32, #tpu.memory_space<vmem_shared>> -> memref<80x128xf32, #tpu.memory_space<vmem_shared>>
      %dma_start3A_67 = arith.constant 0 : i32
      %dma_start3A_68 = tpu.memref_slice %arg8[%add3A_28, %dma_start3A_67] : memref<10000x128xf32, #tpu.memory_space<vmem_shared>> -> memref<80x128xf32, #tpu.memory_space<vmem_shared>>
      %dma_start3A_69 = arith.constant 0 : i32
      %dma_start3A_70 = arith.constant 0 : i32
      %dma_start3A_71 = tpu.memref_slice %arg7[%dma_start3A_69, %dma_start3A_70] : memref<80x128xf32, #tpu.memory_space<vmem>> -> memref<80x128xf32, #tpu.memory_space<vmem>>
      tpu.enqueue_dma source(%dma_start3A_71 : memref<80x128xf32, #tpu.memory_space<vmem>>) target(%dma_start3A_68 : memref<80x128xf32, #tpu.memory_space<vmem_shared>>) target_semaphore(%run_scoped3A : memref<!tpu.dma_semaphore, #tpu.memory_space<semaphore_mem>>)
      %dma_wait3A_72 = arith.constant 0 : i32
      %dma_wait3A_73 = arith.constant 0 : i32
      %dma_wait3A_74 = tpu.memref_slice %arg7[%dma_wait3A_72, %dma_wait3A_73] : memref<80x128xf32, #tpu.memory_space<vmem>> -> memref<80x128xf32, #tpu.memory_space<vmem>>
      %dma_wait3A_75 = arith.constant 0 : i32
      %dma_wait3A_76 = tpu.memref_slice %arg8[%add3A_28, %dma_wait3A_75] : memref<10000x128xf32, #tpu.memory_space<vmem_shared>> -> memref<80x128xf32, #tpu.memory_space<vmem_shared>>
      %dma_wait3A_77 = arith.constant 0 : i32
      %dma_wait3A_78 = tpu.memref_slice %arg8[%add3A_28, %dma_wait3A_77] : memref<10000x128xf32, #tpu.memory_space<vmem_shared>> -> memref<80x128xf32, #tpu.memory_space<vmem_shared>>
      %dma_wait3A_79 = arith.constant 0 : i32
      %dma_wait3A_80 = arith.constant 0 : i32
      %dma_wait3A_81 = tpu.memref_slice %arg7[%dma_wait3A_79, %dma_wait3A_80] : memref<80x128xf32, #tpu.memory_space<vmem>> -> memref<80x128xf32, #tpu.memory_space<vmem>>
      tpu.wait_dma2 semaphore(%run_scoped3A : memref<!tpu.dma_semaphore, #tpu.memory_space<semaphore_mem>>) src(%dma_wait3A_81 : memref<80x128xf32, #tpu.memory_space<vmem>>) dst(%dma_wait3A_78 : memref<80x128xf32, #tpu.memory_space<vmem_shared>>)
      tpu.yield
    }) : () -> ()
    %add3A_29 = arith.constant 320 : i32
    %add3A_30 = arith.addi %mul3A_20, %add3A_29 : i32
    "tpu.region"() ({
      %run_scoped3A = tpu.sem_alloc : memref<!tpu.dma_semaphore, #tpu.memory_space<semaphore_mem>>
      %dma_start3A_62 = arith.constant 0 : i32
      %dma_start3A_63 = arith.constant 0 : i32
      %dma_start3A_64 = tpu.memref_slice %arg7[%dma_start3A_62, %dma_start3A_63] : memref<80x128xf32, #tpu.memory_space<vmem>> -> memref<80x128xf32, #tpu.memory_space<vmem>>
      %dma_start3A_65 = arith.constant 0 : i32
      %dma_start3A_66 = tpu.memref_slice %arg8[%add3A_30, %dma_start3A_65] : memref<10000x128xf32, #tpu.memory_space<vmem_shared>> -> memref<80x128xf32, #tpu.memory_space<vmem_shared>>
      %dma_start3A_67 = arith.constant 0 : i32
      %dma_start3A_68 = tpu.memref_slice %arg8[%add3A_30, %dma_start3A_67] : memref<10000x128xf32, #tpu.memory_space<vmem_shared>> -> memref<80x128xf32, #tpu.memory_space<vmem_shared>>
      %dma_start3A_69 = arith.constant 0 : i32
      %dma_start3A_70 = arith.constant 0 : i32
      %dma_start3A_71 = tpu.memref_slice %arg7[%dma_start3A_69, %dma_start3A_70] : memref<80x128xf32, #tpu.memory_space<vmem>> -> memref<80x128xf32, #tpu.memory_space<vmem>>
      tpu.enqueue_dma source(%dma_start3A_71 : memref<80x128xf32, #tpu.memory_space<vmem>>) target(%dma_start3A_68 : memref<80x128xf32, #tpu.memory_space<vmem_shared>>) target_semaphore(%run_scoped3A : memref<!tpu.dma_semaphore, #tpu.memory_space<semaphore_mem>>)
      %dma_wait3A_72 = arith.constant 0 : i32
      %dma_wait3A_73 = arith.constant 0 : i32
      %dma_wait3A_74 = tpu.memref_slice %arg7[%dma_wait3A_72, %dma_wait3A_73] : memref<80x128xf32, #tpu.memory_space<vmem>> -> memref<80x128xf32, #tpu.memory_space<vmem>>
      %dma_wait3A_75 = arith.constant 0 : i32
      %dma_wait3A_76 = tpu.memref_slice %arg8[%add3A_30, %dma_wait3A_75] : memref<10000x128xf32, #tpu.memory_space<vmem_shared>> -> memref<80x128xf32, #tpu.memory_space<vmem_shared>>
      %dma_wait3A_77 = arith.constant 0 : i32
      %dma_wait3A_78 = tpu.memref_slice %arg8[%add3A_30, %dma_wait3A_77] : memref<10000x128xf32, #tpu.memory_space<vmem_shared>> -> memref<80x128xf32, #tpu.memory_space<vmem_shared>>
      %dma_wait3A_79 = arith.constant 0 : i32
      %dma_wait3A_80 = arith.constant 0 : i32
      %dma_wait3A_81 = tpu.memref_slice %arg7[%dma_wait3A_79, %dma_wait3A_80] : memref<80x128xf32, #tpu.memory_space<vmem>> -> memref<80x128xf32, #tpu.memory_space<vmem>>
      tpu.wait_dma2 semaphore(%run_scoped3A : memref<!tpu.dma_semaphore, #tpu.memory_space<semaphore_mem>>) src(%dma_wait3A_81 : memref<80x128xf32, #tpu.memory_space<vmem>>) dst(%dma_wait3A_78 : memref<80x128xf32, #tpu.memory_space<vmem_shared>>)
      tpu.yield
    }) : () -> ()
    %add3A_31 = arith.constant 400 : i32
    %add3A_32 = arith.addi %mul3A_20, %add3A_31 : i32
    "tpu.region"() ({
      %run_scoped3A = tpu.sem_alloc : memref<!tpu.dma_semaphore, #tpu.memory_space<semaphore_mem>>
      %dma_start3A_62 = arith.constant 0 : i32
      %dma_start3A_63 = arith.constant 0 : i32
      %dma_start3A_64 = tpu.memref_slice %arg7[%dma_start3A_62, %dma_start3A_63] : memref<80x128xf32, #tpu.memory_space<vmem>> -> memref<80x128xf32, #tpu.memory_space<vmem>>
      %dma_start3A_65 = arith.constant 0 : i32
      %dma_start3A_66 = tpu.memref_slice %arg8[%add3A_32, %dma_start3A_65] : memref<10000x128xf32, #tpu.memory_space<vmem_shared>> -> memref<80x128xf32, #tpu.memory_space<vmem_shared>>
      %dma_start3A_67 = arith.constant 0 : i32
      %dma_start3A_68 = tpu.memref_slice %arg8[%add3A_32, %dma_start3A_67] : memref<10000x128xf32, #tpu.memory_space<vmem_shared>> -> memref<80x128xf32, #tpu.memory_space<vmem_shared>>
      %dma_start3A_69 = arith.constant 0 : i32
      %dma_start3A_70 = arith.constant 0 : i32
      %dma_start3A_71 = tpu.memref_slice %arg7[%dma_start3A_69, %dma_start3A_70] : memref<80x128xf32, #tpu.memory_space<vmem>> -> memref<80x128xf32, #tpu.memory_space<vmem>>
      tpu.enqueue_dma source(%dma_start3A_71 : memref<80x128xf32, #tpu.memory_space<vmem>>) target(%dma_start3A_68 : memref<80x128xf32, #tpu.memory_space<vmem_shared>>) target_semaphore(%run_scoped3A : memref<!tpu.dma_semaphore, #tpu.memory_space<semaphore_mem>>)
      %dma_wait3A_72 = arith.constant 0 : i32
      %dma_wait3A_73 = arith.constant 0 : i32
      %dma_wait3A_74 = tpu.memref_slice %arg7[%dma_wait3A_72, %dma_wait3A_73] : memref<80x128xf32, #tpu.memory_space<vmem>> -> memref<80x128xf32, #tpu.memory_space<vmem>>
      %dma_wait3A_75 = arith.constant 0 : i32
      %dma_wait3A_76 = tpu.memref_slice %arg8[%add3A_32, %dma_wait3A_75] : memref<10000x128xf32, #tpu.memory_space<vmem_shared>> -> memref<80x128xf32, #tpu.memory_space<vmem_shared>>
      %dma_wait3A_77 = arith.constant 0 : i32
      %dma_wait3A_78 = tpu.memref_slice %arg8[%add3A_32, %dma_wait3A_77] : memref<10000x128xf32, #tpu.memory_space<vmem_shared>> -> memref<80x128xf32, #tpu.memory_space<vmem_shared>>
      %dma_wait3A_79 = arith.constant 0 : i32
      %dma_wait3A_80 = arith.constant 0 : i32
      %dma_wait3A_81 = tpu.memref_slice %arg7[%dma_wait3A_79, %dma_wait3A_80] : memref<80x128xf32, #tpu.memory_space<vmem>> -> memref<80x128xf32, #tpu.memory_space<vmem>>
      tpu.wait_dma2 semaphore(%run_scoped3A : memref<!tpu.dma_semaphore, #tpu.memory_space<semaphore_mem>>) src(%dma_wait3A_81 : memref<80x128xf32, #tpu.memory_space<vmem>>) dst(%dma_wait3A_78 : memref<80x128xf32, #tpu.memory_space<vmem_shared>>)
      tpu.yield
    }) : () -> ()
    %add3A_33 = arith.constant 480 : i32
    %add3A_34 = arith.addi %mul3A_20, %add3A_33 : i32
    "tpu.region"() ({
      %run_scoped3A = tpu.sem_alloc : memref<!tpu.dma_semaphore, #tpu.memory_space<semaphore_mem>>
      %dma_start3A_62 = arith.constant 0 : i32
      %dma_start3A_63 = arith.constant 0 : i32
      %dma_start3A_64 = tpu.memref_slice %arg7[%dma_start3A_62, %dma_start3A_63] : memref<80x128xf32, #tpu.memory_space<vmem>> -> memref<80x128xf32, #tpu.memory_space<vmem>>
      %dma_start3A_65 = arith.constant 0 : i32
      %dma_start3A_66 = tpu.memref_slice %arg8[%add3A_34, %dma_start3A_65] : memref<10000x128xf32, #tpu.memory_space<vmem_shared>> -> memref<80x128xf32, #tpu.memory_space<vmem_shared>>
      %dma_start3A_67 = arith.constant 0 : i32
      %dma_start3A_68 = tpu.memref_slice %arg8[%add3A_34, %dma_start3A_67] : memref<10000x128xf32, #tpu.memory_space<vmem_shared>> -> memref<80x128xf32, #tpu.memory_space<vmem_shared>>
      %dma_start3A_69 = arith.constant 0 : i32
      %dma_start3A_70 = arith.constant 0 : i32
      %dma_start3A_71 = tpu.memref_slice %arg7[%dma_start3A_69, %dma_start3A_70] : memref<80x128xf32, #tpu.memory_space<vmem>> -> memref<80x128xf32, #tpu.memory_space<vmem>>
      tpu.enqueue_dma source(%dma_start3A_71 : memref<80x128xf32, #tpu.memory_space<vmem>>) target(%dma_start3A_68 : memref<80x128xf32, #tpu.memory_space<vmem_shared>>) target_semaphore(%run_scoped3A : memref<!tpu.dma_semaphore, #tpu.memory_space<semaphore_mem>>)
      %dma_wait3A_72 = arith.constant 0 : i32
      %dma_wait3A_73 = arith.constant 0 : i32
      %dma_wait3A_74 = tpu.memref_slice %arg7[%dma_wait3A_72, %dma_wait3A_73] : memref<80x128xf32, #tpu.memory_space<vmem>> -> memref<80x128xf32, #tpu.memory_space<vmem>>
      %dma_wait3A_75 = arith.constant 0 : i32
      %dma_wait3A_76 = tpu.memref_slice %arg8[%add3A_34, %dma_wait3A_75] : memref<10000x128xf32, #tpu.memory_space<vmem_shared>> -> memref<80x128xf32, #tpu.memory_space<vmem_shared>>
      %dma_wait3A_77 = arith.constant 0 : i32
      %dma_wait3A_78 = tpu.memref_slice %arg8[%add3A_34, %dma_wait3A_77] : memref<10000x128xf32, #tpu.memory_space<vmem_shared>> -> memref<80x128xf32, #tpu.memory_space<vmem_shared>>
      %dma_wait3A_79 = arith.constant 0 : i32
      %dma_wait3A_80 = arith.constant 0 : i32
      %dma_wait3A_81 = tpu.memref_slice %arg7[%dma_wait3A_79, %dma_wait3A_80] : memref<80x128xf32, #tpu.memory_space<vmem>> -> memref<80x128xf32, #tpu.memory_space<vmem>>
      tpu.wait_dma2 semaphore(%run_scoped3A : memref<!tpu.dma_semaphore, #tpu.memory_space<semaphore_mem>>) src(%dma_wait3A_81 : memref<80x128xf32, #tpu.memory_space<vmem>>) dst(%dma_wait3A_78 : memref<80x128xf32, #tpu.memory_space<vmem_shared>>)
      tpu.yield
    }) : () -> ()
    %add3A_35 = arith.constant 560 : i32
    %add3A_36 = arith.addi %mul3A_20, %add3A_35 : i32
    "tpu.region"() ({
      %run_scoped3A = tpu.sem_alloc : memref<!tpu.dma_semaphore, #tpu.memory_space<semaphore_mem>>
      %dma_start3A_62 = arith.constant 0 : i32
      %dma_start3A_63 = arith.constant 0 : i32
      %dma_start3A_64 = tpu.memref_slice %arg7[%dma_start3A_62, %dma_start3A_63] : memref<80x128xf32, #tpu.memory_space<vmem>> -> memref<64x128xf32, #tpu.memory_space<vmem>>
      %dma_start3A_65 = arith.constant 0 : i32
      %dma_start3A_66 = tpu.memref_slice %arg8[%add3A_36, %dma_start3A_65] : memref<10000x128xf32, #tpu.memory_space<vmem_shared>> -> memref<64x128xf32, #tpu.memory_space<vmem_shared>>
      %dma_start3A_67 = arith.constant 0 : i32
      %dma_start3A_68 = tpu.memref_slice %arg8[%add3A_36, %dma_start3A_67] : memref<10000x128xf32, #tpu.memory_space<vmem_shared>> -> memref<64x128xf32, #tpu.memory_space<vmem_shared>>
      %dma_start3A_69 = arith.constant 0 : i32
      %dma_start3A_70 = arith.constant 0 : i32
      %dma_start3A_71 = tpu.memref_slice %arg7[%dma_start3A_69, %dma_start3A_70] : memref<80x128xf32, #tpu.memory_space<vmem>> -> memref<64x128xf32, #tpu.memory_space<vmem>>
      tpu.enqueue_dma source(%dma_start3A_71 : memref<64x128xf32, #tpu.memory_space<vmem>>) target(%dma_start3A_68 : memref<64x128xf32, #tpu.memory_space<vmem_shared>>) target_semaphore(%run_scoped3A : memref<!tpu.dma_semaphore, #tpu.memory_space<semaphore_mem>>)
      %dma_wait3A_72 = arith.constant 0 : i32
      %dma_wait3A_73 = arith.constant 0 : i32
      %dma_wait3A_74 = tpu.memref_slice %arg7[%dma_wait3A_72, %dma_wait3A_73] : memref<80x128xf32, #tpu.memory_space<vmem>> -> memref<64x128xf32, #tpu.memory_space<vmem>>
      %dma_wait3A_75 = arith.constant 0 : i32
      %dma_wait3A_76 = tpu.memref_slice %arg8[%add3A_36, %dma_wait3A_75] : memref<10000x128xf32, #tpu.memory_space<vmem_shared>> -> memref<64x128xf32, #tpu.memory_space<vmem_shared>>
      %dma_wait3A_77 = arith.constant 0 : i32
      %dma_wait3A_78 = tpu.memref_slice %arg8[%add3A_36, %dma_wait3A_77] : memref<10000x128xf32, #tpu.memory_space<vmem_shared>> -> memref<64x128xf32, #tpu.memory_space<vmem_shared>>
      %dma_wait3A_79 = arith.constant 0 : i32
      %dma_wait3A_80 = arith.constant 0 : i32
      %dma_wait3A_81 = tpu.memref_slice %arg7[%dma_wait3A_79, %dma_wait3A_80] : memref<80x128xf32, #tpu.memory_space<vmem>> -> memref<64x128xf32, #tpu.memory_space<vmem>>
      tpu.wait_dma2 semaphore(%run_scoped3A : memref<!tpu.dma_semaphore, #tpu.memory_space<semaphore_mem>>) src(%dma_wait3A_81 : memref<64x128xf32, #tpu.memory_space<vmem>>) dst(%dma_wait3A_78 : memref<64x128xf32, #tpu.memory_space<vmem_shared>>)
      tpu.yield
    }) : () -> ()
    %eq3A = arith.constant 15 : i32
    %eq3A_37 = arith.cmpi eq, %arg1, %eq3A : i32
    %convert_element_type3A = arith.extui %eq3A_37 : i1 to i32
    %cond3A = arith.constant 0 : i32
    %cond3A_38 = arith.cmpi ne, %convert_element_type3A, %cond3A : i32
    scf.if %cond3A_38 {
      "tpu.region"() ({
        %run_scoped3A = tpu.sem_alloc : memref<!tpu.dma_semaphore, #tpu.memory_space<semaphore_mem>>
        %dma_start3A_62 = arith.constant 0 : i32
        %dma_start3A_63 = arith.constant 0 : i32
        %dma_start3A_64 = tpu.memref_slice %arg7[%dma_start3A_62, %dma_start3A_63] : memref<80x128xf32, #tpu.memory_space<vmem>> -> memref<16x128xf32, #tpu.memory_space<vmem>>
        %dma_start3A_65 = arith.constant 9984 : i32
        %dma_start3A_66 = arith.constant 0 : i32
        %dma_start3A_67 = tpu.memref_slice %arg8[%dma_start3A_65, %dma_start3A_66] : memref<10000x128xf32, #tpu.memory_space<vmem_shared>> -> memref<16x128xf32, #tpu.memory_space<vmem_shared>>
        %dma_start3A_68 = arith.constant 9984 : i32
        %dma_start3A_69 = arith.constant 0 : i32
        %dma_start3A_70 = tpu.memref_slice %arg8[%dma_start3A_68, %dma_start3A_69] : memref<10000x128xf32, #tpu.memory_space<vmem_shared>> -> memref<16x128xf32, #tpu.memory_space<vmem_shared>>
        %dma_start3A_71 = arith.constant 0 : i32
        %dma_start3A_72 = arith.constant 0 : i32
        %dma_start3A_73 = tpu.memref_slice %arg7[%dma_start3A_71, %dma_start3A_72] : memref<80x128xf32, #tpu.memory_space<vmem>> -> memref<16x128xf32, #tpu.memory_space<vmem>>
        tpu.enqueue_dma source(%dma_start3A_73 : memref<16x128xf32, #tpu.memory_space<vmem>>) target(%dma_start3A_70 : memref<16x128xf32, #tpu.memory_space<vmem_shared>>) target_semaphore(%run_scoped3A : memref<!tpu.dma_semaphore, #tpu.memory_space<semaphore_mem>>)
        %dma_wait3A_74 = arith.constant 0 : i32
        %dma_wait3A_75 = arith.constant 0 : i32
        %dma_wait3A_76 = tpu.memref_slice %arg7[%dma_wait3A_74, %dma_wait3A_75] : memref<80x128xf32, #tpu.memory_space<vmem>> -> memref<16x128xf32, #tpu.memory_space<vmem>>
        %dma_wait3A_77 = arith.constant 9984 : i32
        %dma_wait3A_78 = arith.constant 0 : i32
        %dma_wait3A_79 = tpu.memref_slice %arg8[%dma_wait3A_77, %dma_wait3A_78] : memref<10000x128xf32, #tpu.memory_space<vmem_shared>> -> memref<16x128xf32, #tpu.memory_space<vmem_shared>>
        %dma_wait3A_80 = arith.constant 9984 : i32
        %dma_wait3A_81 = arith.constant 0 : i32
        %dma_wait3A_82 = tpu.memref_slice %arg8[%dma_wait3A_80, %dma_wait3A_81] : memref<10000x128xf32, #tpu.memory_space<vmem_shared>> -> memref<16x128xf32, #tpu.memory_space<vmem_shared>>
        %dma_wait3A_83 = arith.constant 0 : i32
        %dma_wait3A_84 = arith.constant 0 : i32
        %dma_wait3A_85 = tpu.memref_slice %arg7[%dma_wait3A_83, %dma_wait3A_84] : memref<80x128xf32, #tpu.memory_space<vmem>> -> memref<16x128xf32, #tpu.memory_space<vmem>>
        tpu.wait_dma2 semaphore(%run_scoped3A : memref<!tpu.dma_semaphore, #tpu.memory_space<semaphore_mem>>) src(%dma_wait3A_85 : memref<16x128xf32, #tpu.memory_space<vmem>>) dst(%dma_wait3A_82 : memref<16x128xf32, #tpu.memory_space<vmem_shared>>)
        tpu.yield
      }) : () -> ()
    } else {
    }
    %barrier3A = arith.constant 0 : index
    tpu.barrier barrier_id(%barrier3A)
    %add3A_39 = arith.constant 0 : i32
    %add3A_40 = arith.addi %mul3A_2, %add3A_39 : i32
    %dma_start3A = tpu.memref_slice %arg2[%add3A_40] : memref<320000xi32, #tpu.memory_space<hbm>> -> memref<80xi32, #tpu.memory_space<hbm>>
    %dma_start3A_41 = tpu.memref_slice %arg2[%add3A_40] : memref<320000xi32, #tpu.memory_space<hbm>> -> memref<80xi32, #tpu.memory_space<hbm>>
    tpu.enqueue_dma source(%dma_start3A_41 : memref<80xi32, #tpu.memory_space<hbm>>) target(%arg4 : memref<80xi32, #tpu.memory_space<vmem>>) target_semaphore(%arg9 : memref<!tpu.dma_semaphore, #tpu.memory_space<semaphore_mem>>)
    %add3A_42 = arith.constant 80 : i32
    %add3A_43 = arith.addi %mul3A_2, %add3A_42 : i32
    %dma_start3A_44 = tpu.memref_slice %arg2[%add3A_43] : memref<320000xi32, #tpu.memory_space<hbm>> -> memref<80xi32, #tpu.memory_space<hbm>>
    %dma_start3A_45 = tpu.memref_slice %arg2[%add3A_43] : memref<320000xi32, #tpu.memory_space<hbm>> -> memref<80xi32, #tpu.memory_space<hbm>>
    tpu.enqueue_dma source(%dma_start3A_45 : memref<80xi32, #tpu.memory_space<hbm>>) target(%arg5 : memref<80xi32, #tpu.memory_space<vmem>>) target_semaphore(%arg10 : memref<!tpu.dma_semaphore, #tpu.memory_space<semaphore_mem>>)
    %scan3A_46 = arith.constant 0 : i32
    %scan3A_47 = arith.constant 0 : i32
    %scan3A_48 = arith.constant 62 : i32
    %scan3A_49 = arith.addi %scan3A_47, %scan3A_48 : i32
    %scan3A_50 = arith.constant 1 : i32
    %scan3A_51 = scf.for %scan3A_62 = %scan3A_47 to %scan3A_49 step %scan3A_50 iter_args(%scan3A_63 = %scan3A_46) -> (i32)  : i32 {
      %mul3A_64 = arith.constant 2 : i32
      %mul3A_65 = arith.muli %scan3A_62, %mul3A_64 : i32
      %add3A_66 = arith.constant 0 : i32
      %add3A_67 = arith.addi %mul3A_65, %add3A_66 : i32
      %dma_wait3A_68 = arith.constant 0 : i32
      %dma_wait3A_69 = tpu.memref_slice %arg2[%dma_wait3A_68] : memref<320000xi32, #tpu.memory_space<hbm>> -> memref<80xi32, #tpu.memory_space<hbm>>
      %dma_wait3A_70 = arith.constant 0 : i32
      %dma_wait3A_71 = tpu.memref_slice %arg2[%dma_wait3A_70] : memref<320000xi32, #tpu.memory_space<hbm>> -> memref<80xi32, #tpu.memory_space<hbm>>
      tpu.wait_dma2 semaphore(%arg9 : memref<!tpu.dma_semaphore, #tpu.memory_space<semaphore_mem>>) src(%dma_wait3A_71 : memref<80xi32, #tpu.memory_space<hbm>>) dst(%arg4 : memref<80xi32, #tpu.memory_space<vmem>>)
      "tpu.region"() ({
        %run_scoped3A = tpu.sem_alloc : memref<!tpu.dma_semaphore, #tpu.memory_space<semaphore_mem>>
        %dma_start3A_92 = arith.constant 0 : i32
        %dma_start3A_93 = arith.constant 0 : i32
        %dma_start3A_94 = tpu.memref_slice %arg8[%dma_start3A_92, %dma_start3A_93] : memref<10000x128xf32, #tpu.memory_space<vmem_shared>> -> memref<10000x128xf32, #tpu.memory_space<vmem_shared>>
        tpu.enqueue_indirect_dma source(%arg6 : memref<80x128xf32, #tpu.memory_space<vmem>>) target(%dma_start3A_94 : memref<10000x128xf32, #tpu.memory_space<vmem_shared>>) offsets(%arg4 : memref<80xi32, #tpu.memory_space<vmem>>) semaphore(%run_scoped3A : memref<!tpu.dma_semaphore, #tpu.memory_space<semaphore_mem>>) {add = true}
        %dma_wait3A_95 = arith.constant 0 : i32
        %dma_wait3A_96 = arith.constant 0 : i32
        %dma_wait3A_97 = tpu.memref_slice %arg8[%dma_wait3A_95, %dma_wait3A_96] : memref<10000x128xf32, #tpu.memory_space<vmem_shared>> -> memref<10000x128xf32, #tpu.memory_space<vmem_shared>>
        tpu.wait_indirect_dma semaphore(%run_scoped3A : memref<!tpu.dma_semaphore, #tpu.memory_space<semaphore_mem>>) src(%arg6 : memref<80x128xf32, #tpu.memory_space<vmem>>) dst(%dma_wait3A_97 : memref<10000x128xf32, #tpu.memory_space<vmem_shared>>)
        tpu.yield
      }) : () -> ()
      %add3A_72 = arith.constant 2 : i32
      %add3A_73 = arith.addi %add3A_67, %add3A_72 : i32
      %lt3A = arith.constant 125 : i32
      %lt3A_74 = arith.cmpi slt, %add3A_73, %lt3A : i32
      %convert_element_type3A_75 = arith.extui %lt3A_74 : i1 to i32
      %cond3A_76 = arith.constant 0 : i32
      %cond3A_77 = arith.cmpi ne, %convert_element_type3A_75, %cond3A_76 : i32
      scf.if %cond3A_77 {
        %add3A_92 = arith.constant 2 : i32
        %add3A_93 = arith.addi %add3A_67, %add3A_92 : i32
        %mul3A_94 = arith.constant 80 : i32
        %mul3A_95 = arith.muli %add3A_93, %mul3A_94 : i32
        %add3A_96 = arith.addi %mul3A_2, %mul3A_95 : i32
        %dma_start3A_97 = tpu.memref_slice %arg2[%add3A_96] : memref<320000xi32, #tpu.memory_space<hbm>> -> memref<80xi32, #tpu.memory_space<hbm>>
        %dma_start3A_98 = tpu.memref_slice %arg2[%add3A_96] : memref<320000xi32, #tpu.memory_space<hbm>> -> memref<80xi32, #tpu.memory_space<hbm>>
        tpu.enqueue_dma source(%dma_start3A_98 : memref<80xi32, #tpu.memory_space<hbm>>) target(%arg4 : memref<80xi32, #tpu.memory_space<vmem>>) target_semaphore(%arg9 : memref<!tpu.dma_semaphore, #tpu.memory_space<semaphore_mem>>)
      } else {
      }
      %add3A_78 = arith.constant 1 : i32
      %add3A_79 = arith.addi %mul3A_65, %add3A_78 : i32
      %dma_wait3A_80 = arith.constant 0 : i32
      %dma_wait3A_81 = tpu.memref_slice %arg2[%dma_wait3A_80] : memref<320000xi32, #tpu.memory_space<hbm>> -> memref<80xi32, #tpu.memory_space<hbm>>
      %dma_wait3A_82 = arith.constant 0 : i32
      %dma_wait3A_83 = tpu.memref_slice %arg2[%dma_wait3A_82] : memref<320000xi32, #tpu.memory_space<hbm>> -> memref<80xi32, #tpu.memory_space<hbm>>
      tpu.wait_dma2 semaphore(%arg10 : memref<!tpu.dma_semaphore, #tpu.memory_space<semaphore_mem>>) src(%dma_wait3A_83 : memref<80xi32, #tpu.memory_space<hbm>>) dst(%arg5 : memref<80xi32, #tpu.memory_space<vmem>>)
      "tpu.region"() ({
        %run_scoped3A = tpu.sem_alloc : memref<!tpu.dma_semaphore, #tpu.memory_space<semaphore_mem>>
        %dma_start3A_92 = arith.constant 0 : i32
        %dma_start3A_93 = arith.constant 0 : i32
        %dma_start3A_94 = tpu.memref_slice %arg8[%dma_start3A_92, %dma_start3A_93] : memref<10000x128xf32, #tpu.memory_space<vmem_shared>> -> memref<10000x128xf32, #tpu.memory_space<vmem_shared>>
        tpu.enqueue_indirect_dma source(%arg6 : memref<80x128xf32, #tpu.memory_space<vmem>>) target(%dma_start3A_94 : memref<10000x128xf32, #tpu.memory_space<vmem_shared>>) offsets(%arg5 : memref<80xi32, #tpu.memory_space<vmem>>) semaphore(%run_scoped3A : memref<!tpu.dma_semaphore, #tpu.memory_space<semaphore_mem>>) {add = true}
        %dma_wait3A_95 = arith.constant 0 : i32
        %dma_wait3A_96 = arith.constant 0 : i32
        %dma_wait3A_97 = tpu.memref_slice %arg8[%dma_wait3A_95, %dma_wait3A_96] : memref<10000x128xf32, #tpu.memory_space<vmem_shared>> -> memref<10000x128xf32, #tpu.memory_space<vmem_shared>>
        tpu.wait_indirect_dma semaphore(%run_scoped3A : memref<!tpu.dma_semaphore, #tpu.memory_space<semaphore_mem>>) src(%arg6 : memref<80x128xf32, #tpu.memory_space<vmem>>) dst(%dma_wait3A_97 : memref<10000x128xf32, #tpu.memory_space<vmem_shared>>)
        tpu.yield
      }) : () -> ()
      %add3A_84 = arith.constant 2 : i32
      %add3A_85 = arith.addi %add3A_79, %add3A_84 : i32
      %lt3A_86 = arith.constant 125 : i32
      %lt3A_87 = arith.cmpi slt, %add3A_85, %lt3A_86 : i32
      %convert_element_type3A_88 = arith.extui %lt3A_87 : i1 to i32
      %cond3A_89 = arith.constant 0 : i32
      %cond3A_90 = arith.cmpi ne, %convert_element_type3A_88, %cond3A_89 : i32
      scf.if %cond3A_90 {
        %add3A_92 = arith.constant 2 : i32
        %add3A_93 = arith.addi %add3A_79, %add3A_92 : i32
        %mul3A_94 = arith.constant 80 : i32
        %mul3A_95 = arith.muli %add3A_93, %mul3A_94 : i32
        %add3A_96 = arith.addi %mul3A_2, %mul3A_95 : i32
        %dma_start3A_97 = tpu.memref_slice %arg2[%add3A_96] : memref<320000xi32, #tpu.memory_space<hbm>> -> memref<80xi32, #tpu.memory_space<hbm>>
        %dma_start3A_98 = tpu.memref_slice %arg2[%add3A_96] : memref<320000xi32, #tpu.memory_space<hbm>> -> memref<80xi32, #tpu.memory_space<hbm>>
        tpu.enqueue_dma source(%dma_start3A_98 : memref<80xi32, #tpu.memory_space<hbm>>) target(%arg5 : memref<80xi32, #tpu.memory_space<vmem>>) target_semaphore(%arg10 : memref<!tpu.dma_semaphore, #tpu.memory_space<semaphore_mem>>)
      } else {
      }
      %scan3A_91 = arith.constant 0 : i32
      scf.yield %scan3A_91 : i32
    }
    %scan3A_52 = arith.constant 62 : i32
    %dma_wait3A = arith.constant 0 : i32
    %dma_wait3A_53 = tpu.memref_slice %arg2[%dma_wait3A] : memref<320000xi32, #tpu.memory_space<hbm>> -> memref<80xi32, #tpu.memory_space<hbm>>
    %dma_wait3A_54 = arith.constant 0 : i32
    %dma_wait3A_55 = tpu.memref_slice %arg2[%dma_wait3A_54] : memref<320000xi32, #tpu.memory_space<hbm>> -> memref<80xi32, #tpu.memory_space<hbm>>
    tpu.wait_dma2 semaphore(%arg9 : memref<!tpu.dma_semaphore, #tpu.memory_space<semaphore_mem>>) src(%dma_wait3A_55 : memref<80xi32, #tpu.memory_space<hbm>>) dst(%arg4 : memref<80xi32, #tpu.memory_space<vmem>>)
    "tpu.region"() ({
      %run_scoped3A = tpu.sem_alloc : memref<!tpu.dma_semaphore, #tpu.memory_space<semaphore_mem>>
      %dma_start3A_62 = arith.constant 0 : i32
      %dma_start3A_63 = arith.constant 0 : i32
      %dma_start3A_64 = tpu.memref_slice %arg8[%dma_start3A_62, %dma_start3A_63] : memref<10000x128xf32, #tpu.memory_space<vmem_shared>> -> memref<10000x128xf32, #tpu.memory_space<vmem_shared>>
      tpu.enqueue_indirect_dma source(%arg6 : memref<80x128xf32, #tpu.memory_space<vmem>>) target(%dma_start3A_64 : memref<10000x128xf32, #tpu.memory_space<vmem_shared>>) offsets(%arg4 : memref<80xi32, #tpu.memory_space<vmem>>) semaphore(%run_scoped3A : memref<!tpu.dma_semaphore, #tpu.memory_space<semaphore_mem>>) {add = true}
      %dma_wait3A_65 = arith.constant 0 : i32
      %dma_wait3A_66 = arith.constant 0 : i32
      %dma_wait3A_67 = tpu.memref_slice %arg8[%dma_wait3A_65, %dma_wait3A_66] : memref<10000x128xf32, #tpu.memory_space<vmem_shared>> -> memref<10000x128xf32, #tpu.memory_space<vmem_shared>>
      tpu.wait_indirect_dma semaphore(%run_scoped3A : memref<!tpu.dma_semaphore, #tpu.memory_space<semaphore_mem>>) src(%arg6 : memref<80x128xf32, #tpu.memory_space<vmem>>) dst(%dma_wait3A_67 : memref<10000x128xf32, #tpu.memory_space<vmem_shared>>)
      tpu.yield
    }) : () -> ()
    %barrier3A_56 = arith.constant 0 : index
    tpu.barrier barrier_id(%barrier3A_56)
    "tpu.region"() ({
      %run_scoped3A = tpu.sem_alloc : memref<!tpu.dma_semaphore, #tpu.memory_space<semaphore_mem>>
      %dma_start3A_62 = arith.constant 0 : i32
      %dma_start3A_63 = tpu.memref_slice %arg3[%arg0, %mul3A_20, %dma_start3A_62] : memref<2x10000x128xf32, #tpu.memory_space<hbm>> -> memref<1x624x128xf32, #tpu.memory_space<hbm>>
      %dma_start3A_64 = tpu.memref_squeeze %dma_start3A_63 : memref<1x624x128xf32, #tpu.memory_space<hbm>> -> memref<624x128xf32, #tpu.memory_space<hbm>>
      %dma_start3A_65 = arith.constant 0 : i32
      %dma_start3A_66 = tpu.memref_slice %arg8[%mul3A_20, %dma_start3A_65] : memref<10000x128xf32, #tpu.memory_space<vmem_shared>> -> memref<624x128xf32, #tpu.memory_space<vmem_shared>>
      tpu.enqueue_dma source(%dma_start3A_66 : memref<624x128xf32, #tpu.memory_space<vmem_shared>>) target(%dma_start3A_64 : memref<624x128xf32, #tpu.memory_space<hbm>>) target_semaphore(%run_scoped3A : memref<!tpu.dma_semaphore, #tpu.memory_space<semaphore_mem>>)
      %dma_wait3A_67 = arith.constant 0 : i32
      %dma_wait3A_68 = tpu.memref_slice %arg3[%arg0, %mul3A_20, %dma_wait3A_67] : memref<2x10000x128xf32, #tpu.memory_space<hbm>> -> memref<1x624x128xf32, #tpu.memory_space<hbm>>
      %dma_wait3A_69 = tpu.memref_squeeze %dma_wait3A_68 : memref<1x624x128xf32, #tpu.memory_space<hbm>> -> memref<624x128xf32, #tpu.memory_space<hbm>>
      %dma_wait3A_70 = arith.constant 0 : i32
      %dma_wait3A_71 = tpu.memref_slice %arg8[%mul3A_20, %dma_wait3A_70] : memref<10000x128xf32, #tpu.memory_space<vmem_shared>> -> memref<624x128xf32, #tpu.memory_space<vmem_shared>>
      tpu.wait_dma2 semaphore(%run_scoped3A : memref<!tpu.dma_semaphore, #tpu.memory_space<semaphore_mem>>) src(%dma_wait3A_71 : memref<624x128xf32, #tpu.memory_space<vmem_shared>>) dst(%dma_wait3A_69 : memref<624x128xf32, #tpu.memory_space<hbm>>)
      tpu.yield
    }) : () -> ()
    %eq3A_57 = arith.constant 15 : i32
    %eq3A_58 = arith.cmpi eq, %arg1, %eq3A_57 : i32
    %convert_element_type3A_59 = arith.extui %eq3A_58 : i1 to i32
    %cond3A_60 = arith.constant 0 : i32
    %cond3A_61 = arith.cmpi ne, %convert_element_type3A_59, %cond3A_60 : i32
    scf.if %cond3A_61 {
      "tpu.region"() ({
        %run_scoped3A = tpu.sem_alloc : memref<!tpu.dma_semaphore, #tpu.memory_space<semaphore_mem>>
        %dma_start3A_62 = arith.constant 9984 : i32
        %dma_start3A_63 = arith.constant 0 : i32
        %dma_start3A_64 = tpu.memref_slice %arg3[%arg0, %dma_start3A_62, %dma_start3A_63] : memref<2x10000x128xf32, #tpu.memory_space<hbm>> -> memref<1x16x128xf32, #tpu.memory_space<hbm>>
        %dma_start3A_65 = tpu.memref_squeeze %dma_start3A_64 : memref<1x16x128xf32, #tpu.memory_space<hbm>> -> memref<16x128xf32, #tpu.memory_space<hbm>>
        %dma_start3A_66 = arith.constant 9984 : i32
        %dma_start3A_67 = arith.constant 0 : i32
        %dma_start3A_68 = tpu.memref_slice %arg8[%dma_start3A_66, %dma_start3A_67] : memref<10000x128xf32, #tpu.memory_space<vmem_shared>> -> memref<16x128xf32, #tpu.memory_space<vmem_shared>>
        tpu.enqueue_dma source(%dma_start3A_68 : memref<16x128xf32, #tpu.memory_space<vmem_shared>>) target(%dma_start3A_65 : memref<16x128xf32, #tpu.memory_space<hbm>>) target_semaphore(%run_scoped3A : memref<!tpu.dma_semaphore, #tpu.memory_space<semaphore_mem>>)
        %dma_wait3A_69 = arith.constant 9984 : i32
        %dma_wait3A_70 = arith.constant 0 : i32
        %dma_wait3A_71 = tpu.memref_slice %arg3[%arg0, %dma_wait3A_69, %dma_wait3A_70] : memref<2x10000x128xf32, #tpu.memory_space<hbm>> -> memref<1x16x128xf32, #tpu.memory_space<hbm>>
        %dma_wait3A_72 = tpu.memref_squeeze %dma_wait3A_71 : memref<1x16x128xf32, #tpu.memory_space<hbm>> -> memref<16x128xf32, #tpu.memory_space<hbm>>
        %dma_wait3A_73 = arith.constant 9984 : i32
        %dma_wait3A_74 = arith.constant 0 : i32
        %dma_wait3A_75 = tpu.memref_slice %arg8[%dma_wait3A_73, %dma_wait3A_74] : memref<10000x128xf32, #tpu.memory_space<vmem_shared>> -> memref<16x128xf32, #tpu.memory_space<vmem_shared>>
        tpu.wait_dma2 semaphore(%run_scoped3A : memref<!tpu.dma_semaphore, #tpu.memory_space<semaphore_mem>>) src(%dma_wait3A_75 : memref<16x128xf32, #tpu.memory_space<vmem_shared>>) dst(%dma_wait3A_72 : memref<16x128xf32, #tpu.memory_space<hbm>>)
        tpu.yield
      }) : () -> ()
    } else {
    }
    return
  }
}

#map = affine_map<(d0, d1) -> (0, 0)>
#map1 = affine_map<(d0, d1) -> (0)>
#map2 = affine_map<(d0, d1) -> (0, 0, 0)>
module attributes {stable_mosaic.version = 14 : i64} {
  func.func @_s2_body(%arg0: i32, %arg1: i32, %arg2: memref<320000x128xf32, #tpu.memory_space<hbm>>, %arg3: memref<320000xi32, #tpu.memory_space<hbm>>, %arg4: memref<2x10000x128xf32, #tpu.memory_space<hbm>>, %arg5: memref<80x128xf32, #tpu.memory_space<vmem>>, %arg6: memref<80x128xf32, #tpu.memory_space<vmem>>, %arg7: memref<80x128xf32, #tpu.memory_space<vmem>>, %arg8: memref<80x128xf32, #tpu.memory_space<vmem>>, %arg9: memref<80xi32, #tpu.memory_space<vmem>>, %arg10: memref<80xi32, #tpu.memory_space<vmem>>, %arg11: memref<80xi32, #tpu.memory_space<vmem>>, %arg12: memref<80xi32, #tpu.memory_space<vmem>>, %arg13: memref<10000x128xf32, #tpu.memory_space<vmem_shared>>, %arg14: memref<!tpu.dma_semaphore, #tpu.memory_space<semaphore_mem>>, %arg15: memref<!tpu.dma_semaphore, #tpu.memory_space<semaphore_mem>>, %arg16: memref<!tpu.dma_semaphore, #tpu.memory_space<semaphore_mem>>, %arg17: memref<!tpu.dma_semaphore, #tpu.memory_space<semaphore_mem>>, %arg18: memref<!tpu.dma_semaphore, #tpu.memory_space<semaphore_mem>>, %arg19: memref<!tpu.dma_semaphore, #tpu.memory_space<semaphore_mem>>, %arg20: memref<!tpu.dma_semaphore, #tpu.memory_space<semaphore_mem>>, %arg21: memref<!tpu.dma_semaphore, #tpu.memory_space<semaphore_mem>>, %arg22: memref<!tpu.dma_semaphore, #tpu.memory_space<semaphore_mem>>, %arg23: memref<!tpu.dma_semaphore, #tpu.memory_space<semaphore_mem>>, %arg24: memref<!tpu.dma_semaphore, #tpu.memory_space<semaphore_mem>>, %arg25: memref<!tpu.dma_semaphore, #tpu.memory_space<semaphore_mem>>) attributes {dimension_semantics = [#tpu.dimension_semantics<core_parallel>, #tpu.dimension_semantics<subcore_parallel>], iteration_bounds = array<i64: 2, 16>, scalar_prefetch = 0 : i64, scratch_operands = 21 : i64, tpu.core_type = #tpu.core_type<sc_vector_subcore>, window_params = [{transform_indices = #map}, {transform_indices = #map1}, {transform_indices = #map2}]} {
    %mul3A = arith.constant 16 : i32
    %mul3A_0 = arith.muli %arg0, %mul3A : i32
    %add3A = arith.addi %mul3A_0, %arg1 : i32
    %mul3A_1 = arith.constant 10000 : i32
    %mul3A_2 = arith.muli %add3A, %mul3A_1 : i32
    %broadcast_in_dim3A = arith.constant 0.000000e+00 : f32
    %broadcast_in_dim3A_3 = vector.broadcast %broadcast_in_dim3A : f32 to vector<16xf32>
    %scan3A = arith.constant 0 : i32
    %scan3A_4 = arith.constant 0 : i32
    %scan3A_5 = arith.constant 80 : i32
    %scan3A_6 = arith.addi %scan3A_4, %scan3A_5 : i32
    %scan3A_7 = arith.constant 1 : i32
    %scan3A_8 = scf.for %scan3A_82 = %scan3A_4 to %scan3A_6 step %scan3A_7 iter_args(%scan3A_83 = %scan3A) -> (i32)  : i32 {
      %swap3A = arith.index_cast %scan3A_82 : i32 to index
      %swap3A_84 = arith.constant 0 : index
      %swap3A_85 = tpu.vector_load %arg5[%swap3A, %swap3A_84] {strides = array<i32>} : memref<80x128xf32, #tpu.memory_space<vmem>>, vector<1x16xf32>,
      %swap3A_86 = vector.shape_cast %swap3A_85 : vector<1x16xf32> to vector<16xf32>
      %swap3A_87 = vector.shape_cast %broadcast_in_dim3A_3 : vector<16xf32> to vector<1x16xf32>
      tpu.vector_store %arg5[%swap3A, %swap3A_84], %swap3A_87 {strides = array<i32>} : memref<80x128xf32, #tpu.memory_space<vmem>>, vector<1x16xf32>,
      %swap3A_88 = arith.index_cast %scan3A_82 : i32 to index
      %swap3A_89 = arith.constant 16 : index
      %swap3A_90 = tpu.vector_load %arg5[%swap3A_88, %swap3A_89] {strides = array<i32>} : memref<80x128xf32, #tpu.memory_space<vmem>>, vector<1x16xf32>,
      %swap3A_91 = vector.shape_cast %swap3A_90 : vector<1x16xf32> to vector<16xf32>
      %swap3A_92 = vector.shape_cast %broadcast_in_dim3A_3 : vector<16xf32> to vector<1x16xf32>
      tpu.vector_store %arg5[%swap3A_88, %swap3A_89], %swap3A_92 {strides = array<i32>} : memref<80x128xf32, #tpu.memory_space<vmem>>, vector<1x16xf32>,
      %swap3A_93 = arith.index_cast %scan3A_82 : i32 to index
      %swap3A_94 = arith.constant 32 : index
      %swap3A_95 = tpu.vector_load %arg5[%swap3A_93, %swap3A_94] {strides = array<i32>} : memref<80x128xf32, #tpu.memory_space<vmem>>, vector<1x16xf32>,
      %swap3A_96 = vector.shape_cast %swap3A_95 : vector<1x16xf32> to vector<16xf32>
      %swap3A_97 = vector.shape_cast %broadcast_in_dim3A_3 : vector<16xf32> to vector<1x16xf32>
      tpu.vector_store %arg5[%swap3A_93, %swap3A_94], %swap3A_97 {strides = array<i32>} : memref<80x128xf32, #tpu.memory_space<vmem>>, vector<1x16xf32>,
      %swap3A_98 = arith.index_cast %scan3A_82 : i32 to index
      %swap3A_99 = arith.constant 48 : index
      %swap3A_100 = tpu.vector_load %arg5[%swap3A_98, %swap3A_99] {strides = array<i32>} : memref<80x128xf32, #tpu.memory_space<vmem>>, vector<1x16xf32>,
      %swap3A_101 = vector.shape_cast %swap3A_100 : vector<1x16xf32> to vector<16xf32>
      %swap3A_102 = vector.shape_cast %broadcast_in_dim3A_3 : vector<16xf32> to vector<1x16xf32>
      tpu.vector_store %arg5[%swap3A_98, %swap3A_99], %swap3A_102 {strides = array<i32>} : memref<80x128xf32, #tpu.memory_space<vmem>>, vector<1x16xf32>,
      %swap3A_103 = arith.index_cast %scan3A_82 : i32 to index
      %swap3A_104 = arith.constant 64 : index
      %swap3A_105 = tpu.vector_load %arg5[%swap3A_103, %swap3A_104] {strides = array<i32>} : memref<80x128xf32, #tpu.memory_space<vmem>>, vector<1x16xf32>,
      %swap3A_106 = vector.shape_cast %swap3A_105 : vector<1x16xf32> to vector<16xf32>
      %swap3A_107 = vector.shape_cast %broadcast_in_dim3A_3 : vector<16xf32> to vector<1x16xf32>
      tpu.vector_store %arg5[%swap3A_103, %swap3A_104], %swap3A_107 {strides = array<i32>} : memref<80x128xf32, #tpu.memory_space<vmem>>, vector<1x16xf32>,
      %swap3A_108 = arith.index_cast %scan3A_82 : i32 to index
      %swap3A_109 = arith.constant 80 : index
      %swap3A_110 = tpu.vector_load %arg5[%swap3A_108, %swap3A_109] {strides = array<i32>} : memref<80x128xf32, #tpu.memory_space<vmem>>, vector<1x16xf32>,
      %swap3A_111 = vector.shape_cast %swap3A_110 : vector<1x16xf32> to vector<16xf32>
      %swap3A_112 = vector.shape_cast %broadcast_in_dim3A_3 : vector<16xf32> to vector<1x16xf32>
      tpu.vector_store %arg5[%swap3A_108, %swap3A_109], %swap3A_112 {strides = array<i32>} : memref<80x128xf32, #tpu.memory_space<vmem>>, vector<1x16xf32>,
      %swap3A_113 = arith.index_cast %scan3A_82 : i32 to index
      %swap3A_114 = arith.constant 96 : index
      %swap3A_115 = tpu.vector_load %arg5[%swap3A_113, %swap3A_114] {strides = array<i32>} : memref<80x128xf32, #tpu.memory_space<vmem>>, vector<1x16xf32>,
      %swap3A_116 = vector.shape_cast %swap3A_115 : vector<1x16xf32> to vector<16xf32>
      %swap3A_117 = vector.shape_cast %broadcast_in_dim3A_3 : vector<16xf32> to vector<1x16xf32>
      tpu.vector_store %arg5[%swap3A_113, %swap3A_114], %swap3A_117 {strides = array<i32>} : memref<80x128xf32, #tpu.memory_space<vmem>>, vector<1x16xf32>,
      %swap3A_118 = arith.index_cast %scan3A_82 : i32 to index
      %swap3A_119 = arith.constant 112 : index
      %swap3A_120 = tpu.vector_load %arg5[%swap3A_118, %swap3A_119] {strides = array<i32>} : memref<80x128xf32, #tpu.memory_space<vmem>>, vector<1x16xf32>,
      %swap3A_121 = vector.shape_cast %swap3A_120 : vector<1x16xf32> to vector<16xf32>
      %swap3A_122 = vector.shape_cast %broadcast_in_dim3A_3 : vector<16xf32> to vector<1x16xf32>
      tpu.vector_store %arg5[%swap3A_118, %swap3A_119], %swap3A_122 {strides = array<i32>} : memref<80x128xf32, #tpu.memory_space<vmem>>, vector<1x16xf32>,
      %scan3A_123 = arith.constant 0 : i32
      scf.yield %scan3A_123 : i32
    }
    %scan3A_9 = arith.constant 80 : i32
    %mul3A_10 = arith.constant 624 : i32
    %mul3A_11 = arith.muli %arg1, %mul3A_10 : i32
    %add3A_12 = arith.constant 0 : i32
    %add3A_13 = arith.addi %mul3A_11, %add3A_12 : i32
    "tpu.region"() ({
      %run_scoped3A = tpu.sem_alloc : memref<!tpu.dma_semaphore, #tpu.memory_space<semaphore_mem>>
      %dma_start3A_82 = arith.constant 0 : i32
      %dma_start3A_83 = arith.constant 0 : i32
      %dma_start3A_84 = tpu.memref_slice %arg5[%dma_start3A_82, %dma_start3A_83] : memref<80x128xf32, #tpu.memory_space<vmem>> -> memref<80x128xf32, #tpu.memory_space<vmem>>
      %dma_start3A_85 = arith.constant 0 : i32
      %dma_start3A_86 = tpu.memref_slice %arg13[%add3A_13, %dma_start3A_85] : memref<10000x128xf32, #tpu.memory_space<vmem_shared>> -> memref<80x128xf32, #tpu.memory_space<vmem_shared>>
      %dma_start3A_87 = arith.constant 0 : i32
      %dma_start3A_88 = tpu.memref_slice %arg13[%add3A_13, %dma_start3A_87] : memref<10000x128xf32, #tpu.memory_space<vmem_shared>> -> memref<80x128xf32, #tpu.memory_space<vmem_shared>>
      %dma_start3A_89 = arith.constant 0 : i32
      %dma_start3A_90 = arith.constant 0 : i32
      %dma_start3A_91 = tpu.memref_slice %arg5[%dma_start3A_89, %dma_start3A_90] : memref<80x128xf32, #tpu.memory_space<vmem>> -> memref<80x128xf32, #tpu.memory_space<vmem>>
      tpu.enqueue_dma source(%dma_start3A_91 : memref<80x128xf32, #tpu.memory_space<vmem>>) target(%dma_start3A_88 : memref<80x128xf32, #tpu.memory_space<vmem_shared>>) target_semaphore(%run_scoped3A : memref<!tpu.dma_semaphore, #tpu.memory_space<semaphore_mem>>)
      %dma_wait3A_92 = arith.constant 0 : i32
      %dma_wait3A_93 = arith.constant 0 : i32
      %dma_wait3A_94 = tpu.memref_slice %arg5[%dma_wait3A_92, %dma_wait3A_93] : memref<80x128xf32, #tpu.memory_space<vmem>> -> memref<80x128xf32, #tpu.memory_space<vmem>>
      %dma_wait3A_95 = arith.constant 0 : i32
      %dma_wait3A_96 = tpu.memref_slice %arg13[%add3A_13, %dma_wait3A_95] : memref<10000x128xf32, #tpu.memory_space<vmem_shared>> -> memref<80x128xf32, #tpu.memory_space<vmem_shared>>
      %dma_wait3A_97 = arith.constant 0 : i32
      %dma_wait3A_98 = tpu.memref_slice %arg13[%add3A_13, %dma_wait3A_97] : memref<10000x128xf32, #tpu.memory_space<vmem_shared>> -> memref<80x128xf32, #tpu.memory_space<vmem_shared>>
      %dma_wait3A_99 = arith.constant 0 : i32
      %dma_wait3A_100 = arith.constant 0 : i32
      %dma_wait3A_101 = tpu.memref_slice %arg5[%dma_wait3A_99, %dma_wait3A_100] : memref<80x128xf32, #tpu.memory_space<vmem>> -> memref<80x128xf32, #tpu.memory_space<vmem>>
      tpu.wait_dma2 semaphore(%run_scoped3A : memref<!tpu.dma_semaphore, #tpu.memory_space<semaphore_mem>>) src(%dma_wait3A_101 : memref<80x128xf32, #tpu.memory_space<vmem>>) dst(%dma_wait3A_98 : memref<80x128xf32, #tpu.memory_space<vmem_shared>>)
      tpu.yield
    }) : () -> ()
    %add3A_14 = arith.constant 80 : i32
    %add3A_15 = arith.addi %mul3A_11, %add3A_14 : i32
    "tpu.region"() ({
      %run_scoped3A = tpu.sem_alloc : memref<!tpu.dma_semaphore, #tpu.memory_space<semaphore_mem>>
      %dma_start3A_82 = arith.constant 0 : i32
      %dma_start3A_83 = arith.constant 0 : i32
      %dma_start3A_84 = tpu.memref_slice %arg5[%dma_start3A_82, %dma_start3A_83] : memref<80x128xf32, #tpu.memory_space<vmem>> -> memref<80x128xf32, #tpu.memory_space<vmem>>
      %dma_start3A_85 = arith.constant 0 : i32
      %dma_start3A_86 = tpu.memref_slice %arg13[%add3A_15, %dma_start3A_85] : memref<10000x128xf32, #tpu.memory_space<vmem_shared>> -> memref<80x128xf32, #tpu.memory_space<vmem_shared>>
      %dma_start3A_87 = arith.constant 0 : i32
      %dma_start3A_88 = tpu.memref_slice %arg13[%add3A_15, %dma_start3A_87] : memref<10000x128xf32, #tpu.memory_space<vmem_shared>> -> memref<80x128xf32, #tpu.memory_space<vmem_shared>>
      %dma_start3A_89 = arith.constant 0 : i32
      %dma_start3A_90 = arith.constant 0 : i32
      %dma_start3A_91 = tpu.memref_slice %arg5[%dma_start3A_89, %dma_start3A_90] : memref<80x128xf32, #tpu.memory_space<vmem>> -> memref<80x128xf32, #tpu.memory_space<vmem>>
      tpu.enqueue_dma source(%dma_start3A_91 : memref<80x128xf32, #tpu.memory_space<vmem>>) target(%dma_start3A_88 : memref<80x128xf32, #tpu.memory_space<vmem_shared>>) target_semaphore(%run_scoped3A : memref<!tpu.dma_semaphore, #tpu.memory_space<semaphore_mem>>)
      %dma_wait3A_92 = arith.constant 0 : i32
      %dma_wait3A_93 = arith.constant 0 : i32
      %dma_wait3A_94 = tpu.memref_slice %arg5[%dma_wait3A_92, %dma_wait3A_93] : memref<80x128xf32, #tpu.memory_space<vmem>> -> memref<80x128xf32, #tpu.memory_space<vmem>>
      %dma_wait3A_95 = arith.constant 0 : i32
      %dma_wait3A_96 = tpu.memref_slice %arg13[%add3A_15, %dma_wait3A_95] : memref<10000x128xf32, #tpu.memory_space<vmem_shared>> -> memref<80x128xf32, #tpu.memory_space<vmem_shared>>
      %dma_wait3A_97 = arith.constant 0 : i32
      %dma_wait3A_98 = tpu.memref_slice %arg13[%add3A_15, %dma_wait3A_97] : memref<10000x128xf32, #tpu.memory_space<vmem_shared>> -> memref<80x128xf32, #tpu.memory_space<vmem_shared>>
      %dma_wait3A_99 = arith.constant 0 : i32
      %dma_wait3A_100 = arith.constant 0 : i32
      %dma_wait3A_101 = tpu.memref_slice %arg5[%dma_wait3A_99, %dma_wait3A_100] : memref<80x128xf32, #tpu.memory_space<vmem>> -> memref<80x128xf32, #tpu.memory_space<vmem>>
      tpu.wait_dma2 semaphore(%run_scoped3A : memref<!tpu.dma_semaphore, #tpu.memory_space<semaphore_mem>>) src(%dma_wait3A_101 : memref<80x128xf32, #tpu.memory_space<vmem>>) dst(%dma_wait3A_98 : memref<80x128xf32, #tpu.memory_space<vmem_shared>>)
      tpu.yield
    }) : () -> ()
    %add3A_16 = arith.constant 160 : i32
    %add3A_17 = arith.addi %mul3A_11, %add3A_16 : i32
    "tpu.region"() ({
      %run_scoped3A = tpu.sem_alloc : memref<!tpu.dma_semaphore, #tpu.memory_space<semaphore_mem>>
      %dma_start3A_82 = arith.constant 0 : i32
      %dma_start3A_83 = arith.constant 0 : i32
      %dma_start3A_84 = tpu.memref_slice %arg5[%dma_start3A_82, %dma_start3A_83] : memref<80x128xf32, #tpu.memory_space<vmem>> -> memref<80x128xf32, #tpu.memory_space<vmem>>
      %dma_start3A_85 = arith.constant 0 : i32
      %dma_start3A_86 = tpu.memref_slice %arg13[%add3A_17, %dma_start3A_85] : memref<10000x128xf32, #tpu.memory_space<vmem_shared>> -> memref<80x128xf32, #tpu.memory_space<vmem_shared>>
      %dma_start3A_87 = arith.constant 0 : i32
      %dma_start3A_88 = tpu.memref_slice %arg13[%add3A_17, %dma_start3A_87] : memref<10000x128xf32, #tpu.memory_space<vmem_shared>> -> memref<80x128xf32, #tpu.memory_space<vmem_shared>>
      %dma_start3A_89 = arith.constant 0 : i32
      %dma_start3A_90 = arith.constant 0 : i32
      %dma_start3A_91 = tpu.memref_slice %arg5[%dma_start3A_89, %dma_start3A_90] : memref<80x128xf32, #tpu.memory_space<vmem>> -> memref<80x128xf32, #tpu.memory_space<vmem>>
      tpu.enqueue_dma source(%dma_start3A_91 : memref<80x128xf32, #tpu.memory_space<vmem>>) target(%dma_start3A_88 : memref<80x128xf32, #tpu.memory_space<vmem_shared>>) target_semaphore(%run_scoped3A : memref<!tpu.dma_semaphore, #tpu.memory_space<semaphore_mem>>)
      %dma_wait3A_92 = arith.constant 0 : i32
      %dma_wait3A_93 = arith.constant 0 : i32
      %dma_wait3A_94 = tpu.memref_slice %arg5[%dma_wait3A_92, %dma_wait3A_93] : memref<80x128xf32, #tpu.memory_space<vmem>> -> memref<80x128xf32, #tpu.memory_space<vmem>>
      %dma_wait3A_95 = arith.constant 0 : i32
      %dma_wait3A_96 = tpu.memref_slice %arg13[%add3A_17, %dma_wait3A_95] : memref<10000x128xf32, #tpu.memory_space<vmem_shared>> -> memref<80x128xf32, #tpu.memory_space<vmem_shared>>
      %dma_wait3A_97 = arith.constant 0 : i32
      %dma_wait3A_98 = tpu.memref_slice %arg13[%add3A_17, %dma_wait3A_97] : memref<10000x128xf32, #tpu.memory_space<vmem_shared>> -> memref<80x128xf32, #tpu.memory_space<vmem_shared>>
      %dma_wait3A_99 = arith.constant 0 : i32
      %dma_wait3A_100 = arith.constant 0 : i32
      %dma_wait3A_101 = tpu.memref_slice %arg5[%dma_wait3A_99, %dma_wait3A_100] : memref<80x128xf32, #tpu.memory_space<vmem>> -> memref<80x128xf32, #tpu.memory_space<vmem>>
      tpu.wait_dma2 semaphore(%run_scoped3A : memref<!tpu.dma_semaphore, #tpu.memory_space<semaphore_mem>>) src(%dma_wait3A_101 : memref<80x128xf32, #tpu.memory_space<vmem>>) dst(%dma_wait3A_98 : memref<80x128xf32, #tpu.memory_space<vmem_shared>>)
      tpu.yield
    }) : () -> ()
    %add3A_18 = arith.constant 240 : i32
    %add3A_19 = arith.addi %mul3A_11, %add3A_18 : i32
    "tpu.region"() ({
      %run_scoped3A = tpu.sem_alloc : memref<!tpu.dma_semaphore, #tpu.memory_space<semaphore_mem>>
      %dma_start3A_82 = arith.constant 0 : i32
      %dma_start3A_83 = arith.constant 0 : i32
      %dma_start3A_84 = tpu.memref_slice %arg5[%dma_start3A_82, %dma_start3A_83] : memref<80x128xf32, #tpu.memory_space<vmem>> -> memref<80x128xf32, #tpu.memory_space<vmem>>
      %dma_start3A_85 = arith.constant 0 : i32
      %dma_start3A_86 = tpu.memref_slice %arg13[%add3A_19, %dma_start3A_85] : memref<10000x128xf32, #tpu.memory_space<vmem_shared>> -> memref<80x128xf32, #tpu.memory_space<vmem_shared>>
      %dma_start3A_87 = arith.constant 0 : i32
      %dma_start3A_88 = tpu.memref_slice %arg13[%add3A_19, %dma_start3A_87] : memref<10000x128xf32, #tpu.memory_space<vmem_shared>> -> memref<80x128xf32, #tpu.memory_space<vmem_shared>>
      %dma_start3A_89 = arith.constant 0 : i32
      %dma_start3A_90 = arith.constant 0 : i32
      %dma_start3A_91 = tpu.memref_slice %arg5[%dma_start3A_89, %dma_start3A_90] : memref<80x128xf32, #tpu.memory_space<vmem>> -> memref<80x128xf32, #tpu.memory_space<vmem>>
      tpu.enqueue_dma source(%dma_start3A_91 : memref<80x128xf32, #tpu.memory_space<vmem>>) target(%dma_start3A_88 : memref<80x128xf32, #tpu.memory_space<vmem_shared>>) target_semaphore(%run_scoped3A : memref<!tpu.dma_semaphore, #tpu.memory_space<semaphore_mem>>)
      %dma_wait3A_92 = arith.constant 0 : i32
      %dma_wait3A_93 = arith.constant 0 : i32
      %dma_wait3A_94 = tpu.memref_slice %arg5[%dma_wait3A_92, %dma_wait3A_93] : memref<80x128xf32, #tpu.memory_space<vmem>> -> memref<80x128xf32, #tpu.memory_space<vmem>>
      %dma_wait3A_95 = arith.constant 0 : i32
      %dma_wait3A_96 = tpu.memref_slice %arg13[%add3A_19, %dma_wait3A_95] : memref<10000x128xf32, #tpu.memory_space<vmem_shared>> -> memref<80x128xf32, #tpu.memory_space<vmem_shared>>
      %dma_wait3A_97 = arith.constant 0 : i32
      %dma_wait3A_98 = tpu.memref_slice %arg13[%add3A_19, %dma_wait3A_97] : memref<10000x128xf32, #tpu.memory_space<vmem_shared>> -> memref<80x128xf32, #tpu.memory_space<vmem_shared>>
      %dma_wait3A_99 = arith.constant 0 : i32
      %dma_wait3A_100 = arith.constant 0 : i32
      %dma_wait3A_101 = tpu.memref_slice %arg5[%dma_wait3A_99, %dma_wait3A_100] : memref<80x128xf32, #tpu.memory_space<vmem>> -> memref<80x128xf32, #tpu.memory_space<vmem>>
      tpu.wait_dma2 semaphore(%run_scoped3A : memref<!tpu.dma_semaphore, #tpu.memory_space<semaphore_mem>>) src(%dma_wait3A_101 : memref<80x128xf32, #tpu.memory_space<vmem>>) dst(%dma_wait3A_98 : memref<80x128xf32, #tpu.memory_space<vmem_shared>>)
      tpu.yield
    }) : () -> ()
    %add3A_20 = arith.constant 320 : i32
    %add3A_21 = arith.addi %mul3A_11, %add3A_20 : i32
    "tpu.region"() ({
      %run_scoped3A = tpu.sem_alloc : memref<!tpu.dma_semaphore, #tpu.memory_space<semaphore_mem>>
      %dma_start3A_82 = arith.constant 0 : i32
      %dma_start3A_83 = arith.constant 0 : i32
      %dma_start3A_84 = tpu.memref_slice %arg5[%dma_start3A_82, %dma_start3A_83] : memref<80x128xf32, #tpu.memory_space<vmem>> -> memref<80x128xf32, #tpu.memory_space<vmem>>
      %dma_start3A_85 = arith.constant 0 : i32
      %dma_start3A_86 = tpu.memref_slice %arg13[%add3A_21, %dma_start3A_85] : memref<10000x128xf32, #tpu.memory_space<vmem_shared>> -> memref<80x128xf32, #tpu.memory_space<vmem_shared>>
      %dma_start3A_87 = arith.constant 0 : i32
      %dma_start3A_88 = tpu.memref_slice %arg13[%add3A_21, %dma_start3A_87] : memref<10000x128xf32, #tpu.memory_space<vmem_shared>> -> memref<80x128xf32, #tpu.memory_space<vmem_shared>>
      %dma_start3A_89 = arith.constant 0 : i32
      %dma_start3A_90 = arith.constant 0 : i32
      %dma_start3A_91 = tpu.memref_slice %arg5[%dma_start3A_89, %dma_start3A_90] : memref<80x128xf32, #tpu.memory_space<vmem>> -> memref<80x128xf32, #tpu.memory_space<vmem>>
      tpu.enqueue_dma source(%dma_start3A_91 : memref<80x128xf32, #tpu.memory_space<vmem>>) target(%dma_start3A_88 : memref<80x128xf32, #tpu.memory_space<vmem_shared>>) target_semaphore(%run_scoped3A : memref<!tpu.dma_semaphore, #tpu.memory_space<semaphore_mem>>)
      %dma_wait3A_92 = arith.constant 0 : i32
      %dma_wait3A_93 = arith.constant 0 : i32
      %dma_wait3A_94 = tpu.memref_slice %arg5[%dma_wait3A_92, %dma_wait3A_93] : memref<80x128xf32, #tpu.memory_space<vmem>> -> memref<80x128xf32, #tpu.memory_space<vmem>>
      %dma_wait3A_95 = arith.constant 0 : i32
      %dma_wait3A_96 = tpu.memref_slice %arg13[%add3A_21, %dma_wait3A_95] : memref<10000x128xf32, #tpu.memory_space<vmem_shared>> -> memref<80x128xf32, #tpu.memory_space<vmem_shared>>
      %dma_wait3A_97 = arith.constant 0 : i32
      %dma_wait3A_98 = tpu.memref_slice %arg13[%add3A_21, %dma_wait3A_97] : memref<10000x128xf32, #tpu.memory_space<vmem_shared>> -> memref<80x128xf32, #tpu.memory_space<vmem_shared>>
      %dma_wait3A_99 = arith.constant 0 : i32
      %dma_wait3A_100 = arith.constant 0 : i32
      %dma_wait3A_101 = tpu.memref_slice %arg5[%dma_wait3A_99, %dma_wait3A_100] : memref<80x128xf32, #tpu.memory_space<vmem>> -> memref<80x128xf32, #tpu.memory_space<vmem>>
      tpu.wait_dma2 semaphore(%run_scoped3A : memref<!tpu.dma_semaphore, #tpu.memory_space<semaphore_mem>>) src(%dma_wait3A_101 : memref<80x128xf32, #tpu.memory_space<vmem>>) dst(%dma_wait3A_98 : memref<80x128xf32, #tpu.memory_space<vmem_shared>>)
      tpu.yield
    }) : () -> ()
    %add3A_22 = arith.constant 400 : i32
    %add3A_23 = arith.addi %mul3A_11, %add3A_22 : i32
    "tpu.region"() ({
      %run_scoped3A = tpu.sem_alloc : memref<!tpu.dma_semaphore, #tpu.memory_space<semaphore_mem>>
      %dma_start3A_82 = arith.constant 0 : i32
      %dma_start3A_83 = arith.constant 0 : i32
      %dma_start3A_84 = tpu.memref_slice %arg5[%dma_start3A_82, %dma_start3A_83] : memref<80x128xf32, #tpu.memory_space<vmem>> -> memref<80x128xf32, #tpu.memory_space<vmem>>
      %dma_start3A_85 = arith.constant 0 : i32
      %dma_start3A_86 = tpu.memref_slice %arg13[%add3A_23, %dma_start3A_85] : memref<10000x128xf32, #tpu.memory_space<vmem_shared>> -> memref<80x128xf32, #tpu.memory_space<vmem_shared>>
      %dma_start3A_87 = arith.constant 0 : i32
      %dma_start3A_88 = tpu.memref_slice %arg13[%add3A_23, %dma_start3A_87] : memref<10000x128xf32, #tpu.memory_space<vmem_shared>> -> memref<80x128xf32, #tpu.memory_space<vmem_shared>>
      %dma_start3A_89 = arith.constant 0 : i32
      %dma_start3A_90 = arith.constant 0 : i32
      %dma_start3A_91 = tpu.memref_slice %arg5[%dma_start3A_89, %dma_start3A_90] : memref<80x128xf32, #tpu.memory_space<vmem>> -> memref<80x128xf32, #tpu.memory_space<vmem>>
      tpu.enqueue_dma source(%dma_start3A_91 : memref<80x128xf32, #tpu.memory_space<vmem>>) target(%dma_start3A_88 : memref<80x128xf32, #tpu.memory_space<vmem_shared>>) target_semaphore(%run_scoped3A : memref<!tpu.dma_semaphore, #tpu.memory_space<semaphore_mem>>)
      %dma_wait3A_92 = arith.constant 0 : i32
      %dma_wait3A_93 = arith.constant 0 : i32
      %dma_wait3A_94 = tpu.memref_slice %arg5[%dma_wait3A_92, %dma_wait3A_93] : memref<80x128xf32, #tpu.memory_space<vmem>> -> memref<80x128xf32, #tpu.memory_space<vmem>>
      %dma_wait3A_95 = arith.constant 0 : i32
      %dma_wait3A_96 = tpu.memref_slice %arg13[%add3A_23, %dma_wait3A_95] : memref<10000x128xf32, #tpu.memory_space<vmem_shared>> -> memref<80x128xf32, #tpu.memory_space<vmem_shared>>
      %dma_wait3A_97 = arith.constant 0 : i32
      %dma_wait3A_98 = tpu.memref_slice %arg13[%add3A_23, %dma_wait3A_97] : memref<10000x128xf32, #tpu.memory_space<vmem_shared>> -> memref<80x128xf32, #tpu.memory_space<vmem_shared>>
      %dma_wait3A_99 = arith.constant 0 : i32
      %dma_wait3A_100 = arith.constant 0 : i32
      %dma_wait3A_101 = tpu.memref_slice %arg5[%dma_wait3A_99, %dma_wait3A_100] : memref<80x128xf32, #tpu.memory_space<vmem>> -> memref<80x128xf32, #tpu.memory_space<vmem>>
      tpu.wait_dma2 semaphore(%run_scoped3A : memref<!tpu.dma_semaphore, #tpu.memory_space<semaphore_mem>>) src(%dma_wait3A_101 : memref<80x128xf32, #tpu.memory_space<vmem>>) dst(%dma_wait3A_98 : memref<80x128xf32, #tpu.memory_space<vmem_shared>>)
      tpu.yield
    }) : () -> ()
    %add3A_24 = arith.constant 480 : i32
    %add3A_25 = arith.addi %mul3A_11, %add3A_24 : i32
    "tpu.region"() ({
      %run_scoped3A = tpu.sem_alloc : memref<!tpu.dma_semaphore, #tpu.memory_space<semaphore_mem>>
      %dma_start3A_82 = arith.constant 0 : i32
      %dma_start3A_83 = arith.constant 0 : i32
      %dma_start3A_84 = tpu.memref_slice %arg5[%dma_start3A_82, %dma_start3A_83] : memref<80x128xf32, #tpu.memory_space<vmem>> -> memref<80x128xf32, #tpu.memory_space<vmem>>
      %dma_start3A_85 = arith.constant 0 : i32
      %dma_start3A_86 = tpu.memref_slice %arg13[%add3A_25, %dma_start3A_85] : memref<10000x128xf32, #tpu.memory_space<vmem_shared>> -> memref<80x128xf32, #tpu.memory_space<vmem_shared>>
      %dma_start3A_87 = arith.constant 0 : i32
      %dma_start3A_88 = tpu.memref_slice %arg13[%add3A_25, %dma_start3A_87] : memref<10000x128xf32, #tpu.memory_space<vmem_shared>> -> memref<80x128xf32, #tpu.memory_space<vmem_shared>>
      %dma_start3A_89 = arith.constant 0 : i32
      %dma_start3A_90 = arith.constant 0 : i32
      %dma_start3A_91 = tpu.memref_slice %arg5[%dma_start3A_89, %dma_start3A_90] : memref<80x128xf32, #tpu.memory_space<vmem>> -> memref<80x128xf32, #tpu.memory_space<vmem>>
      tpu.enqueue_dma source(%dma_start3A_91 : memref<80x128xf32, #tpu.memory_space<vmem>>) target(%dma_start3A_88 : memref<80x128xf32, #tpu.memory_space<vmem_shared>>) target_semaphore(%run_scoped3A : memref<!tpu.dma_semaphore, #tpu.memory_space<semaphore_mem>>)
      %dma_wait3A_92 = arith.constant 0 : i32
      %dma_wait3A_93 = arith.constant 0 : i32
      %dma_wait3A_94 = tpu.memref_slice %arg5[%dma_wait3A_92, %dma_wait3A_93] : memref<80x128xf32, #tpu.memory_space<vmem>> -> memref<80x128xf32, #tpu.memory_space<vmem>>
      %dma_wait3A_95 = arith.constant 0 : i32
      %dma_wait3A_96 = tpu.memref_slice %arg13[%add3A_25, %dma_wait3A_95] : memref<10000x128xf32, #tpu.memory_space<vmem_shared>> -> memref<80x128xf32, #tpu.memory_space<vmem_shared>>
      %dma_wait3A_97 = arith.constant 0 : i32
      %dma_wait3A_98 = tpu.memref_slice %arg13[%add3A_25, %dma_wait3A_97] : memref<10000x128xf32, #tpu.memory_space<vmem_shared>> -> memref<80x128xf32, #tpu.memory_space<vmem_shared>>
      %dma_wait3A_99 = arith.constant 0 : i32
      %dma_wait3A_100 = arith.constant 0 : i32
      %dma_wait3A_101 = tpu.memref_slice %arg5[%dma_wait3A_99, %dma_wait3A_100] : memref<80x128xf32, #tpu.memory_space<vmem>> -> memref<80x128xf32, #tpu.memory_space<vmem>>
      tpu.wait_dma2 semaphore(%run_scoped3A : memref<!tpu.dma_semaphore, #tpu.memory_space<semaphore_mem>>) src(%dma_wait3A_101 : memref<80x128xf32, #tpu.memory_space<vmem>>) dst(%dma_wait3A_98 : memref<80x128xf32, #tpu.memory_space<vmem_shared>>)
      tpu.yield
    }) : () -> ()
    %add3A_26 = arith.constant 560 : i32
    %add3A_27 = arith.addi %mul3A_11, %add3A_26 : i32
    "tpu.region"() ({
      %run_scoped3A = tpu.sem_alloc : memref<!tpu.dma_semaphore, #tpu.memory_space<semaphore_mem>>
      %dma_start3A_82 = arith.constant 0 : i32
      %dma_start3A_83 = arith.constant 0 : i32
      %dma_start3A_84 = tpu.memref_slice %arg5[%dma_start3A_82, %dma_start3A_83] : memref<80x128xf32, #tpu.memory_space<vmem>> -> memref<64x128xf32, #tpu.memory_space<vmem>>
      %dma_start3A_85 = arith.constant 0 : i32
      %dma_start3A_86 = tpu.memref_slice %arg13[%add3A_27, %dma_start3A_85] : memref<10000x128xf32, #tpu.memory_space<vmem_shared>> -> memref<64x128xf32, #tpu.memory_space<vmem_shared>>
      %dma_start3A_87 = arith.constant 0 : i32
      %dma_start3A_88 = tpu.memref_slice %arg13[%add3A_27, %dma_start3A_87] : memref<10000x128xf32, #tpu.memory_space<vmem_shared>> -> memref<64x128xf32, #tpu.memory_space<vmem_shared>>
      %dma_start3A_89 = arith.constant 0 : i32
      %dma_start3A_90 = arith.constant 0 : i32
      %dma_start3A_91 = tpu.memref_slice %arg5[%dma_start3A_89, %dma_start3A_90] : memref<80x128xf32, #tpu.memory_space<vmem>> -> memref<64x128xf32, #tpu.memory_space<vmem>>
      tpu.enqueue_dma source(%dma_start3A_91 : memref<64x128xf32, #tpu.memory_space<vmem>>) target(%dma_start3A_88 : memref<64x128xf32, #tpu.memory_space<vmem_shared>>) target_semaphore(%run_scoped3A : memref<!tpu.dma_semaphore, #tpu.memory_space<semaphore_mem>>)
      %dma_wait3A_92 = arith.constant 0 : i32
      %dma_wait3A_93 = arith.constant 0 : i32
      %dma_wait3A_94 = tpu.memref_slice %arg5[%dma_wait3A_92, %dma_wait3A_93] : memref<80x128xf32, #tpu.memory_space<vmem>> -> memref<64x128xf32, #tpu.memory_space<vmem>>
      %dma_wait3A_95 = arith.constant 0 : i32
      %dma_wait3A_96 = tpu.memref_slice %arg13[%add3A_27, %dma_wait3A_95] : memref<10000x128xf32, #tpu.memory_space<vmem_shared>> -> memref<64x128xf32, #tpu.memory_space<vmem_shared>>
      %dma_wait3A_97 = arith.constant 0 : i32
      %dma_wait3A_98 = tpu.memref_slice %arg13[%add3A_27, %dma_wait3A_97] : memref<10000x128xf32, #tpu.memory_space<vmem_shared>> -> memref<64x128xf32, #tpu.memory_space<vmem_shared>>
      %dma_wait3A_99 = arith.constant 0 : i32
      %dma_wait3A_100 = arith.constant 0 : i32
      %dma_wait3A_101 = tpu.memref_slice %arg5[%dma_wait3A_99, %dma_wait3A_100] : memref<80x128xf32, #tpu.memory_space<vmem>> -> memref<64x128xf32, #tpu.memory_space<vmem>>
      tpu.wait_dma2 semaphore(%run_scoped3A : memref<!tpu.dma_semaphore, #tpu.memory_space<semaphore_mem>>) src(%dma_wait3A_101 : memref<64x128xf32, #tpu.memory_space<vmem>>) dst(%dma_wait3A_98 : memref<64x128xf32, #tpu.memory_space<vmem_shared>>)
      tpu.yield
    }) : () -> ()
    %eq3A = arith.constant 15 : i32
    %eq3A_28 = arith.cmpi eq, %arg1, %eq3A : i32
    %convert_element_type3A = arith.extui %eq3A_28 : i1 to i32
    %cond3A = arith.constant 0 : i32
    %cond3A_29 = arith.cmpi ne, %convert_element_type3A, %cond3A : i32
    scf.if %cond3A_29 {
      "tpu.region"() ({
        %run_scoped3A = tpu.sem_alloc : memref<!tpu.dma_semaphore, #tpu.memory_space<semaphore_mem>>
        %dma_start3A_82 = arith.constant 0 : i32
        %dma_start3A_83 = arith.constant 0 : i32
        %dma_start3A_84 = tpu.memref_slice %arg5[%dma_start3A_82, %dma_start3A_83] : memref<80x128xf32, #tpu.memory_space<vmem>> -> memref<16x128xf32, #tpu.memory_space<vmem>>
        %dma_start3A_85 = arith.constant 9984 : i32
        %dma_start3A_86 = arith.constant 0 : i32
        %dma_start3A_87 = tpu.memref_slice %arg13[%dma_start3A_85, %dma_start3A_86] : memref<10000x128xf32, #tpu.memory_space<vmem_shared>> -> memref<16x128xf32, #tpu.memory_space<vmem_shared>>
        %dma_start3A_88 = arith.constant 9984 : i32
        %dma_start3A_89 = arith.constant 0 : i32
        %dma_start3A_90 = tpu.memref_slice %arg13[%dma_start3A_88, %dma_start3A_89] : memref<10000x128xf32, #tpu.memory_space<vmem_shared>> -> memref<16x128xf32, #tpu.memory_space<vmem_shared>>
        %dma_start3A_91 = arith.constant 0 : i32
        %dma_start3A_92 = arith.constant 0 : i32
        %dma_start3A_93 = tpu.memref_slice %arg5[%dma_start3A_91, %dma_start3A_92] : memref<80x128xf32, #tpu.memory_space<vmem>> -> memref<16x128xf32, #tpu.memory_space<vmem>>
        tpu.enqueue_dma source(%dma_start3A_93 : memref<16x128xf32, #tpu.memory_space<vmem>>) target(%dma_start3A_90 : memref<16x128xf32, #tpu.memory_space<vmem_shared>>) target_semaphore(%run_scoped3A : memref<!tpu.dma_semaphore, #tpu.memory_space<semaphore_mem>>)
        %dma_wait3A_94 = arith.constant 0 : i32
        %dma_wait3A_95 = arith.constant 0 : i32
        %dma_wait3A_96 = tpu.memref_slice %arg5[%dma_wait3A_94, %dma_wait3A_95] : memref<80x128xf32, #tpu.memory_space<vmem>> -> memref<16x128xf32, #tpu.memory_space<vmem>>
        %dma_wait3A_97 = arith.constant 9984 : i32
        %dma_wait3A_98 = arith.constant 0 : i32
        %dma_wait3A_99 = tpu.memref_slice %arg13[%dma_wait3A_97, %dma_wait3A_98] : memref<10000x128xf32, #tpu.memory_space<vmem_shared>> -> memref<16x128xf32, #tpu.memory_space<vmem_shared>>
        %dma_wait3A_100 = arith.constant 9984 : i32
        %dma_wait3A_101 = arith.constant 0 : i32
        %dma_wait3A_102 = tpu.memref_slice %arg13[%dma_wait3A_100, %dma_wait3A_101] : memref<10000x128xf32, #tpu.memory_space<vmem_shared>> -> memref<16x128xf32, #tpu.memory_space<vmem_shared>>
        %dma_wait3A_103 = arith.constant 0 : i32
        %dma_wait3A_104 = arith.constant 0 : i32
        %dma_wait3A_105 = tpu.memref_slice %arg5[%dma_wait3A_103, %dma_wait3A_104] : memref<80x128xf32, #tpu.memory_space<vmem>> -> memref<16x128xf32, #tpu.memory_space<vmem>>
        tpu.wait_dma2 semaphore(%run_scoped3A : memref<!tpu.dma_semaphore, #tpu.memory_space<semaphore_mem>>) src(%dma_wait3A_105 : memref<16x128xf32, #tpu.memory_space<vmem>>) dst(%dma_wait3A_102 : memref<16x128xf32, #tpu.memory_space<vmem_shared>>)
        tpu.yield
      }) : () -> ()
    } else {
    }
    %barrier3A = arith.constant 0 : index
    tpu.barrier barrier_id(%barrier3A)
    %add3A_30 = arith.constant 0 : i32
    %add3A_31 = arith.addi %mul3A_2, %add3A_30 : i32
    %dma_start3A = tpu.memref_slice %arg3[%add3A_31] : memref<320000xi32, #tpu.memory_space<hbm>> -> memref<80xi32, #tpu.memory_space<hbm>>
    %dma_start3A_32 = tpu.memref_slice %arg3[%add3A_31] : memref<320000xi32, #tpu.memory_space<hbm>> -> memref<80xi32, #tpu.memory_space<hbm>>
    tpu.enqueue_dma source(%dma_start3A_32 : memref<80xi32, #tpu.memory_space<hbm>>) target(%arg9 : memref<80xi32, #tpu.memory_space<vmem>>) target_semaphore(%arg14 : memref<!tpu.dma_semaphore, #tpu.memory_space<semaphore_mem>>)
    %dma_start3A_33 = arith.constant 0 : i32
    %dma_start3A_34 = tpu.memref_slice %arg2[%add3A_31, %dma_start3A_33] : memref<320000x128xf32, #tpu.memory_space<hbm>> -> memref<80x128xf32, #tpu.memory_space<hbm>>
    %dma_start3A_35 = arith.constant 0 : i32
    %dma_start3A_36 = tpu.memref_slice %arg2[%add3A_31, %dma_start3A_35] : memref<320000x128xf32, #tpu.memory_space<hbm>> -> memref<80x128xf32, #tpu.memory_space<hbm>>
    tpu.enqueue_dma source(%dma_start3A_36 : memref<80x128xf32, #tpu.memory_space<hbm>>) target(%arg5 : memref<80x128xf32, #tpu.memory_space<vmem>>) target_semaphore(%arg18 : memref<!tpu.dma_semaphore, #tpu.memory_space<semaphore_mem>>)
    %add3A_37 = arith.constant 80 : i32
    %add3A_38 = arith.addi %mul3A_2, %add3A_37 : i32
    %dma_start3A_39 = tpu.memref_slice %arg3[%add3A_38] : memref<320000xi32, #tpu.memory_space<hbm>> -> memref<80xi32, #tpu.memory_space<hbm>>
    %dma_start3A_40 = tpu.memref_slice %arg3[%add3A_38] : memref<320000xi32, #tpu.memory_space<hbm>> -> memref<80xi32, #tpu.memory_space<hbm>>
    tpu.enqueue_dma source(%dma_start3A_40 : memref<80xi32, #tpu.memory_space<hbm>>) target(%arg10 : memref<80xi32, #tpu.memory_space<vmem>>) target_semaphore(%arg15 : memref<!tpu.dma_semaphore, #tpu.memory_space<semaphore_mem>>)
    %dma_start3A_41 = arith.constant 0 : i32
    %dma_start3A_42 = tpu.memref_slice %arg2[%add3A_38, %dma_start3A_41] : memref<320000x128xf32, #tpu.memory_space<hbm>> -> memref<80x128xf32, #tpu.memory_space<hbm>>
    %dma_start3A_43 = arith.constant 0 : i32
    %dma_start3A_44 = tpu.memref_slice %arg2[%add3A_38, %dma_start3A_43] : memref<320000x128xf32, #tpu.memory_space<hbm>> -> memref<80x128xf32, #tpu.memory_space<hbm>>
    tpu.enqueue_dma source(%dma_start3A_44 : memref<80x128xf32, #tpu.memory_space<hbm>>) target(%arg6 : memref<80x128xf32, #tpu.memory_space<vmem>>) target_semaphore(%arg19 : memref<!tpu.dma_semaphore, #tpu.memory_space<semaphore_mem>>)
    %scan3A_45 = arith.constant 0 : i32
    %scan3A_46 = arith.constant 0 : i32
    %scan3A_47 = arith.constant 31 : i32
    %scan3A_48 = arith.addi %scan3A_46, %scan3A_47 : i32
    %scan3A_49 = arith.constant 1 : i32
    %scan3A_50 = scf.for %scan3A_82 = %scan3A_46 to %scan3A_48 step %scan3A_49 iter_args(%scan3A_83 = %scan3A_45) -> (i32)  : i32 {
      %mul3A_84 = arith.constant 4 : i32
      %mul3A_85 = arith.muli %scan3A_82, %mul3A_84 : i32
      %add3A_86 = arith.constant 0 : i32
      %add3A_87 = arith.addi %mul3A_85, %add3A_86 : i32
      %add3A_88 = arith.constant 2 : i32
      %add3A_89 = arith.addi %add3A_87, %add3A_88 : i32
      %lt3A = arith.constant 125 : i32
      %lt3A_90 = arith.cmpi slt, %add3A_89, %lt3A : i32
      %convert_element_type3A_91 = arith.extui %lt3A_90 : i1 to i32
      %cond3A_92 = arith.constant 0 : i32
      %cond3A_93 = arith.cmpi ne, %convert_element_type3A_91, %cond3A_92 : i32
      scf.if %cond3A_93 {
        %ge3A = arith.constant 2 : i32
        %ge3A_174 = arith.cmpi sge, %add3A_87, %ge3A : i32
        %convert_element_type3A_175 = arith.extui %ge3A_174 : i1 to i32
        %cond3A_176 = arith.constant 0 : i32
        %cond3A_177 = arith.cmpi ne, %convert_element_type3A_175, %cond3A_176 : i32
        scf.if %cond3A_177 {
          %dma_wait3A_189 = arith.constant 0 : i32
          %dma_wait3A_190 = arith.constant 0 : i32
          %dma_wait3A_191 = tpu.memref_slice %arg13[%dma_wait3A_189, %dma_wait3A_190] : memref<10000x128xf32, #tpu.memory_space<vmem_shared>> -> memref<10000x128xf32, #tpu.memory_space<vmem_shared>>
          tpu.wait_indirect_dma semaphore(%arg24 : memref<!tpu.dma_semaphore, #tpu.memory_space<semaphore_mem>>) src(%arg7 : memref<80x128xf32, #tpu.memory_space<vmem>>) dst(%dma_wait3A_191 : memref<10000x128xf32, #tpu.memory_space<vmem_shared>>)
        } else {
        }
        %add3A_178 = arith.constant 2 : i32
        %add3A_179 = arith.addi %add3A_87, %add3A_178 : i32
        %mul3A_180 = arith.constant 80 : i32
        %mul3A_181 = arith.muli %add3A_179, %mul3A_180 : i32
        %add3A_182 = arith.addi %mul3A_2, %mul3A_181 : i32
        %dma_start3A_183 = tpu.memref_slice %arg3[%add3A_182] : memref<320000xi32, #tpu.memory_space<hbm>> -> memref<80xi32, #tpu.memory_space<hbm>>
        %dma_start3A_184 = tpu.memref_slice %arg3[%add3A_182] : memref<320000xi32, #tpu.memory_space<hbm>> -> memref<80xi32, #tpu.memory_space<hbm>>
        tpu.enqueue_dma source(%dma_start3A_184 : memref<80xi32, #tpu.memory_space<hbm>>) target(%arg11 : memref<80xi32, #tpu.memory_space<vmem>>) target_semaphore(%arg16 : memref<!tpu.dma_semaphore, #tpu.memory_space<semaphore_mem>>)
        %dma_start3A_185 = arith.constant 0 : i32
        %dma_start3A_186 = tpu.memref_slice %arg2[%add3A_182, %dma_start3A_185] : memref<320000x128xf32, #tpu.memory_space<hbm>> -> memref<80x128xf32, #tpu.memory_space<hbm>>
        %dma_start3A_187 = arith.constant 0 : i32
        %dma_start3A_188 = tpu.memref_slice %arg2[%add3A_182, %dma_start3A_187] : memref<320000x128xf32, #tpu.memory_space<hbm>> -> memref<80x128xf32, #tpu.memory_space<hbm>>
        tpu.enqueue_dma source(%dma_start3A_188 : memref<80x128xf32, #tpu.memory_space<hbm>>) target(%arg7 : memref<80x128xf32, #tpu.memory_space<vmem>>) target_semaphore(%arg20 : memref<!tpu.dma_semaphore, #tpu.memory_space<semaphore_mem>>)
      } else {
      }
      %dma_wait3A_94 = arith.constant 0 : i32
      %dma_wait3A_95 = tpu.memref_slice %arg3[%dma_wait3A_94] : memref<320000xi32, #tpu.memory_space<hbm>> -> memref<80xi32, #tpu.memory_space<hbm>>
      %dma_wait3A_96 = arith.constant 0 : i32
      %dma_wait3A_97 = tpu.memref_slice %arg3[%dma_wait3A_96] : memref<320000xi32, #tpu.memory_space<hbm>> -> memref<80xi32, #tpu.memory_space<hbm>>
      tpu.wait_dma2 semaphore(%arg14 : memref<!tpu.dma_semaphore, #tpu.memory_space<semaphore_mem>>) src(%dma_wait3A_97 : memref<80xi32, #tpu.memory_space<hbm>>) dst(%arg9 : memref<80xi32, #tpu.memory_space<vmem>>)
      %dma_wait3A_98 = arith.constant 0 : i32
      %dma_wait3A_99 = arith.constant 0 : i32
      %dma_wait3A_100 = tpu.memref_slice %arg2[%dma_wait3A_98, %dma_wait3A_99] : memref<320000x128xf32, #tpu.memory_space<hbm>> -> memref<80x128xf32, #tpu.memory_space<hbm>>
      %dma_wait3A_101 = arith.constant 0 : i32
      %dma_wait3A_102 = arith.constant 0 : i32
      %dma_wait3A_103 = tpu.memref_slice %arg2[%dma_wait3A_101, %dma_wait3A_102] : memref<320000x128xf32, #tpu.memory_space<hbm>> -> memref<80x128xf32, #tpu.memory_space<hbm>>
      tpu.wait_dma2 semaphore(%arg18 : memref<!tpu.dma_semaphore, #tpu.memory_space<semaphore_mem>>) src(%dma_wait3A_103 : memref<80x128xf32, #tpu.memory_space<hbm>>) dst(%arg5 : memref<80x128xf32, #tpu.memory_space<vmem>>)
      %dma_start3A_104 = arith.constant 0 : i32
      %dma_start3A_105 = arith.constant 0 : i32
      %dma_start3A_106 = tpu.memref_slice %arg13[%dma_start3A_104, %dma_start3A_105] : memref<10000x128xf32, #tpu.memory_space<vmem_shared>> -> memref<10000x128xf32, #tpu.memory_space<vmem_shared>>
      tpu.enqueue_indirect_dma source(%arg5 : memref<80x128xf32, #tpu.memory_space<vmem>>) target(%dma_start3A_106 : memref<10000x128xf32, #tpu.memory_space<vmem_shared>>) offsets(%arg9 : memref<80xi32, #tpu.memory_space<vmem>>) semaphore(%arg22 : memref<!tpu.dma_semaphore, #tpu.memory_space<semaphore_mem>>) {add = true}
      %add3A_107 = arith.constant 1 : i32
      %add3A_108 = arith.addi %mul3A_85, %add3A_107 : i32
      %add3A_109 = arith.constant 2 : i32
      %add3A_110 = arith.addi %add3A_108, %add3A_109 : i32
      %lt3A_111 = arith.constant 125 : i32
      %lt3A_112 = arith.cmpi slt, %add3A_110, %lt3A_111 : i32
      %convert_element_type3A_113 = arith.extui %lt3A_112 : i1 to i32
      %cond3A_114 = arith.constant 0 : i32
      %cond3A_115 = arith.cmpi ne, %convert_element_type3A_113, %cond3A_114 : i32
      scf.if %cond3A_115 {
        %ge3A = arith.constant 2 : i32
        %ge3A_174 = arith.cmpi sge, %add3A_108, %ge3A : i32
        %convert_element_type3A_175 = arith.extui %ge3A_174 : i1 to i32
        %cond3A_176 = arith.constant 0 : i32
        %cond3A_177 = arith.cmpi ne, %convert_element_type3A_175, %cond3A_176 : i32
        scf.if %cond3A_177 {
          %dma_wait3A_189 = arith.constant 0 : i32
          %dma_wait3A_190 = arith.constant 0 : i32
          %dma_wait3A_191 = tpu.memref_slice %arg13[%dma_wait3A_189, %dma_wait3A_190] : memref<10000x128xf32, #tpu.memory_space<vmem_shared>> -> memref<10000x128xf32, #tpu.memory_space<vmem_shared>>
          tpu.wait_indirect_dma semaphore(%arg25 : memref<!tpu.dma_semaphore, #tpu.memory_space<semaphore_mem>>) src(%arg8 : memref<80x128xf32, #tpu.memory_space<vmem>>) dst(%dma_wait3A_191 : memref<10000x128xf32, #tpu.memory_space<vmem_shared>>)
        } else {
        }
        %add3A_178 = arith.constant 2 : i32
        %add3A_179 = arith.addi %add3A_108, %add3A_178 : i32
        %mul3A_180 = arith.constant 80 : i32
        %mul3A_181 = arith.muli %add3A_179, %mul3A_180 : i32
        %add3A_182 = arith.addi %mul3A_2, %mul3A_181 : i32
        %dma_start3A_183 = tpu.memref_slice %arg3[%add3A_182] : memref<320000xi32, #tpu.memory_space<hbm>> -> memref<80xi32, #tpu.memory_space<hbm>>
        %dma_start3A_184 = tpu.memref_slice %arg3[%add3A_182] : memref<320000xi32, #tpu.memory_space<hbm>> -> memref<80xi32, #tpu.memory_space<hbm>>
        tpu.enqueue_dma source(%dma_start3A_184 : memref<80xi32, #tpu.memory_space<hbm>>) target(%arg12 : memref<80xi32, #tpu.memory_space<vmem>>) target_semaphore(%arg17 : memref<!tpu.dma_semaphore, #tpu.memory_space<semaphore_mem>>)
        %dma_start3A_185 = arith.constant 0 : i32
        %dma_start3A_186 = tpu.memref_slice %arg2[%add3A_182, %dma_start3A_185] : memref<320000x128xf32, #tpu.memory_space<hbm>> -> memref<80x128xf32, #tpu.memory_space<hbm>>
        %dma_start3A_187 = arith.constant 0 : i32
        %dma_start3A_188 = tpu.memref_slice %arg2[%add3A_182, %dma_start3A_187] : memref<320000x128xf32, #tpu.memory_space<hbm>> -> memref<80x128xf32, #tpu.memory_space<hbm>>
        tpu.enqueue_dma source(%dma_start3A_188 : memref<80x128xf32, #tpu.memory_space<hbm>>) target(%arg8 : memref<80x128xf32, #tpu.memory_space<vmem>>) target_semaphore(%arg21 : memref<!tpu.dma_semaphore, #tpu.memory_space<semaphore_mem>>)
      } else {
      }
      %dma_wait3A_116 = arith.constant 0 : i32
      %dma_wait3A_117 = tpu.memref_slice %arg3[%dma_wait3A_116] : memref<320000xi32, #tpu.memory_space<hbm>> -> memref<80xi32, #tpu.memory_space<hbm>>
      %dma_wait3A_118 = arith.constant 0 : i32
      %dma_wait3A_119 = tpu.memref_slice %arg3[%dma_wait3A_118] : memref<320000xi32, #tpu.memory_space<hbm>> -> memref<80xi32, #tpu.memory_space<hbm>>
      tpu.wait_dma2 semaphore(%arg15 : memref<!tpu.dma_semaphore, #tpu.memory_space<semaphore_mem>>) src(%dma_wait3A_119 : memref<80xi32, #tpu.memory_space<hbm>>) dst(%arg10 : memref<80xi32, #tpu.memory_space<vmem>>)
      %dma_wait3A_120 = arith.constant 0 : i32
      %dma_wait3A_121 = arith.constant 0 : i32
      %dma_wait3A_122 = tpu.memref_slice %arg2[%dma_wait3A_120, %dma_wait3A_121] : memref<320000x128xf32, #tpu.memory_space<hbm>> -> memref<80x128xf32, #tpu.memory_space<hbm>>
      %dma_wait3A_123 = arith.constant 0 : i32
      %dma_wait3A_124 = arith.constant 0 : i32
      %dma_wait3A_125 = tpu.memref_slice %arg2[%dma_wait3A_123, %dma_wait3A_124] : memref<320000x128xf32, #tpu.memory_space<hbm>> -> memref<80x128xf32, #tpu.memory_space<hbm>>
      tpu.wait_dma2 semaphore(%arg19 : memref<!tpu.dma_semaphore, #tpu.memory_space<semaphore_mem>>) src(%dma_wait3A_125 : memref<80x128xf32, #tpu.memory_space<hbm>>) dst(%arg6 : memref<80x128xf32, #tpu.memory_space<vmem>>)
      %dma_start3A_126 = arith.constant 0 : i32
      %dma_start3A_127 = arith.constant 0 : i32
      %dma_start3A_128 = tpu.memref_slice %arg13[%dma_start3A_126, %dma_start3A_127] : memref<10000x128xf32, #tpu.memory_space<vmem_shared>> -> memref<10000x128xf32, #tpu.memory_space<vmem_shared>>
      tpu.enqueue_indirect_dma source(%arg6 : memref<80x128xf32, #tpu.memory_space<vmem>>) target(%dma_start3A_128 : memref<10000x128xf32, #tpu.memory_space<vmem_shared>>) offsets(%arg10 : memref<80xi32, #tpu.memory_space<vmem>>) semaphore(%arg23 : memref<!tpu.dma_semaphore, #tpu.memory_space<semaphore_mem>>) {add = true}
      %add3A_129 = arith.constant 2 : i32
      %add3A_130 = arith.addi %mul3A_85, %add3A_129 : i32
      %add3A_131 = arith.constant 2 : i32
      %add3A_132 = arith.addi %add3A_130, %add3A_131 : i32
      %lt3A_133 = arith.constant 125 : i32
      %lt3A_134 = arith.cmpi slt, %add3A_132, %lt3A_133 : i32
      %convert_element_type3A_135 = arith.extui %lt3A_134 : i1 to i32
      %cond3A_136 = arith.constant 0 : i32
      %cond3A_137 = arith.cmpi ne, %convert_element_type3A_135, %cond3A_136 : i32
      scf.if %cond3A_137 {
        %ge3A = arith.constant 2 : i32
        %ge3A_174 = arith.cmpi sge, %add3A_130, %ge3A : i32
        %convert_element_type3A_175 = arith.extui %ge3A_174 : i1 to i32
        %cond3A_176 = arith.constant 0 : i32
        %cond3A_177 = arith.cmpi ne, %convert_element_type3A_175, %cond3A_176 : i32
        scf.if %cond3A_177 {
          %dma_wait3A_189 = arith.constant 0 : i32
          %dma_wait3A_190 = arith.constant 0 : i32
          %dma_wait3A_191 = tpu.memref_slice %arg13[%dma_wait3A_189, %dma_wait3A_190] : memref<10000x128xf32, #tpu.memory_space<vmem_shared>> -> memref<10000x128xf32, #tpu.memory_space<vmem_shared>>
          tpu.wait_indirect_dma semaphore(%arg22 : memref<!tpu.dma_semaphore, #tpu.memory_space<semaphore_mem>>) src(%arg5 : memref<80x128xf32, #tpu.memory_space<vmem>>) dst(%dma_wait3A_191 : memref<10000x128xf32, #tpu.memory_space<vmem_shared>>)
        } else {
        }
        %add3A_178 = arith.constant 2 : i32
        %add3A_179 = arith.addi %add3A_130, %add3A_178 : i32
        %mul3A_180 = arith.constant 80 : i32
        %mul3A_181 = arith.muli %add3A_179, %mul3A_180 : i32
        %add3A_182 = arith.addi %mul3A_2, %mul3A_181 : i32
        %dma_start3A_183 = tpu.memref_slice %arg3[%add3A_182] : memref<320000xi32, #tpu.memory_space<hbm>> -> memref<80xi32, #tpu.memory_space<hbm>>
        %dma_start3A_184 = tpu.memref_slice %arg3[%add3A_182] : memref<320000xi32, #tpu.memory_space<hbm>> -> memref<80xi32, #tpu.memory_space<hbm>>
        tpu.enqueue_dma source(%dma_start3A_184 : memref<80xi32, #tpu.memory_space<hbm>>) target(%arg9 : memref<80xi32, #tpu.memory_space<vmem>>) target_semaphore(%arg14 : memref<!tpu.dma_semaphore, #tpu.memory_space<semaphore_mem>>)
        %dma_start3A_185 = arith.constant 0 : i32
        %dma_start3A_186 = tpu.memref_slice %arg2[%add3A_182, %dma_start3A_185] : memref<320000x128xf32, #tpu.memory_space<hbm>> -> memref<80x128xf32, #tpu.memory_space<hbm>>
        %dma_start3A_187 = arith.constant 0 : i32
        %dma_start3A_188 = tpu.memref_slice %arg2[%add3A_182, %dma_start3A_187] : memref<320000x128xf32, #tpu.memory_space<hbm>> -> memref<80x128xf32, #tpu.memory_space<hbm>>
        tpu.enqueue_dma source(%dma_start3A_188 : memref<80x128xf32, #tpu.memory_space<hbm>>) target(%arg5 : memref<80x128xf32, #tpu.memory_space<vmem>>) target_semaphore(%arg18 : memref<!tpu.dma_semaphore, #tpu.memory_space<semaphore_mem>>)
      } else {
      }
      %dma_wait3A_138 = arith.constant 0 : i32
      %dma_wait3A_139 = tpu.memref_slice %arg3[%dma_wait3A_138] : memref<320000xi32, #tpu.memory_space<hbm>> -> memref<80xi32, #tpu.memory_space<hbm>>
      %dma_wait3A_140 = arith.constant 0 : i32
      %dma_wait3A_141 = tpu.memref_slice %arg3[%dma_wait3A_140] : memref<320000xi32, #tpu.memory_space<hbm>> -> memref<80xi32, #tpu.memory_space<hbm>>
      tpu.wait_dma2 semaphore(%arg16 : memref<!tpu.dma_semaphore, #tpu.memory_space<semaphore_mem>>) src(%dma_wait3A_141 : memref<80xi32, #tpu.memory_space<hbm>>) dst(%arg11 : memref<80xi32, #tpu.memory_space<vmem>>)
      %dma_wait3A_142 = arith.constant 0 : i32
      %dma_wait3A_143 = arith.constant 0 : i32
      %dma_wait3A_144 = tpu.memref_slice %arg2[%dma_wait3A_142, %dma_wait3A_143] : memref<320000x128xf32, #tpu.memory_space<hbm>> -> memref<80x128xf32, #tpu.memory_space<hbm>>
      %dma_wait3A_145 = arith.constant 0 : i32
      %dma_wait3A_146 = arith.constant 0 : i32
      %dma_wait3A_147 = tpu.memref_slice %arg2[%dma_wait3A_145, %dma_wait3A_146] : memref<320000x128xf32, #tpu.memory_space<hbm>> -> memref<80x128xf32, #tpu.memory_space<hbm>>
      tpu.wait_dma2 semaphore(%arg20 : memref<!tpu.dma_semaphore, #tpu.memory_space<semaphore_mem>>) src(%dma_wait3A_147 : memref<80x128xf32, #tpu.memory_space<hbm>>) dst(%arg7 : memref<80x128xf32, #tpu.memory_space<vmem>>)
      %dma_start3A_148 = arith.constant 0 : i32
      %dma_start3A_149 = arith.constant 0 : i32
      %dma_start3A_150 = tpu.memref_slice %arg13[%dma_start3A_148, %dma_start3A_149] : memref<10000x128xf32, #tpu.memory_space<vmem_shared>> -> memref<10000x128xf32, #tpu.memory_space<vmem_shared>>
      tpu.enqueue_indirect_dma source(%arg7 : memref<80x128xf32, #tpu.memory_space<vmem>>) target(%dma_start3A_150 : memref<10000x128xf32, #tpu.memory_space<vmem_shared>>) offsets(%arg11 : memref<80xi32, #tpu.memory_space<vmem>>) semaphore(%arg24 : memref<!tpu.dma_semaphore, #tpu.memory_space<semaphore_mem>>) {add = true}
      %add3A_151 = arith.constant 3 : i32
      %add3A_152 = arith.addi %mul3A_85, %add3A_151 : i32
      %add3A_153 = arith.constant 2 : i32
      %add3A_154 = arith.addi %add3A_152, %add3A_153 : i32
      %lt3A_155 = arith.constant 125 : i32
      %lt3A_156 = arith.cmpi slt, %add3A_154, %lt3A_155 : i32
      %convert_element_type3A_157 = arith.extui %lt3A_156 : i1 to i32
      %cond3A_158 = arith.constant 0 : i32
      %cond3A_159 = arith.cmpi ne, %convert_element_type3A_157, %cond3A_158 : i32
      scf.if %cond3A_159 {
        %ge3A = arith.constant 2 : i32
        %ge3A_174 = arith.cmpi sge, %add3A_152, %ge3A : i32
        %convert_element_type3A_175 = arith.extui %ge3A_174 : i1 to i32
        %cond3A_176 = arith.constant 0 : i32
        %cond3A_177 = arith.cmpi ne, %convert_element_type3A_175, %cond3A_176 : i32
        scf.if %cond3A_177 {
          %dma_wait3A_189 = arith.constant 0 : i32
          %dma_wait3A_190 = arith.constant 0 : i32
          %dma_wait3A_191 = tpu.memref_slice %arg13[%dma_wait3A_189, %dma_wait3A_190] : memref<10000x128xf32, #tpu.memory_space<vmem_shared>> -> memref<10000x128xf32, #tpu.memory_space<vmem_shared>>
          tpu.wait_indirect_dma semaphore(%arg23 : memref<!tpu.dma_semaphore, #tpu.memory_space<semaphore_mem>>) src(%arg6 : memref<80x128xf32, #tpu.memory_space<vmem>>) dst(%dma_wait3A_191 : memref<10000x128xf32, #tpu.memory_space<vmem_shared>>)
        } else {
        }
        %add3A_178 = arith.constant 2 : i32
        %add3A_179 = arith.addi %add3A_152, %add3A_178 : i32
        %mul3A_180 = arith.constant 80 : i32
        %mul3A_181 = arith.muli %add3A_179, %mul3A_180 : i32
        %add3A_182 = arith.addi %mul3A_2, %mul3A_181 : i32
        %dma_start3A_183 = tpu.memref_slice %arg3[%add3A_182] : memref<320000xi32, #tpu.memory_space<hbm>> -> memref<80xi32, #tpu.memory_space<hbm>>
        %dma_start3A_184 = tpu.memref_slice %arg3[%add3A_182] : memref<320000xi32, #tpu.memory_space<hbm>> -> memref<80xi32, #tpu.memory_space<hbm>>
        tpu.enqueue_dma source(%dma_start3A_184 : memref<80xi32, #tpu.memory_space<hbm>>) target(%arg10 : memref<80xi32, #tpu.memory_space<vmem>>) target_semaphore(%arg15 : memref<!tpu.dma_semaphore, #tpu.memory_space<semaphore_mem>>)
        %dma_start3A_185 = arith.constant 0 : i32
        %dma_start3A_186 = tpu.memref_slice %arg2[%add3A_182, %dma_start3A_185] : memref<320000x128xf32, #tpu.memory_space<hbm>> -> memref<80x128xf32, #tpu.memory_space<hbm>>
        %dma_start3A_187 = arith.constant 0 : i32
        %dma_start3A_188 = tpu.memref_slice %arg2[%add3A_182, %dma_start3A_187] : memref<320000x128xf32, #tpu.memory_space<hbm>> -> memref<80x128xf32, #tpu.memory_space<hbm>>
        tpu.enqueue_dma source(%dma_start3A_188 : memref<80x128xf32, #tpu.memory_space<hbm>>) target(%arg6 : memref<80x128xf32, #tpu.memory_space<vmem>>) target_semaphore(%arg19 : memref<!tpu.dma_semaphore, #tpu.memory_space<semaphore_mem>>)
      } else {
      }
      %dma_wait3A_160 = arith.constant 0 : i32
      %dma_wait3A_161 = tpu.memref_slice %arg3[%dma_wait3A_160] : memref<320000xi32, #tpu.memory_space<hbm>> -> memref<80xi32, #tpu.memory_space<hbm>>
      %dma_wait3A_162 = arith.constant 0 : i32
      %dma_wait3A_163 = tpu.memref_slice %arg3[%dma_wait3A_162] : memref<320000xi32, #tpu.memory_space<hbm>> -> memref<80xi32, #tpu.memory_space<hbm>>
      tpu.wait_dma2 semaphore(%arg17 : memref<!tpu.dma_semaphore, #tpu.memory_space<semaphore_mem>>) src(%dma_wait3A_163 : memref<80xi32, #tpu.memory_space<hbm>>) dst(%arg12 : memref<80xi32, #tpu.memory_space<vmem>>)
      %dma_wait3A_164 = arith.constant 0 : i32
      %dma_wait3A_165 = arith.constant 0 : i32
      %dma_wait3A_166 = tpu.memref_slice %arg2[%dma_wait3A_164, %dma_wait3A_165] : memref<320000x128xf32, #tpu.memory_space<hbm>> -> memref<80x128xf32, #tpu.memory_space<hbm>>
      %dma_wait3A_167 = arith.constant 0 : i32
      %dma_wait3A_168 = arith.constant 0 : i32
      %dma_wait3A_169 = tpu.memref_slice %arg2[%dma_wait3A_167, %dma_wait3A_168] : memref<320000x128xf32, #tpu.memory_space<hbm>> -> memref<80x128xf32, #tpu.memory_space<hbm>>
      tpu.wait_dma2 semaphore(%arg21 : memref<!tpu.dma_semaphore, #tpu.memory_space<semaphore_mem>>) src(%dma_wait3A_169 : memref<80x128xf32, #tpu.memory_space<hbm>>) dst(%arg8 : memref<80x128xf32, #tpu.memory_space<vmem>>)
      %dma_start3A_170 = arith.constant 0 : i32
      %dma_start3A_171 = arith.constant 0 : i32
      %dma_start3A_172 = tpu.memref_slice %arg13[%dma_start3A_170, %dma_start3A_171] : memref<10000x128xf32, #tpu.memory_space<vmem_shared>> -> memref<10000x128xf32, #tpu.memory_space<vmem_shared>>
      tpu.enqueue_indirect_dma source(%arg8 : memref<80x128xf32, #tpu.memory_space<vmem>>) target(%dma_start3A_172 : memref<10000x128xf32, #tpu.memory_space<vmem_shared>>) offsets(%arg12 : memref<80xi32, #tpu.memory_space<vmem>>) semaphore(%arg25 : memref<!tpu.dma_semaphore, #tpu.memory_space<semaphore_mem>>) {add = true}
      %scan3A_173 = arith.constant 0 : i32
      scf.yield %scan3A_173 : i32
    }
    %scan3A_51 = arith.constant 31 : i32
    %dma_wait3A = arith.constant 0 : i32
    %dma_wait3A_52 = tpu.memref_slice %arg3[%dma_wait3A] : memref<320000xi32, #tpu.memory_space<hbm>> -> memref<80xi32, #tpu.memory_space<hbm>>
    %dma_wait3A_53 = arith.constant 0 : i32
    %dma_wait3A_54 = tpu.memref_slice %arg3[%dma_wait3A_53] : memref<320000xi32, #tpu.memory_space<hbm>> -> memref<80xi32, #tpu.memory_space<hbm>>
    tpu.wait_dma2 semaphore(%arg14 : memref<!tpu.dma_semaphore, #tpu.memory_space<semaphore_mem>>) src(%dma_wait3A_54 : memref<80xi32, #tpu.memory_space<hbm>>) dst(%arg9 : memref<80xi32, #tpu.memory_space<vmem>>)
    %dma_wait3A_55 = arith.constant 0 : i32
    %dma_wait3A_56 = arith.constant 0 : i32
    %dma_wait3A_57 = tpu.memref_slice %arg2[%dma_wait3A_55, %dma_wait3A_56] : memref<320000x128xf32, #tpu.memory_space<hbm>> -> memref<80x128xf32, #tpu.memory_space<hbm>>
    %dma_wait3A_58 = arith.constant 0 : i32
    %dma_wait3A_59 = arith.constant 0 : i32
    %dma_wait3A_60 = tpu.memref_slice %arg2[%dma_wait3A_58, %dma_wait3A_59] : memref<320000x128xf32, #tpu.memory_space<hbm>> -> memref<80x128xf32, #tpu.memory_space<hbm>>
    tpu.wait_dma2 semaphore(%arg18 : memref<!tpu.dma_semaphore, #tpu.memory_space<semaphore_mem>>) src(%dma_wait3A_60 : memref<80x128xf32, #tpu.memory_space<hbm>>) dst(%arg5 : memref<80x128xf32, #tpu.memory_space<vmem>>)
    %dma_start3A_61 = arith.constant 0 : i32
    %dma_start3A_62 = arith.constant 0 : i32
    %dma_start3A_63 = tpu.memref_slice %arg13[%dma_start3A_61, %dma_start3A_62] : memref<10000x128xf32, #tpu.memory_space<vmem_shared>> -> memref<10000x128xf32, #tpu.memory_space<vmem_shared>>
    tpu.enqueue_indirect_dma source(%arg5 : memref<80x128xf32, #tpu.memory_space<vmem>>) target(%dma_start3A_63 : memref<10000x128xf32, #tpu.memory_space<vmem_shared>>) offsets(%arg9 : memref<80xi32, #tpu.memory_space<vmem>>) semaphore(%arg22 : memref<!tpu.dma_semaphore, #tpu.memory_space<semaphore_mem>>) {add = true}
    %dma_wait3A_64 = arith.constant 0 : i32
    %dma_wait3A_65 = arith.constant 0 : i32
    %dma_wait3A_66 = tpu.memref_slice %arg13[%dma_wait3A_64, %dma_wait3A_65] : memref<10000x128xf32, #tpu.memory_space<vmem_shared>> -> memref<10000x128xf32, #tpu.memory_space<vmem_shared>>
    tpu.wait_indirect_dma semaphore(%arg22 : memref<!tpu.dma_semaphore, #tpu.memory_space<semaphore_mem>>) src(%arg5 : memref<80x128xf32, #tpu.memory_space<vmem>>) dst(%dma_wait3A_66 : memref<10000x128xf32, #tpu.memory_space<vmem_shared>>)
    %dma_wait3A_67 = arith.constant 0 : i32
    %dma_wait3A_68 = arith.constant 0 : i32
    %dma_wait3A_69 = tpu.memref_slice %arg13[%dma_wait3A_67, %dma_wait3A_68] : memref<10000x128xf32, #tpu.memory_space<vmem_shared>> -> memref<10000x128xf32, #tpu.memory_space<vmem_shared>>
    tpu.wait_indirect_dma semaphore(%arg23 : memref<!tpu.dma_semaphore, #tpu.memory_space<semaphore_mem>>) src(%arg6 : memref<80x128xf32, #tpu.memory_space<vmem>>) dst(%dma_wait3A_69 : memref<10000x128xf32, #tpu.memory_space<vmem_shared>>)
    %dma_wait3A_70 = arith.constant 0 : i32
    %dma_wait3A_71 = arith.constant 0 : i32
    %dma_wait3A_72 = tpu.memref_slice %arg13[%dma_wait3A_70, %dma_wait3A_71] : memref<10000x128xf32, #tpu.memory_space<vmem_shared>> -> memref<10000x128xf32, #tpu.memory_space<vmem_shared>>
    tpu.wait_indirect_dma semaphore(%arg24 : memref<!tpu.dma_semaphore, #tpu.memory_space<semaphore_mem>>) src(%arg7 : memref<80x128xf32, #tpu.memory_space<vmem>>) dst(%dma_wait3A_72 : memref<10000x128xf32, #tpu.memory_space<vmem_shared>>)
    %dma_wait3A_73 = arith.constant 0 : i32
    %dma_wait3A_74 = arith.constant 0 : i32
    %dma_wait3A_75 = tpu.memref_slice %arg13[%dma_wait3A_73, %dma_wait3A_74] : memref<10000x128xf32, #tpu.memory_space<vmem_shared>> -> memref<10000x128xf32, #tpu.memory_space<vmem_shared>>
    tpu.wait_indirect_dma semaphore(%arg25 : memref<!tpu.dma_semaphore, #tpu.memory_space<semaphore_mem>>) src(%arg8 : memref<80x128xf32, #tpu.memory_space<vmem>>) dst(%dma_wait3A_75 : memref<10000x128xf32, #tpu.memory_space<vmem_shared>>)
    %barrier3A_76 = arith.constant 0 : index
    tpu.barrier barrier_id(%barrier3A_76)
    "tpu.region"() ({
      %run_scoped3A = tpu.sem_alloc : memref<!tpu.dma_semaphore, #tpu.memory_space<semaphore_mem>>
      %dma_start3A_82 = arith.constant 0 : i32
      %dma_start3A_83 = tpu.memref_slice %arg4[%arg0, %mul3A_11, %dma_start3A_82] : memref<2x10000x128xf32, #tpu.memory_space<hbm>> -> memref<1x624x128xf32, #tpu.memory_space<hbm>>
      %dma_start3A_84 = tpu.memref_squeeze %dma_start3A_83 : memref<1x624x128xf32, #tpu.memory_space<hbm>> -> memref<624x128xf32, #tpu.memory_space<hbm>>
      %dma_start3A_85 = arith.constant 0 : i32
      %dma_start3A_86 = tpu.memref_slice %arg13[%mul3A_11, %dma_start3A_85] : memref<10000x128xf32, #tpu.memory_space<vmem_shared>> -> memref<624x128xf32, #tpu.memory_space<vmem_shared>>
      tpu.enqueue_dma source(%dma_start3A_86 : memref<624x128xf32, #tpu.memory_space<vmem_shared>>) target(%dma_start3A_84 : memref<624x128xf32, #tpu.memory_space<hbm>>) target_semaphore(%run_scoped3A : memref<!tpu.dma_semaphore, #tpu.memory_space<semaphore_mem>>)
      %dma_wait3A_87 = arith.constant 0 : i32
      %dma_wait3A_88 = tpu.memref_slice %arg4[%arg0, %mul3A_11, %dma_wait3A_87] : memref<2x10000x128xf32, #tpu.memory_space<hbm>> -> memref<1x624x128xf32, #tpu.memory_space<hbm>>
      %dma_wait3A_89 = tpu.memref_squeeze %dma_wait3A_88 : memref<1x624x128xf32, #tpu.memory_space<hbm>> -> memref<624x128xf32, #tpu.memory_space<hbm>>
      %dma_wait3A_90 = arith.constant 0 : i32
      %dma_wait3A_91 = tpu.memref_slice %arg13[%mul3A_11, %dma_wait3A_90] : memref<10000x128xf32, #tpu.memory_space<vmem_shared>> -> memref<624x128xf32, #tpu.memory_space<vmem_shared>>
      tpu.wait_dma2 semaphore(%run_scoped3A : memref<!tpu.dma_semaphore, #tpu.memory_space<semaphore_mem>>) src(%dma_wait3A_91 : memref<624x128xf32, #tpu.memory_space<vmem_shared>>) dst(%dma_wait3A_89 : memref<624x128xf32, #tpu.memory_space<hbm>>)
      tpu.yield
    }) : () -> ()
    %eq3A_77 = arith.constant 15 : i32
    %eq3A_78 = arith.cmpi eq, %arg1, %eq3A_77 : i32
    %convert_element_type3A_79 = arith.extui %eq3A_78 : i1 to i32
    %cond3A_80 = arith.constant 0 : i32
    %cond3A_81 = arith.cmpi ne, %convert_element_type3A_79, %cond3A_80 : i32
    scf.if %cond3A_81 {
      "tpu.region"() ({
        %run_scoped3A = tpu.sem_alloc : memref<!tpu.dma_semaphore, #tpu.memory_space<semaphore_mem>>
        %dma_start3A_82 = arith.constant 9984 : i32
        %dma_start3A_83 = arith.constant 0 : i32
        %dma_start3A_84 = tpu.memref_slice %arg4[%arg0, %dma_start3A_82, %dma_start3A_83] : memref<2x10000x128xf32, #tpu.memory_space<hbm>> -> memref<1x16x128xf32, #tpu.memory_space<hbm>>
        %dma_start3A_85 = tpu.memref_squeeze %dma_start3A_84 : memref<1x16x128xf32, #tpu.memory_space<hbm>> -> memref<16x128xf32, #tpu.memory_space<hbm>>
        %dma_start3A_86 = arith.constant 9984 : i32
        %dma_start3A_87 = arith.constant 0 : i32
        %dma_start3A_88 = tpu.memref_slice %arg13[%dma_start3A_86, %dma_start3A_87] : memref<10000x128xf32, #tpu.memory_space<vmem_shared>> -> memref<16x128xf32, #tpu.memory_space<vmem_shared>>
        tpu.enqueue_dma source(%dma_start3A_88 : memref<16x128xf32, #tpu.memory_space<vmem_shared>>) target(%dma_start3A_85 : memref<16x128xf32, #tpu.memory_space<hbm>>) target_semaphore(%run_scoped3A : memref<!tpu.dma_semaphore, #tpu.memory_space<semaphore_mem>>)
        %dma_wait3A_89 = arith.constant 9984 : i32
        %dma_wait3A_90 = arith.constant 0 : i32
        %dma_wait3A_91 = tpu.memref_slice %arg4[%arg0, %dma_wait3A_89, %dma_wait3A_90] : memref<2x10000x128xf32, #tpu.memory_space<hbm>> -> memref<1x16x128xf32, #tpu.memory_space<hbm>>
        %dma_wait3A_92 = tpu.memref_squeeze %dma_wait3A_91 : memref<1x16x128xf32, #tpu.memory_space<hbm>> -> memref<16x128xf32, #tpu.memory_space<hbm>>
        %dma_wait3A_93 = arith.constant 9984 : i32
        %dma_wait3A_94 = arith.constant 0 : i32
        %dma_wait3A_95 = tpu.memref_slice %arg13[%dma_wait3A_93, %dma_wait3A_94] : memref<10000x128xf32, #tpu.memory_space<vmem_shared>> -> memref<16x128xf32, #tpu.memory_space<vmem_shared>>
        tpu.wait_dma2 semaphore(%run_scoped3A : memref<!tpu.dma_semaphore, #tpu.memory_space<semaphore_mem>>) src(%dma_wait3A_95 : memref<16x128xf32, #tpu.memory_space<vmem_shared>>) dst(%dma_wait3A_92 : memref<16x128xf32, #tpu.memory_space<hbm>>)
        tpu.yield
      }) : () -> ()
    } else {
    }
    return
  }
}

#map = affine_map<(d0, d1) -> (0, 0)>
#map1 = affine_map<(d0, d1) -> (0)>
module attributes {stable_mosaic.version = 14 : i64} {
  func.func @_sgather_body(%arg0: i32, %arg1: i32, %arg2: memref<10000x128xf32, #tpu.memory_space<hbm>>, %arg3: memref<320000xi32, #tpu.memory_space<hbm>>, %arg4: memref<320000x128xf32, #tpu.memory_space<hbm>>, %arg5: memref<80xi32, #tpu.memory_space<vmem>>, %arg6: memref<80xi32, #tpu.memory_space<vmem>>, %arg7: memref<80x128xf32, #tpu.memory_space<vmem>>, %arg8: memref<80x128xf32, #tpu.memory_space<vmem>>, %arg9: memref<10000x128xf32, #tpu.memory_space<vmem_shared>>, %arg10: memref<!tpu.dma_semaphore, #tpu.memory_space<semaphore_mem>>, %arg11: memref<!tpu.dma_semaphore, #tpu.memory_space<semaphore_mem>>, %arg12: memref<!tpu.dma_semaphore, #tpu.memory_space<semaphore_mem>>, %arg13: memref<!tpu.dma_semaphore, #tpu.memory_space<semaphore_mem>>) attributes {dimension_semantics = [#tpu.dimension_semantics<core_parallel>, #tpu.dimension_semantics<subcore_parallel>], iteration_bounds = array<i64: 2, 16>, scalar_prefetch = 0 : i64, scratch_operands = 9 : i64, tpu.core_type = #tpu.core_type<sc_vector_subcore>, window_params = [{transform_indices = #map}, {transform_indices = #map1}, {transform_indices = #map}]} {
    %mul3A = arith.constant 16 : i32
    %mul3A_0 = arith.muli %arg0, %mul3A : i32
    %add3A = arith.addi %mul3A_0, %arg1 : i32
    %mul3A_1 = arith.constant 10000 : i32
    %mul3A_2 = arith.muli %add3A, %mul3A_1 : i32
    %mul3A_3 = arith.constant 624 : i32
    %mul3A_4 = arith.muli %arg1, %mul3A_3 : i32
    "tpu.region"() ({
      %run_scoped3A = tpu.sem_alloc : memref<!tpu.dma_semaphore, #tpu.memory_space<semaphore_mem>>
      %dma_start3A_47 = arith.constant 0 : i32
      %dma_start3A_48 = tpu.memref_slice %arg9[%mul3A_4, %dma_start3A_47] : memref<10000x128xf32, #tpu.memory_space<vmem_shared>> -> memref<624x128xf32, #tpu.memory_space<vmem_shared>>
      %dma_start3A_49 = arith.constant 0 : i32
      %dma_start3A_50 = tpu.memref_slice %arg2[%mul3A_4, %dma_start3A_49] : memref<10000x128xf32, #tpu.memory_space<hbm>> -> memref<624x128xf32, #tpu.memory_space<hbm>>
      tpu.enqueue_dma source(%dma_start3A_50 : memref<624x128xf32, #tpu.memory_space<hbm>>) target(%dma_start3A_48 : memref<624x128xf32, #tpu.memory_space<vmem_shared>>) target_semaphore(%run_scoped3A : memref<!tpu.dma_semaphore, #tpu.memory_space<semaphore_mem>>)
      %dma_wait3A_51 = arith.constant 0 : i32
      %dma_wait3A_52 = tpu.memref_slice %arg9[%mul3A_4, %dma_wait3A_51] : memref<10000x128xf32, #tpu.memory_space<vmem_shared>> -> memref<624x128xf32, #tpu.memory_space<vmem_shared>>
      %dma_wait3A_53 = arith.constant 0 : i32
      %dma_wait3A_54 = tpu.memref_slice %arg2[%mul3A_4, %dma_wait3A_53] : memref<10000x128xf32, #tpu.memory_space<hbm>> -> memref<624x128xf32, #tpu.memory_space<hbm>>
      tpu.wait_dma2 semaphore(%run_scoped3A : memref<!tpu.dma_semaphore, #tpu.memory_space<semaphore_mem>>) src(%dma_wait3A_54 : memref<624x128xf32, #tpu.memory_space<hbm>>) dst(%dma_wait3A_52 : memref<624x128xf32, #tpu.memory_space<vmem_shared>>)
      tpu.yield
    }) : () -> ()
    %eq3A = arith.constant 15 : i32
    %eq3A_5 = arith.cmpi eq, %arg1, %eq3A : i32
    %convert_element_type3A = arith.extui %eq3A_5 : i1 to i32
    %cond3A = arith.constant 0 : i32
    %cond3A_6 = arith.cmpi ne, %convert_element_type3A, %cond3A : i32
    scf.if %cond3A_6 {
      "tpu.region"() ({
        %run_scoped3A = tpu.sem_alloc : memref<!tpu.dma_semaphore, #tpu.memory_space<semaphore_mem>>
        %dma_start3A_47 = arith.constant 9984 : i32
        %dma_start3A_48 = arith.constant 0 : i32
        %dma_start3A_49 = tpu.memref_slice %arg9[%dma_start3A_47, %dma_start3A_48] : memref<10000x128xf32, #tpu.memory_space<vmem_shared>> -> memref<16x128xf32, #tpu.memory_space<vmem_shared>>
        %dma_start3A_50 = arith.constant 9984 : i32
        %dma_start3A_51 = arith.constant 0 : i32
        %dma_start3A_52 = tpu.memref_slice %arg2[%dma_start3A_50, %dma_start3A_51] : memref<10000x128xf32, #tpu.memory_space<hbm>> -> memref<16x128xf32, #tpu.memory_space<hbm>>
        tpu.enqueue_dma source(%dma_start3A_52 : memref<16x128xf32, #tpu.memory_space<hbm>>) target(%dma_start3A_49 : memref<16x128xf32, #tpu.memory_space<vmem_shared>>) target_semaphore(%run_scoped3A : memref<!tpu.dma_semaphore, #tpu.memory_space<semaphore_mem>>)
        %dma_wait3A_53 = arith.constant 9984 : i32
        %dma_wait3A_54 = arith.constant 0 : i32
        %dma_wait3A_55 = tpu.memref_slice %arg9[%dma_wait3A_53, %dma_wait3A_54] : memref<10000x128xf32, #tpu.memory_space<vmem_shared>> -> memref<16x128xf32, #tpu.memory_space<vmem_shared>>
        %dma_wait3A_56 = arith.constant 9984 : i32
        %dma_wait3A_57 = arith.constant 0 : i32
        %dma_wait3A_58 = tpu.memref_slice %arg2[%dma_wait3A_56, %dma_wait3A_57] : memref<10000x128xf32, #tpu.memory_space<hbm>> -> memref<16x128xf32, #tpu.memory_space<hbm>>
        tpu.wait_dma2 semaphore(%run_scoped3A : memref<!tpu.dma_semaphore, #tpu.memory_space<semaphore_mem>>) src(%dma_wait3A_58 : memref<16x128xf32, #tpu.memory_space<hbm>>) dst(%dma_wait3A_55 : memref<16x128xf32, #tpu.memory_space<vmem_shared>>)
        tpu.yield
      }) : () -> ()
    } else {
    }
    %barrier3A = arith.constant 0 : index
    tpu.barrier barrier_id(%barrier3A)
    %add3A_7 = arith.constant 0 : i32
    %add3A_8 = arith.addi %mul3A_2, %add3A_7 : i32
    %dma_start3A = tpu.memref_slice %arg3[%add3A_8] : memref<320000xi32, #tpu.memory_space<hbm>> -> memref<80xi32, #tpu.memory_space<hbm>>
    %dma_start3A_9 = tpu.memref_slice %arg3[%add3A_8] : memref<320000xi32, #tpu.memory_space<hbm>> -> memref<80xi32, #tpu.memory_space<hbm>>
    tpu.enqueue_dma source(%dma_start3A_9 : memref<80xi32, #tpu.memory_space<hbm>>) target(%arg5 : memref<80xi32, #tpu.memory_space<vmem>>) target_semaphore(%arg10 : memref<!tpu.dma_semaphore, #tpu.memory_space<semaphore_mem>>)
    %add3A_10 = arith.constant 80 : i32
    %add3A_11 = arith.addi %mul3A_2, %add3A_10 : i32
    %dma_start3A_12 = tpu.memref_slice %arg3[%add3A_11] : memref<320000xi32, #tpu.memory_space<hbm>> -> memref<80xi32, #tpu.memory_space<hbm>>
    %dma_start3A_13 = tpu.memref_slice %arg3[%add3A_11] : memref<320000xi32, #tpu.memory_space<hbm>> -> memref<80xi32, #tpu.memory_space<hbm>>
    tpu.enqueue_dma source(%dma_start3A_13 : memref<80xi32, #tpu.memory_space<hbm>>) target(%arg6 : memref<80xi32, #tpu.memory_space<vmem>>) target_semaphore(%arg11 : memref<!tpu.dma_semaphore, #tpu.memory_space<semaphore_mem>>)
    %scan3A = arith.constant 0 : i32
    %scan3A_14 = arith.constant 0 : i32
    %scan3A_15 = arith.constant 62 : i32
    %scan3A_16 = arith.addi %scan3A_14, %scan3A_15 : i32
    %scan3A_17 = arith.constant 1 : i32
    %scan3A_18 = scf.for %scan3A_47 = %scan3A_14 to %scan3A_16 step %scan3A_17 iter_args(%scan3A_48 = %scan3A) -> (i32)  : i32 {
      %mul3A_49 = arith.constant 2 : i32
      %mul3A_50 = arith.muli %scan3A_47, %mul3A_49 : i32
      %add3A_51 = arith.constant 0 : i32
      %add3A_52 = arith.addi %mul3A_50, %add3A_51 : i32
      %ge3A = arith.constant 2 : i32
      %ge3A_53 = arith.cmpi sge, %add3A_52, %ge3A : i32
      %convert_element_type3A_54 = arith.extui %ge3A_53 : i1 to i32
      %cond3A_55 = arith.constant 0 : i32
      %cond3A_56 = arith.cmpi ne, %convert_element_type3A_54, %cond3A_55 : i32
      scf.if %cond3A_56 {
        %dma_wait3A_100 = arith.constant 0 : i32
        %dma_wait3A_101 = arith.constant 0 : i32
        %dma_wait3A_102 = tpu.memref_slice %arg4[%dma_wait3A_100, %dma_wait3A_101] : memref<320000x128xf32, #tpu.memory_space<hbm>> -> memref<80x128xf32, #tpu.memory_space<hbm>>
        %dma_wait3A_103 = arith.constant 0 : i32
        %dma_wait3A_104 = arith.constant 0 : i32
        %dma_wait3A_105 = tpu.memref_slice %arg4[%dma_wait3A_103, %dma_wait3A_104] : memref<320000x128xf32, #tpu.memory_space<hbm>> -> memref<80x128xf32, #tpu.memory_space<hbm>>
        tpu.wait_dma2 semaphore(%arg12 : memref<!tpu.dma_semaphore, #tpu.memory_space<semaphore_mem>>) src(%arg7 : memref<80x128xf32, #tpu.memory_space<vmem>>) dst(%dma_wait3A_105 : memref<80x128xf32, #tpu.memory_space<hbm>>)
      } else {
      }
      %dma_wait3A_57 = arith.constant 0 : i32
      %dma_wait3A_58 = tpu.memref_slice %arg3[%dma_wait3A_57] : memref<320000xi32, #tpu.memory_space<hbm>> -> memref<80xi32, #tpu.memory_space<hbm>>
      %dma_wait3A_59 = arith.constant 0 : i32
      %dma_wait3A_60 = tpu.memref_slice %arg3[%dma_wait3A_59] : memref<320000xi32, #tpu.memory_space<hbm>> -> memref<80xi32, #tpu.memory_space<hbm>>
      tpu.wait_dma2 semaphore(%arg10 : memref<!tpu.dma_semaphore, #tpu.memory_space<semaphore_mem>>) src(%dma_wait3A_60 : memref<80xi32, #tpu.memory_space<hbm>>) dst(%arg5 : memref<80xi32, #tpu.memory_space<vmem>>)
      "tpu.region"() ({
        %run_scoped3A = tpu.sem_alloc : memref<!tpu.dma_semaphore, #tpu.memory_space<semaphore_mem>>
        %dma_start3A_100 = arith.constant 0 : i32
        %dma_start3A_101 = arith.constant 0 : i32
        %dma_start3A_102 = tpu.memref_slice %arg9[%dma_start3A_100, %dma_start3A_101] : memref<10000x128xf32, #tpu.memory_space<vmem_shared>> -> memref<10000x128xf32, #tpu.memory_space<vmem_shared>>
        tpu.enqueue_indirect_dma source(%dma_start3A_102 : memref<10000x128xf32, #tpu.memory_space<vmem_shared>>) target(%arg7 : memref<80x128xf32, #tpu.memory_space<vmem>>) offsets(%arg5 : memref<80xi32, #tpu.memory_space<vmem>>) semaphore(%run_scoped3A : memref<!tpu.dma_semaphore, #tpu.memory_space<semaphore_mem>>)
        %dma_wait3A_103 = arith.constant 0 : i32
        %dma_wait3A_104 = arith.constant 0 : i32
        %dma_wait3A_105 = tpu.memref_slice %arg9[%dma_wait3A_103, %dma_wait3A_104] : memref<10000x128xf32, #tpu.memory_space<vmem_shared>> -> memref<10000x128xf32, #tpu.memory_space<vmem_shared>>
        tpu.wait_indirect_dma semaphore(%run_scoped3A : memref<!tpu.dma_semaphore, #tpu.memory_space<semaphore_mem>>) src(%dma_wait3A_105 : memref<10000x128xf32, #tpu.memory_space<vmem_shared>>) dst(%arg7 : memref<80x128xf32, #tpu.memory_space<vmem>>)
        tpu.yield
      }) : () -> ()
      %mul3A_61 = arith.constant 80 : i32
      %mul3A_62 = arith.muli %add3A_52, %mul3A_61 : i32
      %add3A_63 = arith.addi %mul3A_2, %mul3A_62 : i32
      %dma_start3A_64 = arith.constant 0 : i32
      %dma_start3A_65 = tpu.memref_slice %arg4[%add3A_63, %dma_start3A_64] : memref<320000x128xf32, #tpu.memory_space<hbm>> -> memref<80x128xf32, #tpu.memory_space<hbm>>
      %dma_start3A_66 = arith.constant 0 : i32
      %dma_start3A_67 = tpu.memref_slice %arg4[%add3A_63, %dma_start3A_66] : memref<320000x128xf32, #tpu.memory_space<hbm>> -> memref<80x128xf32, #tpu.memory_space<hbm>>
      tpu.enqueue_dma source(%arg7 : memref<80x128xf32, #tpu.memory_space<vmem>>) target(%dma_start3A_67 : memref<80x128xf32, #tpu.memory_space<hbm>>) target_semaphore(%arg12 : memref<!tpu.dma_semaphore, #tpu.memory_space<semaphore_mem>>)
      %add3A_68 = arith.constant 2 : i32
      %add3A_69 = arith.addi %add3A_52, %add3A_68 : i32
      %lt3A = arith.constant 125 : i32
      %lt3A_70 = arith.cmpi slt, %add3A_69, %lt3A : i32
      %convert_element_type3A_71 = arith.extui %lt3A_70 : i1 to i32
      %cond3A_72 = arith.constant 0 : i32
      %cond3A_73 = arith.cmpi ne, %convert_element_type3A_71, %cond3A_72 : i32
      scf.if %cond3A_73 {
        %add3A_100 = arith.constant 2 : i32
        %add3A_101 = arith.addi %add3A_52, %add3A_100 : i32
        %mul3A_102 = arith.constant 80 : i32
        %mul3A_103 = arith.muli %add3A_101, %mul3A_102 : i32
        %add3A_104 = arith.addi %mul3A_2, %mul3A_103 : i32
        %dma_start3A_105 = tpu.memref_slice %arg3[%add3A_104] : memref<320000xi32, #tpu.memory_space<hbm>> -> memref<80xi32, #tpu.memory_space<hbm>>
        %dma_start3A_106 = tpu.memref_slice %arg3[%add3A_104] : memref<320000xi32, #tpu.memory_space<hbm>> -> memref<80xi32, #tpu.memory_space<hbm>>
        tpu.enqueue_dma source(%dma_start3A_106 : memref<80xi32, #tpu.memory_space<hbm>>) target(%arg5 : memref<80xi32, #tpu.memory_space<vmem>>) target_semaphore(%arg10 : memref<!tpu.dma_semaphore, #tpu.memory_space<semaphore_mem>>)
      } else {
      }
      %add3A_74 = arith.constant 1 : i32
      %add3A_75 = arith.addi %mul3A_50, %add3A_74 : i32
      %ge3A_76 = arith.constant 2 : i32
      %ge3A_77 = arith.cmpi sge, %add3A_75, %ge3A_76 : i32
      %convert_element_type3A_78 = arith.extui %ge3A_77 : i1 to i32
      %cond3A_79 = arith.constant 0 : i32
      %cond3A_80 = arith.cmpi ne, %convert_element_type3A_78, %cond3A_79 : i32
      scf.if %cond3A_80 {
        %dma_wait3A_100 = arith.constant 0 : i32
        %dma_wait3A_101 = arith.constant 0 : i32
        %dma_wait3A_102 = tpu.memref_slice %arg4[%dma_wait3A_100, %dma_wait3A_101] : memref<320000x128xf32, #tpu.memory_space<hbm>> -> memref<80x128xf32, #tpu.memory_space<hbm>>
        %dma_wait3A_103 = arith.constant 0 : i32
        %dma_wait3A_104 = arith.constant 0 : i32
        %dma_wait3A_105 = tpu.memref_slice %arg4[%dma_wait3A_103, %dma_wait3A_104] : memref<320000x128xf32, #tpu.memory_space<hbm>> -> memref<80x128xf32, #tpu.memory_space<hbm>>
        tpu.wait_dma2 semaphore(%arg13 : memref<!tpu.dma_semaphore, #tpu.memory_space<semaphore_mem>>) src(%arg8 : memref<80x128xf32, #tpu.memory_space<vmem>>) dst(%dma_wait3A_105 : memref<80x128xf32, #tpu.memory_space<hbm>>)
      } else {
      }
      %dma_wait3A_81 = arith.constant 0 : i32
      %dma_wait3A_82 = tpu.memref_slice %arg3[%dma_wait3A_81] : memref<320000xi32, #tpu.memory_space<hbm>> -> memref<80xi32, #tpu.memory_space<hbm>>
      %dma_wait3A_83 = arith.constant 0 : i32
      %dma_wait3A_84 = tpu.memref_slice %arg3[%dma_wait3A_83] : memref<320000xi32, #tpu.memory_space<hbm>> -> memref<80xi32, #tpu.memory_space<hbm>>
      tpu.wait_dma2 semaphore(%arg11 : memref<!tpu.dma_semaphore, #tpu.memory_space<semaphore_mem>>) src(%dma_wait3A_84 : memref<80xi32, #tpu.memory_space<hbm>>) dst(%arg6 : memref<80xi32, #tpu.memory_space<vmem>>)
      "tpu.region"() ({
        %run_scoped3A = tpu.sem_alloc : memref<!tpu.dma_semaphore, #tpu.memory_space<semaphore_mem>>
        %dma_start3A_100 = arith.constant 0 : i32
        %dma_start3A_101 = arith.constant 0 : i32
        %dma_start3A_102 = tpu.memref_slice %arg9[%dma_start3A_100, %dma_start3A_101] : memref<10000x128xf32, #tpu.memory_space<vmem_shared>> -> memref<10000x128xf32, #tpu.memory_space<vmem_shared>>
        tpu.enqueue_indirect_dma source(%dma_start3A_102 : memref<10000x128xf32, #tpu.memory_space<vmem_shared>>) target(%arg8 : memref<80x128xf32, #tpu.memory_space<vmem>>) offsets(%arg6 : memref<80xi32, #tpu.memory_space<vmem>>) semaphore(%run_scoped3A : memref<!tpu.dma_semaphore, #tpu.memory_space<semaphore_mem>>)
        %dma_wait3A_103 = arith.constant 0 : i32
        %dma_wait3A_104 = arith.constant 0 : i32
        %dma_wait3A_105 = tpu.memref_slice %arg9[%dma_wait3A_103, %dma_wait3A_104] : memref<10000x128xf32, #tpu.memory_space<vmem_shared>> -> memref<10000x128xf32, #tpu.memory_space<vmem_shared>>
        tpu.wait_indirect_dma semaphore(%run_scoped3A : memref<!tpu.dma_semaphore, #tpu.memory_space<semaphore_mem>>) src(%dma_wait3A_105 : memref<10000x128xf32, #tpu.memory_space<vmem_shared>>) dst(%arg8 : memref<80x128xf32, #tpu.memory_space<vmem>>)
        tpu.yield
      }) : () -> ()
      %mul3A_85 = arith.constant 80 : i32
      %mul3A_86 = arith.muli %add3A_75, %mul3A_85 : i32
      %add3A_87 = arith.addi %mul3A_2, %mul3A_86 : i32
      %dma_start3A_88 = arith.constant 0 : i32
      %dma_start3A_89 = tpu.memref_slice %arg4[%add3A_87, %dma_start3A_88] : memref<320000x128xf32, #tpu.memory_space<hbm>> -> memref<80x128xf32, #tpu.memory_space<hbm>>
      %dma_start3A_90 = arith.constant 0 : i32
      %dma_start3A_91 = tpu.memref_slice %arg4[%add3A_87, %dma_start3A_90] : memref<320000x128xf32, #tpu.memory_space<hbm>> -> memref<80x128xf32, #tpu.memory_space<hbm>>
      tpu.enqueue_dma source(%arg8 : memref<80x128xf32, #tpu.memory_space<vmem>>) target(%dma_start3A_91 : memref<80x128xf32, #tpu.memory_space<hbm>>) target_semaphore(%arg13 : memref<!tpu.dma_semaphore, #tpu.memory_space<semaphore_mem>>)
      %add3A_92 = arith.constant 2 : i32
      %add3A_93 = arith.addi %add3A_75, %add3A_92 : i32
      %lt3A_94 = arith.constant 125 : i32
      %lt3A_95 = arith.cmpi slt, %add3A_93, %lt3A_94 : i32
      %convert_element_type3A_96 = arith.extui %lt3A_95 : i1 to i32
      %cond3A_97 = arith.constant 0 : i32
      %cond3A_98 = arith.cmpi ne, %convert_element_type3A_96, %cond3A_97 : i32
      scf.if %cond3A_98 {
        %add3A_100 = arith.constant 2 : i32
        %add3A_101 = arith.addi %add3A_75, %add3A_100 : i32
        %mul3A_102 = arith.constant 80 : i32
        %mul3A_103 = arith.muli %add3A_101, %mul3A_102 : i32
        %add3A_104 = arith.addi %mul3A_2, %mul3A_103 : i32
        %dma_start3A_105 = tpu.memref_slice %arg3[%add3A_104] : memref<320000xi32, #tpu.memory_space<hbm>> -> memref<80xi32, #tpu.memory_space<hbm>>
        %dma_start3A_106 = tpu.memref_slice %arg3[%add3A_104] : memref<320000xi32, #tpu.memory_space<hbm>> -> memref<80xi32, #tpu.memory_space<hbm>>
        tpu.enqueue_dma source(%dma_start3A_106 : memref<80xi32, #tpu.memory_space<hbm>>) target(%arg6 : memref<80xi32, #tpu.memory_space<vmem>>) target_semaphore(%arg11 : memref<!tpu.dma_semaphore, #tpu.memory_space<semaphore_mem>>)
      } else {
      }
      %scan3A_99 = arith.constant 0 : i32
      scf.yield %scan3A_99 : i32
    }
    %scan3A_19 = arith.constant 62 : i32
    %dma_wait3A = arith.constant 0 : i32
    %dma_wait3A_20 = arith.constant 0 : i32
    %dma_wait3A_21 = tpu.memref_slice %arg4[%dma_wait3A, %dma_wait3A_20] : memref<320000x128xf32, #tpu.memory_space<hbm>> -> memref<80x128xf32, #tpu.memory_space<hbm>>
    %dma_wait3A_22 = arith.constant 0 : i32
    %dma_wait3A_23 = arith.constant 0 : i32
    %dma_wait3A_24 = tpu.memref_slice %arg4[%dma_wait3A_22, %dma_wait3A_23] : memref<320000x128xf32, #tpu.memory_space<hbm>> -> memref<80x128xf32, #tpu.memory_space<hbm>>
    tpu.wait_dma2 semaphore(%arg12 : memref<!tpu.dma_semaphore, #tpu.memory_space<semaphore_mem>>) src(%arg7 : memref<80x128xf32, #tpu.memory_space<vmem>>) dst(%dma_wait3A_24 : memref<80x128xf32, #tpu.memory_space<hbm>>)
    %dma_wait3A_25 = arith.constant 0 : i32
    %dma_wait3A_26 = tpu.memref_slice %arg3[%dma_wait3A_25] : memref<320000xi32, #tpu.memory_space<hbm>> -> memref<80xi32, #tpu.memory_space<hbm>>
    %dma_wait3A_27 = arith.constant 0 : i32
    %dma_wait3A_28 = tpu.memref_slice %arg3[%dma_wait3A_27] : memref<320000xi32, #tpu.memory_space<hbm>> -> memref<80xi32, #tpu.memory_space<hbm>>
    tpu.wait_dma2 semaphore(%arg10 : memref<!tpu.dma_semaphore, #tpu.memory_space<semaphore_mem>>) src(%dma_wait3A_28 : memref<80xi32, #tpu.memory_space<hbm>>) dst(%arg5 : memref<80xi32, #tpu.memory_space<vmem>>)
    "tpu.region"() ({
      %run_scoped3A = tpu.sem_alloc : memref<!tpu.dma_semaphore, #tpu.memory_space<semaphore_mem>>
      %dma_start3A_47 = arith.constant 0 : i32
      %dma_start3A_48 = arith.constant 0 : i32
      %dma_start3A_49 = tpu.memref_slice %arg9[%dma_start3A_47, %dma_start3A_48] : memref<10000x128xf32, #tpu.memory_space<vmem_shared>> -> memref<10000x128xf32, #tpu.memory_space<vmem_shared>>
      tpu.enqueue_indirect_dma source(%dma_start3A_49 : memref<10000x128xf32, #tpu.memory_space<vmem_shared>>) target(%arg7 : memref<80x128xf32, #tpu.memory_space<vmem>>) offsets(%arg5 : memref<80xi32, #tpu.memory_space<vmem>>) semaphore(%run_scoped3A : memref<!tpu.dma_semaphore, #tpu.memory_space<semaphore_mem>>)
      %dma_wait3A_50 = arith.constant 0 : i32
      %dma_wait3A_51 = arith.constant 0 : i32
      %dma_wait3A_52 = tpu.memref_slice %arg9[%dma_wait3A_50, %dma_wait3A_51] : memref<10000x128xf32, #tpu.memory_space<vmem_shared>> -> memref<10000x128xf32, #tpu.memory_space<vmem_shared>>
      tpu.wait_indirect_dma semaphore(%run_scoped3A : memref<!tpu.dma_semaphore, #tpu.memory_space<semaphore_mem>>) src(%dma_wait3A_52 : memref<10000x128xf32, #tpu.memory_space<vmem_shared>>) dst(%arg7 : memref<80x128xf32, #tpu.memory_space<vmem>>)
      tpu.yield
    }) : () -> ()
    %add3A_29 = arith.constant 9920 : i32
    %add3A_30 = arith.addi %mul3A_2, %add3A_29 : i32
    %dma_start3A_31 = arith.constant 0 : i32
    %dma_start3A_32 = tpu.memref_slice %arg4[%add3A_30, %dma_start3A_31] : memref<320000x128xf32, #tpu.memory_space<hbm>> -> memref<80x128xf32, #tpu.memory_space<hbm>>
    %dma_start3A_33 = arith.constant 0 : i32
    %dma_start3A_34 = tpu.memref_slice %arg4[%add3A_30, %dma_start3A_33] : memref<320000x128xf32, #tpu.memory_space<hbm>> -> memref<80x128xf32, #tpu.memory_space<hbm>>
    tpu.enqueue_dma source(%arg7 : memref<80x128xf32, #tpu.memory_space<vmem>>) target(%dma_start3A_34 : memref<80x128xf32, #tpu.memory_space<hbm>>) target_semaphore(%arg12 : memref<!tpu.dma_semaphore, #tpu.memory_space<semaphore_mem>>)
    %dma_wait3A_35 = arith.constant 0 : i32
    %dma_wait3A_36 = arith.constant 0 : i32
    %dma_wait3A_37 = tpu.memref_slice %arg4[%dma_wait3A_35, %dma_wait3A_36] : memref<320000x128xf32, #tpu.memory_space<hbm>> -> memref<80x128xf32, #tpu.memory_space<hbm>>
    %dma_wait3A_38 = arith.constant 0 : i32
    %dma_wait3A_39 = arith.constant 0 : i32
    %dma_wait3A_40 = tpu.memref_slice %arg4[%dma_wait3A_38, %dma_wait3A_39] : memref<320000x128xf32, #tpu.memory_space<hbm>> -> memref<80x128xf32, #tpu.memory_space<hbm>>
    tpu.wait_dma2 semaphore(%arg12 : memref<!tpu.dma_semaphore, #tpu.memory_space<semaphore_mem>>) src(%arg7 : memref<80x128xf32, #tpu.memory_space<vmem>>) dst(%dma_wait3A_40 : memref<80x128xf32, #tpu.memory_space<hbm>>)
    %dma_wait3A_41 = arith.constant 0 : i32
    %dma_wait3A_42 = arith.constant 0 : i32
    %dma_wait3A_43 = tpu.memref_slice %arg4[%dma_wait3A_41, %dma_wait3A_42] : memref<320000x128xf32, #tpu.memory_space<hbm>> -> memref<80x128xf32, #tpu.memory_space<hbm>>
    %dma_wait3A_44 = arith.constant 0 : i32
    %dma_wait3A_45 = arith.constant 0 : i32
    %dma_wait3A_46 = tpu.memref_slice %arg4[%dma_wait3A_44, %dma_wait3A_45] : memref<320000x128xf32, #tpu.memory_space<hbm>> -> memref<80x128xf32, #tpu.memory_space<hbm>>
    tpu.wait_dma2 semaphore(%arg13 : memref<!tpu.dma_semaphore, #tpu.memory_space<semaphore_mem>>) src(%arg8 : memref<80x128xf32, #tpu.memory_space<vmem>>) dst(%dma_wait3A_46 : memref<80x128xf32, #tpu.memory_space<hbm>>)
    return
  }
}

#map = affine_map<(d0, d1) -> (0, 0)>
#map1 = affine_map<(d0, d1) -> (0)>
#map2 = affine_map<(d0, d1) -> (0, 0, 0)>
module attributes {stable_mosaic.version = 14 : i64} {
  func.func @_s1_body(%arg0: i32, %arg1: i32, %arg2: memref<320000x128xf32, #tpu.memory_space<hbm>>, %arg3: memref<320000xi32, #tpu.memory_space<hbm>>, %arg4: memref<320000xi32, #tpu.memory_space<hbm>>, %arg5: memref<2x10000x128xf32, #tpu.memory_space<hbm>>, %arg6: memref<80x128xf32, #tpu.memory_space<vmem>>, %arg7: memref<80x128xf32, #tpu.memory_space<vmem>>, %arg8: memref<80x128xf32, #tpu.memory_space<vmem>>, %arg9: memref<80x128xf32, #tpu.memory_space<vmem>>, %arg10: memref<80xi32, #tpu.memory_space<vmem>>, %arg11: memref<80xi32, #tpu.memory_space<vmem>>, %arg12: memref<80xi32, #tpu.memory_space<vmem>>, %arg13: memref<80xi32, #tpu.memory_space<vmem>>, %arg14: memref<10000x128xf32, #tpu.memory_space<vmem_shared>>, %arg15: memref<!tpu.dma_semaphore, #tpu.memory_space<semaphore_mem>>, %arg16: memref<!tpu.dma_semaphore, #tpu.memory_space<semaphore_mem>>, %arg17: memref<!tpu.dma_semaphore, #tpu.memory_space<semaphore_mem>>, %arg18: memref<!tpu.dma_semaphore, #tpu.memory_space<semaphore_mem>>, %arg19: memref<!tpu.dma_semaphore, #tpu.memory_space<semaphore_mem>>, %arg20: memref<!tpu.dma_semaphore, #tpu.memory_space<semaphore_mem>>, %arg21: memref<!tpu.dma_semaphore, #tpu.memory_space<semaphore_mem>>, %arg22: memref<!tpu.dma_semaphore, #tpu.memory_space<semaphore_mem>>, %arg23: memref<!tpu.dma_semaphore, #tpu.memory_space<semaphore_mem>>, %arg24: memref<!tpu.dma_semaphore, #tpu.memory_space<semaphore_mem>>, %arg25: memref<!tpu.dma_semaphore, #tpu.memory_space<semaphore_mem>>, %arg26: memref<!tpu.dma_semaphore, #tpu.memory_space<semaphore_mem>>) attributes {dimension_semantics = [#tpu.dimension_semantics<core_parallel>, #tpu.dimension_semantics<subcore_parallel>], iteration_bounds = array<i64: 2, 16>, scalar_prefetch = 0 : i64, scratch_operands = 21 : i64, tpu.core_type = #tpu.core_type<sc_vector_subcore>, window_params = [{transform_indices = #map}, {transform_indices = #map1}, {transform_indices = #map1}, {transform_indices = #map2}]} {
    %mul3A = arith.constant 20000 : i32
    %mul3A_0 = arith.muli %arg1, %mul3A : i32
    %broadcast_in_dim3A = arith.constant 0.000000e+00 : f32
    %broadcast_in_dim3A_1 = vector.broadcast %broadcast_in_dim3A : f32 to vector<16xf32>
    %scan3A = arith.constant 0 : i32
    %scan3A_2 = arith.constant 0 : i32
    %scan3A_3 = arith.constant 80 : i32
    %scan3A_4 = arith.addi %scan3A_2, %scan3A_3 : i32
    %scan3A_5 = arith.constant 1 : i32
    %scan3A_6 = scf.for %scan3A_43 = %scan3A_2 to %scan3A_4 step %scan3A_5 iter_args(%scan3A_44 = %scan3A) -> (i32)  : i32 {
      %swap3A = arith.index_cast %scan3A_43 : i32 to index
      %swap3A_45 = arith.constant 0 : index
      %swap3A_46 = tpu.vector_load %arg6[%swap3A, %swap3A_45] {strides = array<i32>} : memref<80x128xf32, #tpu.memory_space<vmem>>, vector<1x16xf32>,
      %swap3A_47 = vector.shape_cast %swap3A_46 : vector<1x16xf32> to vector<16xf32>
      %swap3A_48 = vector.shape_cast %broadcast_in_dim3A_1 : vector<16xf32> to vector<1x16xf32>
      tpu.vector_store %arg6[%swap3A, %swap3A_45], %swap3A_48 {strides = array<i32>} : memref<80x128xf32, #tpu.memory_space<vmem>>, vector<1x16xf32>,
      %swap3A_49 = arith.index_cast %scan3A_43 : i32 to index
      %swap3A_50 = arith.constant 16 : index
      %swap3A_51 = tpu.vector_load %arg6[%swap3A_49, %swap3A_50] {strides = array<i32>} : memref<80x128xf32, #tpu.memory_space<vmem>>, vector<1x16xf32>,
      %swap3A_52 = vector.shape_cast %swap3A_51 : vector<1x16xf32> to vector<16xf32>
      %swap3A_53 = vector.shape_cast %broadcast_in_dim3A_1 : vector<16xf32> to vector<1x16xf32>
      tpu.vector_store %arg6[%swap3A_49, %swap3A_50], %swap3A_53 {strides = array<i32>} : memref<80x128xf32, #tpu.memory_space<vmem>>, vector<1x16xf32>,
      %swap3A_54 = arith.index_cast %scan3A_43 : i32 to index
      %swap3A_55 = arith.constant 32 : index
      %swap3A_56 = tpu.vector_load %arg6[%swap3A_54, %swap3A_55] {strides = array<i32>} : memref<80x128xf32, #tpu.memory_space<vmem>>, vector<1x16xf32>,
      %swap3A_57 = vector.shape_cast %swap3A_56 : vector<1x16xf32> to vector<16xf32>
      %swap3A_58 = vector.shape_cast %broadcast_in_dim3A_1 : vector<16xf32> to vector<1x16xf32>
      tpu.vector_store %arg6[%swap3A_54, %swap3A_55], %swap3A_58 {strides = array<i32>} : memref<80x128xf32, #tpu.memory_space<vmem>>, vector<1x16xf32>,
      %swap3A_59 = arith.index_cast %scan3A_43 : i32 to index
      %swap3A_60 = arith.constant 48 : index
      %swap3A_61 = tpu.vector_load %arg6[%swap3A_59, %swap3A_60] {strides = array<i32>} : memref<80x128xf32, #tpu.memory_space<vmem>>, vector<1x16xf32>,
      %swap3A_62 = vector.shape_cast %swap3A_61 : vector<1x16xf32> to vector<16xf32>
      %swap3A_63 = vector.shape_cast %broadcast_in_dim3A_1 : vector<16xf32> to vector<1x16xf32>
      tpu.vector_store %arg6[%swap3A_59, %swap3A_60], %swap3A_63 {strides = array<i32>} : memref<80x128xf32, #tpu.memory_space<vmem>>, vector<1x16xf32>,
      %swap3A_64 = arith.index_cast %scan3A_43 : i32 to index
      %swap3A_65 = arith.constant 64 : index
      %swap3A_66 = tpu.vector_load %arg6[%swap3A_64, %swap3A_65] {strides = array<i32>} : memref<80x128xf32, #tpu.memory_space<vmem>>, vector<1x16xf32>,
      %swap3A_67 = vector.shape_cast %swap3A_66 : vector<1x16xf32> to vector<16xf32>
      %swap3A_68 = vector.shape_cast %broadcast_in_dim3A_1 : vector<16xf32> to vector<1x16xf32>
      tpu.vector_store %arg6[%swap3A_64, %swap3A_65], %swap3A_68 {strides = array<i32>} : memref<80x128xf32, #tpu.memory_space<vmem>>, vector<1x16xf32>,
      %swap3A_69 = arith.index_cast %scan3A_43 : i32 to index
      %swap3A_70 = arith.constant 80 : index
      %swap3A_71 = tpu.vector_load %arg6[%swap3A_69, %swap3A_70] {strides = array<i32>} : memref<80x128xf32, #tpu.memory_space<vmem>>, vector<1x16xf32>,
      %swap3A_72 = vector.shape_cast %swap3A_71 : vector<1x16xf32> to vector<16xf32>
      %swap3A_73 = vector.shape_cast %broadcast_in_dim3A_1 : vector<16xf32> to vector<1x16xf32>
      tpu.vector_store %arg6[%swap3A_69, %swap3A_70], %swap3A_73 {strides = array<i32>} : memref<80x128xf32, #tpu.memory_space<vmem>>, vector<1x16xf32>,
      %swap3A_74 = arith.index_cast %scan3A_43 : i32 to index
      %swap3A_75 = arith.constant 96 : index
      %swap3A_76 = tpu.vector_load %arg6[%swap3A_74, %swap3A_75] {strides = array<i32>} : memref<80x128xf32, #tpu.memory_space<vmem>>, vector<1x16xf32>,
      %swap3A_77 = vector.shape_cast %swap3A_76 : vector<1x16xf32> to vector<16xf32>
      %swap3A_78 = vector.shape_cast %broadcast_in_dim3A_1 : vector<16xf32> to vector<1x16xf32>
      tpu.vector_store %arg6[%swap3A_74, %swap3A_75], %swap3A_78 {strides = array<i32>} : memref<80x128xf32, #tpu.memory_space<vmem>>, vector<1x16xf32>,
      %swap3A_79 = arith.index_cast %scan3A_43 : i32 to index
      %swap3A_80 = arith.constant 112 : index
      %swap3A_81 = tpu.vector_load %arg6[%swap3A_79, %swap3A_80] {strides = array<i32>} : memref<80x128xf32, #tpu.memory_space<vmem>>, vector<1x16xf32>,
      %swap3A_82 = vector.shape_cast %swap3A_81 : vector<1x16xf32> to vector<16xf32>
      %swap3A_83 = vector.shape_cast %broadcast_in_dim3A_1 : vector<16xf32> to vector<1x16xf32>
      tpu.vector_store %arg6[%swap3A_79, %swap3A_80], %swap3A_83 {strides = array<i32>} : memref<80x128xf32, #tpu.memory_space<vmem>>, vector<1x16xf32>,
      %scan3A_84 = arith.constant 0 : i32
      scf.yield %scan3A_84 : i32
    }
    %scan3A_7 = arith.constant 80 : i32
    %mul3A_8 = arith.constant 624 : i32
    %mul3A_9 = arith.muli %arg1, %mul3A_8 : i32
    %add3A = arith.constant 0 : i32
    %add3A_10 = arith.addi %mul3A_9, %add3A : i32
    "tpu.region"() ({
      %run_scoped3A = tpu.sem_alloc : memref<!tpu.dma_semaphore, #tpu.memory_space<semaphore_mem>>
      %dma_start3A = arith.constant 0 : i32
      %dma_start3A_43 = arith.constant 0 : i32
      %dma_start3A_44 = tpu.memref_slice %arg6[%dma_start3A, %dma_start3A_43] : memref<80x128xf32, #tpu.memory_space<vmem>> -> memref<80x128xf32, #tpu.memory_space<vmem>>
      %dma_start3A_45 = arith.constant 0 : i32
      %dma_start3A_46 = tpu.memref_slice %arg14[%add3A_10, %dma_start3A_45] : memref<10000x128xf32, #tpu.memory_space<vmem_shared>> -> memref<80x128xf32, #tpu.memory_space<vmem_shared>>
      %dma_start3A_47 = arith.constant 0 : i32
      %dma_start3A_48 = tpu.memref_slice %arg14[%add3A_10, %dma_start3A_47] : memref<10000x128xf32, #tpu.memory_space<vmem_shared>> -> memref<80x128xf32, #tpu.memory_space<vmem_shared>>
      %dma_start3A_49 = arith.constant 0 : i32
      %dma_start3A_50 = arith.constant 0 : i32
      %dma_start3A_51 = tpu.memref_slice %arg6[%dma_start3A_49, %dma_start3A_50] : memref<80x128xf32, #tpu.memory_space<vmem>> -> memref<80x128xf32, #tpu.memory_space<vmem>>
      tpu.enqueue_dma source(%dma_start3A_51 : memref<80x128xf32, #tpu.memory_space<vmem>>) target(%dma_start3A_48 : memref<80x128xf32, #tpu.memory_space<vmem_shared>>) target_semaphore(%run_scoped3A : memref<!tpu.dma_semaphore, #tpu.memory_space<semaphore_mem>>)
      %dma_wait3A = arith.constant 0 : i32
      %dma_wait3A_52 = arith.constant 0 : i32
      %dma_wait3A_53 = tpu.memref_slice %arg6[%dma_wait3A, %dma_wait3A_52] : memref<80x128xf32, #tpu.memory_space<vmem>> -> memref<80x128xf32, #tpu.memory_space<vmem>>
      %dma_wait3A_54 = arith.constant 0 : i32
      %dma_wait3A_55 = tpu.memref_slice %arg14[%add3A_10, %dma_wait3A_54] : memref<10000x128xf32, #tpu.memory_space<vmem_shared>> -> memref<80x128xf32, #tpu.memory_space<vmem_shared>>
      %dma_wait3A_56 = arith.constant 0 : i32
      %dma_wait3A_57 = tpu.memref_slice %arg14[%add3A_10, %dma_wait3A_56] : memref<10000x128xf32, #tpu.memory_space<vmem_shared>> -> memref<80x128xf32, #tpu.memory_space<vmem_shared>>
      %dma_wait3A_58 = arith.constant 0 : i32
      %dma_wait3A_59 = arith.constant 0 : i32
      %dma_wait3A_60 = tpu.memref_slice %arg6[%dma_wait3A_58, %dma_wait3A_59] : memref<80x128xf32, #tpu.memory_space<vmem>> -> memref<80x128xf32, #tpu.memory_space<vmem>>
      tpu.wait_dma2 semaphore(%run_scoped3A : memref<!tpu.dma_semaphore, #tpu.memory_space<semaphore_mem>>) src(%dma_wait3A_60 : memref<80x128xf32, #tpu.memory_space<vmem>>) dst(%dma_wait3A_57 : memref<80x128xf32, #tpu.memory_space<vmem_shared>>)
      tpu.yield
    }) : () -> ()
    %add3A_11 = arith.constant 80 : i32
    %add3A_12 = arith.addi %mul3A_9, %add3A_11 : i32
    "tpu.region"() ({
      %run_scoped3A = tpu.sem_alloc : memref<!tpu.dma_semaphore, #tpu.memory_space<semaphore_mem>>
      %dma_start3A = arith.constant 0 : i32
      %dma_start3A_43 = arith.constant 0 : i32
      %dma_start3A_44 = tpu.memref_slice %arg6[%dma_start3A, %dma_start3A_43] : memref<80x128xf32, #tpu.memory_space<vmem>> -> memref<80x128xf32, #tpu.memory_space<vmem>>
      %dma_start3A_45 = arith.constant 0 : i32
      %dma_start3A_46 = tpu.memref_slice %arg14[%add3A_12, %dma_start3A_45] : memref<10000x128xf32, #tpu.memory_space<vmem_shared>> -> memref<80x128xf32, #tpu.memory_space<vmem_shared>>
      %dma_start3A_47 = arith.constant 0 : i32
      %dma_start3A_48 = tpu.memref_slice %arg14[%add3A_12, %dma_start3A_47] : memref<10000x128xf32, #tpu.memory_space<vmem_shared>> -> memref<80x128xf32, #tpu.memory_space<vmem_shared>>
      %dma_start3A_49 = arith.constant 0 : i32
      %dma_start3A_50 = arith.constant 0 : i32
      %dma_start3A_51 = tpu.memref_slice %arg6[%dma_start3A_49, %dma_start3A_50] : memref<80x128xf32, #tpu.memory_space<vmem>> -> memref<80x128xf32, #tpu.memory_space<vmem>>
      tpu.enqueue_dma source(%dma_start3A_51 : memref<80x128xf32, #tpu.memory_space<vmem>>) target(%dma_start3A_48 : memref<80x128xf32, #tpu.memory_space<vmem_shared>>) target_semaphore(%run_scoped3A : memref<!tpu.dma_semaphore, #tpu.memory_space<semaphore_mem>>)
      %dma_wait3A = arith.constant 0 : i32
      %dma_wait3A_52 = arith.constant 0 : i32
      %dma_wait3A_53 = tpu.memref_slice %arg6[%dma_wait3A, %dma_wait3A_52] : memref<80x128xf32, #tpu.memory_space<vmem>> -> memref<80x128xf32, #tpu.memory_space<vmem>>
      %dma_wait3A_54 = arith.constant 0 : i32
      %dma_wait3A_55 = tpu.memref_slice %arg14[%add3A_12, %dma_wait3A_54] : memref<10000x128xf32, #tpu.memory_space<vmem_shared>> -> memref<80x128xf32, #tpu.memory_space<vmem_shared>>
      %dma_wait3A_56 = arith.constant 0 : i32
      %dma_wait3A_57 = tpu.memref_slice %arg14[%add3A_12, %dma_wait3A_56] : memref<10000x128xf32, #tpu.memory_space<vmem_shared>> -> memref<80x128xf32, #tpu.memory_space<vmem_shared>>
      %dma_wait3A_58 = arith.constant 0 : i32
      %dma_wait3A_59 = arith.constant 0 : i32
      %dma_wait3A_60 = tpu.memref_slice %arg6[%dma_wait3A_58, %dma_wait3A_59] : memref<80x128xf32, #tpu.memory_space<vmem>> -> memref<80x128xf32, #tpu.memory_space<vmem>>
      tpu.wait_dma2 semaphore(%run_scoped3A : memref<!tpu.dma_semaphore, #tpu.memory_space<semaphore_mem>>) src(%dma_wait3A_60 : memref<80x128xf32, #tpu.memory_space<vmem>>) dst(%dma_wait3A_57 : memref<80x128xf32, #tpu.memory_space<vmem_shared>>)
      tpu.yield
    }) : () -> ()
    %add3A_13 = arith.constant 160 : i32
    %add3A_14 = arith.addi %mul3A_9, %add3A_13 : i32
    "tpu.region"() ({
      %run_scoped3A = tpu.sem_alloc : memref<!tpu.dma_semaphore, #tpu.memory_space<semaphore_mem>>
      %dma_start3A = arith.constant 0 : i32
      %dma_start3A_43 = arith.constant 0 : i32
      %dma_start3A_44 = tpu.memref_slice %arg6[%dma_start3A, %dma_start3A_43] : memref<80x128xf32, #tpu.memory_space<vmem>> -> memref<80x128xf32, #tpu.memory_space<vmem>>
      %dma_start3A_45 = arith.constant 0 : i32
      %dma_start3A_46 = tpu.memref_slice %arg14[%add3A_14, %dma_start3A_45] : memref<10000x128xf32, #tpu.memory_space<vmem_shared>> -> memref<80x128xf32, #tpu.memory_space<vmem_shared>>
      %dma_start3A_47 = arith.constant 0 : i32
      %dma_start3A_48 = tpu.memref_slice %arg14[%add3A_14, %dma_start3A_47] : memref<10000x128xf32, #tpu.memory_space<vmem_shared>> -> memref<80x128xf32, #tpu.memory_space<vmem_shared>>
      %dma_start3A_49 = arith.constant 0 : i32
      %dma_start3A_50 = arith.constant 0 : i32
      %dma_start3A_51 = tpu.memref_slice %arg6[%dma_start3A_49, %dma_start3A_50] : memref<80x128xf32, #tpu.memory_space<vmem>> -> memref<80x128xf32, #tpu.memory_space<vmem>>
      tpu.enqueue_dma source(%dma_start3A_51 : memref<80x128xf32, #tpu.memory_space<vmem>>) target(%dma_start3A_48 : memref<80x128xf32, #tpu.memory_space<vmem_shared>>) target_semaphore(%run_scoped3A : memref<!tpu.dma_semaphore, #tpu.memory_space<semaphore_mem>>)
      %dma_wait3A = arith.constant 0 : i32
      %dma_wait3A_52 = arith.constant 0 : i32
      %dma_wait3A_53 = tpu.memref_slice %arg6[%dma_wait3A, %dma_wait3A_52] : memref<80x128xf32, #tpu.memory_space<vmem>> -> memref<80x128xf32, #tpu.memory_space<vmem>>
      %dma_wait3A_54 = arith.constant 0 : i32
      %dma_wait3A_55 = tpu.memref_slice %arg14[%add3A_14, %dma_wait3A_54] : memref<10000x128xf32, #tpu.memory_space<vmem_shared>> -> memref<80x128xf32, #tpu.memory_space<vmem_shared>>
      %dma_wait3A_56 = arith.constant 0 : i32
      %dma_wait3A_57 = tpu.memref_slice %arg14[%add3A_14, %dma_wait3A_56] : memref<10000x128xf32, #tpu.memory_space<vmem_shared>> -> memref<80x128xf32, #tpu.memory_space<vmem_shared>>
      %dma_wait3A_58 = arith.constant 0 : i32
      %dma_wait3A_59 = arith.constant 0 : i32
      %dma_wait3A_60 = tpu.memref_slice %arg6[%dma_wait3A_58, %dma_wait3A_59] : memref<80x128xf32, #tpu.memory_space<vmem>> -> memref<80x128xf32, #tpu.memory_space<vmem>>
      tpu.wait_dma2 semaphore(%run_scoped3A : memref<!tpu.dma_semaphore, #tpu.memory_space<semaphore_mem>>) src(%dma_wait3A_60 : memref<80x128xf32, #tpu.memory_space<vmem>>) dst(%dma_wait3A_57 : memref<80x128xf32, #tpu.memory_space<vmem_shared>>)
      tpu.yield
    }) : () -> ()
    %add3A_15 = arith.constant 240 : i32
    %add3A_16 = arith.addi %mul3A_9, %add3A_15 : i32
    "tpu.region"() ({
      %run_scoped3A = tpu.sem_alloc : memref<!tpu.dma_semaphore, #tpu.memory_space<semaphore_mem>>
      %dma_start3A = arith.constant 0 : i32
      %dma_start3A_43 = arith.constant 0 : i32
      %dma_start3A_44 = tpu.memref_slice %arg6[%dma_start3A, %dma_start3A_43] : memref<80x128xf32, #tpu.memory_space<vmem>> -> memref<80x128xf32, #tpu.memory_space<vmem>>
      %dma_start3A_45 = arith.constant 0 : i32
      %dma_start3A_46 = tpu.memref_slice %arg14[%add3A_16, %dma_start3A_45] : memref<10000x128xf32, #tpu.memory_space<vmem_shared>> -> memref<80x128xf32, #tpu.memory_space<vmem_shared>>
      %dma_start3A_47 = arith.constant 0 : i32
      %dma_start3A_48 = tpu.memref_slice %arg14[%add3A_16, %dma_start3A_47] : memref<10000x128xf32, #tpu.memory_space<vmem_shared>> -> memref<80x128xf32, #tpu.memory_space<vmem_shared>>
      %dma_start3A_49 = arith.constant 0 : i32
      %dma_start3A_50 = arith.constant 0 : i32
      %dma_start3A_51 = tpu.memref_slice %arg6[%dma_start3A_49, %dma_start3A_50] : memref<80x128xf32, #tpu.memory_space<vmem>> -> memref<80x128xf32, #tpu.memory_space<vmem>>
      tpu.enqueue_dma source(%dma_start3A_51 : memref<80x128xf32, #tpu.memory_space<vmem>>) target(%dma_start3A_48 : memref<80x128xf32, #tpu.memory_space<vmem_shared>>) target_semaphore(%run_scoped3A : memref<!tpu.dma_semaphore, #tpu.memory_space<semaphore_mem>>)
      %dma_wait3A = arith.constant 0 : i32
      %dma_wait3A_52 = arith.constant 0 : i32
      %dma_wait3A_53 = tpu.memref_slice %arg6[%dma_wait3A, %dma_wait3A_52] : memref<80x128xf32, #tpu.memory_space<vmem>> -> memref<80x128xf32, #tpu.memory_space<vmem>>
      %dma_wait3A_54 = arith.constant 0 : i32
      %dma_wait3A_55 = tpu.memref_slice %arg14[%add3A_16, %dma_wait3A_54] : memref<10000x128xf32, #tpu.memory_space<vmem_shared>> -> memref<80x128xf32, #tpu.memory_space<vmem_shared>>
      %dma_wait3A_56 = arith.constant 0 : i32
      %dma_wait3A_57 = tpu.memref_slice %arg14[%add3A_16, %dma_wait3A_56] : memref<10000x128xf32, #tpu.memory_space<vmem_shared>> -> memref<80x128xf32, #tpu.memory_space<vmem_shared>>
      %dma_wait3A_58 = arith.constant 0 : i32
      %dma_wait3A_59 = arith.constant 0 : i32
      %dma_wait3A_60 = tpu.memref_slice %arg6[%dma_wait3A_58, %dma_wait3A_59] : memref<80x128xf32, #tpu.memory_space<vmem>> -> memref<80x128xf32, #tpu.memory_space<vmem>>
      tpu.wait_dma2 semaphore(%run_scoped3A : memref<!tpu.dma_semaphore, #tpu.memory_space<semaphore_mem>>) src(%dma_wait3A_60 : memref<80x128xf32, #tpu.memory_space<vmem>>) dst(%dma_wait3A_57 : memref<80x128xf32, #tpu.memory_space<vmem_shared>>)
      tpu.yield
    }) : () -> ()
    %add3A_17 = arith.constant 320 : i32
    %add3A_18 = arith.addi %mul3A_9, %add3A_17 : i32
    "tpu.region"() ({
      %run_scoped3A = tpu.sem_alloc : memref<!tpu.dma_semaphore, #tpu.memory_space<semaphore_mem>>
      %dma_start3A = arith.constant 0 : i32
      %dma_start3A_43 = arith.constant 0 : i32
      %dma_start3A_44 = tpu.memref_slice %arg6[%dma_start3A, %dma_start3A_43] : memref<80x128xf32, #tpu.memory_space<vmem>> -> memref<80x128xf32, #tpu.memory_space<vmem>>
      %dma_start3A_45 = arith.constant 0 : i32
      %dma_start3A_46 = tpu.memref_slice %arg14[%add3A_18, %dma_start3A_45] : memref<10000x128xf32, #tpu.memory_space<vmem_shared>> -> memref<80x128xf32, #tpu.memory_space<vmem_shared>>
      %dma_start3A_47 = arith.constant 0 : i32
      %dma_start3A_48 = tpu.memref_slice %arg14[%add3A_18, %dma_start3A_47] : memref<10000x128xf32, #tpu.memory_space<vmem_shared>> -> memref<80x128xf32, #tpu.memory_space<vmem_shared>>
      %dma_start3A_49 = arith.constant 0 : i32
      %dma_start3A_50 = arith.constant 0 : i32
      %dma_start3A_51 = tpu.memref_slice %arg6[%dma_start3A_49, %dma_start3A_50] : memref<80x128xf32, #tpu.memory_space<vmem>> -> memref<80x128xf32, #tpu.memory_space<vmem>>
      tpu.enqueue_dma source(%dma_start3A_51 : memref<80x128xf32, #tpu.memory_space<vmem>>) target(%dma_start3A_48 : memref<80x128xf32, #tpu.memory_space<vmem_shared>>) target_semaphore(%run_scoped3A : memref<!tpu.dma_semaphore, #tpu.memory_space<semaphore_mem>>)
      %dma_wait3A = arith.constant 0 : i32
      %dma_wait3A_52 = arith.constant 0 : i32
      %dma_wait3A_53 = tpu.memref_slice %arg6[%dma_wait3A, %dma_wait3A_52] : memref<80x128xf32, #tpu.memory_space<vmem>> -> memref<80x128xf32, #tpu.memory_space<vmem>>
      %dma_wait3A_54 = arith.constant 0 : i32
      %dma_wait3A_55 = tpu.memref_slice %arg14[%add3A_18, %dma_wait3A_54] : memref<10000x128xf32, #tpu.memory_space<vmem_shared>> -> memref<80x128xf32, #tpu.memory_space<vmem_shared>>
      %dma_wait3A_56 = arith.constant 0 : i32
      %dma_wait3A_57 = tpu.memref_slice %arg14[%add3A_18, %dma_wait3A_56] : memref<10000x128xf32, #tpu.memory_space<vmem_shared>> -> memref<80x128xf32, #tpu.memory_space<vmem_shared>>
      %dma_wait3A_58 = arith.constant 0 : i32
      %dma_wait3A_59 = arith.constant 0 : i32
      %dma_wait3A_60 = tpu.memref_slice %arg6[%dma_wait3A_58, %dma_wait3A_59] : memref<80x128xf32, #tpu.memory_space<vmem>> -> memref<80x128xf32, #tpu.memory_space<vmem>>
      tpu.wait_dma2 semaphore(%run_scoped3A : memref<!tpu.dma_semaphore, #tpu.memory_space<semaphore_mem>>) src(%dma_wait3A_60 : memref<80x128xf32, #tpu.memory_space<vmem>>) dst(%dma_wait3A_57 : memref<80x128xf32, #tpu.memory_space<vmem_shared>>)
      tpu.yield
    }) : () -> ()
    %add3A_19 = arith.constant 400 : i32
    %add3A_20 = arith.addi %mul3A_9, %add3A_19 : i32
    "tpu.region"() ({
      %run_scoped3A = tpu.sem_alloc : memref<!tpu.dma_semaphore, #tpu.memory_space<semaphore_mem>>
      %dma_start3A = arith.constant 0 : i32
      %dma_start3A_43 = arith.constant 0 : i32
      %dma_start3A_44 = tpu.memref_slice %arg6[%dma_start3A, %dma_start3A_43] : memref<80x128xf32, #tpu.memory_space<vmem>> -> memref<80x128xf32, #tpu.memory_space<vmem>>
      %dma_start3A_45 = arith.constant 0 : i32
      %dma_start3A_46 = tpu.memref_slice %arg14[%add3A_20, %dma_start3A_45] : memref<10000x128xf32, #tpu.memory_space<vmem_shared>> -> memref<80x128xf32, #tpu.memory_space<vmem_shared>>
      %dma_start3A_47 = arith.constant 0 : i32
      %dma_start3A_48 = tpu.memref_slice %arg14[%add3A_20, %dma_start3A_47] : memref<10000x128xf32, #tpu.memory_space<vmem_shared>> -> memref<80x128xf32, #tpu.memory_space<vmem_shared>>
      %dma_start3A_49 = arith.constant 0 : i32
      %dma_start3A_50 = arith.constant 0 : i32
      %dma_start3A_51 = tpu.memref_slice %arg6[%dma_start3A_49, %dma_start3A_50] : memref<80x128xf32, #tpu.memory_space<vmem>> -> memref<80x128xf32, #tpu.memory_space<vmem>>
      tpu.enqueue_dma source(%dma_start3A_51 : memref<80x128xf32, #tpu.memory_space<vmem>>) target(%dma_start3A_48 : memref<80x128xf32, #tpu.memory_space<vmem_shared>>) target_semaphore(%run_scoped3A : memref<!tpu.dma_semaphore, #tpu.memory_space<semaphore_mem>>)
      %dma_wait3A = arith.constant 0 : i32
      %dma_wait3A_52 = arith.constant 0 : i32
      %dma_wait3A_53 = tpu.memref_slice %arg6[%dma_wait3A, %dma_wait3A_52] : memref<80x128xf32, #tpu.memory_space<vmem>> -> memref<80x128xf32, #tpu.memory_space<vmem>>
      %dma_wait3A_54 = arith.constant 0 : i32
      %dma_wait3A_55 = tpu.memref_slice %arg14[%add3A_20, %dma_wait3A_54] : memref<10000x128xf32, #tpu.memory_space<vmem_shared>> -> memref<80x128xf32, #tpu.memory_space<vmem_shared>>
      %dma_wait3A_56 = arith.constant 0 : i32
      %dma_wait3A_57 = tpu.memref_slice %arg14[%add3A_20, %dma_wait3A_56] : memref<10000x128xf32, #tpu.memory_space<vmem_shared>> -> memref<80x128xf32, #tpu.memory_space<vmem_shared>>
      %dma_wait3A_58 = arith.constant 0 : i32
      %dma_wait3A_59 = arith.constant 0 : i32
      %dma_wait3A_60 = tpu.memref_slice %arg6[%dma_wait3A_58, %dma_wait3A_59] : memref<80x128xf32, #tpu.memory_space<vmem>> -> memref<80x128xf32, #tpu.memory_space<vmem>>
      tpu.wait_dma2 semaphore(%run_scoped3A : memref<!tpu.dma_semaphore, #tpu.memory_space<semaphore_mem>>) src(%dma_wait3A_60 : memref<80x128xf32, #tpu.memory_space<vmem>>) dst(%dma_wait3A_57 : memref<80x128xf32, #tpu.memory_space<vmem_shared>>)
      tpu.yield
    }) : () -> ()
    %add3A_21 = arith.constant 480 : i32
    %add3A_22 = arith.addi %mul3A_9, %add3A_21 : i32
    "tpu.region"() ({
      %run_scoped3A = tpu.sem_alloc : memref<!tpu.dma_semaphore, #tpu.memory_space<semaphore_mem>>
      %dma_start3A = arith.constant 0 : i32
      %dma_start3A_43 = arith.constant 0 : i32
      %dma_start3A_44 = tpu.memref_slice %arg6[%dma_start3A, %dma_start3A_43] : memref<80x128xf32, #tpu.memory_space<vmem>> -> memref<80x128xf32, #tpu.memory_space<vmem>>
      %dma_start3A_45 = arith.constant 0 : i32
      %dma_start3A_46 = tpu.memref_slice %arg14[%add3A_22, %dma_start3A_45] : memref<10000x128xf32, #tpu.memory_space<vmem_shared>> -> memref<80x128xf32, #tpu.memory_space<vmem_shared>>
      %dma_start3A_47 = arith.constant 0 : i32
      %dma_start3A_48 = tpu.memref_slice %arg14[%add3A_22, %dma_start3A_47] : memref<10000x128xf32, #tpu.memory_space<vmem_shared>> -> memref<80x128xf32, #tpu.memory_space<vmem_shared>>
      %dma_start3A_49 = arith.constant 0 : i32
      %dma_start3A_50 = arith.constant 0 : i32
      %dma_start3A_51 = tpu.memref_slice %arg6[%dma_start3A_49, %dma_start3A_50] : memref<80x128xf32, #tpu.memory_space<vmem>> -> memref<80x128xf32, #tpu.memory_space<vmem>>
      tpu.enqueue_dma source(%dma_start3A_51 : memref<80x128xf32, #tpu.memory_space<vmem>>) target(%dma_start3A_48 : memref<80x128xf32, #tpu.memory_space<vmem_shared>>) target_semaphore(%run_scoped3A : memref<!tpu.dma_semaphore, #tpu.memory_space<semaphore_mem>>)
      %dma_wait3A = arith.constant 0 : i32
      %dma_wait3A_52 = arith.constant 0 : i32
      %dma_wait3A_53 = tpu.memref_slice %arg6[%dma_wait3A, %dma_wait3A_52] : memref<80x128xf32, #tpu.memory_space<vmem>> -> memref<80x128xf32, #tpu.memory_space<vmem>>
      %dma_wait3A_54 = arith.constant 0 : i32
      %dma_wait3A_55 = tpu.memref_slice %arg14[%add3A_22, %dma_wait3A_54] : memref<10000x128xf32, #tpu.memory_space<vmem_shared>> -> memref<80x128xf32, #tpu.memory_space<vmem_shared>>
      %dma_wait3A_56 = arith.constant 0 : i32
      %dma_wait3A_57 = tpu.memref_slice %arg14[%add3A_22, %dma_wait3A_56] : memref<10000x128xf32, #tpu.memory_space<vmem_shared>> -> memref<80x128xf32, #tpu.memory_space<vmem_shared>>
      %dma_wait3A_58 = arith.constant 0 : i32
      %dma_wait3A_59 = arith.constant 0 : i32
      %dma_wait3A_60 = tpu.memref_slice %arg6[%dma_wait3A_58, %dma_wait3A_59] : memref<80x128xf32, #tpu.memory_space<vmem>> -> memref<80x128xf32, #tpu.memory_space<vmem>>
      tpu.wait_dma2 semaphore(%run_scoped3A : memref<!tpu.dma_semaphore, #tpu.memory_space<semaphore_mem>>) src(%dma_wait3A_60 : memref<80x128xf32, #tpu.memory_space<vmem>>) dst(%dma_wait3A_57 : memref<80x128xf32, #tpu.memory_space<vmem_shared>>)
      tpu.yield
    }) : () -> ()
    %add3A_23 = arith.constant 560 : i32
    %add3A_24 = arith.addi %mul3A_9, %add3A_23 : i32
    "tpu.region"() ({
      %run_scoped3A = tpu.sem_alloc : memref<!tpu.dma_semaphore, #tpu.memory_space<semaphore_mem>>
      %dma_start3A = arith.constant 0 : i32
      %dma_start3A_43 = arith.constant 0 : i32
      %dma_start3A_44 = tpu.memref_slice %arg6[%dma_start3A, %dma_start3A_43] : memref<80x128xf32, #tpu.memory_space<vmem>> -> memref<64x128xf32, #tpu.memory_space<vmem>>
      %dma_start3A_45 = arith.constant 0 : i32
      %dma_start3A_46 = tpu.memref_slice %arg14[%add3A_24, %dma_start3A_45] : memref<10000x128xf32, #tpu.memory_space<vmem_shared>> -> memref<64x128xf32, #tpu.memory_space<vmem_shared>>
      %dma_start3A_47 = arith.constant 0 : i32
      %dma_start3A_48 = tpu.memref_slice %arg14[%add3A_24, %dma_start3A_47] : memref<10000x128xf32, #tpu.memory_space<vmem_shared>> -> memref<64x128xf32, #tpu.memory_space<vmem_shared>>
      %dma_start3A_49 = arith.constant 0 : i32
      %dma_start3A_50 = arith.constant 0 : i32
      %dma_start3A_51 = tpu.memref_slice %arg6[%dma_start3A_49, %dma_start3A_50] : memref<80x128xf32, #tpu.memory_space<vmem>> -> memref<64x128xf32, #tpu.memory_space<vmem>>
      tpu.enqueue_dma source(%dma_start3A_51 : memref<64x128xf32, #tpu.memory_space<vmem>>) target(%dma_start3A_48 : memref<64x128xf32, #tpu.memory_space<vmem_shared>>) target_semaphore(%run_scoped3A : memref<!tpu.dma_semaphore, #tpu.memory_space<semaphore_mem>>)
      %dma_wait3A = arith.constant 0 : i32
      %dma_wait3A_52 = arith.constant 0 : i32
      %dma_wait3A_53 = tpu.memref_slice %arg6[%dma_wait3A, %dma_wait3A_52] : memref<80x128xf32, #tpu.memory_space<vmem>> -> memref<64x128xf32, #tpu.memory_space<vmem>>
      %dma_wait3A_54 = arith.constant 0 : i32
      %dma_wait3A_55 = tpu.memref_slice %arg14[%add3A_24, %dma_wait3A_54] : memref<10000x128xf32, #tpu.memory_space<vmem_shared>> -> memref<64x128xf32, #tpu.memory_space<vmem_shared>>
      %dma_wait3A_56 = arith.constant 0 : i32
      %dma_wait3A_57 = tpu.memref_slice %arg14[%add3A_24, %dma_wait3A_56] : memref<10000x128xf32, #tpu.memory_space<vmem_shared>> -> memref<64x128xf32, #tpu.memory_space<vmem_shared>>
      %dma_wait3A_58 = arith.constant 0 : i32
      %dma_wait3A_59 = arith.constant 0 : i32
      %dma_wait3A_60 = tpu.memref_slice %arg6[%dma_wait3A_58, %dma_wait3A_59] : memref<80x128xf32, #tpu.memory_space<vmem>> -> memref<64x128xf32, #tpu.memory_space<vmem>>
      tpu.wait_dma2 semaphore(%run_scoped3A : memref<!tpu.dma_semaphore, #tpu.memory_space<semaphore_mem>>) src(%dma_wait3A_60 : memref<64x128xf32, #tpu.memory_space<vmem>>) dst(%dma_wait3A_57 : memref<64x128xf32, #tpu.memory_space<vmem_shared>>)
      tpu.yield
    }) : () -> ()
    %eq3A = arith.constant 15 : i32
    %eq3A_25 = arith.cmpi eq, %arg1, %eq3A : i32
    %convert_element_type3A = arith.extui %eq3A_25 : i1 to i32
    %cond3A = arith.constant 0 : i32
    %cond3A_26 = arith.cmpi ne, %convert_element_type3A, %cond3A : i32
    scf.if %cond3A_26 {
      "tpu.region"() ({
        %run_scoped3A = tpu.sem_alloc : memref<!tpu.dma_semaphore, #tpu.memory_space<semaphore_mem>>
        %dma_start3A = arith.constant 0 : i32
        %dma_start3A_43 = arith.constant 0 : i32
        %dma_start3A_44 = tpu.memref_slice %arg6[%dma_start3A, %dma_start3A_43] : memref<80x128xf32, #tpu.memory_space<vmem>> -> memref<16x128xf32, #tpu.memory_space<vmem>>
        %dma_start3A_45 = arith.constant 9984 : i32
        %dma_start3A_46 = arith.constant 0 : i32
        %dma_start3A_47 = tpu.memref_slice %arg14[%dma_start3A_45, %dma_start3A_46] : memref<10000x128xf32, #tpu.memory_space<vmem_shared>> -> memref<16x128xf32, #tpu.memory_space<vmem_shared>>
        %dma_start3A_48 = arith.constant 9984 : i32
        %dma_start3A_49 = arith.constant 0 : i32
        %dma_start3A_50 = tpu.memref_slice %arg14[%dma_start3A_48, %dma_start3A_49] : memref<10000x128xf32, #tpu.memory_space<vmem_shared>> -> memref<16x128xf32, #tpu.memory_space<vmem_shared>>
        %dma_start3A_51 = arith.constant 0 : i32
        %dma_start3A_52 = arith.constant 0 : i32
        %dma_start3A_53 = tpu.memref_slice %arg6[%dma_start3A_51, %dma_start3A_52] : memref<80x128xf32, #tpu.memory_space<vmem>> -> memref<16x128xf32, #tpu.memory_space<vmem>>
        tpu.enqueue_dma source(%dma_start3A_53 : memref<16x128xf32, #tpu.memory_space<vmem>>) target(%dma_start3A_50 : memref<16x128xf32, #tpu.memory_space<vmem_shared>>) target_semaphore(%run_scoped3A : memref<!tpu.dma_semaphore, #tpu.memory_space<semaphore_mem>>)
        %dma_wait3A = arith.constant 0 : i32
        %dma_wait3A_54 = arith.constant 0 : i32
        %dma_wait3A_55 = tpu.memref_slice %arg6[%dma_wait3A, %dma_wait3A_54] : memref<80x128xf32, #tpu.memory_space<vmem>> -> memref<16x128xf32, #tpu.memory_space<vmem>>
        %dma_wait3A_56 = arith.constant 9984 : i32
        %dma_wait3A_57 = arith.constant 0 : i32
        %dma_wait3A_58 = tpu.memref_slice %arg14[%dma_wait3A_56, %dma_wait3A_57] : memref<10000x128xf32, #tpu.memory_space<vmem_shared>> -> memref<16x128xf32, #tpu.memory_space<vmem_shared>>
        %dma_wait3A_59 = arith.constant 9984 : i32
        %dma_wait3A_60 = arith.constant 0 : i32
        %dma_wait3A_61 = tpu.memref_slice %arg14[%dma_wait3A_59, %dma_wait3A_60] : memref<10000x128xf32, #tpu.memory_space<vmem_shared>> -> memref<16x128xf32, #tpu.memory_space<vmem_shared>>
        %dma_wait3A_62 = arith.constant 0 : i32
        %dma_wait3A_63 = arith.constant 0 : i32
        %dma_wait3A_64 = tpu.memref_slice %arg6[%dma_wait3A_62, %dma_wait3A_63] : memref<80x128xf32, #tpu.memory_space<vmem>> -> memref<16x128xf32, #tpu.memory_space<vmem>>
        tpu.wait_dma2 semaphore(%run_scoped3A : memref<!tpu.dma_semaphore, #tpu.memory_space<semaphore_mem>>) src(%dma_wait3A_64 : memref<16x128xf32, #tpu.memory_space<vmem>>) dst(%dma_wait3A_61 : memref<16x128xf32, #tpu.memory_space<vmem_shared>>)
        tpu.yield
      }) : () -> ()
    } else {
    }
    %barrier3A = arith.constant 0 : index
    tpu.barrier barrier_id(%barrier3A)
    %eq3A_27 = arith.constant 0 : i32
    %eq3A_28 = arith.cmpi eq, %arg0, %eq3A_27 : i32
    %convert_element_type3A_29 = arith.extui %eq3A_28 : i1 to i32
    %cond3A_30 = arith.constant 0 : i32
    %cond3A_31 = arith.cmpi ne, %convert_element_type3A_29, %cond3A_30 : i32
    scf.if %cond3A_31 {
      %add3A_43 = arith.constant 0 : i32
      %add3A_44 = arith.addi %mul3A_0, %add3A_43 : i32
      %dma_start3A = tpu.memref_slice %arg3[%add3A_44] : memref<320000xi32, #tpu.memory_space<hbm>> -> memref<80xi32, #tpu.memory_space<hbm>>
      %dma_start3A_45 = tpu.memref_slice %arg3[%add3A_44] : memref<320000xi32, #tpu.memory_space<hbm>> -> memref<80xi32, #tpu.memory_space<hbm>>
      tpu.enqueue_dma source(%dma_start3A_45 : memref<80xi32, #tpu.memory_space<hbm>>) target(%arg10 : memref<80xi32, #tpu.memory_space<vmem>>) target_semaphore(%arg15 : memref<!tpu.dma_semaphore, #tpu.memory_space<semaphore_mem>>)
      %dma_start3A_46 = arith.constant 0 : i32
      %dma_start3A_47 = tpu.memref_slice %arg2[%add3A_44, %dma_start3A_46] : memref<320000x128xf32, #tpu.memory_space<hbm>> -> memref<80x128xf32, #tpu.memory_space<hbm>>
      %dma_start3A_48 = arith.constant 0 : i32
      %dma_start3A_49 = tpu.memref_slice %arg2[%add3A_44, %dma_start3A_48] : memref<320000x128xf32, #tpu.memory_space<hbm>> -> memref<80x128xf32, #tpu.memory_space<hbm>>
      tpu.enqueue_dma source(%dma_start3A_49 : memref<80x128xf32, #tpu.memory_space<hbm>>) target(%arg6 : memref<80x128xf32, #tpu.memory_space<vmem>>) target_semaphore(%arg19 : memref<!tpu.dma_semaphore, #tpu.memory_space<semaphore_mem>>)
      %add3A_50 = arith.constant 80 : i32
      %add3A_51 = arith.addi %mul3A_0, %add3A_50 : i32
      %dma_start3A_52 = tpu.memref_slice %arg3[%add3A_51] : memref<320000xi32, #tpu.memory_space<hbm>> -> memref<80xi32, #tpu.memory_space<hbm>>
      %dma_start3A_53 = tpu.memref_slice %arg3[%add3A_51] : memref<320000xi32, #tpu.memory_space<hbm>> -> memref<80xi32, #tpu.memory_space<hbm>>
      tpu.enqueue_dma source(%dma_start3A_53 : memref<80xi32, #tpu.memory_space<hbm>>) target(%arg11 : memref<80xi32, #tpu.memory_space<vmem>>) target_semaphore(%arg16 : memref<!tpu.dma_semaphore, #tpu.memory_space<semaphore_mem>>)
      %dma_start3A_54 = arith.constant 0 : i32
      %dma_start3A_55 = tpu.memref_slice %arg2[%add3A_51, %dma_start3A_54] : memref<320000x128xf32, #tpu.memory_space<hbm>> -> memref<80x128xf32, #tpu.memory_space<hbm>>
      %dma_start3A_56 = arith.constant 0 : i32
      %dma_start3A_57 = tpu.memref_slice %arg2[%add3A_51, %dma_start3A_56] : memref<320000x128xf32, #tpu.memory_space<hbm>> -> memref<80x128xf32, #tpu.memory_space<hbm>>
      tpu.enqueue_dma source(%dma_start3A_57 : memref<80x128xf32, #tpu.memory_space<hbm>>) target(%arg7 : memref<80x128xf32, #tpu.memory_space<vmem>>) target_semaphore(%arg20 : memref<!tpu.dma_semaphore, #tpu.memory_space<semaphore_mem>>)
      %scan3A_58 = arith.constant 0 : i32
      %scan3A_59 = arith.constant 0 : i32
      %scan3A_60 = arith.constant 62 : i32
      %scan3A_61 = arith.addi %scan3A_59, %scan3A_60 : i32
      %scan3A_62 = arith.constant 1 : i32
      %scan3A_63 = scf.for %scan3A_102 = %scan3A_59 to %scan3A_61 step %scan3A_62 iter_args(%scan3A_103 = %scan3A_58) -> (i32)  : i32 {
        %mul3A_104 = arith.constant 4 : i32
        %mul3A_105 = arith.muli %scan3A_102, %mul3A_104 : i32
        %add3A_106 = arith.constant 0 : i32
        %add3A_107 = arith.addi %mul3A_105, %add3A_106 : i32
        %add3A_108 = arith.constant 2 : i32
        %add3A_109 = arith.addi %add3A_107, %add3A_108 : i32
        %lt3A = arith.constant 250 : i32
        %lt3A_110 = arith.cmpi slt, %add3A_109, %lt3A : i32
        %convert_element_type3A_111 = arith.extui %lt3A_110 : i1 to i32
        %cond3A_112 = arith.constant 0 : i32
        %cond3A_113 = arith.cmpi ne, %convert_element_type3A_111, %cond3A_112 : i32
        scf.if %cond3A_113 {
          %ge3A = arith.constant 2 : i32
          %ge3A_194 = arith.cmpi sge, %add3A_107, %ge3A : i32
          %convert_element_type3A_195 = arith.extui %ge3A_194 : i1 to i32
          %cond3A_196 = arith.constant 0 : i32
          %cond3A_197 = arith.cmpi ne, %convert_element_type3A_195, %cond3A_196 : i32
          scf.if %cond3A_197 {
            %dma_wait3A_209 = arith.constant 0 : i32
            %dma_wait3A_210 = arith.constant 0 : i32
            %dma_wait3A_211 = tpu.memref_slice %arg14[%dma_wait3A_209, %dma_wait3A_210] : memref<10000x128xf32, #tpu.memory_space<vmem_shared>> -> memref<10000x128xf32, #tpu.memory_space<vmem_shared>>
            tpu.wait_indirect_dma semaphore(%arg25 : memref<!tpu.dma_semaphore, #tpu.memory_space<semaphore_mem>>) src(%arg8 : memref<80x128xf32, #tpu.memory_space<vmem>>) dst(%dma_wait3A_211 : memref<10000x128xf32, #tpu.memory_space<vmem_shared>>)
          } else {
          }
          %add3A_198 = arith.constant 2 : i32
          %add3A_199 = arith.addi %add3A_107, %add3A_198 : i32
          %mul3A_200 = arith.constant 80 : i32
          %mul3A_201 = arith.muli %add3A_199, %mul3A_200 : i32
          %add3A_202 = arith.addi %mul3A_0, %mul3A_201 : i32
          %dma_start3A_203 = tpu.memref_slice %arg3[%add3A_202] : memref<320000xi32, #tpu.memory_space<hbm>> -> memref<80xi32, #tpu.memory_space<hbm>>
          %dma_start3A_204 = tpu.memref_slice %arg3[%add3A_202] : memref<320000xi32, #tpu.memory_space<hbm>> -> memref<80xi32, #tpu.memory_space<hbm>>
          tpu.enqueue_dma source(%dma_start3A_204 : memref<80xi32, #tpu.memory_space<hbm>>) target(%arg12 : memref<80xi32, #tpu.memory_space<vmem>>) target_semaphore(%arg17 : memref<!tpu.dma_semaphore, #tpu.memory_space<semaphore_mem>>)
          %dma_start3A_205 = arith.constant 0 : i32
          %dma_start3A_206 = tpu.memref_slice %arg2[%add3A_202, %dma_start3A_205] : memref<320000x128xf32, #tpu.memory_space<hbm>> -> memref<80x128xf32, #tpu.memory_space<hbm>>
          %dma_start3A_207 = arith.constant 0 : i32
          %dma_start3A_208 = tpu.memref_slice %arg2[%add3A_202, %dma_start3A_207] : memref<320000x128xf32, #tpu.memory_space<hbm>> -> memref<80x128xf32, #tpu.memory_space<hbm>>
          tpu.enqueue_dma source(%dma_start3A_208 : memref<80x128xf32, #tpu.memory_space<hbm>>) target(%arg8 : memref<80x128xf32, #tpu.memory_space<vmem>>) target_semaphore(%arg21 : memref<!tpu.dma_semaphore, #tpu.memory_space<semaphore_mem>>)
        } else {
        }
        %dma_wait3A_114 = arith.constant 0 : i32
        %dma_wait3A_115 = tpu.memref_slice %arg3[%dma_wait3A_114] : memref<320000xi32, #tpu.memory_space<hbm>> -> memref<80xi32, #tpu.memory_space<hbm>>
        %dma_wait3A_116 = arith.constant 0 : i32
        %dma_wait3A_117 = tpu.memref_slice %arg3[%dma_wait3A_116] : memref<320000xi32, #tpu.memory_space<hbm>> -> memref<80xi32, #tpu.memory_space<hbm>>
        tpu.wait_dma2 semaphore(%arg15 : memref<!tpu.dma_semaphore, #tpu.memory_space<semaphore_mem>>) src(%dma_wait3A_117 : memref<80xi32, #tpu.memory_space<hbm>>) dst(%arg10 : memref<80xi32, #tpu.memory_space<vmem>>)
        %dma_wait3A_118 = arith.constant 0 : i32
        %dma_wait3A_119 = arith.constant 0 : i32
        %dma_wait3A_120 = tpu.memref_slice %arg2[%dma_wait3A_118, %dma_wait3A_119] : memref<320000x128xf32, #tpu.memory_space<hbm>> -> memref<80x128xf32, #tpu.memory_space<hbm>>
        %dma_wait3A_121 = arith.constant 0 : i32
        %dma_wait3A_122 = arith.constant 0 : i32
        %dma_wait3A_123 = tpu.memref_slice %arg2[%dma_wait3A_121, %dma_wait3A_122] : memref<320000x128xf32, #tpu.memory_space<hbm>> -> memref<80x128xf32, #tpu.memory_space<hbm>>
        tpu.wait_dma2 semaphore(%arg19 : memref<!tpu.dma_semaphore, #tpu.memory_space<semaphore_mem>>) src(%dma_wait3A_123 : memref<80x128xf32, #tpu.memory_space<hbm>>) dst(%arg6 : memref<80x128xf32, #tpu.memory_space<vmem>>)
        %dma_start3A_124 = arith.constant 0 : i32
        %dma_start3A_125 = arith.constant 0 : i32
        %dma_start3A_126 = tpu.memref_slice %arg14[%dma_start3A_124, %dma_start3A_125] : memref<10000x128xf32, #tpu.memory_space<vmem_shared>> -> memref<10000x128xf32, #tpu.memory_space<vmem_shared>>
        tpu.enqueue_indirect_dma source(%arg6 : memref<80x128xf32, #tpu.memory_space<vmem>>) target(%dma_start3A_126 : memref<10000x128xf32, #tpu.memory_space<vmem_shared>>) offsets(%arg10 : memref<80xi32, #tpu.memory_space<vmem>>) semaphore(%arg23 : memref<!tpu.dma_semaphore, #tpu.memory_space<semaphore_mem>>) {add = true}
        %add3A_127 = arith.constant 1 : i32
        %add3A_128 = arith.addi %mul3A_105, %add3A_127 : i32
        %add3A_129 = arith.constant 2 : i32
        %add3A_130 = arith.addi %add3A_128, %add3A_129 : i32
        %lt3A_131 = arith.constant 250 : i32
        %lt3A_132 = arith.cmpi slt, %add3A_130, %lt3A_131 : i32
        %convert_element_type3A_133 = arith.extui %lt3A_132 : i1 to i32
        %cond3A_134 = arith.constant 0 : i32
        %cond3A_135 = arith.cmpi ne, %convert_element_type3A_133, %cond3A_134 : i32
        scf.if %cond3A_135 {
          %ge3A = arith.constant 2 : i32
          %ge3A_194 = arith.cmpi sge, %add3A_128, %ge3A : i32
          %convert_element_type3A_195 = arith.extui %ge3A_194 : i1 to i32
          %cond3A_196 = arith.constant 0 : i32
          %cond3A_197 = arith.cmpi ne, %convert_element_type3A_195, %cond3A_196 : i32
          scf.if %cond3A_197 {
            %dma_wait3A_209 = arith.constant 0 : i32
            %dma_wait3A_210 = arith.constant 0 : i32
            %dma_wait3A_211 = tpu.memref_slice %arg14[%dma_wait3A_209, %dma_wait3A_210] : memref<10000x128xf32, #tpu.memory_space<vmem_shared>> -> memref<10000x128xf32, #tpu.memory_space<vmem_shared>>
            tpu.wait_indirect_dma semaphore(%arg26 : memref<!tpu.dma_semaphore, #tpu.memory_space<semaphore_mem>>) src(%arg9 : memref<80x128xf32, #tpu.memory_space<vmem>>) dst(%dma_wait3A_211 : memref<10000x128xf32, #tpu.memory_space<vmem_shared>>)
          } else {
          }
          %add3A_198 = arith.constant 2 : i32
          %add3A_199 = arith.addi %add3A_128, %add3A_198 : i32
          %mul3A_200 = arith.constant 80 : i32
          %mul3A_201 = arith.muli %add3A_199, %mul3A_200 : i32
          %add3A_202 = arith.addi %mul3A_0, %mul3A_201 : i32
          %dma_start3A_203 = tpu.memref_slice %arg3[%add3A_202] : memref<320000xi32, #tpu.memory_space<hbm>> -> memref<80xi32, #tpu.memory_space<hbm>>
          %dma_start3A_204 = tpu.memref_slice %arg3[%add3A_202] : memref<320000xi32, #tpu.memory_space<hbm>> -> memref<80xi32, #tpu.memory_space<hbm>>
          tpu.enqueue_dma source(%dma_start3A_204 : memref<80xi32, #tpu.memory_space<hbm>>) target(%arg13 : memref<80xi32, #tpu.memory_space<vmem>>) target_semaphore(%arg18 : memref<!tpu.dma_semaphore, #tpu.memory_space<semaphore_mem>>)
          %dma_start3A_205 = arith.constant 0 : i32
          %dma_start3A_206 = tpu.memref_slice %arg2[%add3A_202, %dma_start3A_205] : memref<320000x128xf32, #tpu.memory_space<hbm>> -> memref<80x128xf32, #tpu.memory_space<hbm>>
          %dma_start3A_207 = arith.constant 0 : i32
          %dma_start3A_208 = tpu.memref_slice %arg2[%add3A_202, %dma_start3A_207] : memref<320000x128xf32, #tpu.memory_space<hbm>> -> memref<80x128xf32, #tpu.memory_space<hbm>>
          tpu.enqueue_dma source(%dma_start3A_208 : memref<80x128xf32, #tpu.memory_space<hbm>>) target(%arg9 : memref<80x128xf32, #tpu.memory_space<vmem>>) target_semaphore(%arg22 : memref<!tpu.dma_semaphore, #tpu.memory_space<semaphore_mem>>)
        } else {
        }
        %dma_wait3A_136 = arith.constant 0 : i32
        %dma_wait3A_137 = tpu.memref_slice %arg3[%dma_wait3A_136] : memref<320000xi32, #tpu.memory_space<hbm>> -> memref<80xi32, #tpu.memory_space<hbm>>
        %dma_wait3A_138 = arith.constant 0 : i32
        %dma_wait3A_139 = tpu.memref_slice %arg3[%dma_wait3A_138] : memref<320000xi32, #tpu.memory_space<hbm>> -> memref<80xi32, #tpu.memory_space<hbm>>
        tpu.wait_dma2 semaphore(%arg16 : memref<!tpu.dma_semaphore, #tpu.memory_space<semaphore_mem>>) src(%dma_wait3A_139 : memref<80xi32, #tpu.memory_space<hbm>>) dst(%arg11 : memref<80xi32, #tpu.memory_space<vmem>>)
        %dma_wait3A_140 = arith.constant 0 : i32
        %dma_wait3A_141 = arith.constant 0 : i32
        %dma_wait3A_142 = tpu.memref_slice %arg2[%dma_wait3A_140, %dma_wait3A_141] : memref<320000x128xf32, #tpu.memory_space<hbm>> -> memref<80x128xf32, #tpu.memory_space<hbm>>
        %dma_wait3A_143 = arith.constant 0 : i32
        %dma_wait3A_144 = arith.constant 0 : i32
        %dma_wait3A_145 = tpu.memref_slice %arg2[%dma_wait3A_143, %dma_wait3A_144] : memref<320000x128xf32, #tpu.memory_space<hbm>> -> memref<80x128xf32, #tpu.memory_space<hbm>>
        tpu.wait_dma2 semaphore(%arg20 : memref<!tpu.dma_semaphore, #tpu.memory_space<semaphore_mem>>) src(%dma_wait3A_145 : memref<80x128xf32, #tpu.memory_space<hbm>>) dst(%arg7 : memref<80x128xf32, #tpu.memory_space<vmem>>)
        %dma_start3A_146 = arith.constant 0 : i32
        %dma_start3A_147 = arith.constant 0 : i32
        %dma_start3A_148 = tpu.memref_slice %arg14[%dma_start3A_146, %dma_start3A_147] : memref<10000x128xf32, #tpu.memory_space<vmem_shared>> -> memref<10000x128xf32, #tpu.memory_space<vmem_shared>>
        tpu.enqueue_indirect_dma source(%arg7 : memref<80x128xf32, #tpu.memory_space<vmem>>) target(%dma_start3A_148 : memref<10000x128xf32, #tpu.memory_space<vmem_shared>>) offsets(%arg11 : memref<80xi32, #tpu.memory_space<vmem>>) semaphore(%arg24 : memref<!tpu.dma_semaphore, #tpu.memory_space<semaphore_mem>>) {add = true}
        %add3A_149 = arith.constant 2 : i32
        %add3A_150 = arith.addi %mul3A_105, %add3A_149 : i32
        %add3A_151 = arith.constant 2 : i32
        %add3A_152 = arith.addi %add3A_150, %add3A_151 : i32
        %lt3A_153 = arith.constant 250 : i32
        %lt3A_154 = arith.cmpi slt, %add3A_152, %lt3A_153 : i32
        %convert_element_type3A_155 = arith.extui %lt3A_154 : i1 to i32
        %cond3A_156 = arith.constant 0 : i32
        %cond3A_157 = arith.cmpi ne, %convert_element_type3A_155, %cond3A_156 : i32
        scf.if %cond3A_157 {
          %ge3A = arith.constant 2 : i32
          %ge3A_194 = arith.cmpi sge, %add3A_150, %ge3A : i32
          %convert_element_type3A_195 = arith.extui %ge3A_194 : i1 to i32
          %cond3A_196 = arith.constant 0 : i32
          %cond3A_197 = arith.cmpi ne, %convert_element_type3A_195, %cond3A_196 : i32
          scf.if %cond3A_197 {
            %dma_wait3A_209 = arith.constant 0 : i32
            %dma_wait3A_210 = arith.constant 0 : i32
            %dma_wait3A_211 = tpu.memref_slice %arg14[%dma_wait3A_209, %dma_wait3A_210] : memref<10000x128xf32, #tpu.memory_space<vmem_shared>> -> memref<10000x128xf32, #tpu.memory_space<vmem_shared>>
            tpu.wait_indirect_dma semaphore(%arg23 : memref<!tpu.dma_semaphore, #tpu.memory_space<semaphore_mem>>) src(%arg6 : memref<80x128xf32, #tpu.memory_space<vmem>>) dst(%dma_wait3A_211 : memref<10000x128xf32, #tpu.memory_space<vmem_shared>>)
          } else {
          }
          %add3A_198 = arith.constant 2 : i32
          %add3A_199 = arith.addi %add3A_150, %add3A_198 : i32
          %mul3A_200 = arith.constant 80 : i32
          %mul3A_201 = arith.muli %add3A_199, %mul3A_200 : i32
          %add3A_202 = arith.addi %mul3A_0, %mul3A_201 : i32
          %dma_start3A_203 = tpu.memref_slice %arg3[%add3A_202] : memref<320000xi32, #tpu.memory_space<hbm>> -> memref<80xi32, #tpu.memory_space<hbm>>
          %dma_start3A_204 = tpu.memref_slice %arg3[%add3A_202] : memref<320000xi32, #tpu.memory_space<hbm>> -> memref<80xi32, #tpu.memory_space<hbm>>
          tpu.enqueue_dma source(%dma_start3A_204 : memref<80xi32, #tpu.memory_space<hbm>>) target(%arg10 : memref<80xi32, #tpu.memory_space<vmem>>) target_semaphore(%arg15 : memref<!tpu.dma_semaphore, #tpu.memory_space<semaphore_mem>>)
          %dma_start3A_205 = arith.constant 0 : i32
          %dma_start3A_206 = tpu.memref_slice %arg2[%add3A_202, %dma_start3A_205] : memref<320000x128xf32, #tpu.memory_space<hbm>> -> memref<80x128xf32, #tpu.memory_space<hbm>>
          %dma_start3A_207 = arith.constant 0 : i32
          %dma_start3A_208 = tpu.memref_slice %arg2[%add3A_202, %dma_start3A_207] : memref<320000x128xf32, #tpu.memory_space<hbm>> -> memref<80x128xf32, #tpu.memory_space<hbm>>
          tpu.enqueue_dma source(%dma_start3A_208 : memref<80x128xf32, #tpu.memory_space<hbm>>) target(%arg6 : memref<80x128xf32, #tpu.memory_space<vmem>>) target_semaphore(%arg19 : memref<!tpu.dma_semaphore, #tpu.memory_space<semaphore_mem>>)
        } else {
        }
        %dma_wait3A_158 = arith.constant 0 : i32
        %dma_wait3A_159 = tpu.memref_slice %arg3[%dma_wait3A_158] : memref<320000xi32, #tpu.memory_space<hbm>> -> memref<80xi32, #tpu.memory_space<hbm>>
        %dma_wait3A_160 = arith.constant 0 : i32
        %dma_wait3A_161 = tpu.memref_slice %arg3[%dma_wait3A_160] : memref<320000xi32, #tpu.memory_space<hbm>> -> memref<80xi32, #tpu.memory_space<hbm>>
        tpu.wait_dma2 semaphore(%arg17 : memref<!tpu.dma_semaphore, #tpu.memory_space<semaphore_mem>>) src(%dma_wait3A_161 : memref<80xi32, #tpu.memory_space<hbm>>) dst(%arg12 : memref<80xi32, #tpu.memory_space<vmem>>)
        %dma_wait3A_162 = arith.constant 0 : i32
        %dma_wait3A_163 = arith.constant 0 : i32
        %dma_wait3A_164 = tpu.memref_slice %arg2[%dma_wait3A_162, %dma_wait3A_163] : memref<320000x128xf32, #tpu.memory_space<hbm>> -> memref<80x128xf32, #tpu.memory_space<hbm>>
        %dma_wait3A_165 = arith.constant 0 : i32
        %dma_wait3A_166 = arith.constant 0 : i32
        %dma_wait3A_167 = tpu.memref_slice %arg2[%dma_wait3A_165, %dma_wait3A_166] : memref<320000x128xf32, #tpu.memory_space<hbm>> -> memref<80x128xf32, #tpu.memory_space<hbm>>
        tpu.wait_dma2 semaphore(%arg21 : memref<!tpu.dma_semaphore, #tpu.memory_space<semaphore_mem>>) src(%dma_wait3A_167 : memref<80x128xf32, #tpu.memory_space<hbm>>) dst(%arg8 : memref<80x128xf32, #tpu.memory_space<vmem>>)
        %dma_start3A_168 = arith.constant 0 : i32
        %dma_start3A_169 = arith.constant 0 : i32
        %dma_start3A_170 = tpu.memref_slice %arg14[%dma_start3A_168, %dma_start3A_169] : memref<10000x128xf32, #tpu.memory_space<vmem_shared>> -> memref<10000x128xf32, #tpu.memory_space<vmem_shared>>
        tpu.enqueue_indirect_dma source(%arg8 : memref<80x128xf32, #tpu.memory_space<vmem>>) target(%dma_start3A_170 : memref<10000x128xf32, #tpu.memory_space<vmem_shared>>) offsets(%arg12 : memref<80xi32, #tpu.memory_space<vmem>>) semaphore(%arg25 : memref<!tpu.dma_semaphore, #tpu.memory_space<semaphore_mem>>) {add = true}
        %add3A_171 = arith.constant 3 : i32
        %add3A_172 = arith.addi %mul3A_105, %add3A_171 : i32
        %add3A_173 = arith.constant 2 : i32
        %add3A_174 = arith.addi %add3A_172, %add3A_173 : i32
        %lt3A_175 = arith.constant 250 : i32
        %lt3A_176 = arith.cmpi slt, %add3A_174, %lt3A_175 : i32
        %convert_element_type3A_177 = arith.extui %lt3A_176 : i1 to i32
        %cond3A_178 = arith.constant 0 : i32
        %cond3A_179 = arith.cmpi ne, %convert_element_type3A_177, %cond3A_178 : i32
        scf.if %cond3A_179 {
          %ge3A = arith.constant 2 : i32
          %ge3A_194 = arith.cmpi sge, %add3A_172, %ge3A : i32
          %convert_element_type3A_195 = arith.extui %ge3A_194 : i1 to i32
          %cond3A_196 = arith.constant 0 : i32
          %cond3A_197 = arith.cmpi ne, %convert_element_type3A_195, %cond3A_196 : i32
          scf.if %cond3A_197 {
            %dma_wait3A_209 = arith.constant 0 : i32
            %dma_wait3A_210 = arith.constant 0 : i32
            %dma_wait3A_211 = tpu.memref_slice %arg14[%dma_wait3A_209, %dma_wait3A_210] : memref<10000x128xf32, #tpu.memory_space<vmem_shared>> -> memref<10000x128xf32, #tpu.memory_space<vmem_shared>>
            tpu.wait_indirect_dma semaphore(%arg24 : memref<!tpu.dma_semaphore, #tpu.memory_space<semaphore_mem>>) src(%arg7 : memref<80x128xf32, #tpu.memory_space<vmem>>) dst(%dma_wait3A_211 : memref<10000x128xf32, #tpu.memory_space<vmem_shared>>)
          } else {
          }
          %add3A_198 = arith.constant 2 : i32
          %add3A_199 = arith.addi %add3A_172, %add3A_198 : i32
          %mul3A_200 = arith.constant 80 : i32
          %mul3A_201 = arith.muli %add3A_199, %mul3A_200 : i32
          %add3A_202 = arith.addi %mul3A_0, %mul3A_201 : i32
          %dma_start3A_203 = tpu.memref_slice %arg3[%add3A_202] : memref<320000xi32, #tpu.memory_space<hbm>> -> memref<80xi32, #tpu.memory_space<hbm>>
          %dma_start3A_204 = tpu.memref_slice %arg3[%add3A_202] : memref<320000xi32, #tpu.memory_space<hbm>> -> memref<80xi32, #tpu.memory_space<hbm>>
          tpu.enqueue_dma source(%dma_start3A_204 : memref<80xi32, #tpu.memory_space<hbm>>) target(%arg11 : memref<80xi32, #tpu.memory_space<vmem>>) target_semaphore(%arg16 : memref<!tpu.dma_semaphore, #tpu.memory_space<semaphore_mem>>)
          %dma_start3A_205 = arith.constant 0 : i32
          %dma_start3A_206 = tpu.memref_slice %arg2[%add3A_202, %dma_start3A_205] : memref<320000x128xf32, #tpu.memory_space<hbm>> -> memref<80x128xf32, #tpu.memory_space<hbm>>
          %dma_start3A_207 = arith.constant 0 : i32
          %dma_start3A_208 = tpu.memref_slice %arg2[%add3A_202, %dma_start3A_207] : memref<320000x128xf32, #tpu.memory_space<hbm>> -> memref<80x128xf32, #tpu.memory_space<hbm>>
          tpu.enqueue_dma source(%dma_start3A_208 : memref<80x128xf32, #tpu.memory_space<hbm>>) target(%arg7 : memref<80x128xf32, #tpu.memory_space<vmem>>) target_semaphore(%arg20 : memref<!tpu.dma_semaphore, #tpu.memory_space<semaphore_mem>>)
        } else {
        }
        %dma_wait3A_180 = arith.constant 0 : i32
        %dma_wait3A_181 = tpu.memref_slice %arg3[%dma_wait3A_180] : memref<320000xi32, #tpu.memory_space<hbm>> -> memref<80xi32, #tpu.memory_space<hbm>>
        %dma_wait3A_182 = arith.constant 0 : i32
        %dma_wait3A_183 = tpu.memref_slice %arg3[%dma_wait3A_182] : memref<320000xi32, #tpu.memory_space<hbm>> -> memref<80xi32, #tpu.memory_space<hbm>>
        tpu.wait_dma2 semaphore(%arg18 : memref<!tpu.dma_semaphore, #tpu.memory_space<semaphore_mem>>) src(%dma_wait3A_183 : memref<80xi32, #tpu.memory_space<hbm>>) dst(%arg13 : memref<80xi32, #tpu.memory_space<vmem>>)
        %dma_wait3A_184 = arith.constant 0 : i32
        %dma_wait3A_185 = arith.constant 0 : i32
        %dma_wait3A_186 = tpu.memref_slice %arg2[%dma_wait3A_184, %dma_wait3A_185] : memref<320000x128xf32, #tpu.memory_space<hbm>> -> memref<80x128xf32, #tpu.memory_space<hbm>>
        %dma_wait3A_187 = arith.constant 0 : i32
        %dma_wait3A_188 = arith.constant 0 : i32
        %dma_wait3A_189 = tpu.memref_slice %arg2[%dma_wait3A_187, %dma_wait3A_188] : memref<320000x128xf32, #tpu.memory_space<hbm>> -> memref<80x128xf32, #tpu.memory_space<hbm>>
        tpu.wait_dma2 semaphore(%arg22 : memref<!tpu.dma_semaphore, #tpu.memory_space<semaphore_mem>>) src(%dma_wait3A_189 : memref<80x128xf32, #tpu.memory_space<hbm>>) dst(%arg9 : memref<80x128xf32, #tpu.memory_space<vmem>>)
        %dma_start3A_190 = arith.constant 0 : i32
        %dma_start3A_191 = arith.constant 0 : i32
        %dma_start3A_192 = tpu.memref_slice %arg14[%dma_start3A_190, %dma_start3A_191] : memref<10000x128xf32, #tpu.memory_space<vmem_shared>> -> memref<10000x128xf32, #tpu.memory_space<vmem_shared>>
        tpu.enqueue_indirect_dma source(%arg9 : memref<80x128xf32, #tpu.memory_space<vmem>>) target(%dma_start3A_192 : memref<10000x128xf32, #tpu.memory_space<vmem_shared>>) offsets(%arg13 : memref<80xi32, #tpu.memory_space<vmem>>) semaphore(%arg26 : memref<!tpu.dma_semaphore, #tpu.memory_space<semaphore_mem>>) {add = true}
        %scan3A_193 = arith.constant 0 : i32
        scf.yield %scan3A_193 : i32
      }
      %scan3A_64 = arith.constant 62 : i32
      %dma_wait3A = arith.constant 0 : i32
      %dma_wait3A_65 = tpu.memref_slice %arg3[%dma_wait3A] : memref<320000xi32, #tpu.memory_space<hbm>> -> memref<80xi32, #tpu.memory_space<hbm>>
      %dma_wait3A_66 = arith.constant 0 : i32
      %dma_wait3A_67 = tpu.memref_slice %arg3[%dma_wait3A_66] : memref<320000xi32, #tpu.memory_space<hbm>> -> memref<80xi32, #tpu.memory_space<hbm>>
      tpu.wait_dma2 semaphore(%arg15 : memref<!tpu.dma_semaphore, #tpu.memory_space<semaphore_mem>>) src(%dma_wait3A_67 : memref<80xi32, #tpu.memory_space<hbm>>) dst(%arg10 : memref<80xi32, #tpu.memory_space<vmem>>)
      %dma_wait3A_68 = arith.constant 0 : i32
      %dma_wait3A_69 = arith.constant 0 : i32
      %dma_wait3A_70 = tpu.memref_slice %arg2[%dma_wait3A_68, %dma_wait3A_69] : memref<320000x128xf32, #tpu.memory_space<hbm>> -> memref<80x128xf32, #tpu.memory_space<hbm>>
      %dma_wait3A_71 = arith.constant 0 : i32
      %dma_wait3A_72 = arith.constant 0 : i32
      %dma_wait3A_73 = tpu.memref_slice %arg2[%dma_wait3A_71, %dma_wait3A_72] : memref<320000x128xf32, #tpu.memory_space<hbm>> -> memref<80x128xf32, #tpu.memory_space<hbm>>
      tpu.wait_dma2 semaphore(%arg19 : memref<!tpu.dma_semaphore, #tpu.memory_space<semaphore_mem>>) src(%dma_wait3A_73 : memref<80x128xf32, #tpu.memory_space<hbm>>) dst(%arg6 : memref<80x128xf32, #tpu.memory_space<vmem>>)
      %dma_start3A_74 = arith.constant 0 : i32
      %dma_start3A_75 = arith.constant 0 : i32
      %dma_start3A_76 = tpu.memref_slice %arg14[%dma_start3A_74, %dma_start3A_75] : memref<10000x128xf32, #tpu.memory_space<vmem_shared>> -> memref<10000x128xf32, #tpu.memory_space<vmem_shared>>
      tpu.enqueue_indirect_dma source(%arg6 : memref<80x128xf32, #tpu.memory_space<vmem>>) target(%dma_start3A_76 : memref<10000x128xf32, #tpu.memory_space<vmem_shared>>) offsets(%arg10 : memref<80xi32, #tpu.memory_space<vmem>>) semaphore(%arg23 : memref<!tpu.dma_semaphore, #tpu.memory_space<semaphore_mem>>) {add = true}
      %dma_wait3A_77 = arith.constant 0 : i32
      %dma_wait3A_78 = tpu.memref_slice %arg3[%dma_wait3A_77] : memref<320000xi32, #tpu.memory_space<hbm>> -> memref<80xi32, #tpu.memory_space<hbm>>
      %dma_wait3A_79 = arith.constant 0 : i32
      %dma_wait3A_80 = tpu.memref_slice %arg3[%dma_wait3A_79] : memref<320000xi32, #tpu.memory_space<hbm>> -> memref<80xi32, #tpu.memory_space<hbm>>
      tpu.wait_dma2 semaphore(%arg16 : memref<!tpu.dma_semaphore, #tpu.memory_space<semaphore_mem>>) src(%dma_wait3A_80 : memref<80xi32, #tpu.memory_space<hbm>>) dst(%arg11 : memref<80xi32, #tpu.memory_space<vmem>>)
      %dma_wait3A_81 = arith.constant 0 : i32
      %dma_wait3A_82 = arith.constant 0 : i32
      %dma_wait3A_83 = tpu.memref_slice %arg2[%dma_wait3A_81, %dma_wait3A_82] : memref<320000x128xf32, #tpu.memory_space<hbm>> -> memref<80x128xf32, #tpu.memory_space<hbm>>
      %dma_wait3A_84 = arith.constant 0 : i32
      %dma_wait3A_85 = arith.constant 0 : i32
      %dma_wait3A_86 = tpu.memref_slice %arg2[%dma_wait3A_84, %dma_wait3A_85] : memref<320000x128xf32, #tpu.memory_space<hbm>> -> memref<80x128xf32, #tpu.memory_space<hbm>>
      tpu.wait_dma2 semaphore(%arg20 : memref<!tpu.dma_semaphore, #tpu.memory_space<semaphore_mem>>) src(%dma_wait3A_86 : memref<80x128xf32, #tpu.memory_space<hbm>>) dst(%arg7 : memref<80x128xf32, #tpu.memory_space<vmem>>)
      %dma_start3A_87 = arith.constant 0 : i32
      %dma_start3A_88 = arith.constant 0 : i32
      %dma_start3A_89 = tpu.memref_slice %arg14[%dma_start3A_87, %dma_start3A_88] : memref<10000x128xf32, #tpu.memory_space<vmem_shared>> -> memref<10000x128xf32, #tpu.memory_space<vmem_shared>>
      tpu.enqueue_indirect_dma source(%arg7 : memref<80x128xf32, #tpu.memory_space<vmem>>) target(%dma_start3A_89 : memref<10000x128xf32, #tpu.memory_space<vmem_shared>>) offsets(%arg11 : memref<80xi32, #tpu.memory_space<vmem>>) semaphore(%arg24 : memref<!tpu.dma_semaphore, #tpu.memory_space<semaphore_mem>>) {add = true}
      %dma_wait3A_90 = arith.constant 0 : i32
      %dma_wait3A_91 = arith.constant 0 : i32
      %dma_wait3A_92 = tpu.memref_slice %arg14[%dma_wait3A_90, %dma_wait3A_91] : memref<10000x128xf32, #tpu.memory_space<vmem_shared>> -> memref<10000x128xf32, #tpu.memory_space<vmem_shared>>
      tpu.wait_indirect_dma semaphore(%arg23 : memref<!tpu.dma_semaphore, #tpu.memory_space<semaphore_mem>>) src(%arg6 : memref<80x128xf32, #tpu.memory_space<vmem>>) dst(%dma_wait3A_92 : memref<10000x128xf32, #tpu.memory_space<vmem_shared>>)
      %dma_wait3A_93 = arith.constant 0 : i32
      %dma_wait3A_94 = arith.constant 0 : i32
      %dma_wait3A_95 = tpu.memref_slice %arg14[%dma_wait3A_93, %dma_wait3A_94] : memref<10000x128xf32, #tpu.memory_space<vmem_shared>> -> memref<10000x128xf32, #tpu.memory_space<vmem_shared>>
      tpu.wait_indirect_dma semaphore(%arg24 : memref<!tpu.dma_semaphore, #tpu.memory_space<semaphore_mem>>) src(%arg7 : memref<80x128xf32, #tpu.memory_space<vmem>>) dst(%dma_wait3A_95 : memref<10000x128xf32, #tpu.memory_space<vmem_shared>>)
      %dma_wait3A_96 = arith.constant 0 : i32
      %dma_wait3A_97 = arith.constant 0 : i32
      %dma_wait3A_98 = tpu.memref_slice %arg14[%dma_wait3A_96, %dma_wait3A_97] : memref<10000x128xf32, #tpu.memory_space<vmem_shared>> -> memref<10000x128xf32, #tpu.memory_space<vmem_shared>>
      tpu.wait_indirect_dma semaphore(%arg25 : memref<!tpu.dma_semaphore, #tpu.memory_space<semaphore_mem>>) src(%arg8 : memref<80x128xf32, #tpu.memory_space<vmem>>) dst(%dma_wait3A_98 : memref<10000x128xf32, #tpu.memory_space<vmem_shared>>)
      %dma_wait3A_99 = arith.constant 0 : i32
      %dma_wait3A_100 = arith.constant 0 : i32
      %dma_wait3A_101 = tpu.memref_slice %arg14[%dma_wait3A_99, %dma_wait3A_100] : memref<10000x128xf32, #tpu.memory_space<vmem_shared>> -> memref<10000x128xf32, #tpu.memory_space<vmem_shared>>
      tpu.wait_indirect_dma semaphore(%arg26 : memref<!tpu.dma_semaphore, #tpu.memory_space<semaphore_mem>>) src(%arg9 : memref<80x128xf32, #tpu.memory_space<vmem>>) dst(%dma_wait3A_101 : memref<10000x128xf32, #tpu.memory_space<vmem_shared>>)
    } else {
    }
    %eq3A_32 = arith.constant 1 : i32
    %eq3A_33 = arith.cmpi eq, %arg0, %eq3A_32 : i32
    %convert_element_type3A_34 = arith.extui %eq3A_33 : i1 to i32
    %cond3A_35 = arith.constant 0 : i32
    %cond3A_36 = arith.cmpi ne, %convert_element_type3A_34, %cond3A_35 : i32
    scf.if %cond3A_36 {
      %add3A_43 = arith.constant 0 : i32
      %add3A_44 = arith.addi %mul3A_0, %add3A_43 : i32
      %dma_start3A = tpu.memref_slice %arg4[%add3A_44] : memref<320000xi32, #tpu.memory_space<hbm>> -> memref<80xi32, #tpu.memory_space<hbm>>
      %dma_start3A_45 = tpu.memref_slice %arg4[%add3A_44] : memref<320000xi32, #tpu.memory_space<hbm>> -> memref<80xi32, #tpu.memory_space<hbm>>
      tpu.enqueue_dma source(%dma_start3A_45 : memref<80xi32, #tpu.memory_space<hbm>>) target(%arg10 : memref<80xi32, #tpu.memory_space<vmem>>) target_semaphore(%arg15 : memref<!tpu.dma_semaphore, #tpu.memory_space<semaphore_mem>>)
      %dma_start3A_46 = arith.constant 0 : i32
      %dma_start3A_47 = tpu.memref_slice %arg2[%add3A_44, %dma_start3A_46] : memref<320000x128xf32, #tpu.memory_space<hbm>> -> memref<80x128xf32, #tpu.memory_space<hbm>>
      %dma_start3A_48 = arith.constant 0 : i32
      %dma_start3A_49 = tpu.memref_slice %arg2[%add3A_44, %dma_start3A_48] : memref<320000x128xf32, #tpu.memory_space<hbm>> -> memref<80x128xf32, #tpu.memory_space<hbm>>
      tpu.enqueue_dma source(%dma_start3A_49 : memref<80x128xf32, #tpu.memory_space<hbm>>) target(%arg6 : memref<80x128xf32, #tpu.memory_space<vmem>>) target_semaphore(%arg19 : memref<!tpu.dma_semaphore, #tpu.memory_space<semaphore_mem>>)
      %add3A_50 = arith.constant 80 : i32
      %add3A_51 = arith.addi %mul3A_0, %add3A_50 : i32
      %dma_start3A_52 = tpu.memref_slice %arg4[%add3A_51] : memref<320000xi32, #tpu.memory_space<hbm>> -> memref<80xi32, #tpu.memory_space<hbm>>
      %dma_start3A_53 = tpu.memref_slice %arg4[%add3A_51] : memref<320000xi32, #tpu.memory_space<hbm>> -> memref<80xi32, #tpu.memory_space<hbm>>
      tpu.enqueue_dma source(%dma_start3A_53 : memref<80xi32, #tpu.memory_space<hbm>>) target(%arg11 : memref<80xi32, #tpu.memory_space<vmem>>) target_semaphore(%arg16 : memref<!tpu.dma_semaphore, #tpu.memory_space<semaphore_mem>>)
      %dma_start3A_54 = arith.constant 0 : i32
      %dma_start3A_55 = tpu.memref_slice %arg2[%add3A_51, %dma_start3A_54] : memref<320000x128xf32, #tpu.memory_space<hbm>> -> memref<80x128xf32, #tpu.memory_space<hbm>>
      %dma_start3A_56 = arith.constant 0 : i32
      %dma_start3A_57 = tpu.memref_slice %arg2[%add3A_51, %dma_start3A_56] : memref<320000x128xf32, #tpu.memory_space<hbm>> -> memref<80x128xf32, #tpu.memory_space<hbm>>
      tpu.enqueue_dma source(%dma_start3A_57 : memref<80x128xf32, #tpu.memory_space<hbm>>) target(%arg7 : memref<80x128xf32, #tpu.memory_space<vmem>>) target_semaphore(%arg20 : memref<!tpu.dma_semaphore, #tpu.memory_space<semaphore_mem>>)
      %scan3A_58 = arith.constant 0 : i32
      %scan3A_59 = arith.constant 0 : i32
      %scan3A_60 = arith.constant 62 : i32
      %scan3A_61 = arith.addi %scan3A_59, %scan3A_60 : i32
      %scan3A_62 = arith.constant 1 : i32
      %scan3A_63 = scf.for %scan3A_102 = %scan3A_59 to %scan3A_61 step %scan3A_62 iter_args(%scan3A_103 = %scan3A_58) -> (i32)  : i32 {
        %mul3A_104 = arith.constant 4 : i32
        %mul3A_105 = arith.muli %scan3A_102, %mul3A_104 : i32
        %add3A_106 = arith.constant 0 : i32
        %add3A_107 = arith.addi %mul3A_105, %add3A_106 : i32
        %add3A_108 = arith.constant 2 : i32
        %add3A_109 = arith.addi %add3A_107, %add3A_108 : i32
        %lt3A = arith.constant 250 : i32
        %lt3A_110 = arith.cmpi slt, %add3A_109, %lt3A : i32
        %convert_element_type3A_111 = arith.extui %lt3A_110 : i1 to i32
        %cond3A_112 = arith.constant 0 : i32
        %cond3A_113 = arith.cmpi ne, %convert_element_type3A_111, %cond3A_112 : i32
        scf.if %cond3A_113 {
          %ge3A = arith.constant 2 : i32
          %ge3A_194 = arith.cmpi sge, %add3A_107, %ge3A : i32
          %convert_element_type3A_195 = arith.extui %ge3A_194 : i1 to i32
          %cond3A_196 = arith.constant 0 : i32
          %cond3A_197 = arith.cmpi ne, %convert_element_type3A_195, %cond3A_196 : i32
          scf.if %cond3A_197 {
            %dma_wait3A_209 = arith.constant 0 : i32
            %dma_wait3A_210 = arith.constant 0 : i32
            %dma_wait3A_211 = tpu.memref_slice %arg14[%dma_wait3A_209, %dma_wait3A_210] : memref<10000x128xf32, #tpu.memory_space<vmem_shared>> -> memref<10000x128xf32, #tpu.memory_space<vmem_shared>>
            tpu.wait_indirect_dma semaphore(%arg25 : memref<!tpu.dma_semaphore, #tpu.memory_space<semaphore_mem>>) src(%arg8 : memref<80x128xf32, #tpu.memory_space<vmem>>) dst(%dma_wait3A_211 : memref<10000x128xf32, #tpu.memory_space<vmem_shared>>)
          } else {
          }
          %add3A_198 = arith.constant 2 : i32
          %add3A_199 = arith.addi %add3A_107, %add3A_198 : i32
          %mul3A_200 = arith.constant 80 : i32
          %mul3A_201 = arith.muli %add3A_199, %mul3A_200 : i32
          %add3A_202 = arith.addi %mul3A_0, %mul3A_201 : i32
          %dma_start3A_203 = tpu.memref_slice %arg4[%add3A_202] : memref<320000xi32, #tpu.memory_space<hbm>> -> memref<80xi32, #tpu.memory_space<hbm>>
          %dma_start3A_204 = tpu.memref_slice %arg4[%add3A_202] : memref<320000xi32, #tpu.memory_space<hbm>> -> memref<80xi32, #tpu.memory_space<hbm>>
          tpu.enqueue_dma source(%dma_start3A_204 : memref<80xi32, #tpu.memory_space<hbm>>) target(%arg12 : memref<80xi32, #tpu.memory_space<vmem>>) target_semaphore(%arg17 : memref<!tpu.dma_semaphore, #tpu.memory_space<semaphore_mem>>)
          %dma_start3A_205 = arith.constant 0 : i32
          %dma_start3A_206 = tpu.memref_slice %arg2[%add3A_202, %dma_start3A_205] : memref<320000x128xf32, #tpu.memory_space<hbm>> -> memref<80x128xf32, #tpu.memory_space<hbm>>
          %dma_start3A_207 = arith.constant 0 : i32
          %dma_start3A_208 = tpu.memref_slice %arg2[%add3A_202, %dma_start3A_207] : memref<320000x128xf32, #tpu.memory_space<hbm>> -> memref<80x128xf32, #tpu.memory_space<hbm>>
          tpu.enqueue_dma source(%dma_start3A_208 : memref<80x128xf32, #tpu.memory_space<hbm>>) target(%arg8 : memref<80x128xf32, #tpu.memory_space<vmem>>) target_semaphore(%arg21 : memref<!tpu.dma_semaphore, #tpu.memory_space<semaphore_mem>>)
        } else {
        }
        %dma_wait3A_114 = arith.constant 0 : i32
        %dma_wait3A_115 = tpu.memref_slice %arg4[%dma_wait3A_114] : memref<320000xi32, #tpu.memory_space<hbm>> -> memref<80xi32, #tpu.memory_space<hbm>>
        %dma_wait3A_116 = arith.constant 0 : i32
        %dma_wait3A_117 = tpu.memref_slice %arg4[%dma_wait3A_116] : memref<320000xi32, #tpu.memory_space<hbm>> -> memref<80xi32, #tpu.memory_space<hbm>>
        tpu.wait_dma2 semaphore(%arg15 : memref<!tpu.dma_semaphore, #tpu.memory_space<semaphore_mem>>) src(%dma_wait3A_117 : memref<80xi32, #tpu.memory_space<hbm>>) dst(%arg10 : memref<80xi32, #tpu.memory_space<vmem>>)
        %dma_wait3A_118 = arith.constant 0 : i32
        %dma_wait3A_119 = arith.constant 0 : i32
        %dma_wait3A_120 = tpu.memref_slice %arg2[%dma_wait3A_118, %dma_wait3A_119] : memref<320000x128xf32, #tpu.memory_space<hbm>> -> memref<80x128xf32, #tpu.memory_space<hbm>>
        %dma_wait3A_121 = arith.constant 0 : i32
        %dma_wait3A_122 = arith.constant 0 : i32
        %dma_wait3A_123 = tpu.memref_slice %arg2[%dma_wait3A_121, %dma_wait3A_122] : memref<320000x128xf32, #tpu.memory_space<hbm>> -> memref<80x128xf32, #tpu.memory_space<hbm>>
        tpu.wait_dma2 semaphore(%arg19 : memref<!tpu.dma_semaphore, #tpu.memory_space<semaphore_mem>>) src(%dma_wait3A_123 : memref<80x128xf32, #tpu.memory_space<hbm>>) dst(%arg6 : memref<80x128xf32, #tpu.memory_space<vmem>>)
        %dma_start3A_124 = arith.constant 0 : i32
        %dma_start3A_125 = arith.constant 0 : i32
        %dma_start3A_126 = tpu.memref_slice %arg14[%dma_start3A_124, %dma_start3A_125] : memref<10000x128xf32, #tpu.memory_space<vmem_shared>> -> memref<10000x128xf32, #tpu.memory_space<vmem_shared>>
        tpu.enqueue_indirect_dma source(%arg6 : memref<80x128xf32, #tpu.memory_space<vmem>>) target(%dma_start3A_126 : memref<10000x128xf32, #tpu.memory_space<vmem_shared>>) offsets(%arg10 : memref<80xi32, #tpu.memory_space<vmem>>) semaphore(%arg23 : memref<!tpu.dma_semaphore, #tpu.memory_space<semaphore_mem>>) {add = true}
        %add3A_127 = arith.constant 1 : i32
        %add3A_128 = arith.addi %mul3A_105, %add3A_127 : i32
        %add3A_129 = arith.constant 2 : i32
        %add3A_130 = arith.addi %add3A_128, %add3A_129 : i32
        %lt3A_131 = arith.constant 250 : i32
        %lt3A_132 = arith.cmpi slt, %add3A_130, %lt3A_131 : i32
        %convert_element_type3A_133 = arith.extui %lt3A_132 : i1 to i32
        %cond3A_134 = arith.constant 0 : i32
        %cond3A_135 = arith.cmpi ne, %convert_element_type3A_133, %cond3A_134 : i32
        scf.if %cond3A_135 {
          %ge3A = arith.constant 2 : i32
          %ge3A_194 = arith.cmpi sge, %add3A_128, %ge3A : i32
          %convert_element_type3A_195 = arith.extui %ge3A_194 : i1 to i32
          %cond3A_196 = arith.constant 0 : i32
          %cond3A_197 = arith.cmpi ne, %convert_element_type3A_195, %cond3A_196 : i32
          scf.if %cond3A_197 {
            %dma_wait3A_209 = arith.constant 0 : i32
            %dma_wait3A_210 = arith.constant 0 : i32
            %dma_wait3A_211 = tpu.memref_slice %arg14[%dma_wait3A_209, %dma_wait3A_210] : memref<10000x128xf32, #tpu.memory_space<vmem_shared>> -> memref<10000x128xf32, #tpu.memory_space<vmem_shared>>
            tpu.wait_indirect_dma semaphore(%arg26 : memref<!tpu.dma_semaphore, #tpu.memory_space<semaphore_mem>>) src(%arg9 : memref<80x128xf32, #tpu.memory_space<vmem>>) dst(%dma_wait3A_211 : memref<10000x128xf32, #tpu.memory_space<vmem_shared>>)
          } else {
          }
          %add3A_198 = arith.constant 2 : i32
          %add3A_199 = arith.addi %add3A_128, %add3A_198 : i32
          %mul3A_200 = arith.constant 80 : i32
          %mul3A_201 = arith.muli %add3A_199, %mul3A_200 : i32
          %add3A_202 = arith.addi %mul3A_0, %mul3A_201 : i32
          %dma_start3A_203 = tpu.memref_slice %arg4[%add3A_202] : memref<320000xi32, #tpu.memory_space<hbm>> -> memref<80xi32, #tpu.memory_space<hbm>>
          %dma_start3A_204 = tpu.memref_slice %arg4[%add3A_202] : memref<320000xi32, #tpu.memory_space<hbm>> -> memref<80xi32, #tpu.memory_space<hbm>>
          tpu.enqueue_dma source(%dma_start3A_204 : memref<80xi32, #tpu.memory_space<hbm>>) target(%arg13 : memref<80xi32, #tpu.memory_space<vmem>>) target_semaphore(%arg18 : memref<!tpu.dma_semaphore, #tpu.memory_space<semaphore_mem>>)
          %dma_start3A_205 = arith.constant 0 : i32
          %dma_start3A_206 = tpu.memref_slice %arg2[%add3A_202, %dma_start3A_205] : memref<320000x128xf32, #tpu.memory_space<hbm>> -> memref<80x128xf32, #tpu.memory_space<hbm>>
          %dma_start3A_207 = arith.constant 0 : i32
          %dma_start3A_208 = tpu.memref_slice %arg2[%add3A_202, %dma_start3A_207] : memref<320000x128xf32, #tpu.memory_space<hbm>> -> memref<80x128xf32, #tpu.memory_space<hbm>>
          tpu.enqueue_dma source(%dma_start3A_208 : memref<80x128xf32, #tpu.memory_space<hbm>>) target(%arg9 : memref<80x128xf32, #tpu.memory_space<vmem>>) target_semaphore(%arg22 : memref<!tpu.dma_semaphore, #tpu.memory_space<semaphore_mem>>)
        } else {
        }
        %dma_wait3A_136 = arith.constant 0 : i32
        %dma_wait3A_137 = tpu.memref_slice %arg4[%dma_wait3A_136] : memref<320000xi32, #tpu.memory_space<hbm>> -> memref<80xi32, #tpu.memory_space<hbm>>
        %dma_wait3A_138 = arith.constant 0 : i32
        %dma_wait3A_139 = tpu.memref_slice %arg4[%dma_wait3A_138] : memref<320000xi32, #tpu.memory_space<hbm>> -> memref<80xi32, #tpu.memory_space<hbm>>
        tpu.wait_dma2 semaphore(%arg16 : memref<!tpu.dma_semaphore, #tpu.memory_space<semaphore_mem>>) src(%dma_wait3A_139 : memref<80xi32, #tpu.memory_space<hbm>>) dst(%arg11 : memref<80xi32, #tpu.memory_space<vmem>>)
        %dma_wait3A_140 = arith.constant 0 : i32
        %dma_wait3A_141 = arith.constant 0 : i32
        %dma_wait3A_142 = tpu.memref_slice %arg2[%dma_wait3A_140, %dma_wait3A_141] : memref<320000x128xf32, #tpu.memory_space<hbm>> -> memref<80x128xf32, #tpu.memory_space<hbm>>
        %dma_wait3A_143 = arith.constant 0 : i32
        %dma_wait3A_144 = arith.constant 0 : i32
        %dma_wait3A_145 = tpu.memref_slice %arg2[%dma_wait3A_143, %dma_wait3A_144] : memref<320000x128xf32, #tpu.memory_space<hbm>> -> memref<80x128xf32, #tpu.memory_space<hbm>>
        tpu.wait_dma2 semaphore(%arg20 : memref<!tpu.dma_semaphore, #tpu.memory_space<semaphore_mem>>) src(%dma_wait3A_145 : memref<80x128xf32, #tpu.memory_space<hbm>>) dst(%arg7 : memref<80x128xf32, #tpu.memory_space<vmem>>)
        %dma_start3A_146 = arith.constant 0 : i32
        %dma_start3A_147 = arith.constant 0 : i32
        %dma_start3A_148 = tpu.memref_slice %arg14[%dma_start3A_146, %dma_start3A_147] : memref<10000x128xf32, #tpu.memory_space<vmem_shared>> -> memref<10000x128xf32, #tpu.memory_space<vmem_shared>>
        tpu.enqueue_indirect_dma source(%arg7 : memref<80x128xf32, #tpu.memory_space<vmem>>) target(%dma_start3A_148 : memref<10000x128xf32, #tpu.memory_space<vmem_shared>>) offsets(%arg11 : memref<80xi32, #tpu.memory_space<vmem>>) semaphore(%arg24 : memref<!tpu.dma_semaphore, #tpu.memory_space<semaphore_mem>>) {add = true}
        %add3A_149 = arith.constant 2 : i32
        %add3A_150 = arith.addi %mul3A_105, %add3A_149 : i32
        %add3A_151 = arith.constant 2 : i32
        %add3A_152 = arith.addi %add3A_150, %add3A_151 : i32
        %lt3A_153 = arith.constant 250 : i32
        %lt3A_154 = arith.cmpi slt, %add3A_152, %lt3A_153 : i32
        %convert_element_type3A_155 = arith.extui %lt3A_154 : i1 to i32
        %cond3A_156 = arith.constant 0 : i32
        %cond3A_157 = arith.cmpi ne, %convert_element_type3A_155, %cond3A_156 : i32
        scf.if %cond3A_157 {
          %ge3A = arith.constant 2 : i32
          %ge3A_194 = arith.cmpi sge, %add3A_150, %ge3A : i32
          %convert_element_type3A_195 = arith.extui %ge3A_194 : i1 to i32
          %cond3A_196 = arith.constant 0 : i32
          %cond3A_197 = arith.cmpi ne, %convert_element_type3A_195, %cond3A_196 : i32
          scf.if %cond3A_197 {
            %dma_wait3A_209 = arith.constant 0 : i32
            %dma_wait3A_210 = arith.constant 0 : i32
            %dma_wait3A_211 = tpu.memref_slice %arg14[%dma_wait3A_209, %dma_wait3A_210] : memref<10000x128xf32, #tpu.memory_space<vmem_shared>> -> memref<10000x128xf32, #tpu.memory_space<vmem_shared>>
            tpu.wait_indirect_dma semaphore(%arg23 : memref<!tpu.dma_semaphore, #tpu.memory_space<semaphore_mem>>) src(%arg6 : memref<80x128xf32, #tpu.memory_space<vmem>>) dst(%dma_wait3A_211 : memref<10000x128xf32, #tpu.memory_space<vmem_shared>>)
          } else {
          }
          %add3A_198 = arith.constant 2 : i32
          %add3A_199 = arith.addi %add3A_150, %add3A_198 : i32
          %mul3A_200 = arith.constant 80 : i32
          %mul3A_201 = arith.muli %add3A_199, %mul3A_200 : i32
          %add3A_202 = arith.addi %mul3A_0, %mul3A_201 : i32
          %dma_start3A_203 = tpu.memref_slice %arg4[%add3A_202] : memref<320000xi32, #tpu.memory_space<hbm>> -> memref<80xi32, #tpu.memory_space<hbm>>
          %dma_start3A_204 = tpu.memref_slice %arg4[%add3A_202] : memref<320000xi32, #tpu.memory_space<hbm>> -> memref<80xi32, #tpu.memory_space<hbm>>
          tpu.enqueue_dma source(%dma_start3A_204 : memref<80xi32, #tpu.memory_space<hbm>>) target(%arg10 : memref<80xi32, #tpu.memory_space<vmem>>) target_semaphore(%arg15 : memref<!tpu.dma_semaphore, #tpu.memory_space<semaphore_mem>>)
          %dma_start3A_205 = arith.constant 0 : i32
          %dma_start3A_206 = tpu.memref_slice %arg2[%add3A_202, %dma_start3A_205] : memref<320000x128xf32, #tpu.memory_space<hbm>> -> memref<80x128xf32, #tpu.memory_space<hbm>>
          %dma_start3A_207 = arith.constant 0 : i32
          %dma_start3A_208 = tpu.memref_slice %arg2[%add3A_202, %dma_start3A_207] : memref<320000x128xf32, #tpu.memory_space<hbm>> -> memref<80x128xf32, #tpu.memory_space<hbm>>
          tpu.enqueue_dma source(%dma_start3A_208 : memref<80x128xf32, #tpu.memory_space<hbm>>) target(%arg6 : memref<80x128xf32, #tpu.memory_space<vmem>>) target_semaphore(%arg19 : memref<!tpu.dma_semaphore, #tpu.memory_space<semaphore_mem>>)
        } else {
        }
        %dma_wait3A_158 = arith.constant 0 : i32
        %dma_wait3A_159 = tpu.memref_slice %arg4[%dma_wait3A_158] : memref<320000xi32, #tpu.memory_space<hbm>> -> memref<80xi32, #tpu.memory_space<hbm>>
        %dma_wait3A_160 = arith.constant 0 : i32
        %dma_wait3A_161 = tpu.memref_slice %arg4[%dma_wait3A_160] : memref<320000xi32, #tpu.memory_space<hbm>> -> memref<80xi32, #tpu.memory_space<hbm>>
        tpu.wait_dma2 semaphore(%arg17 : memref<!tpu.dma_semaphore, #tpu.memory_space<semaphore_mem>>) src(%dma_wait3A_161 : memref<80xi32, #tpu.memory_space<hbm>>) dst(%arg12 : memref<80xi32, #tpu.memory_space<vmem>>)
        %dma_wait3A_162 = arith.constant 0 : i32
        %dma_wait3A_163 = arith.constant 0 : i32
        %dma_wait3A_164 = tpu.memref_slice %arg2[%dma_wait3A_162, %dma_wait3A_163] : memref<320000x128xf32, #tpu.memory_space<hbm>> -> memref<80x128xf32, #tpu.memory_space<hbm>>
        %dma_wait3A_165 = arith.constant 0 : i32
        %dma_wait3A_166 = arith.constant 0 : i32
        %dma_wait3A_167 = tpu.memref_slice %arg2[%dma_wait3A_165, %dma_wait3A_166] : memref<320000x128xf32, #tpu.memory_space<hbm>> -> memref<80x128xf32, #tpu.memory_space<hbm>>
        tpu.wait_dma2 semaphore(%arg21 : memref<!tpu.dma_semaphore, #tpu.memory_space<semaphore_mem>>) src(%dma_wait3A_167 : memref<80x128xf32, #tpu.memory_space<hbm>>) dst(%arg8 : memref<80x128xf32, #tpu.memory_space<vmem>>)
        %dma_start3A_168 = arith.constant 0 : i32
        %dma_start3A_169 = arith.constant 0 : i32
        %dma_start3A_170 = tpu.memref_slice %arg14[%dma_start3A_168, %dma_start3A_169] : memref<10000x128xf32, #tpu.memory_space<vmem_shared>> -> memref<10000x128xf32, #tpu.memory_space<vmem_shared>>
        tpu.enqueue_indirect_dma source(%arg8 : memref<80x128xf32, #tpu.memory_space<vmem>>) target(%dma_start3A_170 : memref<10000x128xf32, #tpu.memory_space<vmem_shared>>) offsets(%arg12 : memref<80xi32, #tpu.memory_space<vmem>>) semaphore(%arg25 : memref<!tpu.dma_semaphore, #tpu.memory_space<semaphore_mem>>) {add = true}
        %add3A_171 = arith.constant 3 : i32
        %add3A_172 = arith.addi %mul3A_105, %add3A_171 : i32
        %add3A_173 = arith.constant 2 : i32
        %add3A_174 = arith.addi %add3A_172, %add3A_173 : i32
        %lt3A_175 = arith.constant 250 : i32
        %lt3A_176 = arith.cmpi slt, %add3A_174, %lt3A_175 : i32
        %convert_element_type3A_177 = arith.extui %lt3A_176 : i1 to i32
        %cond3A_178 = arith.constant 0 : i32
        %cond3A_179 = arith.cmpi ne, %convert_element_type3A_177, %cond3A_178 : i32
        scf.if %cond3A_179 {
          %ge3A = arith.constant 2 : i32
          %ge3A_194 = arith.cmpi sge, %add3A_172, %ge3A : i32
          %convert_element_type3A_195 = arith.extui %ge3A_194 : i1 to i32
          %cond3A_196 = arith.constant 0 : i32
          %cond3A_197 = arith.cmpi ne, %convert_element_type3A_195, %cond3A_196 : i32
          scf.if %cond3A_197 {
            %dma_wait3A_209 = arith.constant 0 : i32
            %dma_wait3A_210 = arith.constant 0 : i32
            %dma_wait3A_211 = tpu.memref_slice %arg14[%dma_wait3A_209, %dma_wait3A_210] : memref<10000x128xf32, #tpu.memory_space<vmem_shared>> -> memref<10000x128xf32, #tpu.memory_space<vmem_shared>>
            tpu.wait_indirect_dma semaphore(%arg24 : memref<!tpu.dma_semaphore, #tpu.memory_space<semaphore_mem>>) src(%arg7 : memref<80x128xf32, #tpu.memory_space<vmem>>) dst(%dma_wait3A_211 : memref<10000x128xf32, #tpu.memory_space<vmem_shared>>)
          } else {
          }
          %add3A_198 = arith.constant 2 : i32
          %add3A_199 = arith.addi %add3A_172, %add3A_198 : i32
          %mul3A_200 = arith.constant 80 : i32
          %mul3A_201 = arith.muli %add3A_199, %mul3A_200 : i32
          %add3A_202 = arith.addi %mul3A_0, %mul3A_201 : i32
          %dma_start3A_203 = tpu.memref_slice %arg4[%add3A_202] : memref<320000xi32, #tpu.memory_space<hbm>> -> memref<80xi32, #tpu.memory_space<hbm>>
          %dma_start3A_204 = tpu.memref_slice %arg4[%add3A_202] : memref<320000xi32, #tpu.memory_space<hbm>> -> memref<80xi32, #tpu.memory_space<hbm>>
          tpu.enqueue_dma source(%dma_start3A_204 : memref<80xi32, #tpu.memory_space<hbm>>) target(%arg11 : memref<80xi32, #tpu.memory_space<vmem>>) target_semaphore(%arg16 : memref<!tpu.dma_semaphore, #tpu.memory_space<semaphore_mem>>)
          %dma_start3A_205 = arith.constant 0 : i32
          %dma_start3A_206 = tpu.memref_slice %arg2[%add3A_202, %dma_start3A_205] : memref<320000x128xf32, #tpu.memory_space<hbm>> -> memref<80x128xf32, #tpu.memory_space<hbm>>
          %dma_start3A_207 = arith.constant 0 : i32
          %dma_start3A_208 = tpu.memref_slice %arg2[%add3A_202, %dma_start3A_207] : memref<320000x128xf32, #tpu.memory_space<hbm>> -> memref<80x128xf32, #tpu.memory_space<hbm>>
          tpu.enqueue_dma source(%dma_start3A_208 : memref<80x128xf32, #tpu.memory_space<hbm>>) target(%arg7 : memref<80x128xf32, #tpu.memory_space<vmem>>) target_semaphore(%arg20 : memref<!tpu.dma_semaphore, #tpu.memory_space<semaphore_mem>>)
        } else {
        }
        %dma_wait3A_180 = arith.constant 0 : i32
        %dma_wait3A_181 = tpu.memref_slice %arg4[%dma_wait3A_180] : memref<320000xi32, #tpu.memory_space<hbm>> -> memref<80xi32, #tpu.memory_space<hbm>>
        %dma_wait3A_182 = arith.constant 0 : i32
        %dma_wait3A_183 = tpu.memref_slice %arg4[%dma_wait3A_182] : memref<320000xi32, #tpu.memory_space<hbm>> -> memref<80xi32, #tpu.memory_space<hbm>>
        tpu.wait_dma2 semaphore(%arg18 : memref<!tpu.dma_semaphore, #tpu.memory_space<semaphore_mem>>) src(%dma_wait3A_183 : memref<80xi32, #tpu.memory_space<hbm>>) dst(%arg13 : memref<80xi32, #tpu.memory_space<vmem>>)
        %dma_wait3A_184 = arith.constant 0 : i32
        %dma_wait3A_185 = arith.constant 0 : i32
        %dma_wait3A_186 = tpu.memref_slice %arg2[%dma_wait3A_184, %dma_wait3A_185] : memref<320000x128xf32, #tpu.memory_space<hbm>> -> memref<80x128xf32, #tpu.memory_space<hbm>>
        %dma_wait3A_187 = arith.constant 0 : i32
        %dma_wait3A_188 = arith.constant 0 : i32
        %dma_wait3A_189 = tpu.memref_slice %arg2[%dma_wait3A_187, %dma_wait3A_188] : memref<320000x128xf32, #tpu.memory_space<hbm>> -> memref<80x128xf32, #tpu.memory_space<hbm>>
        tpu.wait_dma2 semaphore(%arg22 : memref<!tpu.dma_semaphore, #tpu.memory_space<semaphore_mem>>) src(%dma_wait3A_189 : memref<80x128xf32, #tpu.memory_space<hbm>>) dst(%arg9 : memref<80x128xf32, #tpu.memory_space<vmem>>)
        %dma_start3A_190 = arith.constant 0 : i32
        %dma_start3A_191 = arith.constant 0 : i32
        %dma_start3A_192 = tpu.memref_slice %arg14[%dma_start3A_190, %dma_start3A_191] : memref<10000x128xf32, #tpu.memory_space<vmem_shared>> -> memref<10000x128xf32, #tpu.memory_space<vmem_shared>>
        tpu.enqueue_indirect_dma source(%arg9 : memref<80x128xf32, #tpu.memory_space<vmem>>) target(%dma_start3A_192 : memref<10000x128xf32, #tpu.memory_space<vmem_shared>>) offsets(%arg13 : memref<80xi32, #tpu.memory_space<vmem>>) semaphore(%arg26 : memref<!tpu.dma_semaphore, #tpu.memory_space<semaphore_mem>>) {add = true}
        %scan3A_193 = arith.constant 0 : i32
        scf.yield %scan3A_193 : i32
      }
      %scan3A_64 = arith.constant 62 : i32
      %dma_wait3A = arith.constant 0 : i32
      %dma_wait3A_65 = tpu.memref_slice %arg4[%dma_wait3A] : memref<320000xi32, #tpu.memory_space<hbm>> -> memref<80xi32, #tpu.memory_space<hbm>>
      %dma_wait3A_66 = arith.constant 0 : i32
      %dma_wait3A_67 = tpu.memref_slice %arg4[%dma_wait3A_66] : memref<320000xi32, #tpu.memory_space<hbm>> -> memref<80xi32, #tpu.memory_space<hbm>>
      tpu.wait_dma2 semaphore(%arg15 : memref<!tpu.dma_semaphore, #tpu.memory_space<semaphore_mem>>) src(%dma_wait3A_67 : memref<80xi32, #tpu.memory_space<hbm>>) dst(%arg10 : memref<80xi32, #tpu.memory_space<vmem>>)
      %dma_wait3A_68 = arith.constant 0 : i32
      %dma_wait3A_69 = arith.constant 0 : i32
      %dma_wait3A_70 = tpu.memref_slice %arg2[%dma_wait3A_68, %dma_wait3A_69] : memref<320000x128xf32, #tpu.memory_space<hbm>> -> memref<80x128xf32, #tpu.memory_space<hbm>>
      %dma_wait3A_71 = arith.constant 0 : i32
      %dma_wait3A_72 = arith.constant 0 : i32
      %dma_wait3A_73 = tpu.memref_slice %arg2[%dma_wait3A_71, %dma_wait3A_72] : memref<320000x128xf32, #tpu.memory_space<hbm>> -> memref<80x128xf32, #tpu.memory_space<hbm>>
      tpu.wait_dma2 semaphore(%arg19 : memref<!tpu.dma_semaphore, #tpu.memory_space<semaphore_mem>>) src(%dma_wait3A_73 : memref<80x128xf32, #tpu.memory_space<hbm>>) dst(%arg6 : memref<80x128xf32, #tpu.memory_space<vmem>>)
      %dma_start3A_74 = arith.constant 0 : i32
      %dma_start3A_75 = arith.constant 0 : i32
      %dma_start3A_76 = tpu.memref_slice %arg14[%dma_start3A_74, %dma_start3A_75] : memref<10000x128xf32, #tpu.memory_space<vmem_shared>> -> memref<10000x128xf32, #tpu.memory_space<vmem_shared>>
      tpu.enqueue_indirect_dma source(%arg6 : memref<80x128xf32, #tpu.memory_space<vmem>>) target(%dma_start3A_76 : memref<10000x128xf32, #tpu.memory_space<vmem_shared>>) offsets(%arg10 : memref<80xi32, #tpu.memory_space<vmem>>) semaphore(%arg23 : memref<!tpu.dma_semaphore, #tpu.memory_space<semaphore_mem>>) {add = true}
      %dma_wait3A_77 = arith.constant 0 : i32
      %dma_wait3A_78 = tpu.memref_slice %arg4[%dma_wait3A_77] : memref<320000xi32, #tpu.memory_space<hbm>> -> memref<80xi32, #tpu.memory_space<hbm>>
      %dma_wait3A_79 = arith.constant 0 : i32
      %dma_wait3A_80 = tpu.memref_slice %arg4[%dma_wait3A_79] : memref<320000xi32, #tpu.memory_space<hbm>> -> memref<80xi32, #tpu.memory_space<hbm>>
      tpu.wait_dma2 semaphore(%arg16 : memref<!tpu.dma_semaphore, #tpu.memory_space<semaphore_mem>>) src(%dma_wait3A_80 : memref<80xi32, #tpu.memory_space<hbm>>) dst(%arg11 : memref<80xi32, #tpu.memory_space<vmem>>)
      %dma_wait3A_81 = arith.constant 0 : i32
      %dma_wait3A_82 = arith.constant 0 : i32
      %dma_wait3A_83 = tpu.memref_slice %arg2[%dma_wait3A_81, %dma_wait3A_82] : memref<320000x128xf32, #tpu.memory_space<hbm>> -> memref<80x128xf32, #tpu.memory_space<hbm>>
      %dma_wait3A_84 = arith.constant 0 : i32
      %dma_wait3A_85 = arith.constant 0 : i32
      %dma_wait3A_86 = tpu.memref_slice %arg2[%dma_wait3A_84, %dma_wait3A_85] : memref<320000x128xf32, #tpu.memory_space<hbm>> -> memref<80x128xf32, #tpu.memory_space<hbm>>
      tpu.wait_dma2 semaphore(%arg20 : memref<!tpu.dma_semaphore, #tpu.memory_space<semaphore_mem>>) src(%dma_wait3A_86 : memref<80x128xf32, #tpu.memory_space<hbm>>) dst(%arg7 : memref<80x128xf32, #tpu.memory_space<vmem>>)
      %dma_start3A_87 = arith.constant 0 : i32
      %dma_start3A_88 = arith.constant 0 : i32
      %dma_start3A_89 = tpu.memref_slice %arg14[%dma_start3A_87, %dma_start3A_88] : memref<10000x128xf32, #tpu.memory_space<vmem_shared>> -> memref<10000x128xf32, #tpu.memory_space<vmem_shared>>
      tpu.enqueue_indirect_dma source(%arg7 : memref<80x128xf32, #tpu.memory_space<vmem>>) target(%dma_start3A_89 : memref<10000x128xf32, #tpu.memory_space<vmem_shared>>) offsets(%arg11 : memref<80xi32, #tpu.memory_space<vmem>>) semaphore(%arg24 : memref<!tpu.dma_semaphore, #tpu.memory_space<semaphore_mem>>) {add = true}
      %dma_wait3A_90 = arith.constant 0 : i32
      %dma_wait3A_91 = arith.constant 0 : i32
      %dma_wait3A_92 = tpu.memref_slice %arg14[%dma_wait3A_90, %dma_wait3A_91] : memref<10000x128xf32, #tpu.memory_space<vmem_shared>> -> memref<10000x128xf32, #tpu.memory_space<vmem_shared>>
      tpu.wait_indirect_dma semaphore(%arg23 : memref<!tpu.dma_semaphore, #tpu.memory_space<semaphore_mem>>) src(%arg6 : memref<80x128xf32, #tpu.memory_space<vmem>>) dst(%dma_wait3A_92 : memref<10000x128xf32, #tpu.memory_space<vmem_shared>>)
      %dma_wait3A_93 = arith.constant 0 : i32
      %dma_wait3A_94 = arith.constant 0 : i32
      %dma_wait3A_95 = tpu.memref_slice %arg14[%dma_wait3A_93, %dma_wait3A_94] : memref<10000x128xf32, #tpu.memory_space<vmem_shared>> -> memref<10000x128xf32, #tpu.memory_space<vmem_shared>>
      tpu.wait_indirect_dma semaphore(%arg24 : memref<!tpu.dma_semaphore, #tpu.memory_space<semaphore_mem>>) src(%arg7 : memref<80x128xf32, #tpu.memory_space<vmem>>) dst(%dma_wait3A_95 : memref<10000x128xf32, #tpu.memory_space<vmem_shared>>)
      %dma_wait3A_96 = arith.constant 0 : i32
      %dma_wait3A_97 = arith.constant 0 : i32
      %dma_wait3A_98 = tpu.memref_slice %arg14[%dma_wait3A_96, %dma_wait3A_97] : memref<10000x128xf32, #tpu.memory_space<vmem_shared>> -> memref<10000x128xf32, #tpu.memory_space<vmem_shared>>
      tpu.wait_indirect_dma semaphore(%arg25 : memref<!tpu.dma_semaphore, #tpu.memory_space<semaphore_mem>>) src(%arg8 : memref<80x128xf32, #tpu.memory_space<vmem>>) dst(%dma_wait3A_98 : memref<10000x128xf32, #tpu.memory_space<vmem_shared>>)
      %dma_wait3A_99 = arith.constant 0 : i32
      %dma_wait3A_100 = arith.constant 0 : i32
      %dma_wait3A_101 = tpu.memref_slice %arg14[%dma_wait3A_99, %dma_wait3A_100] : memref<10000x128xf32, #tpu.memory_space<vmem_shared>> -> memref<10000x128xf32, #tpu.memory_space<vmem_shared>>
      tpu.wait_indirect_dma semaphore(%arg26 : memref<!tpu.dma_semaphore, #tpu.memory_space<semaphore_mem>>) src(%arg9 : memref<80x128xf32, #tpu.memory_space<vmem>>) dst(%dma_wait3A_101 : memref<10000x128xf32, #tpu.memory_space<vmem_shared>>)
    } else {
    }
    %barrier3A_37 = arith.constant 0 : index
    tpu.barrier barrier_id(%barrier3A_37)
    "tpu.region"() ({
      %run_scoped3A = tpu.sem_alloc : memref<!tpu.dma_semaphore, #tpu.memory_space<semaphore_mem>>
      %dma_start3A = arith.constant 0 : i32
      %dma_start3A_43 = tpu.memref_slice %arg5[%arg0, %mul3A_9, %dma_start3A] : memref<2x10000x128xf32, #tpu.memory_space<hbm>> -> memref<1x624x128xf32, #tpu.memory_space<hbm>>
      %dma_start3A_44 = tpu.memref_squeeze %dma_start3A_43 : memref<1x624x128xf32, #tpu.memory_space<hbm>> -> memref<624x128xf32, #tpu.memory_space<hbm>>
      %dma_start3A_45 = arith.constant 0 : i32
      %dma_start3A_46 = tpu.memref_slice %arg14[%mul3A_9, %dma_start3A_45] : memref<10000x128xf32, #tpu.memory_space<vmem_shared>> -> memref<624x128xf32, #tpu.memory_space<vmem_shared>>
      tpu.enqueue_dma source(%dma_start3A_46 : memref<624x128xf32, #tpu.memory_space<vmem_shared>>) target(%dma_start3A_44 : memref<624x128xf32, #tpu.memory_space<hbm>>) target_semaphore(%run_scoped3A : memref<!tpu.dma_semaphore, #tpu.memory_space<semaphore_mem>>)
      %dma_wait3A = arith.constant 0 : i32
      %dma_wait3A_47 = tpu.memref_slice %arg5[%arg0, %mul3A_9, %dma_wait3A] : memref<2x10000x128xf32, #tpu.memory_space<hbm>> -> memref<1x624x128xf32, #tpu.memory_space<hbm>>
      %dma_wait3A_48 = tpu.memref_squeeze %dma_wait3A_47 : memref<1x624x128xf32, #tpu.memory_space<hbm>> -> memref<624x128xf32, #tpu.memory_space<hbm>>
      %dma_wait3A_49 = arith.constant 0 : i32
      %dma_wait3A_50 = tpu.memref_slice %arg14[%mul3A_9, %dma_wait3A_49] : memref<10000x128xf32, #tpu.memory_space<vmem_shared>> -> memref<624x128xf32, #tpu.memory_space<vmem_shared>>
      tpu.wait_dma2 semaphore(%run_scoped3A : memref<!tpu.dma_semaphore, #tpu.memory_space<semaphore_mem>>) src(%dma_wait3A_50 : memref<624x128xf32, #tpu.memory_space<vmem_shared>>) dst(%dma_wait3A_48 : memref<624x128xf32, #tpu.memory_space<hbm>>)
      tpu.yield
    }) : () -> ()
    %eq3A_38 = arith.constant 15 : i32
    %eq3A_39 = arith.cmpi eq, %arg1, %eq3A_38 : i32
    %convert_element_type3A_40 = arith.extui %eq3A_39 : i1 to i32
    %cond3A_41 = arith.constant 0 : i32
    %cond3A_42 = arith.cmpi ne, %convert_element_type3A_40, %cond3A_41 : i32
    scf.if %cond3A_42 {
      "tpu.region"() ({
        %run_scoped3A = tpu.sem_alloc : memref<!tpu.dma_semaphore, #tpu.memory_space<semaphore_mem>>
        %dma_start3A = arith.constant 9984 : i32
        %dma_start3A_43 = arith.constant 0 : i32
        %dma_start3A_44 = tpu.memref_slice %arg5[%arg0, %dma_start3A, %dma_start3A_43] : memref<2x10000x128xf32, #tpu.memory_space<hbm>> -> memref<1x16x128xf32, #tpu.memory_space<hbm>>
        %dma_start3A_45 = tpu.memref_squeeze %dma_start3A_44 : memref<1x16x128xf32, #tpu.memory_space<hbm>> -> memref<16x128xf32, #tpu.memory_space<hbm>>
        %dma_start3A_46 = arith.constant 9984 : i32
        %dma_start3A_47 = arith.constant 0 : i32
        %dma_start3A_48 = tpu.memref_slice %arg14[%dma_start3A_46, %dma_start3A_47] : memref<10000x128xf32, #tpu.memory_space<vmem_shared>> -> memref<16x128xf32, #tpu.memory_space<vmem_shared>>
        tpu.enqueue_dma source(%dma_start3A_48 : memref<16x128xf32, #tpu.memory_space<vmem_shared>>) target(%dma_start3A_45 : memref<16x128xf32, #tpu.memory_space<hbm>>) target_semaphore(%run_scoped3A : memref<!tpu.dma_semaphore, #tpu.memory_space<semaphore_mem>>)
        %dma_wait3A = arith.constant 9984 : i32
        %dma_wait3A_49 = arith.constant 0 : i32
        %dma_wait3A_50 = tpu.memref_slice %arg5[%arg0, %dma_wait3A, %dma_wait3A_49] : memref<2x10000x128xf32, #tpu.memory_space<hbm>> -> memref<1x16x128xf32, #tpu.memory_space<hbm>>
        %dma_wait3A_51 = tpu.memref_squeeze %dma_wait3A_50 : memref<1x16x128xf32, #tpu.memory_space<hbm>> -> memref<16x128xf32, #tpu.memory_space<hbm>>
        %dma_wait3A_52 = arith.constant 9984 : i32
        %dma_wait3A_53 = arith.constant 0 : i32
        %dma_wait3A_54 = tpu.memref_slice %arg14[%dma_wait3A_52, %dma_wait3A_53] : memref<10000x128xf32, #tpu.memory_space<vmem_shared>> -> memref<16x128xf32, #tpu.memory_space<vmem_shared>>
        tpu.wait_dma2 semaphore(%run_scoped3A : memref<!tpu.dma_semaphore, #tpu.memory_space<semaphore_mem>>) src(%dma_wait3A_54 : memref<16x128xf32, #tpu.memory_space<vmem_shared>>) dst(%dma_wait3A_51 : memref<16x128xf32, #tpu.memory_space<hbm>>)
        tpu.yield
      }) : () -> ()
    } else {
    }
    return
  }
}

module attributes {stable_mosaic.version = 14 : i64} {
  func.func @_tstats_body(%arg0: i32, %arg1: memref<2000x128xf32, #tpu.memory_space<vmem>>, %arg2: memref<2000x128xf32, #tpu.memory_space<vmem>>, %arg3: memref<1x2000x128xf32, #tpu.memory_space<vmem>>, %arg4: memref<1x2000x128xf32, #tpu.memory_space<vmem>>, %arg5: memref<128x128xf32, #tpu.memory_space<vmem>>, %arg6: memref<1x128xf32, #tpu.memory_space<vmem>>, %arg7: memref<128x256xf32, #tpu.memory_space<vmem>>, %arg8: memref<1x128xf32, #tpu.memory_space<vmem>>, %arg9: memref<1x128xf32, #tpu.memory_space<vmem>>, %arg10: memref<1x128xf32, #tpu.memory_space<vmem>>, %arg11: memref<2000x128xf32, #tpu.memory_space<vmem>>, %arg12: memref<1x128xf32, #tpu.memory_space<vmem>>, %arg13: memref<128x128xf32, #tpu.memory_space<vmem>>, %arg14: memref<1x128xf32, #tpu.memory_space<vmem>>, %arg15: memref<1x128xf32, #tpu.memory_space<vmem>>, %arg16: memref<1x128xf32, #tpu.memory_space<vmem>>, %arg17: memref<1x128xf32, #tpu.memory_space<vmem>>, %arg18: memref<1x128xf32, #tpu.memory_space<vmem>>) attributes {dimension_semantics = [#tpu.dimension_semantics<arbitrary>], iteration_bounds = array<i64: 10>, scalar_prefetch = 0 : i64, scratch_operands = 5 : i64, tpu.core_type = #tpu.core_type<tc>, window_params = [{transform_indices = @transform_0, window_bounds = array<i64: 2000, 128>}, {transform_indices = @transform_1, window_bounds = array<i64: 2000, 128>}, {transform_indices = @transform_2, window_bounds = array<i64: 1, 2000, 128>}, {transform_indices = @transform_3, window_bounds = array<i64: 1, 2000, 128>}, {pipeline_mode = #tpu.pipeline_mode<synchronous>, transform_indices = @transform_4, window_bounds = array<i64: 128, 128>}, {pipeline_mode = #tpu.pipeline_mode<synchronous>, transform_indices = @transform_5, window_bounds = array<i64: 1, 128>}, {pipeline_mode = #tpu.pipeline_mode<synchronous>, transform_indices = @transform_6, window_bounds = array<i64: 128, 256>}, {pipeline_mode = #tpu.pipeline_mode<synchronous>, transform_indices = @transform_7, window_bounds = array<i64: 1, 128>}, {pipeline_mode = #tpu.pipeline_mode<synchronous>, transform_indices = @transform_8, window_bounds = array<i64: 1, 128>}, {pipeline_mode = #tpu.pipeline_mode<synchronous>, transform_indices = @transform_9, window_bounds = array<i64: 1, 128>}, {transform_indices = @transform_10, window_bounds = array<i64: 2000, 128>}, {pipeline_mode = #tpu.pipeline_mode<synchronous>, transform_indices = @transform_11, window_bounds = array<i64: 1, 128>}, {pipeline_mode = #tpu.pipeline_mode<synchronous>, transform_indices = @transform_12, window_bounds = array<i64: 128, 128>}]} {
    %get3A = arith.constant 0 : index
    %get3A_0 = arith.constant 0 : index
    %get3A_1 = vector.load %arg7[%get3A, %get3A_0] : memref<128x256xf32, #tpu.memory_space<vmem>>, vector<128x128xf32>
    %transpose3A = tpu.transpose %get3A_1, [1, 0] : vector<128x128xf32> -> vector<128x128xf32>
    %get3A_2 = arith.constant 0 : index
    %get3A_3 = arith.constant 128 : index
    %get3A_4 = vector.load %arg7[%get3A_2, %get3A_3] : memref<128x256xf32, #tpu.memory_space<vmem>>, vector<128x128xf32>
    %eq3A = arith.constant 0 : i32
    %eq3A_5 = arith.cmpi eq, %arg0, %eq3A : i32
    %convert_element_type3A = arith.extui %eq3A_5 : i1 to i32
    %cond3A = arith.constant 0 : i32
    %cond3A_6 = arith.cmpi ne, %convert_element_type3A, %cond3A : i32
    scf.if %cond3A_6 {
      %broadcast_in_dim3A = arith.constant 0.000000e+00 : f32
      %broadcast_in_dim3A_20 = vector.broadcast %broadcast_in_dim3A : f32 to vector<1x128xf32>
      %swap3A = arith.constant 0 : index
      %swap3A_21 = arith.constant 0 : index
      %swap3A_22 = vector.load %arg14[%swap3A, %swap3A_21] : memref<1x128xf32, #tpu.memory_space<vmem>>, vector<1x128xf32>
      tpu.vector_store %arg14[%swap3A, %swap3A_21], %broadcast_in_dim3A_20 {strides = array<i32>} : memref<1x128xf32, #tpu.memory_space<vmem>>, vector<1x128xf32>,
      %broadcast_in_dim3A_23 = arith.constant 0.000000e+00 : f32
      %broadcast_in_dim3A_24 = vector.broadcast %broadcast_in_dim3A_23 : f32 to vector<1x128xf32>
      %swap3A_25 = arith.constant 0 : index
      %swap3A_26 = arith.constant 0 : index
      %swap3A_27 = vector.load %arg15[%swap3A_25, %swap3A_26] : memref<1x128xf32, #tpu.memory_space<vmem>>, vector<1x128xf32>
      tpu.vector_store %arg15[%swap3A_25, %swap3A_26], %broadcast_in_dim3A_24 {strides = array<i32>} : memref<1x128xf32, #tpu.memory_space<vmem>>, vector<1x128xf32>,
      %broadcast_in_dim3A_28 = arith.constant 0.000000e+00 : f32
      %broadcast_in_dim3A_29 = vector.broadcast %broadcast_in_dim3A_28 : f32 to vector<1x128xf32>
      %swap3A_30 = arith.constant 0 : index
      %swap3A_31 = arith.constant 0 : index
      %swap3A_32 = vector.load %arg16[%swap3A_30, %swap3A_31] : memref<1x128xf32, #tpu.memory_space<vmem>>, vector<1x128xf32>
      tpu.vector_store %arg16[%swap3A_30, %swap3A_31], %broadcast_in_dim3A_29 {strides = array<i32>} : memref<1x128xf32, #tpu.memory_space<vmem>>, vector<1x128xf32>,
    } else {
    }
    %lt3A = arith.constant 5 : i32
    %lt3A_7 = arith.cmpi slt, %arg0, %lt3A : i32
    %convert_element_type3A_8 = arith.extui %lt3A_7 : i1 to i32
    %cond3A_9 = arith.constant 0 : i32
    %cond3A_10 = arith.cmpi ne, %convert_element_type3A_8, %cond3A_9 : i32
    scf.if %cond3A_10 {
      %get3A_20 = arith.constant 0 : index
      %get3A_21 = arith.constant 0 : index
      %get3A_22 = vector.load %arg1[%get3A_20, %get3A_21] : memref<2000x128xf32, #tpu.memory_space<vmem>>, vector<2000x128xf32>
      %dot_general3A = arith.constant dense<0.000000e+00> : vector<2000x128xf32>
      %dot_general3A_23 = tpu.matmul %get3A_22, %transpose3A, %dot_general3A {dimension_numbers = #tpu.dot_dimension_numbers<[1], [0], [0], [1], [0, 0, 1, 1], [], []>, precision = #tpu.contract_precision<fp32>, transpose_lhs_hint = false} : vector<2000x128xf32>, vector<128x128xf32>, vector<2000x128xf32> -> vector<2000x128xf32>
      %get3A_24 = arith.constant 0 : index
      %get3A_25 = arith.constant 0 : index
      %get3A_26 = vector.load %arg2[%get3A_24, %get3A_25] : memref<2000x128xf32, #tpu.memory_space<vmem>>, vector<2000x128xf32>
      %transpose3A_27 = tpu.transpose %get3A_4, [1, 0] : vector<128x128xf32> -> vector<128x128xf32>
      %dot_general3A_28 = arith.constant dense<0.000000e+00> : vector<2000x128xf32>
      %dot_general3A_29 = tpu.matmul %get3A_26, %transpose3A_27, %dot_general3A_28 {dimension_numbers = #tpu.dot_dimension_numbers<[1], [0], [0], [1], [0, 0, 1, 1], [], []>, precision = #tpu.contract_precision<fp32>, transpose_lhs_hint = false} : vector<2000x128xf32>, vector<128x128xf32>, vector<2000x128xf32> -> vector<2000x128xf32>
      %get3A_30 = arith.constant 0 : index
      %get3A_31 = arith.constant 0 : index
      %get3A_32 = arith.constant 0 : index
      %get3A_33 = vector.load %arg3[%get3A_30, %get3A_31, %get3A_32] : memref<1x2000x128xf32, #tpu.memory_space<vmem>>, vector<1x2000x128xf32>
      %get3A_34 = vector.shape_cast %get3A_33 : vector<1x2000x128xf32> to vector<2000x128xf32>
      %slice3A = vector.extract_strided_slice %get3A_34 {offsets = [0, 0], sizes = [2000, 1], strides = [1, 1]} : vector<2000x128xf32> to vector<2000x1xf32>
      %get3A_35 = arith.constant 0 : index
      %get3A_36 = arith.constant 0 : index
      %get3A_37 = arith.constant 0 : index
      %get3A_38 = vector.load %arg4[%get3A_35, %get3A_36, %get3A_37] : memref<1x2000x128xf32, #tpu.memory_space<vmem>>, vector<1x2000x128xf32>
      %get3A_39 = vector.shape_cast %get3A_38 : vector<1x2000x128xf32> to vector<2000x128xf32>
      %slice3A_40 = vector.extract_strided_slice %get3A_39 {offsets = [0, 0], sizes = [2000, 1], strides = [1, 1]} : vector<2000x128xf32> to vector<2000x1xf32>
      %add3A = arith.addf %slice3A, %slice3A_40 : vector<2000x1xf32>
      %get3A_41 = arith.constant 0 : index
      %get3A_42 = arith.constant 0 : index
      %get3A_43 = vector.load %arg14[%get3A_41, %get3A_42] : memref<1x128xf32, #tpu.memory_space<vmem>>, vector<1x128xf32>
      %mul3A = vector.broadcast %add3A : vector<2000x1xf32> to vector<2000x128xf32>
      %mul3A_44 = arith.mulf %mul3A, %dot_general3A_23 : vector<2000x128xf32>
      %reduce_sum3A = arith.constant dense<0.000000e+00> : vector<128xf32>
      %reduce_sum3A_45 = vector.multi_reduction <add>, %mul3A_44, %reduce_sum3A [0] : vector<2000x128xf32> to vector<128xf32>
      %broadcast_in_dim3A = vector.shape_cast %reduce_sum3A_45 : vector<128xf32> to vector<1x128xf32>
      %add3A_46 = arith.addf %get3A_43, %broadcast_in_dim3A : vector<1x128xf32>
      %swap3A = arith.constant 0 : index
      %swap3A_47 = arith.constant 0 : index
      %swap3A_48 = vector.load %arg14[%swap3A, %swap3A_47] : memref<1x128xf32, #tpu.memory_space<vmem>>, vector<1x128xf32>
      tpu.vector_store %arg14[%swap3A, %swap3A_47], %add3A_46 {strides = array<i32>} : memref<1x128xf32, #tpu.memory_space<vmem>>, vector<1x128xf32>,
      %get3A_49 = arith.constant 0 : index
      %get3A_50 = arith.constant 0 : index
      %get3A_51 = vector.load %arg15[%get3A_49, %get3A_50] : memref<1x128xf32, #tpu.memory_space<vmem>>, vector<1x128xf32>
      %mul3A_52 = vector.broadcast %add3A : vector<2000x1xf32> to vector<2000x128xf32>
      %mul3A_53 = arith.mulf %mul3A_52, %dot_general3A_23 : vector<2000x128xf32>
      %mul3A_54 = arith.mulf %mul3A_53, %dot_general3A_23 : vector<2000x128xf32>
      %reduce_sum3A_55 = arith.constant dense<0.000000e+00> : vector<128xf32>
      %reduce_sum3A_56 = vector.multi_reduction <add>, %mul3A_54, %reduce_sum3A_55 [0] : vector<2000x128xf32> to vector<128xf32>
      %broadcast_in_dim3A_57 = vector.shape_cast %reduce_sum3A_56 : vector<128xf32> to vector<1x128xf32>
      %add3A_58 = arith.addf %get3A_51, %broadcast_in_dim3A_57 : vector<1x128xf32>
      %swap3A_59 = arith.constant 0 : index
      %swap3A_60 = arith.constant 0 : index
      %swap3A_61 = vector.load %arg15[%swap3A_59, %swap3A_60] : memref<1x128xf32, #tpu.memory_space<vmem>>, vector<1x128xf32>
      tpu.vector_store %arg15[%swap3A_59, %swap3A_60], %add3A_58 {strides = array<i32>} : memref<1x128xf32, #tpu.memory_space<vmem>>, vector<1x128xf32>,
      %get3A_62 = arith.constant 0 : index
      %get3A_63 = arith.constant 0 : index
      %get3A_64 = vector.load %arg16[%get3A_62, %get3A_63] : memref<1x128xf32, #tpu.memory_space<vmem>>, vector<1x128xf32>
      %mul3A_65 = arith.mulf %dot_general3A_23, %dot_general3A_29 : vector<2000x128xf32>
      %reduce_sum3A_66 = arith.constant dense<0.000000e+00> : vector<128xf32>
      %reduce_sum3A_67 = vector.multi_reduction <add>, %mul3A_65, %reduce_sum3A_66 [0] : vector<2000x128xf32> to vector<128xf32>
      %broadcast_in_dim3A_68 = vector.shape_cast %reduce_sum3A_67 : vector<128xf32> to vector<1x128xf32>
      %add3A_69 = arith.addf %get3A_64, %broadcast_in_dim3A_68 : vector<1x128xf32>
      %swap3A_70 = arith.constant 0 : index
      %swap3A_71 = arith.constant 0 : index
      %swap3A_72 = vector.load %arg16[%swap3A_70, %swap3A_71] : memref<1x128xf32, #tpu.memory_space<vmem>>, vector<1x128xf32>
      tpu.vector_store %arg16[%swap3A_70, %swap3A_71], %add3A_69 {strides = array<i32>} : memref<1x128xf32, #tpu.memory_space<vmem>>, vector<1x128xf32>,
      %broadcast_in_dim3A_73 = arith.constant 0.000000e+00 : f32
      %broadcast_in_dim3A_74 = vector.broadcast %broadcast_in_dim3A_73 : f32 to vector<2000x128xf32>
      %swap3A_75 = arith.constant 0 : index
      %swap3A_76 = arith.constant 0 : index
      %swap3A_77 = vector.load %arg11[%swap3A_75, %swap3A_76] : memref<2000x128xf32, #tpu.memory_space<vmem>>, vector<2000x128xf32>
      tpu.vector_store %arg11[%swap3A_75, %swap3A_76], %broadcast_in_dim3A_74 {strides = array<i32>} : memref<2000x128xf32, #tpu.memory_space<vmem>>, vector<2000x128xf32>,
      %broadcast_in_dim3A_78 = arith.constant 0.000000e+00 : f32
      %broadcast_in_dim3A_79 = vector.broadcast %broadcast_in_dim3A_78 : f32 to vector<1x128xf32>
      %swap3A_80 = arith.constant 0 : index
      %swap3A_81 = arith.constant 0 : index
      %swap3A_82 = vector.load %arg12[%swap3A_80, %swap3A_81] : memref<1x128xf32, #tpu.memory_space<vmem>>, vector<1x128xf32>
      tpu.vector_store %arg12[%swap3A_80, %swap3A_81], %broadcast_in_dim3A_79 {strides = array<i32>} : memref<1x128xf32, #tpu.memory_space<vmem>>, vector<1x128xf32>,
      %broadcast_in_dim3A_83 = arith.constant 0.000000e+00 : f32
      %broadcast_in_dim3A_84 = vector.broadcast %broadcast_in_dim3A_83 : f32 to vector<128x128xf32>
      %swap3A_85 = arith.constant 0 : index
      %swap3A_86 = arith.constant 0 : index
      %swap3A_87 = vector.load %arg13[%swap3A_85, %swap3A_86] : memref<128x128xf32, #tpu.memory_space<vmem>>, vector<128x128xf32>
      tpu.vector_store %arg13[%swap3A_85, %swap3A_86], %broadcast_in_dim3A_84 {strides = array<i32>} : memref<128x128xf32, #tpu.memory_space<vmem>>, vector<128x128xf32>,
    } else {
    }
    %eq3A_11 = arith.constant 5 : i32
    %eq3A_12 = arith.cmpi eq, %arg0, %eq3A_11 : i32
    %convert_element_type3A_13 = arith.extui %eq3A_12 : i1 to i32
    %cond3A_14 = arith.constant 0 : i32
    %cond3A_15 = arith.cmpi ne, %convert_element_type3A_13, %cond3A_14 : i32
    scf.if %cond3A_15 {
      %get3A_20 = arith.constant 0 : index
      %get3A_21 = arith.constant 0 : index
      %get3A_22 = vector.load %arg8[%get3A_20, %get3A_21] : memref<1x128xf32, #tpu.memory_space<vmem>>, vector<1x128xf32>
      %get3A_23 = arith.constant 0 : index
      %get3A_24 = arith.constant 0 : index
      %get3A_25 = vector.load %arg6[%get3A_23, %get3A_24] : memref<1x128xf32, #tpu.memory_space<vmem>>, vector<1x128xf32>
      %transpose3A_26 = tpu.transpose %get3A_4, [1, 0] : vector<128x128xf32> -> vector<128x128xf32>
      %dot_general3A = arith.constant dense<0.000000e+00> : vector<1x128xf32>
      %dot_general3A_27 = tpu.matmul %get3A_25, %transpose3A_26, %dot_general3A {dimension_numbers = #tpu.dot_dimension_numbers<[1], [0], [0], [1], [0, 0, 1, 1], [], []>, precision = #tpu.contract_precision<fp32>, transpose_lhs_hint = false} : vector<1x128xf32>, vector<128x128xf32>, vector<1x128xf32> -> vector<1x128xf32>
      %get3A_28 = arith.constant 0 : index
      %get3A_29 = arith.constant 0 : index
      %get3A_30 = vector.load %arg5[%get3A_28, %get3A_29] : memref<128x128xf32, #tpu.memory_space<vmem>>, vector<128x128xf32>
      %dot_general3A_31 = arith.constant dense<0.000000e+00> : vector<128x128xf32>
      %dot_general3A_32 = tpu.matmul %get3A_4, %get3A_30, %dot_general3A_31 {dimension_numbers = #tpu.dot_dimension_numbers<[1], [0], [0], [1], [0, 0, 1, 1], [], []>, precision = #tpu.contract_precision<fp32>, transpose_lhs_hint = false} : vector<128x128xf32>, vector<128x128xf32>, vector<128x128xf32> -> vector<128x128xf32>
      %mul3A = arith.mulf %dot_general3A_32, %get3A_4 : vector<128x128xf32>
      %reduce_sum3A = arith.constant dense<0.000000e+00> : vector<128xf32>
      %reduce_sum3A_33 = vector.multi_reduction <add>, %mul3A, %reduce_sum3A [1] : vector<128x128xf32> to vector<128xf32>
      %broadcast_in_dim3A = vector.shape_cast %reduce_sum3A_33 : vector<128xf32> to vector<128x1xf32>
      %transpose3A_34 = tpu.transpose %broadcast_in_dim3A, [1, 0] : vector<128x1xf32> -> vector<1x128xf32>
      %get3A_35 = arith.constant 0 : index
      %get3A_36 = arith.constant 0 : index
      %get3A_37 = vector.load %arg14[%get3A_35, %get3A_36] : memref<1x128xf32, #tpu.memory_space<vmem>>, vector<1x128xf32>
      %add3A = arith.addf %dot_general3A_27, %get3A_37 : vector<1x128xf32>
      %mul3A_38 = arith.constant 3.200000e+05 : f32
      %mul3A_39 = vector.broadcast %mul3A_38 : f32 to vector<1x128xf32>
      %mul3A_40 = arith.mulf %mul3A_39, %get3A_22 : vector<1x128xf32>
      %add3A_41 = arith.addf %add3A, %mul3A_40 : vector<1x128xf32>
      %get3A_42 = arith.constant 0 : index
      %get3A_43 = arith.constant 0 : index
      %get3A_44 = vector.load %arg15[%get3A_42, %get3A_43] : memref<1x128xf32, #tpu.memory_space<vmem>>, vector<1x128xf32>
      %add3A_45 = arith.addf %transpose3A_34, %get3A_44 : vector<1x128xf32>
      %mul3A_46 = arith.constant 3.200000e+05 : f32
      %mul3A_47 = vector.broadcast %mul3A_46 : f32 to vector<1x128xf32>
      %mul3A_48 = arith.mulf %mul3A_47, %get3A_22 : vector<1x128xf32>
      %mul3A_49 = arith.mulf %mul3A_48, %get3A_22 : vector<1x128xf32>
      %add3A_50 = arith.addf %add3A_45, %mul3A_49 : vector<1x128xf32>
      %get3A_51 = arith.constant 0 : index
      %get3A_52 = arith.constant 0 : index
      %get3A_53 = vector.load %arg16[%get3A_51, %get3A_52] : memref<1x128xf32, #tpu.memory_space<vmem>>, vector<1x128xf32>
      %mul3A_54 = arith.constant 2.000000e+00 : f32
      %mul3A_55 = vector.broadcast %mul3A_54 : f32 to vector<1x128xf32>
      %mul3A_56 = arith.mulf %mul3A_55, %get3A_53 : vector<1x128xf32>
      %add3A_57 = arith.addf %add3A_50, %mul3A_56 : vector<1x128xf32>
      %mul3A_58 = arith.constant 2.000000e+00 : f32
      %mul3A_59 = vector.broadcast %mul3A_58 : f32 to vector<1x128xf32>
      %mul3A_60 = arith.mulf %mul3A_59, %get3A_22 : vector<1x128xf32>
      %mul3A_61 = arith.mulf %mul3A_60, %dot_general3A_27 : vector<1x128xf32>
      %add3A_62 = arith.addf %add3A_57, %mul3A_61 : vector<1x128xf32>
      %mul3A_63 = arith.constant 2.000000e+00 : f32
      %mul3A_64 = vector.broadcast %mul3A_63 : f32 to vector<1x128xf32>
      %mul3A_65 = arith.mulf %mul3A_64, %get3A_22 : vector<1x128xf32>
      %get3A_66 = arith.constant 0 : index
      %get3A_67 = arith.constant 0 : index
      %get3A_68 = vector.load %arg14[%get3A_66, %get3A_67] : memref<1x128xf32, #tpu.memory_space<vmem>>, vector<1x128xf32>
      %mul3A_69 = arith.mulf %mul3A_65, %get3A_68 : vector<1x128xf32>
      %add3A_70 = arith.addf %add3A_62, %mul3A_69 : vector<1x128xf32>
      %div3A = arith.constant 3.200000e+05 : f32
      %div3A_71 = vector.broadcast %div3A : f32 to vector<1x128xf32>
      %div3A_72 = arith.divf %add3A_41, %div3A_71 : vector<1x128xf32>
      %div3A_73 = arith.constant 3.200000e+05 : f32
      %div3A_74 = vector.broadcast %div3A_73 : f32 to vector<1x128xf32>
      %div3A_75 = arith.divf %add3A_70, %div3A_74 : vector<1x128xf32>
      %mul3A_76 = arith.mulf %div3A_72, %div3A_72 : vector<1x128xf32>
      %sub3A = arith.subf %div3A_75, %mul3A_76 : vector<1x128xf32>
      %get3A_77 = arith.constant 0 : index
      %get3A_78 = arith.constant 0 : index
      %get3A_79 = vector.load %arg9[%get3A_77, %get3A_78] : memref<1x128xf32, #tpu.memory_space<vmem>>, vector<1x128xf32>
      %add3A_80 = arith.constant 9.99999974E-6 : f32
      %add3A_81 = vector.broadcast %add3A_80 : f32 to vector<1x128xf32>
      %add3A_82 = arith.addf %sub3A, %add3A_81 : vector<1x128xf32>
      %sqrt3A = math.sqrt %add3A_82 : vector<1x128xf32>
      %div3A_83 = arith.divf %get3A_79, %sqrt3A : vector<1x128xf32>
      %swap3A = arith.constant 0 : index
      %swap3A_84 = arith.constant 0 : index
      %swap3A_85 = vector.load %arg17[%swap3A, %swap3A_84] : memref<1x128xf32, #tpu.memory_space<vmem>>, vector<1x128xf32>
      tpu.vector_store %arg17[%swap3A, %swap3A_84], %div3A_83 {strides = array<i32>} : memref<1x128xf32, #tpu.memory_space<vmem>>, vector<1x128xf32>,
      %sub3A_86 = arith.subf %get3A_22, %div3A_72 : vector<1x128xf32>
      %mul3A_87 = arith.mulf %div3A_83, %sub3A_86 : vector<1x128xf32>
      %get3A_88 = arith.constant 0 : index
      %get3A_89 = arith.constant 0 : index
      %get3A_90 = vector.load %arg10[%get3A_88, %get3A_89] : memref<1x128xf32, #tpu.memory_space<vmem>>, vector<1x128xf32>
      %add3A_91 = arith.addf %mul3A_87, %get3A_90 : vector<1x128xf32>
      %swap3A_92 = arith.constant 0 : index
      %swap3A_93 = arith.constant 0 : index
      %swap3A_94 = vector.load %arg18[%swap3A_92, %swap3A_93] : memref<1x128xf32, #tpu.memory_space<vmem>>, vector<1x128xf32>
      tpu.vector_store %arg18[%swap3A_92, %swap3A_93], %add3A_91 {strides = array<i32>} : memref<1x128xf32, #tpu.memory_space<vmem>>, vector<1x128xf32>,
    } else {
    }
    %ge3A = arith.constant 5 : i32
    %ge3A_16 = arith.cmpi sge, %arg0, %ge3A : i32
    %convert_element_type3A_17 = arith.extui %ge3A_16 : i1 to i32
    %cond3A_18 = arith.constant 0 : i32
    %cond3A_19 = arith.cmpi ne, %convert_element_type3A_17, %cond3A_18 : i32
    scf.if %cond3A_19 {
      %get3A_20 = arith.constant 0 : index
      %get3A_21 = arith.constant 0 : index
      %get3A_22 = vector.load %arg17[%get3A_20, %get3A_21] : memref<1x128xf32, #tpu.memory_space<vmem>>, vector<1x128xf32>
      %get3A_23 = arith.constant 0 : index
      %get3A_24 = arith.constant 0 : index
      %get3A_25 = vector.load %arg1[%get3A_23, %get3A_24] : memref<2000x128xf32, #tpu.memory_space<vmem>>, vector<2000x128xf32>
      %dot_general3A = arith.constant dense<0.000000e+00> : vector<2000x128xf32>
      %dot_general3A_26 = tpu.matmul %get3A_25, %transpose3A, %dot_general3A {dimension_numbers = #tpu.dot_dimension_numbers<[1], [0], [0], [1], [0, 0, 1, 1], [], []>, precision = #tpu.contract_precision<fp32>, transpose_lhs_hint = false} : vector<2000x128xf32>, vector<128x128xf32>, vector<2000x128xf32> -> vector<2000x128xf32>
      %mul3A = vector.broadcast %get3A_22 : vector<1x128xf32> to vector<2000x128xf32>
      %mul3A_27 = arith.mulf %dot_general3A_26, %mul3A : vector<2000x128xf32>
      %swap3A = arith.constant 0 : index
      %swap3A_28 = arith.constant 0 : index
      %swap3A_29 = vector.load %arg11[%swap3A, %swap3A_28] : memref<2000x128xf32, #tpu.memory_space<vmem>>, vector<2000x128xf32>
      tpu.vector_store %arg11[%swap3A, %swap3A_28], %mul3A_27 {strides = array<i32>} : memref<2000x128xf32, #tpu.memory_space<vmem>>, vector<2000x128xf32>,
      %get3A_30 = arith.constant 0 : index
      %get3A_31 = arith.constant 0 : index
      %get3A_32 = vector.load %arg18[%get3A_30, %get3A_31] : memref<1x128xf32, #tpu.memory_space<vmem>>, vector<1x128xf32>
      %swap3A_33 = arith.constant 0 : index
      %swap3A_34 = arith.constant 0 : index
      %swap3A_35 = vector.load %arg12[%swap3A_33, %swap3A_34] : memref<1x128xf32, #tpu.memory_space<vmem>>, vector<1x128xf32>
      tpu.vector_store %arg12[%swap3A_33, %swap3A_34], %get3A_32 {strides = array<i32>} : memref<1x128xf32, #tpu.memory_space<vmem>>, vector<1x128xf32>,
      %transpose3A_36 = tpu.transpose %get3A_4, [1, 0] : vector<128x128xf32> -> vector<128x128xf32>
      %mul3A_37 = vector.broadcast %get3A_22 : vector<1x128xf32> to vector<128x128xf32>
      %mul3A_38 = arith.mulf %transpose3A_36, %mul3A_37 : vector<128x128xf32>
      %swap3A_39 = arith.constant 0 : index
      %swap3A_40 = arith.constant 0 : index
      %swap3A_41 = vector.load %arg13[%swap3A_39, %swap3A_40] : memref<128x128xf32, #tpu.memory_space<vmem>>, vector<128x128xf32>
      tpu.vector_store %arg13[%swap3A_39, %swap3A_40], %mul3A_38 {strides = array<i32>} : memref<128x128xf32, #tpu.memory_space<vmem>>, vector<128x128xf32>,
    } else {
    }
    return
  }
  func.func @transform_0(%arg0: i32) -> (i32, i32) {
    %jit3A = arith.constant 5 : i32
    %eq3A = arith.constant 0 : i32
    %eq3A_0 = arith.cmpi eq, %jit3A, %eq3A : i32
    %jit3A_1 = arith.constant 1 : i32
    %select_n3A = arith.select %eq3A_0, %jit3A_1, %jit3A : i32
    %rem3A = arith.remsi %arg0, %select_n3A : i32
    %ne3A = arith.constant 0 : i32
    %ne3A_2 = arith.cmpi ne, %rem3A, %ne3A : i32
    %lt3A = arith.constant 0 : i32
    %lt3A_3 = arith.cmpi slt, %rem3A, %lt3A : i32
    %lt3A_4 = arith.constant 0 : i32
    %lt3A_5 = arith.cmpi slt, %select_n3A, %lt3A_4 : i32
    %ne3A_6 = arith.xori %lt3A_3, %lt3A_5 : i1
    %and3A = arith.andi %ne3A_6, %ne3A_2 : i1
    %add3A = arith.addi %rem3A, %select_n3A : i32
    %select_n3A_7 = arith.select %and3A, %add3A, %rem3A : i32
    %c0_i32 = arith.constant 0 : i32
    %c0_i32_8 = arith.constant 0 : i32
    return %select_n3A_7, %c0_i32 : i32, i32
  }
  func.func @transform_1(%arg0: i32) -> (i32, i32) {
    %jit3A = arith.constant 5 : i32
    %eq3A = arith.constant 0 : i32
    %eq3A_0 = arith.cmpi eq, %jit3A, %eq3A : i32
    %jit3A_1 = arith.constant 1 : i32
    %select_n3A = arith.select %eq3A_0, %jit3A_1, %jit3A : i32
    %rem3A = arith.remsi %arg0, %select_n3A : i32
    %ne3A = arith.constant 0 : i32
    %ne3A_2 = arith.cmpi ne, %rem3A, %ne3A : i32
    %lt3A = arith.constant 0 : i32
    %lt3A_3 = arith.cmpi slt, %rem3A, %lt3A : i32
    %lt3A_4 = arith.constant 0 : i32
    %lt3A_5 = arith.cmpi slt, %select_n3A, %lt3A_4 : i32
    %ne3A_6 = arith.xori %lt3A_3, %lt3A_5 : i1
    %and3A = arith.andi %ne3A_6, %ne3A_2 : i1
    %add3A = arith.addi %rem3A, %select_n3A : i32
    %select_n3A_7 = arith.select %and3A, %add3A, %rem3A : i32
    %c0_i32 = arith.constant 0 : i32
    %c0_i32_8 = arith.constant 0 : i32
    return %select_n3A_7, %c0_i32 : i32, i32
  }
  func.func @transform_2(%arg0: i32) -> (i32, i32, i32) {
    %jit3A = arith.constant 5 : i32
    %eq3A = arith.constant 0 : i32
    %eq3A_0 = arith.cmpi eq, %jit3A, %eq3A : i32
    %jit3A_1 = arith.constant 1 : i32
    %select_n3A = arith.select %eq3A_0, %jit3A_1, %jit3A : i32
    %rem3A = arith.remsi %arg0, %select_n3A : i32
    %ne3A = arith.constant 0 : i32
    %ne3A_2 = arith.cmpi ne, %rem3A, %ne3A : i32
    %lt3A = arith.constant 0 : i32
    %lt3A_3 = arith.cmpi slt, %rem3A, %lt3A : i32
    %lt3A_4 = arith.constant 0 : i32
    %lt3A_5 = arith.cmpi slt, %select_n3A, %lt3A_4 : i32
    %ne3A_6 = arith.xori %lt3A_3, %lt3A_5 : i1
    %and3A = arith.andi %ne3A_6, %ne3A_2 : i1
    %add3A = arith.addi %rem3A, %select_n3A : i32
    %select_n3A_7 = arith.select %and3A, %add3A, %rem3A : i32
    %c0_i32 = arith.constant 0 : i32
    %c0_i32_8 = arith.constant 0 : i32
    %c0_i32_9 = arith.constant 0 : i32
    return %c0_i32, %select_n3A_7, %c0_i32_8 : i32, i32, i32
  }
  func.func @transform_3(%arg0: i32) -> (i32, i32, i32) {
    %jit3A = arith.constant 5 : i32
    %eq3A = arith.constant 0 : i32
    %eq3A_0 = arith.cmpi eq, %jit3A, %eq3A : i32
    %jit3A_1 = arith.constant 1 : i32
    %select_n3A = arith.select %eq3A_0, %jit3A_1, %jit3A : i32
    %rem3A = arith.remsi %arg0, %select_n3A : i32
    %ne3A = arith.constant 0 : i32
    %ne3A_2 = arith.cmpi ne, %rem3A, %ne3A : i32
    %lt3A = arith.constant 0 : i32
    %lt3A_3 = arith.cmpi slt, %rem3A, %lt3A : i32
    %lt3A_4 = arith.constant 0 : i32
    %lt3A_5 = arith.cmpi slt, %select_n3A, %lt3A_4 : i32
    %ne3A_6 = arith.xori %lt3A_3, %lt3A_5 : i1
    %and3A = arith.andi %ne3A_6, %ne3A_2 : i1
    %add3A = arith.addi %rem3A, %select_n3A : i32
    %select_n3A_7 = arith.select %and3A, %add3A, %rem3A : i32
    %c1_i32 = arith.constant 1 : i32
    %c0_i32 = arith.constant 0 : i32
    %c0_i32_8 = arith.constant 0 : i32
    return %c1_i32, %select_n3A_7, %c0_i32 : i32, i32, i32
  }
  func.func @transform_4(%arg0: i32) -> (i32, i32) {
    %c0_i32 = arith.constant 0 : i32
    %c0_i32_0 = arith.constant 0 : i32
    %c0_i32_1 = arith.constant 0 : i32
    return %c0_i32, %c0_i32_0 : i32, i32
  }
  func.func @transform_5(%arg0: i32) -> (i32, i32) {
    %c0_i32 = arith.constant 0 : i32
    %c0_i32_0 = arith.constant 0 : i32
    %c0_i32_1 = arith.constant 0 : i32
    return %c0_i32, %c0_i32_0 : i32, i32
  }
  func.func @transform_6(%arg0: i32) -> (i32, i32) {
    %c0_i32 = arith.constant 0 : i32
    %c0_i32_0 = arith.constant 0 : i32
    %c0_i32_1 = arith.constant 0 : i32
    return %c0_i32, %c0_i32_0 : i32, i32
  }
  func.func @transform_7(%arg0: i32) -> (i32, i32) {
    %c0_i32 = arith.constant 0 : i32
    %c0_i32_0 = arith.constant 0 : i32
    %c0_i32_1 = arith.constant 0 : i32
    return %c0_i32, %c0_i32_0 : i32, i32
  }
  func.func @transform_8(%arg0: i32) -> (i32, i32) {
    %c0_i32 = arith.constant 0 : i32
    %c0_i32_0 = arith.constant 0 : i32
    %c0_i32_1 = arith.constant 0 : i32
    return %c0_i32, %c0_i32_0 : i32, i32
  }
  func.func @transform_9(%arg0: i32) -> (i32, i32) {
    %c0_i32 = arith.constant 0 : i32
    %c0_i32_0 = arith.constant 0 : i32
    %c0_i32_1 = arith.constant 0 : i32
    return %c0_i32, %c0_i32_0 : i32, i32
  }
  func.func @transform_10(%arg0: i32) -> (i32, i32) {
    %jit3A = arith.constant 5 : i32
    %eq3A = arith.constant 0 : i32
    %eq3A_0 = arith.cmpi eq, %jit3A, %eq3A : i32
    %jit3A_1 = arith.constant 1 : i32
    %select_n3A = arith.select %eq3A_0, %jit3A_1, %jit3A : i32
    %rem3A = arith.remsi %arg0, %select_n3A : i32
    %ne3A = arith.constant 0 : i32
    %ne3A_2 = arith.cmpi ne, %rem3A, %ne3A : i32
    %lt3A = arith.constant 0 : i32
    %lt3A_3 = arith.cmpi slt, %rem3A, %lt3A : i32
    %lt3A_4 = arith.constant 0 : i32
    %lt3A_5 = arith.cmpi slt, %select_n3A, %lt3A_4 : i32
    %ne3A_6 = arith.xori %lt3A_3, %lt3A_5 : i1
    %and3A = arith.andi %ne3A_6, %ne3A_2 : i1
    %add3A = arith.addi %rem3A, %select_n3A : i32
    %select_n3A_7 = arith.select %and3A, %add3A, %rem3A : i32
    %c0_i32 = arith.constant 0 : i32
    %c0_i32_8 = arith.constant 0 : i32
    return %select_n3A_7, %c0_i32 : i32, i32
  }
  func.func @transform_11(%arg0: i32) -> (i32, i32) {
    %c0_i32 = arith.constant 0 : i32
    %c0_i32_0 = arith.constant 0 : i32
    %c0_i32_1 = arith.constant 0 : i32
    return %c0_i32, %c0_i32_0 : i32, i32
  }
  func.func @transform_12(%arg0: i32) -> (i32, i32) {
    %c0_i32 = arith.constant 0 : i32
    %c0_i32_0 = arith.constant 0 : i32
    %c0_i32_1 = arith.constant 0 : i32
    return %c0_i32, %c0_i32_0 : i32, i32
  }
}

module attributes {stable_mosaic.version = 14 : i64} {
  func.func @_tg_body(%arg0: i32, %arg1: memref<2560x128xf32, #tpu.memory_space<vmem>>, %arg2: memref<128x128xf32, #tpu.memory_space<vmem>>, %arg3: memref<1x128xf32, #tpu.memory_space<vmem>>) attributes {dimension_semantics = [#tpu.dimension_semantics<arbitrary>], iteration_bounds = array<i64: 125>, scalar_prefetch = 0 : i64, scratch_operands = 0 : i64, tpu.core_type = #tpu.core_type<tc>, window_params = [{transform_indices = @transform_0, window_bounds = array<i64: 2560, 128>}, {pipeline_mode = #tpu.pipeline_mode<synchronous>, transform_indices = @transform_1, window_bounds = array<i64: 128, 128>}, {pipeline_mode = #tpu.pipeline_mode<synchronous>, transform_indices = @transform_2, window_bounds = array<i64: 1, 128>}]} {
    %eq3A = arith.constant 0 : i32
    %eq3A_0 = arith.cmpi eq, %arg0, %eq3A : i32
    %convert_element_type3A = arith.extui %eq3A_0 : i1 to i32
    %cond3A = arith.constant 0 : i32
    %cond3A_1 = arith.cmpi ne, %convert_element_type3A, %cond3A : i32
    scf.if %cond3A_1 {
      %broadcast_in_dim3A_18 = arith.constant 0.000000e+00 : f32
      %broadcast_in_dim3A_19 = vector.broadcast %broadcast_in_dim3A_18 : f32 to vector<128x128xf32>
      %swap3A_20 = arith.constant 0 : index
      %swap3A_21 = arith.constant 0 : index
      %swap3A_22 = vector.load %arg2[%swap3A_20, %swap3A_21] : memref<128x128xf32, #tpu.memory_space<vmem>>, vector<128x128xf32>
      tpu.vector_store %arg2[%swap3A_20, %swap3A_21], %broadcast_in_dim3A_19 {strides = array<i32>} : memref<128x128xf32, #tpu.memory_space<vmem>>, vector<128x128xf32>,
      %broadcast_in_dim3A_23 = arith.constant 0.000000e+00 : f32
      %broadcast_in_dim3A_24 = vector.broadcast %broadcast_in_dim3A_23 : f32 to vector<1x128xf32>
      %swap3A_25 = arith.constant 0 : index
      %swap3A_26 = arith.constant 0 : index
      %swap3A_27 = vector.load %arg3[%swap3A_25, %swap3A_26] : memref<1x128xf32, #tpu.memory_space<vmem>>, vector<1x128xf32>
      tpu.vector_store %arg3[%swap3A_25, %swap3A_26], %broadcast_in_dim3A_24 {strides = array<i32>} : memref<1x128xf32, #tpu.memory_space<vmem>>, vector<1x128xf32>,
    } else {
    }
    %get3A = arith.constant 0 : index
    %get3A_2 = arith.constant 0 : index
    %get3A_3 = vector.load %arg1[%get3A, %get3A_2] : memref<2560x128xf32, #tpu.memory_space<vmem>>, vector<2560x128xf32>
    %get3A_4 = arith.constant 0 : index
    %get3A_5 = arith.constant 0 : index
    %get3A_6 = vector.load %arg2[%get3A_4, %get3A_5] : memref<128x128xf32, #tpu.memory_space<vmem>>, vector<128x128xf32>
    %transpose3A = tpu.transpose %get3A_3, [1, 0] : vector<2560x128xf32> -> vector<128x2560xf32>
    %dot_general3A = arith.constant dense<0.000000e+00> : vector<128x128xf32>
    %dot_general3A_7 = tpu.matmul %transpose3A, %get3A_3, %dot_general3A {dimension_numbers = #tpu.dot_dimension_numbers<[1], [0], [0], [1], [0, 0, 1, 1], [], []>, precision = #tpu.contract_precision<fp32>, transpose_lhs_hint = false} : vector<128x2560xf32>, vector<2560x128xf32>, vector<128x128xf32> -> vector<128x128xf32>
    %add3A = arith.addf %get3A_6, %dot_general3A_7 : vector<128x128xf32>
    %swap3A = arith.constant 0 : index
    %swap3A_8 = arith.constant 0 : index
    %swap3A_9 = vector.load %arg2[%swap3A, %swap3A_8] : memref<128x128xf32, #tpu.memory_space<vmem>>, vector<128x128xf32>
    tpu.vector_store %arg2[%swap3A, %swap3A_8], %add3A {strides = array<i32>} : memref<128x128xf32, #tpu.memory_space<vmem>>, vector<128x128xf32>,
    %get3A_10 = arith.constant 0 : index
    %get3A_11 = arith.constant 0 : index
    %get3A_12 = vector.load %arg3[%get3A_10, %get3A_11] : memref<1x128xf32, #tpu.memory_space<vmem>>, vector<1x128xf32>
    %reduce_sum3A = arith.constant dense<0.000000e+00> : vector<128xf32>
    %reduce_sum3A_13 = vector.multi_reduction <add>, %get3A_3, %reduce_sum3A [0] : vector<2560x128xf32> to vector<128xf32>
    %broadcast_in_dim3A = vector.shape_cast %reduce_sum3A_13 : vector<128xf32> to vector<1x128xf32>
    %add3A_14 = arith.addf %get3A_12, %broadcast_in_dim3A : vector<1x128xf32>
    %swap3A_15 = arith.constant 0 : index
    %swap3A_16 = arith.constant 0 : index
    %swap3A_17 = vector.load %arg3[%swap3A_15, %swap3A_16] : memref<1x128xf32, #tpu.memory_space<vmem>>, vector<1x128xf32>
    tpu.vector_store %arg3[%swap3A_15, %swap3A_16], %add3A_14 {strides = array<i32>} : memref<1x128xf32, #tpu.memory_space<vmem>>, vector<1x128xf32>,
    return
  }
  func.func @transform_0(%arg0: i32) -> (i32, i32) {
    %c0_i32 = arith.constant 0 : i32
    %c0_i32_0 = arith.constant 0 : i32
    return %arg0, %c0_i32 : i32, i32
  }
  func.func @transform_1(%arg0: i32) -> (i32, i32) {
    %c0_i32 = arith.constant 0 : i32
    %c0_i32_0 = arith.constant 0 : i32
    %c0_i32_1 = arith.constant 0 : i32
    return %c0_i32, %c0_i32_0 : i32, i32
  }
  func.func @transform_2(%arg0: i32) -> (i32, i32) {
    %c0_i32 = arith.constant 0 : i32
    %c0_i32_0 = arith.constant 0 : i32
    %c0_i32_1 = arith.constant 0 : i32
    return %c0_i32, %c0_i32_0 : i32, i32
  }
}

module attributes {stable_mosaic.version = 14 : i64} {
  func.func @_t2_body(%arg0: i32, %arg1: memref<2560x128xf32, #tpu.memory_space<vmem>>, %arg2: memref<128x128xf32, #tpu.memory_space<vmem>>, %arg3: memref<2560x128xf32, #tpu.memory_space<vmem>>, %arg4: memref<1x128xf32, #tpu.memory_space<vmem>>, %arg5: memref<2560x128xf32, #tpu.memory_space<vmem>>) attributes {dimension_semantics = [#tpu.dimension_semantics<arbitrary>], iteration_bounds = array<i64: 125>, scalar_prefetch = 0 : i64, scratch_operands = 0 : i64, tpu.core_type = #tpu.core_type<tc>, window_params = [{transform_indices = @transform_0, window_bounds = array<i64: 2560, 128>}, {pipeline_mode = #tpu.pipeline_mode<synchronous>, transform_indices = @transform_1, window_bounds = array<i64: 128, 128>}, {transform_indices = @transform_2, window_bounds = array<i64: 2560, 128>}, {pipeline_mode = #tpu.pipeline_mode<synchronous>, transform_indices = @transform_3, window_bounds = array<i64: 1, 128>}, {transform_indices = @transform_4, window_bounds = array<i64: 2560, 128>}]} {
    %get3A = arith.constant 0 : index
    %get3A_0 = arith.constant 0 : index
    %get3A_1 = vector.load %arg1[%get3A, %get3A_0] : memref<2560x128xf32, #tpu.memory_space<vmem>>, vector<2560x128xf32>
    %get3A_2 = arith.constant 0 : index
    %get3A_3 = arith.constant 0 : index
    %get3A_4 = vector.load %arg2[%get3A_2, %get3A_3] : memref<128x128xf32, #tpu.memory_space<vmem>>, vector<128x128xf32>
    %dot_general3A = arith.constant dense<0.000000e+00> : vector<2560x128xf32>
    %dot_general3A_5 = tpu.matmul %get3A_1, %get3A_4, %dot_general3A {dimension_numbers = #tpu.dot_dimension_numbers<[1], [0], [0], [1], [0, 0, 1, 1], [], []>, precision = #tpu.contract_precision<fp32>, transpose_lhs_hint = false} : vector<2560x128xf32>, vector<128x128xf32>, vector<2560x128xf32> -> vector<2560x128xf32>
    %get3A_6 = arith.constant 0 : index
    %get3A_7 = arith.constant 0 : index
    %get3A_8 = vector.load %arg3[%get3A_6, %get3A_7] : memref<2560x128xf32, #tpu.memory_space<vmem>>, vector<2560x128xf32>
    %add3A = arith.addf %dot_general3A_5, %get3A_8 : vector<2560x128xf32>
    %get3A_9 = arith.constant 0 : index
    %get3A_10 = arith.constant 0 : index
    %get3A_11 = vector.load %arg4[%get3A_9, %get3A_10] : memref<1x128xf32, #tpu.memory_space<vmem>>, vector<1x128xf32>
    %add3A_12 = vector.broadcast %get3A_11 : vector<1x128xf32> to vector<2560x128xf32>
    %add3A_13 = arith.addf %add3A, %add3A_12 : vector<2560x128xf32>
    %max3A = arith.constant 0.000000e+00 : f32
    %max3A_14 = vector.broadcast %max3A : f32 to vector<2560x128xf32>
    %max3A_15 = arith.maximumf %add3A_13, %max3A_14 : vector<2560x128xf32>
    %swap3A = arith.constant 0 : index
    %swap3A_16 = arith.constant 0 : index
    %swap3A_17 = vector.load %arg5[%swap3A, %swap3A_16] : memref<2560x128xf32, #tpu.memory_space<vmem>>, vector<2560x128xf32>
    tpu.vector_store %arg5[%swap3A, %swap3A_16], %max3A_15 {strides = array<i32>} : memref<2560x128xf32, #tpu.memory_space<vmem>>, vector<2560x128xf32>,
    return
  }
  func.func @transform_0(%arg0: i32) -> (i32, i32) {
    %c0_i32 = arith.constant 0 : i32
    %c0_i32_0 = arith.constant 0 : i32
    return %arg0, %c0_i32 : i32, i32
  }
  func.func @transform_1(%arg0: i32) -> (i32, i32) {
    %c0_i32 = arith.constant 0 : i32
    %c0_i32_0 = arith.constant 0 : i32
    %c0_i32_1 = arith.constant 0 : i32
    return %c0_i32, %c0_i32_0 : i32, i32
  }
  func.func @transform_2(%arg0: i32) -> (i32, i32) {
    %c0_i32 = arith.constant 0 : i32
    %c0_i32_0 = arith.constant 0 : i32
    return %arg0, %c0_i32 : i32, i32
  }
  func.func @transform_3(%arg0: i32) -> (i32, i32) {
    %c0_i32 = arith.constant 0 : i32
    %c0_i32_0 = arith.constant 0 : i32
    %c0_i32_1 = arith.constant 0 : i32
    return %c0_i32, %c0_i32_0 : i32, i32
  }
  func.func @transform_4(%arg0: i32) -> (i32, i32) {
    %c0_i32 = arith.constant 0 : i32
    %c0_i32_0 = arith.constant 0 : i32
    return %arg0, %c0_i32 : i32, i32
  }
}

module attributes {stable_mosaic.version = 14 : i64} {
  func.func @_tadd_body(%arg0: i32, %arg1: memref<1x2000x128xf32, #tpu.memory_space<vmem>>, %arg2: memref<1x2000x128xf32, #tpu.memory_space<vmem>>, %arg3: memref<2000x128xf32, #tpu.memory_space<vmem>>) attributes {dimension_semantics = [#tpu.dimension_semantics<arbitrary>], iteration_bounds = array<i64: 5>, scalar_prefetch = 0 : i64, scratch_operands = 0 : i64, tpu.core_type = #tpu.core_type<tc>, window_params = [{transform_indices = @transform_0, window_bounds = array<i64: 1, 2000, 128>}, {transform_indices = @transform_1, window_bounds = array<i64: 1, 2000, 128>}, {transform_indices = @transform_2, window_bounds = array<i64: 2000, 128>}]} {
    %get3A = arith.constant 0 : index
    %get3A_0 = arith.constant 0 : index
    %get3A_1 = arith.constant 0 : index
    %get3A_2 = vector.load %arg1[%get3A, %get3A_0, %get3A_1] : memref<1x2000x128xf32, #tpu.memory_space<vmem>>, vector<1x2000x128xf32>
    %get3A_3 = vector.shape_cast %get3A_2 : vector<1x2000x128xf32> to vector<2000x128xf32>
    %get3A_4 = arith.constant 0 : index
    %get3A_5 = arith.constant 0 : index
    %get3A_6 = arith.constant 0 : index
    %get3A_7 = vector.load %arg2[%get3A_4, %get3A_5, %get3A_6] : memref<1x2000x128xf32, #tpu.memory_space<vmem>>, vector<1x2000x128xf32>
    %get3A_8 = vector.shape_cast %get3A_7 : vector<1x2000x128xf32> to vector<2000x128xf32>
    %add3A = arith.addf %get3A_3, %get3A_8 : vector<2000x128xf32>
    %swap3A = arith.constant 0 : index
    %swap3A_9 = arith.constant 0 : index
    %swap3A_10 = vector.load %arg3[%swap3A, %swap3A_9] : memref<2000x128xf32, #tpu.memory_space<vmem>>, vector<2000x128xf32>
    tpu.vector_store %arg3[%swap3A, %swap3A_9], %add3A {strides = array<i32>} : memref<2000x128xf32, #tpu.memory_space<vmem>>, vector<2000x128xf32>,
    return
  }
  func.func @transform_0(%arg0: i32) -> (i32, i32, i32) {
    %c0_i32 = arith.constant 0 : i32
    %c0_i32_0 = arith.constant 0 : i32
    %c0_i32_1 = arith.constant 0 : i32
    return %c0_i32, %arg0, %c0_i32_0 : i32, i32, i32
  }
  func.func @transform_1(%arg0: i32) -> (i32, i32, i32) {
    %c1_i32 = arith.constant 1 : i32
    %c0_i32 = arith.constant 0 : i32
    %c0_i32_0 = arith.constant 0 : i32
    return %c1_i32, %arg0, %c0_i32 : i32, i32, i32
  }
  func.func @transform_2(%arg0: i32) -> (i32, i32) {
    %c0_i32 = arith.constant 0 : i32
    %c0_i32_0 = arith.constant 0 : i32
    return %arg0, %c0_i32 : i32, i32
  }
}

</mosaic_0001>

<sc_bundles>
// kernel: kernel.10.cloned.1.call-start
scs
__scs_entry_jumppad:
0x0: {  	(pc) =	sbr.rel $0x88, $3  }
0x1: {  	(tag) =	ssettag $0x0;
	lr =	simm.s32 $0x1  }
0x2: {  	[smem:$0x3F9B] =	sst lr;
	_ =	strace $0xD0000000  }
0x3: {  	_ = 	snop  }
0x4: {  	_ = 	snop  }
0x5: {  	_ = 	snop  }
0x6: {  	_ = 	snop  }
0x7: {  	_ = 	snop  }
__scs_overlays_trampoline_lowered:
0x8: {  	[smem:$0x3FAA] =	sst s0  }
0x9: {  	[smem:$0x3FAB] =	sst s1  }
0xa: {  	[smem:$0x3FAC] =	sst s2  }
0xb: {  	[smem:$0x3FAD] =	sst s3  }
0xc: {  	[smem:$0x3FAE] =	sst s4  }
0xd: {  	[smem:$0x3FAF] =	sst s5  }
0xe: {  	[smem:$0x3FB0] =	sst s6  }
0xf: {  	[smem:$0x3FB1] =	sst s7  }
0x10: {  	[smem:$0x3FB2] =	sst s8  }
0x11: {  	[smem:$0x3FB3] =	sst s9;
	s0 =	simm.s32 @!p0 $0x0  }
0x12: {  	s1 =	sld [smem:$0x3F99];
	s0 =	simm.s32 @p0 $0x1  }
0x13: {  	[smem:$0x3FB4] =	sst s0;
	s0 =	simm.s32 @!p1 $0x0  }
0x14: {  	s2 =	sld [smem:$0x3F98];
	s0 =	simm.s32 @p1 $0x1  }
0x15: {  	[smem:$0x3FB5] =	sst s0;
	s0 =	simm.s32 @!p2 $0x0  }
0x16: {  	s3 =	sld [smem:$0x3FDB];
	s0 =	simm.s32 @p2 $0x1  }
0x17: {  	s4 =	simm.s32 $0x1BF5;
	[smem:$0x3FB7] =	sst s0  }
0x18: {  	s0 =	sld [smem:$0x3F9A];
	_ =	swait.ge [sflag:s4], $0x0  }
0x19: {  	s7 =	sld [smem:$0x3F9B]  }
0x1a: {  	s8 =	sadd.s32 $0xFFFFE003, lr  }
0x1b: {  	s9 =	sadd.s32 $0xFFFFFEF7, lr;
	s5 =	simm.s32 $0xFFFFFFFF;
	p2 =	slt.u32 s8, $0xFFFFF086  }
0x1c: {  	p1 =	slt.u32 s9, $0xF7A;
	s5 =	simm.s32 @!p2 $0x0  }
0x1d: {  	s5 =	simm.s32 @p1 $0x1;
	p0 =	seq.s32 s7, s2  }
0x1e: {  	s7 =	smul.u32 @!p0 $0xF7A, s2;
	p2 =	seq.s32 @!p0 s5, $0x0  }
0x1f: {  	s9 =	smul.u32 $0xF7A, s1;
	s8 =	simm.s32 @!p0 $0x1BF5;
	p2 =	por !p2, p0  }
0x20: {  	[sflag:s8] =	ssyncset.s32 @!p0 $0xFFFFF086;
	s6 =	sadd.s32 @!p0 s3, s7;
	s7 =	simm.s32 @!p0 $0x108  }
0x21: {  	s3 =	sadd.s32 s3, s9;
	s6 =	sadd.s32 @!p0 $0x88, s6;
	s7 =	simm.s32 @p2 $0x1082  }
0x22: {  	[simem:s7], [sflag:s8] =	dma.local @!p0 [hbm:s6], $0xF7A  }
0x23: {  	s9 =	sor.u32 $0xD0000000, s2;
	s6 =	simm.s32 $0x108;
	_ =	swait.ge @!p0 [sflag:s8], $0x0  }
0x24: {  	s3 =	sadd.s32 $0x88, s3;
	s6 =	simm.s32 @!p1 $0x1082;
	[sflag:s4] =	ssyncset.s32 $0xFFFFF086  }
0x25: {  	[simem:s6], [sflag:s4] =	dma.local [hbm:s3], $0xF7A  }
0x26: {  	[smem:$0x3F9B] =	sst s1;
	(tag) =	ssettag s2;
	_ =	strace s9  }
0x27: {  	s1 =	sld [smem:$0x3FAB]  }
0x28: {  	s2 =	sld [smem:$0x3FAC]  }
0x29: {  	s4 =	sld [smem:$0x3FAE]  }
0x2a: {  	p0 =	seq.s32 s5, $0x0;
	s5 =	sld [smem:$0x3FAF]  }
0x2b: {  	s6 =	sld [smem:$0x3FB0]  }
0x2c: {  	s7 =	sld [smem:$0x3FB1]  }
0x2d: {  	s3 =	simm.s32 $0x108;
	s8 =	sld [smem:$0x3FB2]  }
0x2e: {  	s3 =	simm.s32 @!p0 $0x1082;
	s9 =	sld [smem:$0x3FB3]  }
0x2f: {  	lr =	sadd.s32 s0, s3;
	s0 =	sld [smem:$0x3FAA]  }
0x30: {  	s3 =	sld [smem:$0x3FAD]  }
0x31: {  	[smem:$0x3FB6] =	sst s10  }
0x32: {  	s10 =	sld [smem:$0x3FB4];
	_ =	sdelay $0x3  }
0x33: {  	p0 =	seq.s32 s10, $0x1;
	s10 =	sld [smem:$0x3FB6];
	_ =	sdelay $0x3  }
0x34: {  	[smem:$0x3FB6] =	sst s10  }
0x35: {  	s10 =	sld [smem:$0x3FB5];
	_ =	sdelay $0x3  }
0x36: {  	p1 =	seq.s32 s10, $0x1;
	s10 =	sld [smem:$0x3FB6];
	_ =	sdelay $0x3  }
0x37: {  	[smem:$0x3FB6] =	sst s10  }
0x38: {  	s10 =	sld [smem:$0x3FB7]  }
0x39: {  	_ = 	snop;
	(pc) =	sbr.ind lr, $3  }
0x3a: {  	_ = 	snop  }
0x3b: {  	_ = 	snop  }
0x3c: {  	p2 =	seq.s32 s10, $0x1;
	s10 =	sld [smem:$0x3FB6]  }
0x3d: {  	_ =	shalt  }
0x3e: {  	_ =	shalt  }
0x3f: {  	_ =	shalt  }
0x40: {  	_ =	shalt  }
0x41: {  	_ =	shalt  }
0x42: {  	_ =	shalt  }
0x43: {  	_ =	shalt  }
0x44: {  	_ =	shalt  }
0x45: {  	_ =	shalt  }
0x46: {  	_ =	shalt  }
0x47: {  	_ =	shalt  }
0x48: {  	_ =	shalt  }
0x49: {  	_ =	shalt  }
0x4a: {  	_ =	shalt  }
0x4b: {  	_ =	shalt  }
0x4c: {  	_ =	shalt  }
0x4d: {  	_ =	shalt  }
0x4e: {  	_ =	shalt  }
0x4f: {  	_ =	shalt  }
0x50: {  	_ =	shalt  }
0x51: {  	_ =	shalt  }
0x52: {  	_ =	shalt  }
0x53: {  	_ =	shalt  }
0x54: {  	_ =	shalt  }
0x55: {  	_ =	shalt  }
0x56: {  	_ =	shalt  }
0x57: {  	_ =	shalt  }
0x58: {  	_ =	shalt  }
0x59: {  	_ =	shalt  }
0x5a: {  	_ =	shalt  }
0x5b: {  	_ =	shalt  }
0x5c: {  	_ =	shalt  }
0x5d: {  	_ =	shalt  }
0x5e: {  	_ =	shalt  }
0x5f: {  	_ =	shalt  }
0x60: {  	_ =	shalt  }
0x61: {  	_ =	shalt  }
0x62: {  	_ =	shalt  }
0x63: {  	_ =	shalt  }
0x64: {  	_ =	shalt  }
0x65: {  	_ =	shalt  }
0x66: {  	_ =	shalt  }
0x67: {  	_ =	shalt  }
0x68: {  	_ =	shalt  }
0x69: {  	_ =	shalt  }
0x6a: {  	_ =	shalt  }
0x6b: {  	_ =	shalt  }
0x6c: {  	_ =	shalt  }
0x6d: {  	_ =	shalt  }
0x6e: {  	_ =	shalt  }
0x6f: {  	_ =	shalt  }
0x70: {  	_ =	shalt  }
0x71: {  	_ =	shalt  }
0x72: {  	_ =	shalt  }
0x73: {  	_ =	shalt  }
0x74: {  	_ =	shalt  }
0x75: {  	_ =	shalt  }
0x76: {  	_ =	shalt  }
0x77: {  	_ =	shalt  }
0x78: {  	_ =	shalt  }
0x79: {  	_ =	shalt  }
0x7a: {  	_ =	shalt  }
0x7b: {  	_ =	shalt  }
0x7c: {  	_ =	shalt  }
0x7d: {  	_ =	shalt  }
0x7e: {  	_ =	shalt  }
0x7f: {  	_ =	shalt  }
0x80: {  	_ =	shalt  }
0x81: {  	_ =	shalt  }
0x82: {  	_ =	shalt  }
0x83: {  	_ =	shalt  }
0x84: {  	_ =	shalt  }
0x85: {  	_ =	shalt  }
0x86: {  	_ =	shalt  }
0x87: {  	_ =	shalt  }
.Lfunc_end0:
.L_simem_size_0:
called_computation_lowered:
.L_overlay_start_0:
0x88: {  	s2 =	sld [smem:$0x3FD9]  }
0x89: {  	s3 =	sld [smem:$0x3FFE];
	_ =	sdelay $0x1  }
0x8a: {  	s1 =	srdreg.scid  }
0x8b: {  	s0 =	sand.u32 $0x1, s1  }
0x8c: {  	s17 =	sshll.u32 s0, $0xA;
	s2 =	sadd.s32 s3, s2  }
0x8d: {  	s2 =	sadd.s32 s2, s17  }
0x8e: {  	[smem:$0x3FC2] =	sst s2  }
0x8f: {  	_ = 	snop  }
0x90: {  	s2 =	sld [smem:$0x3FC9];
	(tm) =	ssettm $0x1  }
0x91: {  	s18 =	sld [smem:$0x3FFB];
	_ =	sdelay $0x3  }
0x92: {  	_ =	strace s18  }
0x93: {  	s3 =	sld [smem:$0x3FFC];
	_ =	sdelay $0x3  }
0x94: {  	_ =	strace s3  }
0x95: {  	s3 =	sld [smem:$0x3FFD];
	_ =	sdelay $0x3  }
0x96: {  	_ =	strace s3  }
0x97: {  	_ =	strace $0x8FFFFFFF  }
0x98: {  	s19 =	sld [smem:$0x3FDB];
	_ =	sdelay $0x1  }
0x99: {  	s4 =	simm.s32 $_scs_section_size  }
0x9a: {  	s5 =	simm.s32 $_size__tile_overlayer_lowered;
	s6 =	simm.s32 $_tile_overlayer_lowered  }
0x9b: {  	s22 =	simm.s32 $0x1BFF;
	s21 =	sshll.u32 s6, $0x1;
	s3 =	sadd.s32 s4, s19  }
0x9c: {  	s7 =	simm.s32 $0x0;
	s20 =	sshll.u32 s5, $0x1;
	s5 =	sadd.s32 s21, s3  }
0x9d: {  	[timem:s7], [sflag:s22] =	dma.local [hbm:s5], s20  }
0x9e: {  	_ =	swait.ge [sflag:s22], s20  }
0x9f: {  	s4 =	ssub.s32 $0x0, s20;
	[sflag:s22] =	ssyncset.done $0x0  }
0xa0: {  	[sflag:s22] =	ssyncadd.s32 s4;
	_ =	sdelay $0x1  }
0xa1: {  	s23 =	simm.s32 $0x1B8B  }
0xa2: {  	_ =	swait.ge [sflag:s23], $0x1  }
0xa3: {  	[sflag:s23] =	ssyncset.done $0x0  }
0xa4: {  	s25 =	simm.s32 $0x1B8E;
	s24 =	sld [smem:$0x3FFE];
	[sflag:s23] =	ssyncadd.s32 $0xFFFFFFFF  }
0xa5: {  	s26 =	simm.s32 $execute0_lowered;
	[smem:$0x3FD2] =	sst s25  }
0xa6: {  	s5 =	sshll.u32 s26, $0x1;
	_ =	strace $0x80000046;
	[dreg:$0x1] =	wrdreg $0xFFFFFFFF  }
0xa7: {  	s28 =	simm.s32 $_size_execute0_lowered;
	s3 =	sadd.s32 s3, s5;
	[dreg:$0x0] =	wrdreg $0x0  }
0xa8: {  	s5 =	sshll.u32 s28, $0x1;
	[dreg:$0x2] =	wrdreg s3  }
0xa9: {  	[dreg:$0x3] =	wrdreg s5  }
0xaa: {  	[dreg:$0x4] =	wrdreg $0xC0  }
0xab: {  	_ =	task [dreg:s7], $0x5FFFF  }
0xac: {  	[dreg:$0x1] =	wrdreg $0xFFFFFFFF  }
0xad: {  	[dreg:$0x0] =	wrdreg $0x60  }
0xae: {  	[dreg:$0x2] =	wrdreg s2  }
0xaf: {  	[dreg:$0x3] =	wrdreg s24  }
0xb0: {  	[dreg:$0x4] =	wrdreg $0xA2000  }
0xb1: {  	[dreg:$0x5] =	wrdreg $0x9  }
0xb2: {  	_ =	task.clear_ibuf [dreg:s7], $0x6FFFF;
	_ =	strace $0x90000046  }
0xb3: {  	s29 =	simm.s32 $0x9;
	_ =	strace $0x80000048  }
0xb4: {  	_ =	swait.ge [sflag:s29], $0x1  }
0xb5: {  	[sflag:s29] =	ssyncadd.s32 $0xFFFFFFFF  }
0xb6: {  	_ =	strace $0x90000048  }
0xb7: {  	_ =	sfence  }
0xb8: {  	s30 =	sld [smem:$0x0];
	_ =	sdelay $0x2  }
0xb9: {  	s31 =	sshll.u32 s1, $0xD;
	s1 =	sshrl.u32 s1, $0x2  }
0xba: {  	s3 =	sand.u32 $0x4000, s31;
	s1 =	sadd.s32 s1, s30  }
0xbb: {  	s0 =	sor.u32 s3, s0;
	s1 =	sshll.u32 s1, $0x11  }
0xbc: {  	s0 =	sor.u32 s1, s0  }
0xbd: {  	s0 =	sadd.s32 $0x8F2B, s0  }
0xbe: {  	[sflag:s0] =	ssyncadd.remote.s32 $0x1  }
0xbf: {  	_ =	sfence.sel $0xFFFF  }
0xc0: {  	[dreg:$0x0] =	wrdreg $0xFFFFFFFF;
	(pc) =	sbr.abs _section_cstart, $3  }
0xc1: {  	[dreg:$0x1] =	wrdreg $0xFFFFFFFF  }
0xc2: {  	_ =	task.clear_ibuf [dreg:s7], $0x2FFFF;
	_ =	strace $0x9FFFFFFF  }
0xc3: {  	(tm) =	ssettm $0x7FFFFFFF  }
tec
execute0_lowered:
.L_overlay_start_1:
0x0: {  	(tag) =	ssettag $0x1  }
0x1: {  	s0 =	rddreg [dreg:$0x0]  }
0x2: {  	s2 =	rddreg [dreg:$0x1]  }
0x3: {  	s1 =	rddreg [dreg:$0x2];
	s3 =	simm.s32 $0x0;
	s4 =	srdreg.scid  }
0x4: {  	s12 =	stileid.u32;
	s28 =	simm.s32 $0x2800;
	s29 =	simm.s32 $0xA100  }
0x5: {  	s30 =	simm.s32 $0x5000;
	s31 =	simm.s32 $0x1;
	[smem:$0x7FF] =	sst s3  }
0x6: {  	s5 =	sand.u32 $0x1, s4;
	s22 =	smul.u32 $0x4E000, s12;
	s6 =	sadd.s32 $0xC000, s2  }
0x7: {  	s7 =	sadd.s32 $0x2200, s2;
	s2 =	sadd.s32 $0x15E00, s2;
	s23 =	smul.u32 $0x4E20, s12  }
0x8: {  	s21 =	sadd.s32 $0x138000, s1;
	s19 =	smul.u32 $0x9C4, s12;
	p1 =	sne.s32 s12, $0xF  }
0x9: {  	_ =	strace $0x80000047;
	s8 =	ssub.s32 $0x2, s5;
	s4 =	sshrl.u32 s22, $0x2  }
0xa: {  	p0 =	seq.s32 s5, $0x1;
	[dreg:$0xc] =	wrdreg s21;
	s20 =	sadd.s32 s4, s1  }
0xb: {  	s5 =	smul.u32 $0x138800, s5;
	s4 =	sadd.s32 $0x2800, s20;
	[dreg:$0x4] =	wrdreg s20  }
0xc: {  	s9 =	sshrl.u32 s8, $0x1;
	s24 =	sadd.s32 $0x5000, s20;
	[dreg:$0x5] =	wrdreg s4  }
0xd: {  	s8 =	ssub.s32 s8, s9;
	s25 =	sadd.s32 $0x7800, s20;
	[dreg:$0x6] =	wrdreg s24  }
0xe: {  	s9 =	sadd.s32 $0x50, s23;
	s26 =	sadd.s32 $0xA000, s20;
	[dreg:$0x7] =	wrdreg s25  }
0xf: {  	s10 =	sadd.s32 $0xC800, s20;
	s11 =	sadd.s32 $0xF000, s20;
	[dreg:$0x8] =	wrdreg s26  }
0x10: {  	s13 =	sadd.s32 $0x11800, s20;
	s15 =	sshrl.u32 s9, $0x3;
	[dreg:$0x9] =	wrdreg s10  }
0x11: {  	s9 =	sshll.u32 s9, $0x4;
	[dreg:$0xa] =	wrdreg s11;
	s11 =	smul.u32 $0x4E200, s12  }
0x12: {  	[dreg:$0xb] =	wrdreg s13;
	s10 =	sshrl.u32 s23, $0x3;
	s13 =	smul.u32 $0x13800, s12  }
0x13: {  	s16 =	sadd.s32 s6, s15;
	s22 =	sadd.s32 s7, s15;
	s24 =	sadd.s32 s19, s6  }
0x14: {  	s25 =	smax.u32 s8, $0x1;
	s26 =	sadd.s32 s19, s7;
	s15 =	simm.s32 $0xA180  }
0x15: {  	s8 =	simm.s32 $0xA;
	s19 =	simm.s32 $0x0;
	[dreg:$0xe] =	wrdreg s16  }
0x16: {  	s14 =	sadd.s32 s6, s10;
	s17 =	sadd.s32 s7, s10;
	[dreg:$0x11] =	wrdreg s22  }
0x17: {  	[dreg:$0x14] =	wrdreg s25;
	s22 =	sadd.s32 $0x1E, s24;
	s24 =	simm.s32 $0xD  }
0x18: {  	s25 =	simm.s32 $0xA000;
	s6 =	simm.s32 $0x3;
	s7 =	simm.s32 $0x7  }
0x19: {  	s10 =	simm.s32 $0x8;
	[dreg:$0xd] =	wrdreg s14;
	s14 =	sadd.s32 s0, s11  }
0x1a: {  	s0 =	sadd.s32 s0, s9;
	[dreg:$0x10] =	wrdreg s17;
	s18 =	sadd.s32 s13, s5  }
0x1b: {  	s5 =	sshrl.u32 s5, $0x3;
	s13 =	simm.s32 $0x50;
	s17 =	simm.s32 $0x7800  }
.Ltmp0:
0x1c: {  	[dreg:$0xf] =	wrdreg s0;
	s0 =	sshrl.u32 s18, $0x3;
	(pc) =	sbr.rel .LBB2_1-.Ltmp0, $4  }
0x1d: {  	s9 =	simm.s32 $0x4;
	s5 =	sadd.s32 s2, s5;
	s0 =	sadd.s32 s2, s0  }
0x1e: {  	s18 =	simm.s32 $0x2;
	s23 =	sadd.s32 $0x27000, s5;
	[dreg:$0x12] =	wrdreg s0  }
0x1f: {  	s2 =	simm.s32 $0x6;
	s5 =	simm.s32 $0x9;
	[dreg:$0x13] =	wrdreg s23  }
0x20: {  	v0 =	vimm.f32 $0.0e+00;
	s23 =	sadd.s32 $0x1E, s26;
	s26 =	simm.s32 $0xA080;
	s0 =	simm.s32 $0x5  }
.LBB2_6:
0x21: {  	s4 =	simm.s32 @!p3 $0xB;
	[sflag:s10] =	ssyncadd.s32 $0xFFFFD800  }
0x22: {  	[spmem:s1] =	stream.indirect.scatter.add.f32 [tilespmem:s17], [sflag:$0xC], $0x80, s15, s13, $0xb8;
	[tilespmem:$0x1DA80] =	vst v63  }
0x23: {  	_ =	swait.ge @!p3 [sflag:s4], $0x2800  }
0x24: {  	[sflag:s4] =	ssyncset.done @!p3 $0x0  }
0x25: {  	s12 =	sadd.s32 $0xFFFFFFF6, s20;
	s11 =	sadd.s32 s21, s14;
	[sflag:s4] =	ssyncadd.s32 @!p3 $0xFFFFD800  }
0x26: {  	[tilespmem:s29], [sflag:$0x3] =	stream.linear.gather [hbm4b:s12+s3], $0x50, $0x38;
	[tilespmem:$0x1DA80] =	vst v63  }
0x27: {  	s16 =	sadd.s32 $0xA00, s11  }
0x28: {  	[tilespmem:s30], [sflag:$0x7] =	stream.linear.gather [hbm4b:s16+s3], $0x2800, $0x38;
	[tilespmem:$0x1DA80] =	vst v63  }
0x29: {  	_ =	swait.ge [sflag:s31], $0x50  }
0x2a: {  	[sflag:s31] =	ssyncset.done $0x0  }
0x2b: {  	[sflag:s31] =	ssyncadd.s32 $0xFFFFFFB0  }
0x2c: {  	_ =	swait.ge [sflag:s0], $0x2800  }
0x2d: {  	[sflag:s0] =	ssyncset.done $0x0  }
0x2e: {  	s4 =	simm.s32 @!p3 $0xC;
	[sflag:s0] =	ssyncadd.s32 $0xFFFFD800  }
0x2f: {  	[spmem:s1] =	stream.indirect.scatter.add.f32 [tilespmem:s3], [sflag:$0x9], $0x80, s25, s13, $0xb8;
	[tilespmem:$0x1DA80] =	vst v63  }
0x30: {  	_ =	swait.ge @!p3 [sflag:s4], $0x2800  }
0x31: {  	[sflag:s4] =	ssyncset.done @!p3 $0x0  }
0x32: {  	[sflag:s4] =	ssyncadd.s32 @!p3 $0xFFFFD800  }
0x33: {  	[tilespmem:s15], [sflag:$0x4] =	stream.linear.gather [hbm4b:s20+s3], $0x50, $0x38;
	[tilespmem:$0x1DA80] =	vst v63  }
0x34: {  	s21 =	sadd.s32 $0xF00, s11  }
0x35: {  	[tilespmem:s17], [sflag:$0x8] =	stream.linear.gather [hbm4b:s21+s3], $0x2800, $0x38;
	[tilespmem:$0x1DA80] =	vst v63  }
0x36: {  	_ =	swait.ge [sflag:s18], $0x50  }
0x37: {  	[sflag:s18] =	ssyncset.done $0x0  }
0x38: {  	[sflag:s18] =	ssyncadd.s32 $0xFFFFFFB0  }
0x39: {  	_ =	swait.ge [sflag:s2], $0x2800  }
0x3a: {  	[sflag:s2] =	ssyncset.done $0x0  }
0x3b: {  	[sflag:s2] =	ssyncadd.s32 $0xFFFFD800  }
0x3c: {  	[spmem:s1] =	stream.indirect.scatter.add.f32 [tilespmem:s28], [sflag:$0xA], $0x80, s26, s13, $0xb8;
	[tilespmem:$0x1DA80] =	vst v63  }
0x3d: {  	_ =	swait.ge [sflag:s5], $0x2800  }
0x3e: {  	[sflag:s5] =	ssyncset.done $0x0  }
0x3f: {  	s12 =	sadd.s32 $0xA, s20;
	[sflag:s5] =	ssyncadd.s32 $0xFFFFD800  }
0x40: {  	[tilespmem:s25], [sflag:$0x1] =	stream.linear.gather [hbm4b:s12+s3], $0x50, $0x38;
	[tilespmem:$0x1DA80] =	vst v63  }
0x41: {  	s16 =	sadd.s32 $0x1400, s11  }
0x42: {  	[tilespmem:s3], [sflag:$0x5] =	stream.linear.gather [hbm4b:s16+s3], $0x2800, $0x38;
	[tilespmem:$0x1DA80] =	vst v63  }
0x43: {  	_ =	swait.ge [sflag:s6], $0x50  }
0x44: {  	[sflag:s6] =	ssyncset.done $0x0  }
0x45: {  	[sflag:s6] =	ssyncadd.s32 $0xFFFFFFB0  }
0x46: {  	_ =	swait.ge [sflag:s7], $0x2800  }
0x47: {  	[sflag:s7] =	ssyncset.done $0x0  }
0x48: {  	[sflag:s7] =	ssyncadd.s32 $0xFFFFD800  }
0x49: {  	[spmem:s1] =	stream.indirect.scatter.add.f32 [tilespmem:s30], [sflag:$0xB], $0x80, s29, s13, $0xb8;
	[tilespmem:$0x1DA80] =	vst v63  }
0x4a: {  	_ =	swait.ge [sflag:s8], $0x2800  }
0x4b: {  	[sflag:s8] =	ssyncset.done $0x0  }
0x4c: {  	s20 =	sadd.s32 $0x14, s20;
	[sflag:s8] =	ssyncadd.s32 $0xFFFFD800  }
0x4d: {  	[tilespmem:s26], [sflag:$0x2] =	stream.linear.gather [hbm4b:s20+s3], $0x50, $0x38;
	[tilespmem:$0x1DA80] =	vst v63  }
0x4e: {  	s21 =	sadd.s32 $0x1900, s11  }
0x4f: {  	[tilespmem:s28], [sflag:$0x6] =	stream.linear.gather [hbm4b:s21+s3], $0x2800, $0x38;
	[tilespmem:$0x1DA80] =	vst v63  }
0x50: {  	_ =	swait.ge [sflag:s9], $0x50  }
0x51: {  	[sflag:s9] =	ssyncset.done $0x0  }
0x52: {  	[sflag:s9] =	ssyncadd.s32 $0xFFFFFFB0  }
0x53: {  	_ =	swait.ge [sflag:s10], $0x2800  }
0x54: {  	[sflag:s10] =	ssyncset.done $0x0  }
0x55: {  	[sflag:s10] =	ssyncadd.s32 $0xFFFFD800  }
0x56: {  	[spmem:s1] =	stream.indirect.scatter.add.f32 [tilespmem:s17], [sflag:$0xC], $0x80, s15, s13, $0xb8;
	[tilespmem:$0x1DA80] =	vst v63  }
.LBB2_10:
0x57: {  	_ =	swait.ge [sflag:s31], $0x50  }
0x58: {  	[sflag:s31] =	ssyncset.done $0x0  }
0x59: {  	[sflag:s31] =	ssyncadd.s32 $0xFFFFFFB0  }
0x5a: {  	_ =	swait.ge [sflag:s0], $0x2800  }
0x5b: {  	[sflag:s0] =	ssyncset.done $0x0  }
0x5c: {  	[sflag:s0] =	ssyncadd.s32 $0xFFFFD800  }
0x5d: {  	[spmem:s1] =	stream.indirect.scatter.add.f32 [tilespmem:s3], [sflag:$0x9], $0x80, s25, s13, $0xb8;
	[tilespmem:$0x1DA80] =	vst v63  }
0x5e: {  	_ =	swait.ge [sflag:s18], $0x50  }
0x5f: {  	[sflag:s18] =	ssyncset.done $0x0  }
0x60: {  	[sflag:s18] =	ssyncadd.s32 $0xFFFFFFB0  }
0x61: {  	_ =	swait.ge [sflag:s2], $0x2800  }
0x62: {  	[sflag:s2] =	ssyncset.done $0x0  }
0x63: {  	[sflag:s2] =	ssyncadd.s32 $0xFFFFD800  }
0x64: {  	[spmem:s1] =	stream.indirect.scatter.add.f32 [tilespmem:s28], [sflag:$0xA], $0x80, s26, s13, $0xb8;
	[tilespmem:$0x1DA80] =	vst v63  }
0x65: {  	_ =	swait.ge [sflag:s5], $0x2800  }
0x66: {  	[sflag:s5] =	ssyncset.done $0x0  }
0x67: {  	[sflag:s5] =	ssyncadd.s32 $0xFFFFD800  }
0x68: {  	_ =	swait.ge [sflag:s8], $0x2800  }
0x69: {  	[sflag:s8] =	ssyncset.done $0x0  }
0x6a: {  	s4 =	simm.s32 $0xB;
	[sflag:s8] =	ssyncadd.s32 $0xFFFFD800  }
0x6b: {  	_ =	swait.ge [sflag:s4], $0x2800  }
0x6c: {  	[sflag:s4] =	ssyncset.done $0x0  }
0x6d: {  	s11 =	simm.s32 $0xC;
	[sflag:s4] =	ssyncadd.s32 $0xFFFFD800  }
0x6e: {  	_ =	swait.ge [sflag:s11], $0x2800  }
0x6f: {  	[sflag:s11] =	ssyncset.done $0x0  }
0x70: {  	[sflag:s11] =	ssyncadd.s32 $0xFFFFD800  }
0x71: {  	s12 =	stileid.u32;
	[bflag:$0x0] =	sbarrier.arrive $0xFFFF  }
0x72: {  	s4 =	sshll.u32 s12, $0x6;
	s20 =	rddreg [dreg:$0x4]  }
0x73: {  	s4 =	sor.u32 $0x1C0D, s4;
	s12 =	rddreg [dreg:$0x12];
	s11 =	sshrl.u32 s20, $0x3  }
0x74: {  	[hbm:s12], [sflag:s4] =	dma.local [spmem:s11], $0x2700  }
0x75: {  	_ =	swait.ge [sflag:s24], $0x2700  }
0x76: {  	[sflag:s24] =	ssyncset.done $0x0;
	s21 =	rddreg [dreg:$0xc]  }
0x77: {  	s12 =	rddreg [dreg:$0x13];
	[sflag:s24] =	ssyncadd.s32 $0xFFFFD900;
	s11 =	sshrl.u32 @!p1 s21, $0x3  }
0x78: {  	[hbm:s12], [sflag:s4] =	dma.local @!p1 [spmem:s11], $0x100  }
0x79: {  	s4 =	simm.s32 @!p1 $0xD  }
0x7a: {  	_ =	swait.ge @!p1 [sflag:s4], $0x100  }
0x7b: {  	s19 =	sadd.s32 $0x1, s19;
	s16 =	rddreg [dreg:$0x14]  }
0x7c: {  	p2 =	sne.s32 s19, s16  }
.Ltmp1:
0x7d: {  	_ = 	snop;
	(pc) =	sbr.rel @!p2 .LBB2_11-.Ltmp1, $3  }
0x7e: {  	_ =	sdelay $0x1  }
0x7f: {  	[sflag:s4] =	ssyncset.done @!p1 $0x0  }
0x80: {  	[sflag:s4] =	ssyncadd.s32 @!p1 $0xFFFFFF00  }
.LBB2_1:
0x81: {  	s11 =	simm.s32 $0x0;
	s16 =	simm.s32 $0x200  }
.LBB2_2:
0x82: {  	p2 =	sne.s32 s16, $0x9E00;
	[tilespmem:s11+$0x70] =	vst v0  }
0x83: {  	[tilespmem:s11+$0x0] =	vst v0  }
0x84: {  	[tilespmem:s11+$0x10] =	vst v0  }
.Ltmp2:
0x85: {  	[tilespmem:s11+$0x20] =	vst v0;
	(pc) =	sbr.rel @p2 .LBB2_2-.Ltmp2, $4  }
0x86: {  	[tilespmem:s11+$0x30] =	vst v0  }
0x87: {  	[tilespmem:s11+$0x40] =	vst v0  }
0x88: {  	[tilespmem:s11+$0x50] =	vst v0  }
0x89: {  	[tilespmem:s11+$0x60] =	vst v0;
	s11 =	sshra.s32 s16, $0x2;
	s16 =	sadd.s32 $0x200, s16  }
0x8a: {  	[tilespmem:s11+$0x70] =	vst v0  }
0x8b: {  	[tilespmem:s11+$0x0] =	vst v0  }
0x8c: {  	[tilespmem:s11+$0x10] =	vst v0  }
0x8d: {  	[tilespmem:s11+$0x20] =	vst v0  }
0x8e: {  	[tilespmem:s11+$0x30] =	vst v0  }
0x8f: {  	[tilespmem:s11+$0x40] =	vst v0  }
0x90: {  	[tilespmem:s11+$0x50] =	vst v0  }
0x91: {  	[tilespmem:s11+$0x60] =	vst v0  }
0x92: {  	[spmem:s20] =	stream.linear.scatter [tilespmem:s3], [sflag:$0xD], $0x2800, $0x38;
	[tilespmem:$0x1DA80] =	vst v63  }
0x93: {  	_ =	swait.ge [sflag:s24], $0x2800  }
0x94: {  	[sflag:s24] =	ssyncset.done $0x0  }
0x95: {  	s4 =	rddreg [dreg:$0x5];
	[sflag:s24] =	ssyncadd.s32 $0xFFFFD800  }
0x96: {  	[spmem:s4] =	stream.linear.scatter [tilespmem:s3], [sflag:$0xD], $0x2800, $0x38;
	[tilespmem:$0x1DA80] =	vst v63  }
0x97: {  	_ =	swait.ge [sflag:s24], $0x2800  }
0x98: {  	[sflag:s24] =	ssyncset.done $0x0  }
0x99: {  	s16 =	rddreg [dreg:$0x6];
	[sflag:s24] =	ssyncadd.s32 $0xFFFFD800  }
0x9a: {  	[spmem:s16] =	stream.linear.scatter [tilespmem:s3], [sflag:$0xD], $0x2800, $0x38;
	[tilespmem:$0x1DA80] =	vst v63  }
0x9b: {  	_ =	swait.ge [sflag:s24], $0x2800  }
0x9c: {  	[sflag:s24] =	ssyncset.done $0x0  }
0x9d: {  	s20 =	rddreg [dreg:$0x7];
	[sflag:s24] =	ssyncadd.s32 $0xFFFFD800  }
0x9e: {  	[spmem:s20] =	stream.linear.scatter [tilespmem:s3], [sflag:$0xD], $0x2800, $0x38;
	[tilespmem:$0x1DA80] =	vst v63  }
0x9f: {  	_ =	swait.ge [sflag:s24], $0x2800  }
0xa0: {  	[sflag:s24] =	ssyncset.done $0x0  }
0xa1: {  	s11 =	rddreg [dreg:$0x8];
	[sflag:s24] =	ssyncadd.s32 $0xFFFFD800  }
0xa2: {  	[spmem:s11] =	stream.linear.scatter [tilespmem:s3], [sflag:$0xD], $0x2800, $0x38;
	[tilespmem:$0x1DA80] =	vst v63  }
0xa3: {  	_ =	swait.ge [sflag:s24], $0x2800  }
0xa4: {  	[sflag:s24] =	ssyncset.done $0x0  }
0xa5: {  	s12 =	rddreg [dreg:$0x9];
	[sflag:s24] =	ssyncadd.s32 $0xFFFFD800  }
0xa6: {  	[spmem:s12] =	stream.linear.scatter [tilespmem:s3], [sflag:$0xD], $0x2800, $0x38;
	[tilespmem:$0x1DA80] =	vst v63  }
0xa7: {  	_ =	swait.ge [sflag:s24], $0x2800  }
0xa8: {  	[sflag:s24] =	ssyncset.done $0x0  }
0xa9: {  	s16 =	rddreg [dreg:$0xa];
	[sflag:s24] =	ssyncadd.s32 $0xFFFFD800  }
0xaa: {  	[spmem:s16] =	stream.linear.scatter [tilespmem:s3], [sflag:$0xD], $0x2800, $0x38;
	[tilespmem:$0x1DA80] =	vst v63  }
0xab: {  	_ =	swait.ge [sflag:s24], $0x2800  }
0xac: {  	[sflag:s24] =	ssyncset.done $0x0  }
0xad: {  	s20 =	rddreg [dreg:$0xb];
	[sflag:s24] =	ssyncadd.s32 $0xFFFFD800  }
0xae: {  	[spmem:s20] =	stream.linear.scatter [tilespmem:s3], [sflag:$0xD], $0x2000, $0x38;
	[tilespmem:$0x1DA80] =	vst v63  }
0xaf: {  	_ =	swait.ge [sflag:s24], $0x2000  }
0xb0: {  	[sflag:s24] =	ssyncset.done $0x0  }
0xb1: {  	s11 =	simm.s32 @!p1 $0x0;
	[sflag:s24] =	ssyncadd.s32 $0xFFFFE000  }
0xb2: {  	[spmem:s21] =	stream.linear.scatter @!p1 [tilespmem:s11], [sflag:$0xD], $0x800, $0x38;
	[tilespmem:$0x1DA80] =	vst v63  }
0xb3: {  	s11 =	simm.s32 @!p1 $0xD  }
.Ltmp3:
0xb4: {  	_ =	swait.ge @!p1 [sflag:s11], $0x800;
	(pc) =	sbr.rel @!p0 .LBB2_4-.Ltmp3, $3  }
0xb5: {  	[sflag:s11] =	ssyncset.done @!p1 $0x0  }
0xb6: {  	[sflag:s11] =	ssyncadd.s32 @!p1 $0xFFFFF800  }
0xb7: {  	[bflag:$0x0] =	sbarrier.arrive $0xFFFF;
	_ =	sdelay $0x1  }
0xb8: {  	s4 =	simm.s32 $0x0;
	s11 =	rddreg [dreg:$0x10]  }
0xb9: {  	[tilespmem:s25], [sflag:$0x1] =	stream.linear.gather [hbm4b:s11+s4], $0x50, $0x38;
	[tilespmem:$0x1DA80] =	vst v63  }
0xba: {  	_ = 	snop  }
0xbb: {  	[tilespmem:s4], [sflag:$0x5] =	stream.linear.gather [hbm4b:s14+s4], $0x2800, $0x38;
	[tilespmem:$0x1DA80] =	vst v63  }
0xbc: {  	s21 =	rddreg [dreg:$0x11]  }
0xbd: {  	[tilespmem:s26], [sflag:$0x2] =	stream.linear.gather [hbm4b:s21+s4], $0x50, $0x38;
	[tilespmem:$0x1DA80] =	vst v63  }
0xbe: {  	s12 =	rddreg [dreg:$0xf];
	p2 =	por $0x1, $0x1  }
0xbf: {  	[tilespmem:s28], [sflag:$0x6] =	stream.linear.gather [hbm4b:s12+s4], $0x2800, $0x38;
	[tilespmem:$0x1DA80] =	vst v63  }
0xc0: {  	s4 =	simm.s32 @!p2 $0xB  }
0xc1: {  	_ =	swait.ge @!p2 [sflag:s4], $0x2800  }
0xc2: {  	[sflag:s4] =	ssyncset.done @!p2 $0x0  }
0xc3: {  	s16 =	sadd.s32 $0xFFFFFFF6, s23;
	s11 =	sadd.s32 $0x0, s14;
	[sflag:s4] =	ssyncadd.s32 @!p2 $0xFFFFD800  }
0xc4: {  	[tilespmem:s29], [sflag:$0x3] =	stream.linear.gather [hbm4b:s16+s3], $0x50, $0x38;
	[tilespmem:$0x1DA80] =	vst v63  }
0xc5: {  	s20 =	sadd.s32 $0xA00, s11  }
0xc6: {  	[tilespmem:s30], [sflag:$0x7] =	stream.linear.gather [hbm4b:s20+s3], $0x2800, $0x38;
	[tilespmem:$0x1DA80] =	vst v63  }
0xc7: {  	_ =	swait.ge [sflag:s31], $0x50  }
0xc8: {  	[sflag:s31] =	ssyncset.done $0x0  }
0xc9: {  	[sflag:s31] =	ssyncadd.s32 $0xFFFFFFB0  }
0xca: {  	_ =	swait.ge [sflag:s0], $0x2800  }
0xcb: {  	[sflag:s0] =	ssyncset.done $0x0  }
0xcc: {  	s4 =	simm.s32 @!p2 $0xC;
	[sflag:s0] =	ssyncadd.s32 $0xFFFFD800  }
0xcd: {  	[spmem:s1] =	stream.indirect.scatter.add.f32 [tilespmem:s3], [sflag:$0x9], $0x80, s25, s13, $0xb8;
	[tilespmem:$0x1DA80] =	vst v63  }
0xce: {  	_ =	swait.ge @!p2 [sflag:s4], $0x2800  }
0xcf: {  	[sflag:s4] =	ssyncset.done @!p2 $0x0  }
0xd0: {  	[sflag:s4] =	ssyncadd.s32 @!p2 $0xFFFFD800  }
0xd1: {  	[tilespmem:s15], [sflag:$0x4] =	stream.linear.gather [hbm4b:s23+s3], $0x50, $0x38;
	[tilespmem:$0x1DA80] =	vst v63  }
0xd2: {  	s21 =	sadd.s32 $0xF00, s11  }
0xd3: {  	[tilespmem:s17], [sflag:$0x8] =	stream.linear.gather [hbm4b:s21+s3], $0x2800, $0x38;
	[tilespmem:$0x1DA80] =	vst v63  }
0xd4: {  	_ =	swait.ge [sflag:s18], $0x50  }
0xd5: {  	[sflag:s18] =	ssyncset.done $0x0  }
0xd6: {  	[sflag:s18] =	ssyncadd.s32 $0xFFFFFFB0  }
0xd7: {  	_ =	swait.ge [sflag:s2], $0x2800  }
0xd8: {  	[sflag:s2] =	ssyncset.done $0x0  }
0xd9: {  	[sflag:s2] =	ssyncadd.s32 $0xFFFFD800  }
0xda: {  	[spmem:s1] =	stream.indirect.scatter.add.f32 [tilespmem:s28], [sflag:$0xA], $0x80, s26, s13, $0xb8;
	[tilespmem:$0x1DA80] =	vst v63  }
0xdb: {  	_ =	swait.ge [sflag:s5], $0x2800  }
0xdc: {  	[sflag:s5] =	ssyncset.done $0x0  }
0xdd: {  	s12 =	sadd.s32 $0xA, s23;
	[sflag:s5] =	ssyncadd.s32 $0xFFFFD800  }
0xde: {  	[tilespmem:s25], [sflag:$0x1] =	stream.linear.gather [hbm4b:s12+s3], $0x50, $0x38;
	[tilespmem:$0x1DA80] =	vst v63  }
0xdf: {  	s16 =	sadd.s32 $0x1400, s11  }
0xe0: {  	[tilespmem:s3], [sflag:$0x5] =	stream.linear.gather [hbm4b:s16+s3], $0x2800, $0x38;
	[tilespmem:$0x1DA80] =	vst v63  }
0xe1: {  	_ =	swait.ge [sflag:s6], $0x50  }
0xe2: {  	[sflag:s6] =	ssyncset.done $0x0  }
0xe3: {  	[sflag:s6] =	ssyncadd.s32 $0xFFFFFFB0  }
0xe4: {  	_ =	swait.ge [sflag:s7], $0x2800  }
0xe5: {  	[sflag:s7] =	ssyncset.done $0x0  }
0xe6: {  	[sflag:s7] =	ssyncadd.s32 $0xFFFFD800  }
0xe7: {  	[spmem:s1] =	stream.indirect.scatter.add.f32 [tilespmem:s30], [sflag:$0xB], $0x80, s29, s13, $0xb8;
	[tilespmem:$0x1DA80] =	vst v63  }
0xe8: {  	_ =	swait.ge [sflag:s8], $0x2800  }
0xe9: {  	[sflag:s8] =	ssyncset.done $0x0  }
0xea: {  	s20 =	sadd.s32 $0x14, s23;
	[sflag:s8] =	ssyncadd.s32 $0xFFFFD800  }
0xeb: {  	[tilespmem:s26], [sflag:$0x2] =	stream.linear.gather [hbm4b:s20+s3], $0x50, $0x38;
	[tilespmem:$0x1DA80] =	vst v63  }
0xec: {  	s21 =	sadd.s32 $0x1900, s11  }
0xed: {  	[tilespmem:s28], [sflag:$0x6] =	stream.linear.gather [hbm4b:s21+s3], $0x2800, $0x38;
	[tilespmem:$0x1DA80] =	vst v63  }
0xee: {  	_ =	swait.ge [sflag:s9], $0x50  }
0xef: {  	[sflag:s9] =	ssyncset.done $0x0  }
0xf0: {  	[sflag:s9] =	ssyncadd.s32 $0xFFFFFFB0  }
0xf1: {  	p3 =	por $0x0, $0x0;
	s11 =	simm.s32 $0x2800;
	_ =	swait.ge [sflag:s10], $0x2800  }
0xf2: {  	s20 =	sadd.s32 $0x28, s23;
	s21 =	simm.s32 $0x1400;
	[sflag:s10] =	ssyncset.done $0x0  }
.LBB2_8:
0xf3: {  	s4 =	simm.s32 @!p3 $0xB  }
0xf4: {  	[sflag:s10] =	ssyncadd.s32 $0xFFFFD800;
	s12 =	smov.u32 s11;
	s11 =	sadd.s32 $0x1400, s11  }
0xf5: {  	[spmem:s1] =	stream.indirect.scatter.add.f32 [tilespmem:s17], [sflag:$0xC], $0x80, s15, s13, $0xb8;
	[tilespmem:$0x1DA80] =	vst v63  }
0xf6: {  	p2 =	sne.s32 s11, $0x4D800;
	_ =	swait.ge @!p3 [sflag:s4], $0x2800  }
0xf7: {  	[sflag:s4] =	ssyncset.done @!p3 $0x0  }
0xf8: {  	s16 =	sadd.s32 s21, s14;
	[sflag:s4] =	ssyncadd.s32 @!p3 $0xFFFFD800;
	s4 =	sadd.s32 $0xFFFFFFF6, s20  }
0xf9: {  	[tilespmem:s29], [sflag:$0x3] =	stream.linear.gather [hbm4b:s4+s3], $0x50, $0x38;
	[tilespmem:$0x1DA80] =	vst v63  }
0xfa: {  	s21 =	smov.u32 s12;
	s4 =	sadd.s32 $0xA00, s16  }
0xfb: {  	[tilespmem:s30], [sflag:$0x7] =	stream.linear.gather [hbm4b:s4+s3], $0x2800, $0x38;
	[tilespmem:$0x1DA80] =	vst v63  }
0xfc: {  	_ =	swait.ge [sflag:s31], $0x50  }
0xfd: {  	[sflag:s31] =	ssyncset.done $0x0  }
0xfe: {  	[sflag:s31] =	ssyncadd.s32 $0xFFFFFFB0  }
0xff: {  	_ =	swait.ge [sflag:s0], $0x2800  }
0x100: {  	[sflag:s0] =	ssyncset.done $0x0  }
0x101: {  	s4 =	simm.s32 @!p3 $0xC;
	[sflag:s0] =	ssyncadd.s32 $0xFFFFD800  }
0x102: {  	[spmem:s1] =	stream.indirect.scatter.add.f32 [tilespmem:s3], [sflag:$0x9], $0x80, s25, s13, $0xb8;
	[tilespmem:$0x1DA80] =	vst v63  }
0x103: {  	_ =	swait.ge @!p3 [sflag:s4], $0x2800  }
0x104: {  	[sflag:s4] =	ssyncset.done @!p3 $0x0  }
0x105: {  	[sflag:s4] =	ssyncadd.s32 @!p3 $0xFFFFD800  }
0x106: {  	[tilespmem:s15], [sflag:$0x4] =	stream.linear.gather [hbm4b:s20+s3], $0x50, $0x38;
	[tilespmem:$0x1DA80] =	vst v63  }
0x107: {  	s4 =	sadd.s32 $0xF00, s16  }
0x108: {  	[tilespmem:s17], [sflag:$0x8] =	stream.linear.gather [hbm4b:s4+s3], $0x2800, $0x38;
	[tilespmem:$0x1DA80] =	vst v63  }
0x109: {  	_ =	swait.ge [sflag:s18], $0x50  }
0x10a: {  	[sflag:s18] =	ssyncset.done $0x0  }
0x10b: {  	[sflag:s18] =	ssyncadd.s32 $0xFFFFFFB0  }
0x10c: {  	_ =	swait.ge [sflag:s2], $0x2800  }
0x10d: {  	[sflag:s2] =	ssyncset.done $0x0  }
0x10e: {  	[sflag:s2] =	ssyncadd.s32 $0xFFFFD800  }
0x10f: {  	[spmem:s1] =	stream.indirect.scatter.add.f32 [tilespmem:s28], [sflag:$0xA], $0x80, s26, s13, $0xb8;
	[tilespmem:$0x1DA80] =	vst v63  }
0x110: {  	_ =	swait.ge [sflag:s5], $0x2800  }
0x111: {  	[sflag:s5] =	ssyncset.done $0x0  }
0x112: {  	s4 =	sadd.s32 $0xA, s20;
	[sflag:s5] =	ssyncadd.s32 $0xFFFFD800  }
0x113: {  	[tilespmem:s25], [sflag:$0x1] =	stream.linear.gather [hbm4b:s4+s3], $0x50, $0x38;
	[tilespmem:$0x1DA80] =	vst v63  }
0x114: {  	s4 =	sadd.s32 $0x1400, s16  }
0x115: {  	[tilespmem:s3], [sflag:$0x5] =	stream.linear.gather [hbm4b:s4+s3], $0x2800, $0x38;
	[tilespmem:$0x1DA80] =	vst v63  }
0x116: {  	_ =	swait.ge [sflag:s6], $0x50  }
0x117: {  	[sflag:s6] =	ssyncset.done $0x0  }
0x118: {  	[sflag:s6] =	ssyncadd.s32 $0xFFFFFFB0  }
0x119: {  	_ =	swait.ge [sflag:s7], $0x2800  }
0x11a: {  	[sflag:s7] =	ssyncset.done $0x0  }
0x11b: {  	[sflag:s7] =	ssyncadd.s32 $0xFFFFD800  }
0x11c: {  	[spmem:s1] =	stream.indirect.scatter.add.f32 [tilespmem:s30], [sflag:$0xB], $0x80, s29, s13, $0xb8;
	[tilespmem:$0x1DA80] =	vst v63  }
0x11d: {  	_ =	swait.ge [sflag:s8], $0x2800  }
0x11e: {  	[sflag:s8] =	ssyncset.done $0x0  }
0x11f: {  	s4 =	sadd.s32 $0x14, s20;
	[sflag:s8] =	ssyncadd.s32 $0xFFFFD800  }
0x120: {  	[tilespmem:s26], [sflag:$0x2] =	stream.linear.gather [hbm4b:s4+s3], $0x50, $0x38;
	[tilespmem:$0x1DA80] =	vst v63  }
0x121: {  	s4 =	sadd.s32 $0x1900, s16  }
0x122: {  	[tilespmem:s28], [sflag:$0x6] =	stream.linear.gather [hbm4b:s4+s3], $0x2800, $0x38;
	[tilespmem:$0x1DA80] =	vst v63  }
.Ltmp4:
0x123: {  	_ =	swait.ge [sflag:s9], $0x50;
	(pc) =	sbr.rel @p2 .LBB2_8-.Ltmp4, $4  }
0x124: {  	[sflag:s9] =	ssyncset.done $0x0  }
0x125: {  	[sflag:s9] =	ssyncadd.s32 $0xFFFFFFB0  }
0x126: {  	_ =	swait.ge [sflag:s10], $0x2800  }
0x127: {  	p3 =	seq.s32 s21, $0x0;
	s20 =	sadd.s32 $0x28, s20;
	[sflag:s10] =	ssyncset.done $0x0  }
0x128: {  	s4 =	simm.s32 @!p3 $0xB;
	[sflag:s10] =	ssyncadd.s32 $0xFFFFD800  }
0x129: {  	[spmem:s1] =	stream.indirect.scatter.add.f32 [tilespmem:s17], [sflag:$0xC], $0x80, s15, s13, $0xb8;
	[tilespmem:$0x1DA80] =	vst v63  }
0x12a: {  	_ =	swait.ge @!p3 [sflag:s4], $0x2800  }
0x12b: {  	[sflag:s4] =	ssyncset.done @!p3 $0x0  }
0x12c: {  	s12 =	sadd.s32 $0xFFFFFFF6, s20;
	s11 =	sadd.s32 s21, s14;
	[sflag:s4] =	ssyncadd.s32 @!p3 $0xFFFFD800  }
0x12d: {  	[tilespmem:s29], [sflag:$0x3] =	stream.linear.gather [hbm4b:s12+s3], $0x50, $0x38;
	[tilespmem:$0x1DA80] =	vst v63  }
0x12e: {  	s16 =	sadd.s32 $0xA00, s11  }
0x12f: {  	[tilespmem:s30], [sflag:$0x7] =	stream.linear.gather [hbm4b:s16+s3], $0x2800, $0x38;
	[tilespmem:$0x1DA80] =	vst v63  }
0x130: {  	_ =	swait.ge [sflag:s31], $0x50  }
0x131: {  	[sflag:s31] =	ssyncset.done $0x0  }
0x132: {  	[sflag:s31] =	ssyncadd.s32 $0xFFFFFFB0  }
0x133: {  	_ =	swait.ge [sflag:s0], $0x2800  }
0x134: {  	[sflag:s0] =	ssyncset.done $0x0  }
0x135: {  	s4 =	simm.s32 @!p3 $0xC;
	[sflag:s0] =	ssyncadd.s32 $0xFFFFD800  }
0x136: {  	[spmem:s1] =	stream.indirect.scatter.add.f32 [tilespmem:s3], [sflag:$0x9], $0x80, s25, s13, $0xb8;
	[tilespmem:$0x1DA80] =	vst v63  }
0x137: {  	_ =	swait.ge @!p3 [sflag:s4], $0x2800  }
0x138: {  	[sflag:s4] =	ssyncset.done @!p3 $0x0  }
0x139: {  	[sflag:s4] =	ssyncadd.s32 @!p3 $0xFFFFD800  }
0x13a: {  	[tilespmem:s15], [sflag:$0x4] =	stream.linear.gather [hbm4b:s20+s3], $0x50, $0x38;
	[tilespmem:$0x1DA80] =	vst v63  }
0x13b: {  	s21 =	sadd.s32 $0xF00, s11  }
0x13c: {  	[tilespmem:s17], [sflag:$0x8] =	stream.linear.gather [hbm4b:s21+s3], $0x2800, $0x38;
	[tilespmem:$0x1DA80] =	vst v63  }
0x13d: {  	_ =	swait.ge [sflag:s18], $0x50  }
0x13e: {  	[sflag:s18] =	ssyncset.done $0x0  }
0x13f: {  	[sflag:s18] =	ssyncadd.s32 $0xFFFFFFB0  }
0x140: {  	_ =	swait.ge [sflag:s2], $0x2800  }
0x141: {  	[sflag:s2] =	ssyncset.done $0x0  }
0x142: {  	[sflag:s2] =	ssyncadd.s32 $0xFFFFD800  }
0x143: {  	[spmem:s1] =	stream.indirect.scatter.add.f32 [tilespmem:s28], [sflag:$0xA], $0x80, s26, s13, $0xb8;
	[tilespmem:$0x1DA80] =	vst v63  }
0x144: {  	_ =	swait.ge [sflag:s5], $0x2800  }
0x145: {  	[sflag:s5] =	ssyncset.done $0x0  }
0x146: {  	s12 =	sadd.s32 $0xA, s20;
	[sflag:s5] =	ssyncadd.s32 $0xFFFFD800  }
0x147: {  	[tilespmem:s25], [sflag:$0x1] =	stream.linear.gather [hbm4b:s12+s3], $0x50, $0x38;
	[tilespmem:$0x1DA80] =	vst v63  }
0x148: {  	s16 =	sadd.s32 $0x1400, s11  }
0x149: {  	[tilespmem:s3], [sflag:$0x5] =	stream.linear.gather [hbm4b:s16+s3], $0x2800, $0x38;
	[tilespmem:$0x1DA80] =	vst v63  }
0x14a: {  	_ =	swait.ge [sflag:s6], $0x50  }
0x14b: {  	[sflag:s6] =	ssyncset.done $0x0  }
0x14c: {  	[sflag:s6] =	ssyncadd.s32 $0xFFFFFFB0  }
0x14d: {  	_ =	swait.ge [sflag:s7], $0x2800  }
0x14e: {  	[sflag:s7] =	ssyncset.done $0x0  }
0x14f: {  	[sflag:s7] =	ssyncadd.s32 $0xFFFFD800  }
0x150: {  	[spmem:s1] =	stream.indirect.scatter.add.f32 [tilespmem:s30], [sflag:$0xB], $0x80, s29, s13, $0xb8;
	[tilespmem:$0x1DA80] =	vst v63  }
0x151: {  	_ =	swait.ge [sflag:s8], $0x2800  }
0x152: {  	[sflag:s8] =	ssyncset.done $0x0  }
0x153: {  	s20 =	sadd.s32 $0x14, s20;
	[sflag:s8] =	ssyncadd.s32 $0xFFFFD800  }
0x154: {  	[tilespmem:s26], [sflag:$0x2] =	stream.linear.gather [hbm4b:s20+s3], $0x50, $0x38;
	[tilespmem:$0x1DA80] =	vst v63  }
0x155: {  	s21 =	sadd.s32 $0x1900, s11  }
0x156: {  	[tilespmem:s28], [sflag:$0x6] =	stream.linear.gather [hbm4b:s21+s3], $0x2800, $0x38;
	[tilespmem:$0x1DA80] =	vst v63  }
0x157: {  	_ =	swait.ge [sflag:s9], $0x50  }
0x158: {  	[sflag:s9] =	ssyncset.done $0x0  }
.Ltmp5:
0x159: {  	[sflag:s9] =	ssyncadd.s32 $0xFFFFFFB0;
	(pc) =	sbr.rel .LBB2_10-.Ltmp5, $4  }
0x15a: {  	_ =	swait.ge [sflag:s10], $0x2800  }
0x15b: {  	[sflag:s10] =	ssyncset.done $0x0  }
0x15c: {  	[sflag:s10] =	ssyncadd.s32 $0xFFFFD800  }
0x15d: {  	[spmem:s1] =	stream.indirect.scatter.add.f32 [tilespmem:s17], [sflag:$0xC], $0x80, s15, s13, $0xb8;
	[tilespmem:$0x1DA80] =	vst v63  }
.LBB2_4:
0x15e: {  	s11 =	simm.s32 $0x0;
	s4 =	rddreg [dreg:$0xd]  }
0x15f: {  	[tilespmem:s25], [sflag:$0x1] =	stream.linear.gather [hbm4b:s4+s11], $0x50, $0x38;
	[tilespmem:$0x1DA80] =	vst v63  }
0x160: {  	_ = 	snop  }
0x161: {  	[tilespmem:s11], [sflag:$0x5] =	stream.linear.gather [hbm4b:s14+s11], $0x2800, $0x38;
	[tilespmem:$0x1DA80] =	vst v63  }
0x162: {  	s20 =	rddreg [dreg:$0xe]  }
0x163: {  	[tilespmem:s26], [sflag:$0x2] =	stream.linear.gather [hbm4b:s20+s11], $0x50, $0x38;
	[tilespmem:$0x1DA80] =	vst v63  }
0x164: {  	s21 =	rddreg [dreg:$0xf];
	p2 =	por $0x1, $0x1  }
0x165: {  	[tilespmem:s28], [sflag:$0x6] =	stream.linear.gather [hbm4b:s21+s11], $0x2800, $0x38;
	[tilespmem:$0x1DA80] =	vst v63  }
0x166: {  	s11 =	simm.s32 @!p2 $0xB  }
0x167: {  	_ =	swait.ge @!p2 [sflag:s11], $0x2800  }
0x168: {  	[sflag:s11] =	ssyncset.done @!p2 $0x0  }
0x169: {  	s12 =	sadd.s32 $0xFFFFFFF6, s22;
	s16 =	sadd.s32 $0x0, s14;
	[sflag:s11] =	ssyncadd.s32 @!p2 $0xFFFFD800  }
0x16a: {  	[tilespmem:s29], [sflag:$0x3] =	stream.linear.gather [hbm4b:s12+s3], $0x50, $0x38;
	[tilespmem:$0x1DA80] =	vst v63  }
0x16b: {  	s20 =	sadd.s32 $0xA00, s16  }
0x16c: {  	[tilespmem:s30], [sflag:$0x7] =	stream.linear.gather [hbm4b:s20+s3], $0x2800, $0x38;
	[tilespmem:$0x1DA80] =	vst v63  }
0x16d: {  	_ =	swait.ge [sflag:s31], $0x50  }
0x16e: {  	[sflag:s31] =	ssyncset.done $0x0  }
0x16f: {  	[sflag:s31] =	ssyncadd.s32 $0xFFFFFFB0  }
0x170: {  	_ =	swait.ge [sflag:s0], $0x2800  }
0x171: {  	[sflag:s0] =	ssyncset.done $0x0  }
0x172: {  	s11 =	simm.s32 @!p2 $0xC;
	[sflag:s0] =	ssyncadd.s32 $0xFFFFD800  }
0x173: {  	[spmem:s1] =	stream.indirect.scatter.add.f32 [tilespmem:s3], [sflag:$0x9], $0x80, s25, s13, $0xb8;
	[tilespmem:$0x1DA80] =	vst v63  }
0x174: {  	_ =	swait.ge @!p2 [sflag:s11], $0x2800  }
0x175: {  	[sflag:s11] =	ssyncset.done @!p2 $0x0  }
0x176: {  	[sflag:s11] =	ssyncadd.s32 @!p2 $0xFFFFD800  }
0x177: {  	[tilespmem:s15], [sflag:$0x4] =	stream.linear.gather [hbm4b:s22+s3], $0x50, $0x38;
	[tilespmem:$0x1DA80] =	vst v63  }
0x178: {  	s21 =	sadd.s32 $0xF00, s16  }
0x179: {  	[tilespmem:s17], [sflag:$0x8] =	stream.linear.gather [hbm4b:s21+s3], $0x2800, $0x38;
	[tilespmem:$0x1DA80] =	vst v63  }
0x17a: {  	_ =	swait.ge [sflag:s18], $0x50  }
0x17b: {  	[sflag:s18] =	ssyncset.done $0x0  }
0x17c: {  	[sflag:s18] =	ssyncadd.s32 $0xFFFFFFB0  }
0x17d: {  	_ =	swait.ge [sflag:s2], $0x2800  }
0x17e: {  	[sflag:s2] =	ssyncset.done $0x0  }
0x17f: {  	[sflag:s2] =	ssyncadd.s32 $0xFFFFD800  }
0x180: {  	[spmem:s1] =	stream.indirect.scatter.add.f32 [tilespmem:s28], [sflag:$0xA], $0x80, s26, s13, $0xb8;
	[tilespmem:$0x1DA80] =	vst v63  }
0x181: {  	_ =	swait.ge [sflag:s5], $0x2800  }
0x182: {  	[sflag:s5] =	ssyncset.done $0x0  }
0x183: {  	s4 =	sadd.s32 $0xA, s22;
	[sflag:s5] =	ssyncadd.s32 $0xFFFFD800  }
0x184: {  	[tilespmem:s25], [sflag:$0x1] =	stream.linear.gather [hbm4b:s4+s3], $0x50, $0x38;
	[tilespmem:$0x1DA80] =	vst v63  }
0x185: {  	s12 =	sadd.s32 $0x1400, s16  }
0x186: {  	[tilespmem:s3], [sflag:$0x5] =	stream.linear.gather [hbm4b:s12+s3], $0x2800, $0x38;
	[tilespmem:$0x1DA80] =	vst v63  }
0x187: {  	_ =	swait.ge [sflag:s6], $0x50  }
0x188: {  	[sflag:s6] =	ssyncset.done $0x0  }
0x189: {  	[sflag:s6] =	ssyncadd.s32 $0xFFFFFFB0  }
0x18a: {  	_ =	swait.ge [sflag:s7], $0x2800  }
0x18b: {  	[sflag:s7] =	ssyncset.done $0x0  }
0x18c: {  	[sflag:s7] =	ssyncadd.s32 $0xFFFFD800  }
0x18d: {  	[spmem:s1] =	stream.indirect.scatter.add.f32 [tilespmem:s30], [sflag:$0xB], $0x80, s29, s13, $0xb8;
	[tilespmem:$0x1DA80] =	vst v63  }
0x18e: {  	_ =	swait.ge [sflag:s8], $0x2800  }
0x18f: {  	[sflag:s8] =	ssyncset.done $0x0  }
0x190: {  	s20 =	sadd.s32 $0x14, s22;
	[sflag:s8] =	ssyncadd.s32 $0xFFFFD800  }
0x191: {  	[tilespmem:s26], [sflag:$0x2] =	stream.linear.gather [hbm4b:s20+s3], $0x50, $0x38;
	[tilespmem:$0x1DA80] =	vst v63  }
0x192: {  	s21 =	sadd.s32 $0x1900, s16  }
0x193: {  	[tilespmem:s28], [sflag:$0x6] =	stream.linear.gather [hbm4b:s21+s3], $0x2800, $0x38;
	[tilespmem:$0x1DA80] =	vst v63  }
0x194: {  	_ =	swait.ge [sflag:s9], $0x50  }
0x195: {  	[sflag:s9] =	ssyncset.done $0x0  }
0x196: {  	[sflag:s9] =	ssyncadd.s32 $0xFFFFFFB0  }
0x197: {  	p3 =	por $0x0, $0x0;
	s11 =	simm.s32 $0x2800;
	_ =	swait.ge [sflag:s10], $0x2800  }
0x198: {  	s20 =	sadd.s32 $0x28, s22;
	s21 =	simm.s32 $0x1400;
	[sflag:s10] =	ssyncset.done $0x0  }
.LBB2_5:
0x199: {  	s16 =	simm.s32 @!p3 $0xB  }
0x19a: {  	[sflag:s10] =	ssyncadd.s32 $0xFFFFD800;
	s12 =	smov.u32 s11;
	s11 =	sadd.s32 $0x1400, s11  }
0x19b: {  	[spmem:s1] =	stream.indirect.scatter.add.f32 [tilespmem:s17], [sflag:$0xC], $0x80, s15, s13, $0xb8;
	[tilespmem:$0x1DA80] =	vst v63  }
0x19c: {  	p2 =	seq.s32 s11, $0x4D800;
	_ =	swait.ge @!p3 [sflag:s16], $0x2800  }
0x19d: {  	[sflag:s16] =	ssyncset.done @!p3 $0x0  }
0x19e: {  	s4 =	sadd.s32 $0xFFFFFFF6, s20;
	[sflag:s16] =	ssyncadd.s32 @!p3 $0xFFFFD800;
	s16 =	sadd.s32 s21, s14  }
0x19f: {  	[tilespmem:s29], [sflag:$0x3] =	stream.linear.gather [hbm4b:s4+s3], $0x50, $0x38;
	[tilespmem:$0x1DA80] =	vst v63  }
0x1a0: {  	s21 =	smov.u32 s12;
	s4 =	sadd.s32 $0xA00, s16  }
0x1a1: {  	[tilespmem:s30], [sflag:$0x7] =	stream.linear.gather [hbm4b:s4+s3], $0x2800, $0x38;
	[tilespmem:$0x1DA80] =	vst v63  }
0x1a2: {  	_ =	swait.ge [sflag:s31], $0x50  }
0x1a3: {  	[sflag:s31] =	ssyncset.done $0x0  }
0x1a4: {  	[sflag:s31] =	ssyncadd.s32 $0xFFFFFFB0  }
0x1a5: {  	_ =	swait.ge [sflag:s0], $0x2800  }
0x1a6: {  	[sflag:s0] =	ssyncset.done $0x0  }
0x1a7: {  	s4 =	simm.s32 @!p3 $0xC;
	[sflag:s0] =	ssyncadd.s32 $0xFFFFD800  }
0x1a8: {  	[spmem:s1] =	stream.indirect.scatter.add.f32 [tilespmem:s3], [sflag:$0x9], $0x80, s25, s13, $0xb8;
	[tilespmem:$0x1DA80] =	vst v63  }
0x1a9: {  	_ =	swait.ge @!p3 [sflag:s4], $0x2800  }
0x1aa: {  	[sflag:s4] =	ssyncset.done @!p3 $0x0  }
0x1ab: {  	[sflag:s4] =	ssyncadd.s32 @!p3 $0xFFFFD800  }
0x1ac: {  	[tilespmem:s15], [sflag:$0x4] =	stream.linear.gather [hbm4b:s20+s3], $0x50, $0x38;
	[tilespmem:$0x1DA80] =	vst v63  }
0x1ad: {  	s4 =	sadd.s32 $0xF00, s16  }
0x1ae: {  	[tilespmem:s17], [sflag:$0x8] =	stream.linear.gather [hbm4b:s4+s3], $0x2800, $0x38;
	[tilespmem:$0x1DA80] =	vst v63  }
0x1af: {  	_ =	swait.ge [sflag:s18], $0x50  }
0x1b0: {  	[sflag:s18] =	ssyncset.done $0x0  }
0x1b1: {  	[sflag:s18] =	ssyncadd.s32 $0xFFFFFFB0  }
0x1b2: {  	_ =	swait.ge [sflag:s2], $0x2800  }
0x1b3: {  	[sflag:s2] =	ssyncset.done $0x0  }
0x1b4: {  	[sflag:s2] =	ssyncadd.s32 $0xFFFFD800  }
0x1b5: {  	[spmem:s1] =	stream.indirect.scatter.add.f32 [tilespmem:s28], [sflag:$0xA], $0x80, s26, s13, $0xb8;
	[tilespmem:$0x1DA80] =	vst v63  }
0x1b6: {  	_ =	swait.ge [sflag:s5], $0x2800  }
0x1b7: {  	[sflag:s5] =	ssyncset.done $0x0  }
0x1b8: {  	s4 =	sadd.s32 $0xA, s20;
	[sflag:s5] =	ssyncadd.s32 $0xFFFFD800  }
0x1b9: {  	[tilespmem:s25], [sflag:$0x1] =	stream.linear.gather [hbm4b:s4+s3], $0x50, $0x38;
	[tilespmem:$0x1DA80] =	vst v63  }
0x1ba: {  	s4 =	sadd.s32 $0x1400, s16  }
0x1bb: {  	[tilespmem:s3], [sflag:$0x5] =	stream.linear.gather [hbm4b:s4+s3], $0x2800, $0x38;
	[tilespmem:$0x1DA80] =	vst v63  }
0x1bc: {  	_ =	swait.ge [sflag:s6], $0x50  }
0x1bd: {  	[sflag:s6] =	ssyncset.done $0x0  }
0x1be: {  	[sflag:s6] =	ssyncadd.s32 $0xFFFFFFB0  }
0x1bf: {  	_ =	swait.ge [sflag:s7], $0x2800  }
0x1c0: {  	[sflag:s7] =	ssyncset.done $0x0  }
0x1c1: {  	[sflag:s7] =	ssyncadd.s32 $0xFFFFD800  }
0x1c2: {  	[spmem:s1] =	stream.indirect.scatter.add.f32 [tilespmem:s30], [sflag:$0xB], $0x80, s29, s13, $0xb8;
	[tilespmem:$0x1DA80] =	vst v63  }
0x1c3: {  	_ =	swait.ge [sflag:s8], $0x2800  }
0x1c4: {  	[sflag:s8] =	ssyncset.done $0x0  }
0x1c5: {  	s4 =	sadd.s32 $0x14, s20;
	[sflag:s8] =	ssyncadd.s32 $0xFFFFD800  }
0x1c6: {  	[tilespmem:s26], [sflag:$0x2] =	stream.linear.gather [hbm4b:s4+s3], $0x50, $0x38;
	[tilespmem:$0x1DA80] =	vst v63  }
0x1c7: {  	s4 =	sadd.s32 $0x1900, s16  }
0x1c8: {  	[tilespmem:s28], [sflag:$0x6] =	stream.linear.gather [hbm4b:s4+s3], $0x2800, $0x38;
	[tilespmem:$0x1DA80] =	vst v63  }
.Ltmp6:
0x1c9: {  	_ =	swait.ge [sflag:s9], $0x50;
	(pc) =	sbr.rel @!p2 .LBB2_5-.Ltmp6, $4  }
0x1ca: {  	[sflag:s9] =	ssyncset.done $0x0  }
0x1cb: {  	[sflag:s9] =	ssyncadd.s32 $0xFFFFFFB0  }
0x1cc: {  	_ =	swait.ge [sflag:s10], $0x2800  }
0x1cd: {  	p3 =	seq.s32 s21, $0x0;
	s20 =	sadd.s32 $0x28, s20;
	[sflag:s10] =	ssyncset.done $0x0  }
.Ltmp7:
0x1ce: {  	_ = 	snop;
	(pc) =	sbr.rel .LBB2_6-.Ltmp7, $1  }
0x1cf: {  	_ =	sdelay $0x3  }
.LBB2_11:
0x1d0: {  	_ =	sfence.sel $0x180000  }
0x1d1: {  	[bflag:$0x0] =	sbarrier.arrive $0xFFFF  }
0x1d2: {  	_ =	strace $0x90000047  }
0x1d3: {  	s0 =	stileid.u32;
	[bflag:$0x2] =	sbarrier.arrive $0xFFFF  }
0x1d4: {  	p0 =	sne.s32 s0, $0x0;
	s0 =	rddreg [dreg:$0x3]  }
0x1d5: {  	s0 =	sadd.s32 @!p0 $0x100000, s0  }
0x1d6: {  	[sflag:s0] =	ssyncadd.tile.s32 @!p0 $0x1;
	_ =	shalt  }
.Lfunc_end2:
_tile_overlayer_lowered:
.L_overlay_start_2:
0x1d7: {  	(tag) =	ssettag $0x2  }
0x1d8: {  	s0 =	rddreg [dreg:$0x0];
	s2 =	stileid.u32  }
0x1d9: {  	s1 =	rddreg [dreg:$0x1];
	p0 =	sne.s32 s2, $0x0  }
0x1da: {  	s3 =	rddreg [dreg:$0x2];
	[bflag:$0x3] =	sbarrier.arrive $0xFFFF;
	s2 =	simm.s32 @!p0 $0x1C0D  }
0x1db: {  	[timem:s3], [sflag:s2] =	dma.local @!p0 [hbm:s0], s1  }
0x1dc: {  	s0 =	simm.s32 @!p0 $0xD  }
0x1dd: {  	_ =	swait.ge @!p0 [sflag:s0], s1  }
0x1de: {  	s1 =	ssub.s32 @!p0 $0x0, s1;
	[sflag:s0] =	ssyncset.done @!p0 $0x0  }
0x1df: {  	[sflag:s0] =	ssyncadd.s32 @!p0 s1  }
0x1e0: {  	[bflag:$0x3] =	sbarrier.arrive $0xFFFF  }
0x1e1: {  	_ =	shalt  }

// kernel: kernel.13.cloned.1.call-start
scs
__scs_entry_jumppad:
0x0: {  	(pc) =	sbr.rel $0x88, $3  }
0x1: {  	(tag) =	ssettag $0x0;
	lr =	simm.s32 $0x1  }
0x2: {  	[smem:$0x3F9B] =	sst lr;
	_ =	strace $0xD0000000  }
0x3: {  	_ = 	snop  }
0x4: {  	_ = 	snop  }
0x5: {  	_ = 	snop  }
0x6: {  	_ = 	snop  }
0x7: {  	_ = 	snop  }
__scs_overlays_trampoline_lowered:
0x8: {  	[smem:$0x3FAA] =	sst s0  }
0x9: {  	[smem:$0x3FAB] =	sst s1  }
0xa: {  	[smem:$0x3FAC] =	sst s2  }
0xb: {  	[smem:$0x3FAD] =	sst s3  }
0xc: {  	[smem:$0x3FAE] =	sst s4  }
0xd: {  	[smem:$0x3FAF] =	sst s5  }
0xe: {  	[smem:$0x3FB0] =	sst s6  }
0xf: {  	[smem:$0x3FB1] =	sst s7  }
0x10: {  	[smem:$0x3FB2] =	sst s8  }
0x11: {  	[smem:$0x3FB3] =	sst s9;
	s0 =	simm.s32 @!p0 $0x0  }
0x12: {  	s1 =	sld [smem:$0x3F99];
	s0 =	simm.s32 @p0 $0x1  }
0x13: {  	[smem:$0x3FB4] =	sst s0;
	s0 =	simm.s32 @!p1 $0x0  }
0x14: {  	s2 =	sld [smem:$0x3F98];
	s0 =	simm.s32 @p1 $0x1  }
0x15: {  	[smem:$0x3FB5] =	sst s0;
	s0 =	simm.s32 @!p2 $0x0  }
0x16: {  	s3 =	sld [smem:$0x3FDB];
	s0 =	simm.s32 @p2 $0x1  }
0x17: {  	s4 =	simm.s32 $0x1BF5;
	[smem:$0x3FB7] =	sst s0  }
0x18: {  	s0 =	sld [smem:$0x3F9A];
	_ =	swait.ge [sflag:s4], $0x0  }
0x19: {  	s7 =	sld [smem:$0x3F9B]  }
0x1a: {  	s8 =	sadd.s32 $0xFFFFE003, lr  }
0x1b: {  	s9 =	sadd.s32 $0xFFFFFEF7, lr;
	s5 =	simm.s32 $0xFFFFFFFF;
	p2 =	slt.u32 s8, $0xFFFFF086  }
0x1c: {  	p1 =	slt.u32 s9, $0xF7A;
	s5 =	simm.s32 @!p2 $0x0  }
0x1d: {  	s5 =	simm.s32 @p1 $0x1;
	p0 =	seq.s32 s7, s2  }
0x1e: {  	s7 =	smul.u32 @!p0 $0xF7A, s2;
	p2 =	seq.s32 @!p0 s5, $0x0  }
0x1f: {  	s9 =	smul.u32 $0xF7A, s1;
	s8 =	simm.s32 @!p0 $0x1BF5;
	p2 =	por !p2, p0  }
0x20: {  	[sflag:s8] =	ssyncset.s32 @!p0 $0xFFFFF086;
	s6 =	sadd.s32 @!p0 s3, s7;
	s7 =	simm.s32 @!p0 $0x108  }
0x21: {  	s3 =	sadd.s32 s3, s9;
	s6 =	sadd.s32 @!p0 $0x88, s6;
	s7 =	simm.s32 @p2 $0x1082  }
0x22: {  	[simem:s7], [sflag:s8] =	dma.local @!p0 [hbm:s6], $0xF7A  }
0x23: {  	s9 =	sor.u32 $0xD0000000, s2;
	s6 =	simm.s32 $0x108;
	_ =	swait.ge @!p0 [sflag:s8], $0x0  }
0x24: {  	s3 =	sadd.s32 $0x88, s3;
	s6 =	simm.s32 @!p1 $0x1082;
	[sflag:s4] =	ssyncset.s32 $0xFFFFF086  }
0x25: {  	[simem:s6], [sflag:s4] =	dma.local [hbm:s3], $0xF7A  }
0x26: {  	[smem:$0x3F9B] =	sst s1;
	(tag) =	ssettag s2;
	_ =	strace s9  }
0x27: {  	s1 =	sld [smem:$0x3FAB]  }
0x28: {  	s2 =	sld [smem:$0x3FAC]  }
0x29: {  	s4 =	sld [smem:$0x3FAE]  }
0x2a: {  	p0 =	seq.s32 s5, $0x0;
	s5 =	sld [smem:$0x3FAF]  }
0x2b: {  	s6 =	sld [smem:$0x3FB0]  }
0x2c: {  	s7 =	sld [smem:$0x3FB1]  }
0x2d: {  	s3 =	simm.s32 $0x108;
	s8 =	sld [smem:$0x3FB2]  }
0x2e: {  	s3 =	simm.s32 @!p0 $0x1082;
	s9 =	sld [smem:$0x3FB3]  }
0x2f: {  	lr =	sadd.s32 s0, s3;
	s0 =	sld [smem:$0x3FAA]  }
0x30: {  	s3 =	sld [smem:$0x3FAD]  }
0x31: {  	[smem:$0x3FB6] =	sst s10  }
0x32: {  	s10 =	sld [smem:$0x3FB4];
	_ =	sdelay $0x3  }
0x33: {  	p0 =	seq.s32 s10, $0x1;
	s10 =	sld [smem:$0x3FB6];
	_ =	sdelay $0x3  }
0x34: {  	[smem:$0x3FB6] =	sst s10  }
0x35: {  	s10 =	sld [smem:$0x3FB5];
	_ =	sdelay $0x3  }
0x36: {  	p1 =	seq.s32 s10, $0x1;
	s10 =	sld [smem:$0x3FB6];
	_ =	sdelay $0x3  }
0x37: {  	[smem:$0x3FB6] =	sst s10  }
0x38: {  	s10 =	sld [smem:$0x3FB7]  }
0x39: {  	_ = 	snop;
	(pc) =	sbr.ind lr, $3  }
0x3a: {  	_ = 	snop  }
0x3b: {  	_ = 	snop  }
0x3c: {  	p2 =	seq.s32 s10, $0x1;
	s10 =	sld [smem:$0x3FB6]  }
0x3d: {  	_ =	shalt  }
0x3e: {  	_ =	shalt  }
0x3f: {  	_ =	shalt  }
0x40: {  	_ =	shalt  }
0x41: {  	_ =	shalt  }
0x42: {  	_ =	shalt  }
0x43: {  	_ =	shalt  }
0x44: {  	_ =	shalt  }
0x45: {  	_ =	shalt  }
0x46: {  	_ =	shalt  }
0x47: {  	_ =	shalt  }
0x48: {  	_ =	shalt  }
0x49: {  	_ =	shalt  }
0x4a: {  	_ =	shalt  }
0x4b: {  	_ =	shalt  }
0x4c: {  	_ =	shalt  }
0x4d: {  	_ =	shalt  }
0x4e: {  	_ =	shalt  }
0x4f: {  	_ =	shalt  }
0x50: {  	_ =	shalt  }
0x51: {  	_ =	shalt  }
0x52: {  	_ =	shalt  }
0x53: {  	_ =	shalt  }
0x54: {  	_ =	shalt  }
0x55: {  	_ =	shalt  }
0x56: {  	_ =	shalt  }
0x57: {  	_ =	shalt  }
0x58: {  	_ =	shalt  }
0x59: {  	_ =	shalt  }
0x5a: {  	_ =	shalt  }
0x5b: {  	_ =	shalt  }
0x5c: {  	_ =	shalt  }
0x5d: {  	_ =	shalt  }
0x5e: {  	_ =	shalt  }
0x5f: {  	_ =	shalt  }
0x60: {  	_ =	shalt  }
0x61: {  	_ =	shalt  }
0x62: {  	_ =	shalt  }
0x63: {  	_ =	shalt  }
0x64: {  	_ =	shalt  }
0x65: {  	_ =	shalt  }
0x66: {  	_ =	shalt  }
0x67: {  	_ =	shalt  }
0x68: {  	_ =	shalt  }
0x69: {  	_ =	shalt  }
0x6a: {  	_ =	shalt  }
0x6b: {  	_ =	shalt  }
0x6c: {  	_ =	shalt  }
0x6d: {  	_ =	shalt  }
0x6e: {  	_ =	shalt  }
0x6f: {  	_ =	shalt  }
0x70: {  	_ =	shalt  }
0x71: {  	_ =	shalt  }
0x72: {  	_ =	shalt  }
0x73: {  	_ =	shalt  }
0x74: {  	_ =	shalt  }
0x75: {  	_ =	shalt  }
0x76: {  	_ =	shalt  }
0x77: {  	_ =	shalt  }
0x78: {  	_ =	shalt  }
0x79: {  	_ =	shalt  }
0x7a: {  	_ =	shalt  }
0x7b: {  	_ =	shalt  }
0x7c: {  	_ =	shalt  }
0x7d: {  	_ =	shalt  }
0x7e: {  	_ =	shalt  }
0x7f: {  	_ =	shalt  }
0x80: {  	_ =	shalt  }
0x81: {  	_ =	shalt  }
0x82: {  	_ =	shalt  }
0x83: {  	_ =	shalt  }
0x84: {  	_ =	shalt  }
0x85: {  	_ =	shalt  }
0x86: {  	_ =	shalt  }
0x87: {  	_ =	shalt  }
.Lfunc_end0:
.L_simem_size_0:
called_computation.1_lowered:
.L_overlay_start_0:
0x88: {  	s2 =	sld [smem:$0x3FD9]  }
0x89: {  	s3 =	sld [smem:$0x3FFE];
	_ =	sdelay $0x1  }
0x8a: {  	s1 =	srdreg.scid  }
0x8b: {  	s0 =	sand.u32 $0x1, s1  }
0x8c: {  	s17 =	sshll.u32 s0, $0xA;
	s2 =	sadd.s32 s3, s2  }
0x8d: {  	s2 =	sadd.s32 s2, s17  }
0x8e: {  	[smem:$0x3FC2] =	sst s2  }
0x8f: {  	_ = 	snop  }
0x90: {  	(tm) =	ssettm $0x1  }
0x91: {  	s18 =	sld [smem:$0x3FFB];
	_ =	sdelay $0x3  }
0x92: {  	_ =	strace s18  }
0x93: {  	s2 =	sld [smem:$0x3FFC];
	_ =	sdelay $0x3  }
0x94: {  	_ =	strace s2  }
0x95: {  	s2 =	sld [smem:$0x3FFD];
	_ =	sdelay $0x3  }
0x96: {  	_ =	strace s2  }
0x97: {  	_ =	strace $0x8FFFFFFF  }
0x98: {  	s19 =	sld [smem:$0x3FDB];
	_ =	sdelay $0x1  }
0x99: {  	s20 =	simm.s32 $_scs_section_size  }
0x9a: {  	s4 =	simm.s32 $_size__tile_overlayer_lowered;
	s5 =	simm.s32 $_tile_overlayer_lowered  }
0x9b: {  	s6 =	simm.s32 $0x1BFF;
	s21 =	sshll.u32 s5, $0x1;
	s3 =	sadd.s32 s20, s19  }
0x9c: {  	s22 =	simm.s32 $0x0;
	s4 =	sshll.u32 s4, $0x1;
	s5 =	sadd.s32 s21, s3  }
0x9d: {  	[timem:s22], [sflag:s6] =	dma.local [hbm:s5], s4  }
0x9e: {  	_ =	swait.ge [sflag:s6], s4  }
0x9f: {  	s4 =	ssub.s32 $0x0, s4;
	[sflag:s6] =	ssyncset.done $0x0  }
0xa0: {  	[sflag:s6] =	ssyncadd.s32 s4;
	_ =	sdelay $0x1  }
0xa1: {  	s23 =	simm.s32 $0x1B8B  }
0xa2: {  	_ =	swait.ge [sflag:s23], $0x1  }
0xa3: {  	[sflag:s23] =	ssyncset.done $0x0  }
0xa4: {  	[sflag:s23] =	ssyncadd.s32 $0xFFFFFFFF  }
0xa5: {  	s4 =	sld [smem:$0x0]  }
0xa6: {  	s5 =	sand.u32 $0xFFFFFFFE, s1  }
0xa7: {  	p0 =	sne.s32 s1, s5  }
0xa8: {  	s5 =	sshll.u32 @p0 s5, $0xE  }
0xa9: {  	s5 =	sadd.s32 @p0 $0x11B8D, s5;
	s6 =	sshll.u32 @p0 s4, $0x11  }
0xaa: {  	s5 =	sor.u32 @p0 s6, s5  }
0xab: {  	[sflag:s5] =	ssyncadd.remote.s32 @p0 $0x1;
	_ =	sdelay $0x1  }
0xac: {  	s5 =	simm.s32 @p0 $0x1B8D  }
0xad: {  	_ =	swait.eq @p0 [sflag:s5], $0x1  }
0xae: {  	[sflag:s5] =	ssyncadd.s32 @p0 $0xFFFFFFFF  }
0xaf: {  	s6 =	sshll.u32 @!p0 s1, $0xE  }
0xb0: {  	s6 =	sor.u32 @!p0 $0x4000, s6;
	s5 =	simm.s32 @!p0 $0x1B8D  }
0xb1: {  	s4 =	sshll.u32 @!p0 s4, $0x11;
	s6 =	sadd.s32 @!p0 $0x11B8D, s6;
	_ =	swait.eq @!p0 [sflag:s5], $0x1  }
0xb2: {  	s4 =	sor.u32 @!p0 s4, s6;
	[sflag:s5] =	ssyncadd.s32 @!p0 $0xFFFFFFFF  }
0xb3: {  	s25 =	simm.s32 $0x1B8E;
	s24 =	sld [smem:$0x3FFE];
	[sflag:s4] =	ssyncadd.remote.s32 @!p0 $0x1  }
0xb4: {  	s26 =	simm.s32 $execute0_lowered;
	[smem:$0x3FD2] =	sst s25  }
0xb5: {  	s5 =	sshll.u32 s26, $0x1;
	_ =	strace $0x80000049;
	[dreg:$0x1] =	wrdreg $0xFFFFFFFF  }
0xb6: {  	s28 =	simm.s32 $_size_execute0_lowered;
	s3 =	sadd.s32 s3, s5;
	[dreg:$0x0] =	wrdreg $0x0  }
0xb7: {  	s5 =	sshll.u32 s28, $0x1;
	[dreg:$0x2] =	wrdreg s3  }
0xb8: {  	[dreg:$0x3] =	wrdreg s5  }
0xb9: {  	[dreg:$0x4] =	wrdreg $0xC0  }
0xba: {  	_ =	task [dreg:s22], $0x5FFFF  }
0xbb: {  	[dreg:$0x1] =	wrdreg $0xFFFFFFFF  }
0xbc: {  	[dreg:$0x0] =	wrdreg $0x60  }
0xbd: {  	[dreg:$0x2] =	wrdreg s24  }
0xbe: {  	[dreg:$0x3] =	wrdreg $0x51000  }
0xbf: {  	[dreg:$0x4] =	wrdreg $0xA  }
0xc0: {  	_ =	task.clear_ibuf [dreg:s22], $0x5FFFF;
	_ =	strace $0x90000049  }
0xc1: {  	s29 =	simm.s32 $0xA;
	_ =	strace $0x8000004B  }
0xc2: {  	_ =	swait.ge [sflag:s29], $0x1  }
0xc3: {  	[sflag:s29] =	ssyncadd.s32 $0xFFFFFFFF  }
0xc4: {  	_ =	strace $0x9000004B  }
0xc5: {  	_ =	sfence  }
0xc6: {  	s30 =	sld [smem:$0x0];
	_ =	sdelay $0x2  }
0xc7: {  	s31 =	sshll.u32 s1, $0xD;
	s1 =	sshrl.u32 s1, $0x2  }
0xc8: {  	s4 =	sand.u32 $0x4000, s31;
	s1 =	sadd.s32 s1, s30  }
0xc9: {  	s0 =	sor.u32 s4, s0;
	s1 =	sshll.u32 s1, $0x11  }
0xca: {  	s0 =	sor.u32 s1, s0  }
0xcb: {  	s0 =	sadd.s32 $0x8F2B, s0  }
0xcc: {  	[sflag:s0] =	ssyncadd.remote.s32 $0x1  }
0xcd: {  	_ =	sfence.sel $0xFFFF  }
0xce: {  	[dreg:$0x0] =	wrdreg $0xFFFFFFFF;
	(pc) =	sbr.abs _section_cstart, $3  }
0xcf: {  	[dreg:$0x1] =	wrdreg $0xFFFFFFFF  }
0xd0: {  	_ =	task.clear_ibuf [dreg:s22], $0x2FFFF;
	_ =	strace $0x9FFFFFFF  }
0xd1: {  	(tm) =	ssettm $0x7FFFFFFF  }
tec
execute0_lowered:
.L_overlay_start_1:
0x0: {  	(tag) =	ssettag $0x1  }
0x1: {  	s0 =	rddreg [dreg:$0x0]  }
0x2: {  	s2 =	rddreg [dreg:$0x1];
	s3 =	simm.s32 $0x0  }
0x3: {  	s22 =	stileid.u32;
	s1 =	srdreg.scid;
	s23 =	simm.s32 $0x3  }
0x4: {  	s24 =	simm.s32 $0x80;
	s25 =	simm.s32 $0x1;
	s28 =	simm.s32 $0x100  }
0x5: {  	s29 =	simm.s32 $0x2;
	s30 =	simm.s32 $0x0;
	s5 =	smul.u32 $0x4E000, s22  }
0x6: {  	[smem:$0x7FF] =	sst s3;
	s4 =	sadd.s32 $0x2200, s0;
	s17 =	smul.u32 $0x13800, s22  }
0x7: {  	s0 =	sadd.s32 $0x64000, s0;
	s1 =	sand.u32 $0x1, s1;
	s19 =	smul.u32 $0x2710, s22  }
0x8: {  	s14 =	sadd.s32 $0x138000, s2;
	p0 =	sne.s32 s22, $0xF;
	_ =	strace $0x8000004A  }
0x9: {  	s6 =	ssub.s32 $0x2, s1;
	s7 =	sshll.u32 s1, $0x4;
	s16 =	smul.u32 $0x138800, s1  }
0xa: {  	s1 =	smul.u32 $0x27100, s1;
	s5 =	sshrl.u32 s5, $0x2;
	s8 =	sshrl.u32 s6, $0x1  }
0xb: {  	s7 =	sor.u32 s22, s7;
	s22 =	simm.s32 $0x2900;
	s5 =	sadd.s32 s5, s2  }
0xc: {  	s18 =	ssub.s32 s6, s8;
	s12 =	smul.u32 $0x2710, s7;
	s17 =	sadd.s32 s17, s16  }
0xd: {  	s20 =	sshrl.u32 s16, $0x3;
	s1 =	sadd.s32 s19, s1;
	s26 =	sadd.s32 $0x2800, s5  }
0xe: {  	s7 =	sadd.s32 $0x5000, s5;
	s8 =	sadd.s32 $0x7800, s5;
	s9 =	sadd.s32 $0xA000, s5  }
0xf: {  	s10 =	sadd.s32 $0xC800, s5;
	s11 =	sadd.s32 $0xF000, s5;
	s17 =	sshrl.u32 s17, $0x3  }
0x10: {  	s19 =	sadd.s32 $0xF0, s1;
	s18 =	smax.u32 s18, $0x1;
	s21 =	sadd.s32 $0xA0, s1  }
0x11: {  	[dreg:$0x3] =	wrdreg s26;
	s13 =	sshrl.u32 s12, $0x3;
	s12 =	sadd.s32 $0x11800, s5  }
0x12: {  	s16 =	sadd.s32 s0, s17;
	s0 =	sadd.s32 s0, s20;
	s31 =	sshrl.u32 s19, $0x3  }
0x13: {  	s26 =	simm.s32 $0x50;
	s13 =	sadd.s32 s4, s13;
	s17 =	sadd.s32 $0x27000, s0  }
0x14: {  	v0 =	vimm.f32 $1.000000000e+00;
	v1 =	vimm.f32 $0.0e+00;
	s20 =	sadd.s32 s31, s4;
	s15 =	sadd.s32 $0xA, s13;
	s19 =	sadd.s32 $0x4D8, s13  }
.LBB2_1:
0x15: {  	s0 =	simm.s32 $0x0;
	s31 =	simm.s32 $0x200  }
.LBB2_2:
0x16: {  	p1 =	sne.s32 s31, $0x9E00;
	[tilespmem:s0+$0x170] =	vst v0  }
0x17: {  	[tilespmem:s0+$0x100] =	vst v0  }
0x18: {  	[tilespmem:s0+$0x110] =	vst v0  }
.Ltmp0:
0x19: {  	[tilespmem:s0+$0x120] =	vst v0;
	(pc) =	sbr.rel @p1 .LBB2_2-.Ltmp0, $4  }
0x1a: {  	[tilespmem:s0+$0x130] =	vst v0  }
0x1b: {  	[tilespmem:s0+$0x140] =	vst v0  }
0x1c: {  	[tilespmem:s0+$0x150] =	vst v0  }
0x1d: {  	[tilespmem:s0+$0x160] =	vst v0;
	s0 =	sshra.s32 s31, $0x2;
	s31 =	sadd.s32 $0x200, s31  }
0x1e: {  	[tilespmem:s0+$0x170] =	vst v0  }
0x1f: {  	[tilespmem:s0+$0x100] =	vst v0  }
0x20: {  	[tilespmem:s0+$0x110] =	vst v0  }
0x21: {  	[tilespmem:s0+$0x120] =	vst v0  }
0x22: {  	[tilespmem:s0+$0x130] =	vst v0  }
0x23: {  	[tilespmem:s0+$0x140] =	vst v0  }
0x24: {  	[tilespmem:s0+$0x150] =	vst v0  }
0x25: {  	[tilespmem:s0+$0x160] =	vst v0;
	s0 =	simm.s32 $0x0;
	s31 =	simm.s32 $0x200  }
.LBB2_4:
0x26: {  	p1 =	sne.s32 s31, $0x9E00;
	[tilespmem:s0+$0x2970] =	vst v1  }
0x27: {  	[tilespmem:s0+$0x2900] =	vst v1  }
0x28: {  	[tilespmem:s0+$0x2910] =	vst v1  }
.Ltmp1:
0x29: {  	[tilespmem:s0+$0x2920] =	vst v1;
	(pc) =	sbr.rel @p1 .LBB2_4-.Ltmp1, $4  }
0x2a: {  	[tilespmem:s0+$0x2930] =	vst v1  }
0x2b: {  	[tilespmem:s0+$0x2940] =	vst v1  }
0x2c: {  	[tilespmem:s0+$0x2950] =	vst v1  }
0x2d: {  	[tilespmem:s0+$0x2960] =	vst v1;
	s0 =	sshra.s32 s31, $0x2;
	s31 =	sadd.s32 $0x200, s31  }
0x2e: {  	[tilespmem:s0+$0x2970] =	vst v1  }
0x2f: {  	[tilespmem:s0+$0x2900] =	vst v1  }
0x30: {  	[tilespmem:s0+$0x2910] =	vst v1  }
0x31: {  	[tilespmem:s0+$0x2920] =	vst v1  }
0x32: {  	[tilespmem:s0+$0x2930] =	vst v1  }
0x33: {  	[tilespmem:s0+$0x2940] =	vst v1  }
0x34: {  	[tilespmem:s0+$0x2950] =	vst v1  }
0x35: {  	[tilespmem:s0+$0x2960] =	vst v1  }
0x36: {  	[spmem:s5] =	stream.linear.scatter [tilespmem:s22], [sflag:$0x3], $0x2800, $0x38;
	[tilespmem:$0x18980] =	vst v63  }
0x37: {  	_ =	swait.ge [sflag:s23], $0x2800  }
0x38: {  	[sflag:s23] =	ssyncset.done $0x0  }
0x39: {  	s6 =	rddreg [dreg:$0x3];
	[sflag:s23] =	ssyncadd.s32 $0xFFFFD800  }
0x3a: {  	[spmem:s6] =	stream.linear.scatter [tilespmem:s22], [sflag:$0x3], $0x2800, $0x38;
	[tilespmem:$0x18980] =	vst v63  }
0x3b: {  	_ =	swait.ge [sflag:s23], $0x2800  }
0x3c: {  	[sflag:s23] =	ssyncset.done $0x0  }
0x3d: {  	[sflag:s23] =	ssyncadd.s32 $0xFFFFD800  }
0x3e: {  	[spmem:s7] =	stream.linear.scatter [tilespmem:s22], [sflag:$0x3], $0x2800, $0x38;
	[tilespmem:$0x18980] =	vst v63  }
0x3f: {  	_ =	swait.ge [sflag:s23], $0x2800  }
0x40: {  	[sflag:s23] =	ssyncset.done $0x0  }
0x41: {  	[sflag:s23] =	ssyncadd.s32 $0xFFFFD800  }
0x42: {  	[spmem:s8] =	stream.linear.scatter [tilespmem:s22], [sflag:$0x3], $0x2800, $0x38;
	[tilespmem:$0x18980] =	vst v63  }
0x43: {  	_ =	swait.ge [sflag:s23], $0x2800  }
0x44: {  	[sflag:s23] =	ssyncset.done $0x0  }
0x45: {  	[sflag:s23] =	ssyncadd.s32 $0xFFFFD800  }
0x46: {  	[spmem:s9] =	stream.linear.scatter [tilespmem:s22], [sflag:$0x3], $0x2800, $0x38;
	[tilespmem:$0x18980] =	vst v63  }
0x47: {  	_ =	swait.ge [sflag:s23], $0x2800  }
0x48: {  	[sflag:s23] =	ssyncset.done $0x0  }
0x49: {  	[sflag:s23] =	ssyncadd.s32 $0xFFFFD800  }
0x4a: {  	[spmem:s10] =	stream.linear.scatter [tilespmem:s22], [sflag:$0x3], $0x2800, $0x38;
	[tilespmem:$0x18980] =	vst v63  }
0x4b: {  	_ =	swait.ge [sflag:s23], $0x2800  }
0x4c: {  	[sflag:s23] =	ssyncset.done $0x0  }
0x4d: {  	[sflag:s23] =	ssyncadd.s32 $0xFFFFD800  }
0x4e: {  	[spmem:s11] =	stream.linear.scatter [tilespmem:s22], [sflag:$0x3], $0x2800, $0x38;
	[tilespmem:$0x18980] =	vst v63  }
0x4f: {  	_ =	swait.ge [sflag:s23], $0x2800  }
0x50: {  	[sflag:s23] =	ssyncset.done $0x0  }
0x51: {  	[sflag:s23] =	ssyncadd.s32 $0xFFFFD800  }
0x52: {  	[spmem:s12] =	stream.linear.scatter [tilespmem:s22], [sflag:$0x3], $0x2000, $0x38;
	[tilespmem:$0x18980] =	vst v63  }
0x53: {  	_ =	swait.ge [sflag:s23], $0x2000  }
0x54: {  	[sflag:s23] =	ssyncset.done $0x0  }
0x55: {  	s0 =	simm.s32 @!p0 $0x2900;
	[sflag:s23] =	ssyncadd.s32 $0xFFFFE000  }
0x56: {  	[spmem:s14] =	stream.linear.scatter @!p0 [tilespmem:s0], [sflag:$0x3], $0x800, $0x38;
	[tilespmem:$0x18980] =	vst v63  }
0x57: {  	s0 =	simm.s32 @!p0 $0x3  }
0x58: {  	_ =	swait.ge @!p0 [sflag:s0], $0x800  }
0x59: {  	[sflag:s0] =	ssyncset.done @!p0 $0x0  }
0x5a: {  	[sflag:s0] =	ssyncadd.s32 @!p0 $0xFFFFF800  }
0x5b: {  	s1 =	simm.s32 $0x0;
	[bflag:$0x0] =	sbarrier.arrive $0xFFFF  }
0x5c: {  	[tilespmem:s1], [sflag:$0x1] =	stream.linear.gather [hbm4b:s13+s1], $0x50, $0x38;
	[tilespmem:$0x18980] =	vst v63  }
0x5d: {  	_ = 	snop  }
0x5e: {  	[tilespmem:s24], [sflag:$0x2] =	stream.linear.gather [hbm4b:s15+s1], $0x50, $0x38;
	[tilespmem:$0x18980] =	vst v63  }
0x5f: {  	_ =	swait.ge [sflag:s25], $0x50  }
0x60: {  	[sflag:s25] =	ssyncset.done $0x0  }
0x61: {  	[sflag:s25] =	ssyncadd.s32 $0xFFFFFFB0  }
0x62: {  	[spmem:s2] =	stream.indirect.scatter.add.f32 [tilespmem:s28], [sflag:$0x3], $0x80, s3, s26, $0xb8;
	[tilespmem:$0x18980] =	vst v63  }
0x63: {  	_ =	swait.ge [sflag:s23], $0x2800  }
0x64: {  	s6 =	sshrl.u32 s21, $0x3;
	[sflag:s23] =	ssyncset.done $0x0  }
0x65: {  	s0 =	sadd.s32 s4, s6;
	[sflag:s23] =	ssyncadd.s32 $0xFFFFD800  }
0x66: {  	[tilespmem:s3], [sflag:$0x1] =	stream.linear.gather [hbm4b:s0+s3], $0x50, $0x38;
	[tilespmem:$0x18980] =	vst v63  }
0x67: {  	_ =	swait.ge [sflag:s29], $0x50  }
0x68: {  	[sflag:s29] =	ssyncset.done $0x0  }
0x69: {  	[sflag:s29] =	ssyncadd.s32 $0xFFFFFFB0  }
0x6a: {  	[spmem:s2] =	stream.indirect.scatter.add.f32 [tilespmem:s28], [sflag:$0x3], $0x80, s24, s26, $0xb8;
	[tilespmem:$0x18980] =	vst v63  }
0x6b: {  	_ =	swait.ge [sflag:s23], $0x2800  }
0x6c: {  	s31 =	simm.s32 $0x14;
	[sflag:s23] =	ssyncset.done $0x0  }
0x6d: {  	s1 =	sadd.s32 $0x0, s20;
	s0 =	sadd.s32 $0xA0, s21;
	[sflag:s23] =	ssyncadd.s32 $0xFFFFD800  }
.LBB2_6:
0x6e: {  	[tilespmem:s24], [sflag:$0x2] =	stream.linear.gather [hbm4b:s1+s3], $0x50, $0x38;
	[tilespmem:$0x18980] =	vst v63  }
0x6f: {  	s1 =	smov.u32 s31  }
0x70: {  	p1 =	sne.s32 s31, $0x4B0;
	s31 =	sadd.s32 $0x14, s31;
	_ =	swait.ge [sflag:s25], $0x50  }
0x71: {  	[sflag:s25] =	ssyncset.done $0x0  }
0x72: {  	[sflag:s25] =	ssyncadd.s32 $0xFFFFFFB0  }
0x73: {  	[spmem:s2] =	stream.indirect.scatter.add.f32 [tilespmem:s28], [sflag:$0x3], $0x80, s3, s26, $0xb8;
	[tilespmem:$0x18980] =	vst v63  }
0x74: {  	_ =	swait.ge [sflag:s23], $0x2800  }
0x75: {  	s6 =	sshrl.u32 s0, $0x3;
	[sflag:s23] =	ssyncset.done $0x0  }
0x76: {  	s6 =	sadd.s32 s4, s6;
	[sflag:s23] =	ssyncadd.s32 $0xFFFFD800  }
0x77: {  	[tilespmem:s3], [sflag:$0x1] =	stream.linear.gather [hbm4b:s6+s3], $0x50, $0x38;
	[tilespmem:$0x18980] =	vst v63  }
0x78: {  	_ =	swait.ge [sflag:s29], $0x50  }
0x79: {  	[sflag:s29] =	ssyncset.done $0x0  }
.Ltmp2:
0x7a: {  	[sflag:s29] =	ssyncadd.s32 $0xFFFFFFB0;
	(pc) =	sbr.rel @p1 .LBB2_6-.Ltmp2, $4  }
0x7b: {  	[spmem:s2] =	stream.indirect.scatter.add.f32 [tilespmem:s28], [sflag:$0x3], $0x80, s24, s26, $0xb8;
	[tilespmem:$0x18980] =	vst v63  }
0x7c: {  	_ =	swait.ge [sflag:s23], $0x2800  }
0x7d: {  	[sflag:s23] =	ssyncset.done $0x0  }
0x7e: {  	s0 =	sadd.s32 $0xA0, s0;
	s1 =	sadd.s32 s1, s20;
	[sflag:s23] =	ssyncadd.s32 $0xFFFFD800  }
0x7f: {  	[tilespmem:s24], [sflag:$0x2] =	stream.linear.gather [hbm4b:s1+s3], $0x50, $0x38;
	[tilespmem:$0x18980] =	vst v63  }
0x80: {  	_ =	swait.ge [sflag:s25], $0x50  }
0x81: {  	[sflag:s25] =	ssyncset.done $0x0  }
0x82: {  	[sflag:s25] =	ssyncadd.s32 $0xFFFFFFB0  }
0x83: {  	[spmem:s2] =	stream.indirect.scatter.add.f32 [tilespmem:s28], [sflag:$0x3], $0x80, s3, s26, $0xb8;
	[tilespmem:$0x18980] =	vst v63  }
0x84: {  	_ =	swait.ge [sflag:s23], $0x2800  }
0x85: {  	[sflag:s23] =	ssyncset.done $0x0  }
0x86: {  	[sflag:s23] =	ssyncadd.s32 $0xFFFFD800  }
0x87: {  	[tilespmem:s3], [sflag:$0x1] =	stream.linear.gather [hbm4b:s19+s3], $0x50, $0x38;
	[tilespmem:$0x18980] =	vst v63  }
0x88: {  	_ =	swait.ge [sflag:s29], $0x50  }
0x89: {  	[sflag:s29] =	ssyncset.done $0x0  }
0x8a: {  	[sflag:s29] =	ssyncadd.s32 $0xFFFFFFB0  }
0x8b: {  	[spmem:s2] =	stream.indirect.scatter.add.f32 [tilespmem:s28], [sflag:$0x3], $0x80, s24, s26, $0xb8;
	[tilespmem:$0x18980] =	vst v63  }
0x8c: {  	_ =	swait.ge [sflag:s23], $0x2800  }
0x8d: {  	[sflag:s23] =	ssyncset.done $0x0  }
0x8e: {  	[sflag:s23] =	ssyncadd.s32 $0xFFFFD800  }
0x8f: {  	_ =	swait.ge [sflag:s25], $0x50  }
0x90: {  	[sflag:s25] =	ssyncset.done $0x0  }
0x91: {  	[sflag:s25] =	ssyncadd.s32 $0xFFFFFFB0  }
0x92: {  	[spmem:s2] =	stream.indirect.scatter.add.f32 [tilespmem:s28], [sflag:$0x3], $0x80, s3, s26, $0xb8;
	[tilespmem:$0x18980] =	vst v63  }
0x93: {  	_ =	swait.ge [sflag:s23], $0x2800  }
0x94: {  	s0 =	stileid.u32;
	[sflag:s23] =	ssyncset.done $0x0  }
0x95: {  	s0 =	sshll.u32 s0, $0x6;
	[sflag:s23] =	ssyncadd.s32 $0xFFFFD800  }
0x96: {  	s31 =	sshrl.u32 s5, $0x3;
	s0 =	sor.u32 $0x1C03, s0;
	[bflag:$0x0] =	sbarrier.arrive $0xFFFF  }
0x97: {  	[hbm:s16], [sflag:s0] =	dma.local [spmem:s31], $0x2700  }
0x98: {  	_ =	swait.ge [sflag:s23], $0x2700  }
0x99: {  	s30 =	sadd.s32 $0x1, s30;
	[sflag:s23] =	ssyncset.done $0x0  }
0x9a: {  	s1 =	sshrl.u32 @!p0 s14, $0x3;
	p1 =	sne.s32 s30, s18;
	[sflag:s23] =	ssyncadd.s32 $0xFFFFD900  }
0x9b: {  	[hbm:s17], [sflag:s0] =	dma.local @!p0 [spmem:s1], $0x100  }
.Ltmp3:
0x9c: {  	_ = 	snop;
	(pc) =	sbr.rel @p1 .LBB2_1-.Ltmp3, $4  }
0x9d: {  	s0 =	simm.s32 @!p0 $0x3  }
0x9e: {  	_ =	swait.ge @!p0 [sflag:s0], $0x100  }
0x9f: {  	[sflag:s0] =	ssyncset.done @!p0 $0x0  }
0xa0: {  	[sflag:s0] =	ssyncadd.s32 @!p0 $0xFFFFFF00  }
0xa1: {  	_ =	sfence.sel $0x180000  }
0xa2: {  	[bflag:$0x0] =	sbarrier.arrive $0xFFFF  }
0xa3: {  	_ =	strace $0x9000004A  }
0xa4: {  	s0 =	stileid.u32;
	[bflag:$0x2] =	sbarrier.arrive $0xFFFF  }
0xa5: {  	p0 =	sne.s32 s0, $0x0;
	s0 =	rddreg [dreg:$0x2]  }
0xa6: {  	s0 =	sadd.s32 @!p0 $0x100000, s0  }
0xa7: {  	[sflag:s0] =	ssyncadd.tile.s32 @!p0 $0x1;
	_ =	shalt  }
.Lfunc_end2:
_tile_overlayer_lowered:
.L_overlay_start_2:
0xa8: {  	(tag) =	ssettag $0x2  }
0xa9: {  	s0 =	rddreg [dreg:$0x0];
	s2 =	stileid.u32  }
0xaa: {  	s1 =	rddreg [dreg:$0x1];
	p0 =	sne.s32 s2, $0x0  }
0xab: {  	s3 =	rddreg [dreg:$0x2];
	[bflag:$0x3] =	sbarrier.arrive $0xFFFF;
	s2 =	simm.s32 @!p0 $0x1C03  }
0xac: {  	[timem:s3], [sflag:s2] =	dma.local @!p0 [hbm:s0], s1  }
0xad: {  	s0 =	simm.s32 @!p0 $0x3  }
0xae: {  	_ =	swait.ge @!p0 [sflag:s0], s1  }
0xaf: {  	s1 =	ssub.s32 @!p0 $0x0, s1;
	[sflag:s0] =	ssyncset.done @!p0 $0x0  }
0xb0: {  	[sflag:s0] =	ssyncadd.s32 @!p0 s1  }
0xb1: {  	[bflag:$0x3] =	sbarrier.arrive $0xFFFF  }
0xb2: {  	_ =	shalt  }

// kernel: kernel.16.cloned.1.call-start
scs
__scs_entry_jumppad:
0x0: {  	(pc) =	sbr.rel $0x88, $3  }
0x1: {  	(tag) =	ssettag $0x0;
	lr =	simm.s32 $0x1  }
0x2: {  	[smem:$0x3F9B] =	sst lr;
	_ =	strace $0xD0000000  }
0x3: {  	_ = 	snop  }
0x4: {  	_ = 	snop  }
0x5: {  	_ = 	snop  }
0x6: {  	_ = 	snop  }
0x7: {  	_ = 	snop  }
__scs_overlays_trampoline_lowered:
0x8: {  	[smem:$0x3FAA] =	sst s0  }
0x9: {  	[smem:$0x3FAB] =	sst s1  }
0xa: {  	[smem:$0x3FAC] =	sst s2  }
0xb: {  	[smem:$0x3FAD] =	sst s3  }
0xc: {  	[smem:$0x3FAE] =	sst s4  }
0xd: {  	[smem:$0x3FAF] =	sst s5  }
0xe: {  	[smem:$0x3FB0] =	sst s6  }
0xf: {  	[smem:$0x3FB1] =	sst s7  }
0x10: {  	[smem:$0x3FB2] =	sst s8  }
0x11: {  	[smem:$0x3FB3] =	sst s9;
	s0 =	simm.s32 @!p0 $0x0  }
0x12: {  	s1 =	sld [smem:$0x3F99];
	s0 =	simm.s32 @p0 $0x1  }
0x13: {  	[smem:$0x3FB4] =	sst s0;
	s0 =	simm.s32 @!p1 $0x0  }
0x14: {  	s2 =	sld [smem:$0x3F98];
	s0 =	simm.s32 @p1 $0x1  }
0x15: {  	[smem:$0x3FB5] =	sst s0;
	s0 =	simm.s32 @!p2 $0x0  }
0x16: {  	s3 =	sld [smem:$0x3FDB];
	s0 =	simm.s32 @p2 $0x1  }
0x17: {  	s4 =	simm.s32 $0x1BF5;
	[smem:$0x3FB7] =	sst s0  }
0x18: {  	s0 =	sld [smem:$0x3F9A];
	_ =	swait.ge [sflag:s4], $0x0  }
0x19: {  	s7 =	sld [smem:$0x3F9B]  }
0x1a: {  	s8 =	sadd.s32 $0xFFFFE003, lr  }
0x1b: {  	s9 =	sadd.s32 $0xFFFFFEF7, lr;
	s5 =	simm.s32 $0xFFFFFFFF;
	p2 =	slt.u32 s8, $0xFFFFF086  }
0x1c: {  	p1 =	slt.u32 s9, $0xF7A;
	s5 =	simm.s32 @!p2 $0x0  }
0x1d: {  	s5 =	simm.s32 @p1 $0x1;
	p0 =	seq.s32 s7, s2  }
0x1e: {  	s7 =	smul.u32 @!p0 $0xF7A, s2;
	p2 =	seq.s32 @!p0 s5, $0x0  }
0x1f: {  	s9 =	smul.u32 $0xF7A, s1;
	s8 =	simm.s32 @!p0 $0x1BF5;
	p2 =	por !p2, p0  }
0x20: {  	[sflag:s8] =	ssyncset.s32 @!p0 $0xFFFFF086;
	s6 =	sadd.s32 @!p0 s3, s7;
	s7 =	simm.s32 @!p0 $0x108  }
0x21: {  	s3 =	sadd.s32 s3, s9;
	s6 =	sadd.s32 @!p0 $0x88, s6;
	s7 =	simm.s32 @p2 $0x1082  }
0x22: {  	[simem:s7], [sflag:s8] =	dma.local @!p0 [hbm:s6], $0xF7A  }
0x23: {  	s9 =	sor.u32 $0xD0000000, s2;
	s6 =	simm.s32 $0x108;
	_ =	swait.ge @!p0 [sflag:s8], $0x0  }
0x24: {  	s3 =	sadd.s32 $0x88, s3;
	s6 =	simm.s32 @!p1 $0x1082;
	[sflag:s4] =	ssyncset.s32 $0xFFFFF086  }
0x25: {  	[simem:s6], [sflag:s4] =	dma.local [hbm:s3], $0xF7A  }
0x26: {  	[smem:$0x3F9B] =	sst s1;
	(tag) =	ssettag s2;
	_ =	strace s9  }
0x27: {  	s1 =	sld [smem:$0x3FAB]  }
0x28: {  	s2 =	sld [smem:$0x3FAC]  }
0x29: {  	s4 =	sld [smem:$0x3FAE]  }
0x2a: {  	p0 =	seq.s32 s5, $0x0;
	s5 =	sld [smem:$0x3FAF]  }
0x2b: {  	s6 =	sld [smem:$0x3FB0]  }
0x2c: {  	s7 =	sld [smem:$0x3FB1]  }
0x2d: {  	s3 =	simm.s32 $0x108;
	s8 =	sld [smem:$0x3FB2]  }
0x2e: {  	s3 =	simm.s32 @!p0 $0x1082;
	s9 =	sld [smem:$0x3FB3]  }
0x2f: {  	lr =	sadd.s32 s0, s3;
	s0 =	sld [smem:$0x3FAA]  }
0x30: {  	s3 =	sld [smem:$0x3FAD]  }
0x31: {  	[smem:$0x3FB6] =	sst s10  }
0x32: {  	s10 =	sld [smem:$0x3FB4];
	_ =	sdelay $0x3  }
0x33: {  	p0 =	seq.s32 s10, $0x1;
	s10 =	sld [smem:$0x3FB6];
	_ =	sdelay $0x3  }
0x34: {  	[smem:$0x3FB6] =	sst s10  }
0x35: {  	s10 =	sld [smem:$0x3FB5];
	_ =	sdelay $0x3  }
0x36: {  	p1 =	seq.s32 s10, $0x1;
	s10 =	sld [smem:$0x3FB6];
	_ =	sdelay $0x3  }
0x37: {  	[smem:$0x3FB6] =	sst s10  }
0x38: {  	s10 =	sld [smem:$0x3FB7]  }
0x39: {  	_ = 	snop;
	(pc) =	sbr.ind lr, $3  }
0x3a: {  	_ = 	snop  }
0x3b: {  	_ = 	snop  }
0x3c: {  	p2 =	seq.s32 s10, $0x1;
	s10 =	sld [smem:$0x3FB6]  }
0x3d: {  	_ =	shalt  }
0x3e: {  	_ =	shalt  }
0x3f: {  	_ =	shalt  }
0x40: {  	_ =	shalt  }
0x41: {  	_ =	shalt  }
0x42: {  	_ =	shalt  }
0x43: {  	_ =	shalt  }
0x44: {  	_ =	shalt  }
0x45: {  	_ =	shalt  }
0x46: {  	_ =	shalt  }
0x47: {  	_ =	shalt  }
0x48: {  	_ =	shalt  }
0x49: {  	_ =	shalt  }
0x4a: {  	_ =	shalt  }
0x4b: {  	_ =	shalt  }
0x4c: {  	_ =	shalt  }
0x4d: {  	_ =	shalt  }
0x4e: {  	_ =	shalt  }
0x4f: {  	_ =	shalt  }
0x50: {  	_ =	shalt  }
0x51: {  	_ =	shalt  }
0x52: {  	_ =	shalt  }
0x53: {  	_ =	shalt  }
0x54: {  	_ =	shalt  }
0x55: {  	_ =	shalt  }
0x56: {  	_ =	shalt  }
0x57: {  	_ =	shalt  }
0x58: {  	_ =	shalt  }
0x59: {  	_ =	shalt  }
0x5a: {  	_ =	shalt  }
0x5b: {  	_ =	shalt  }
0x5c: {  	_ =	shalt  }
0x5d: {  	_ =	shalt  }
0x5e: {  	_ =	shalt  }
0x5f: {  	_ =	shalt  }
0x60: {  	_ =	shalt  }
0x61: {  	_ =	shalt  }
0x62: {  	_ =	shalt  }
0x63: {  	_ =	shalt  }
0x64: {  	_ =	shalt  }
0x65: {  	_ =	shalt  }
0x66: {  	_ =	shalt  }
0x67: {  	_ =	shalt  }
0x68: {  	_ =	shalt  }
0x69: {  	_ =	shalt  }
0x6a: {  	_ =	shalt  }
0x6b: {  	_ =	shalt  }
0x6c: {  	_ =	shalt  }
0x6d: {  	_ =	shalt  }
0x6e: {  	_ =	shalt  }
0x6f: {  	_ =	shalt  }
0x70: {  	_ =	shalt  }
0x71: {  	_ =	shalt  }
0x72: {  	_ =	shalt  }
0x73: {  	_ =	shalt  }
0x74: {  	_ =	shalt  }
0x75: {  	_ =	shalt  }
0x76: {  	_ =	shalt  }
0x77: {  	_ =	shalt  }
0x78: {  	_ =	shalt  }
0x79: {  	_ =	shalt  }
0x7a: {  	_ =	shalt  }
0x7b: {  	_ =	shalt  }
0x7c: {  	_ =	shalt  }
0x7d: {  	_ =	shalt  }
0x7e: {  	_ =	shalt  }
0x7f: {  	_ =	shalt  }
0x80: {  	_ =	shalt  }
0x81: {  	_ =	shalt  }
0x82: {  	_ =	shalt  }
0x83: {  	_ =	shalt  }
0x84: {  	_ =	shalt  }
0x85: {  	_ =	shalt  }
0x86: {  	_ =	shalt  }
0x87: {  	_ =	shalt  }
.Lfunc_end0:
.L_simem_size_0:
called_computation.2_lowered:
.L_overlay_start_0:
0x88: {  	s2 =	sld [smem:$0x3FD9]  }
0x89: {  	s3 =	sld [smem:$0x3FFE];
	_ =	sdelay $0x1  }
0x8a: {  	s1 =	srdreg.scid  }
0x8b: {  	s0 =	sand.u32 $0x1, s1  }
0x8c: {  	s17 =	sshll.u32 s0, $0xA;
	s2 =	sadd.s32 s3, s2  }
0x8d: {  	s2 =	sadd.s32 s2, s17  }
0x8e: {  	[smem:$0x3FC2] =	sst s2  }
0x8f: {  	_ = 	snop  }
0x90: {  	s2 =	sld [smem:$0x3FD0];
	(tm) =	ssettm $0x1  }
0x91: {  	s18 =	sld [smem:$0x3FFB];
	_ =	sdelay $0x3  }
0x92: {  	_ =	strace s18  }
0x93: {  	s3 =	sld [smem:$0x3FFC];
	_ =	sdelay $0x3  }
0x94: {  	_ =	strace s3  }
0x95: {  	s3 =	sld [smem:$0x3FFD];
	_ =	sdelay $0x3  }
0x96: {  	_ =	strace s3  }
0x97: {  	_ =	strace $0x8FFFFFFF  }
0x98: {  	s19 =	sld [smem:$0x3FDB];
	_ =	sdelay $0x1  }
0x99: {  	s4 =	simm.s32 $_scs_section_size  }
0x9a: {  	s5 =	simm.s32 $_size__tile_overlayer_lowered;
	s6 =	simm.s32 $_tile_overlayer_lowered  }
0x9b: {  	s22 =	simm.s32 $0x1BFF;
	s21 =	sshll.u32 s6, $0x1;
	s3 =	sadd.s32 s4, s19  }
0x9c: {  	s7 =	simm.s32 $0x0;
	s20 =	sshll.u32 s5, $0x1;
	s5 =	sadd.s32 s21, s3  }
0x9d: {  	[timem:s7], [sflag:s22] =	dma.local [hbm:s5], s20  }
0x9e: {  	_ =	swait.ge [sflag:s22], s20  }
0x9f: {  	s4 =	ssub.s32 $0x0, s20;
	[sflag:s22] =	ssyncset.done $0x0  }
0xa0: {  	[sflag:s22] =	ssyncadd.s32 s4;
	_ =	sdelay $0x1  }
0xa1: {  	s23 =	simm.s32 $0x1B8B  }
0xa2: {  	_ =	swait.ge [sflag:s23], $0x1  }
0xa3: {  	[sflag:s23] =	ssyncset.done $0x0  }
0xa4: {  	s25 =	simm.s32 $0x1B8E;
	s24 =	sld [smem:$0x3FFE];
	[sflag:s23] =	ssyncadd.s32 $0xFFFFFFFF  }
0xa5: {  	s26 =	simm.s32 $execute0_lowered;
	[smem:$0x3FD2] =	sst s25  }
0xa6: {  	s5 =	sshll.u32 s26, $0x1;
	_ =	strace $0x8000004C;
	[dreg:$0x1] =	wrdreg $0xFFFFFFFF  }
0xa7: {  	s28 =	simm.s32 $_size_execute0_lowered;
	s3 =	sadd.s32 s3, s5;
	[dreg:$0x0] =	wrdreg $0x0  }
0xa8: {  	s5 =	sshll.u32 s28, $0x1;
	[dreg:$0x2] =	wrdreg s3  }
0xa9: {  	[dreg:$0x3] =	wrdreg s5  }
0xaa: {  	[dreg:$0x4] =	wrdreg $0xC0  }
0xab: {  	_ =	task [dreg:s7], $0x5FFFF  }
0xac: {  	[dreg:$0x1] =	wrdreg $0xFFFFFFFF  }
0xad: {  	[dreg:$0x0] =	wrdreg $0x60  }
0xae: {  	[dreg:$0x2] =	wrdreg s2  }
0xaf: {  	[dreg:$0x3] =	wrdreg s24  }
0xb0: {  	[dreg:$0x4] =	wrdreg $0x51000  }
0xb1: {  	[dreg:$0x5] =	wrdreg $0x9  }
0xb2: {  	_ =	task.clear_ibuf [dreg:s7], $0x6FFFF;
	_ =	strace $0x9000004C  }
0xb3: {  	s29 =	simm.s32 $0x9;
	_ =	strace $0x8000004E  }
0xb4: {  	_ =	swait.ge [sflag:s29], $0x1  }
0xb5: {  	[sflag:s29] =	ssyncadd.s32 $0xFFFFFFFF  }
0xb6: {  	_ =	strace $0x9000004E  }
0xb7: {  	_ =	sfence  }
0xb8: {  	s30 =	sld [smem:$0x0];
	_ =	sdelay $0x2  }
0xb9: {  	s31 =	sshll.u32 s1, $0xD;
	s1 =	sshrl.u32 s1, $0x2  }
0xba: {  	s3 =	sand.u32 $0x4000, s31;
	s1 =	sadd.s32 s1, s30  }
0xbb: {  	s0 =	sor.u32 s3, s0;
	s1 =	sshll.u32 s1, $0x11  }
0xbc: {  	s0 =	sor.u32 s1, s0  }
0xbd: {  	s0 =	sadd.s32 $0x8F2B, s0  }
0xbe: {  	[sflag:s0] =	ssyncadd.remote.s32 $0x1  }
0xbf: {  	_ =	sfence.sel $0xFFFF  }
0xc0: {  	[dreg:$0x0] =	wrdreg $0xFFFFFFFF;
	(pc) =	sbr.abs _section_cstart, $3  }
0xc1: {  	[dreg:$0x1] =	wrdreg $0xFFFFFFFF  }
0xc2: {  	_ =	task.clear_ibuf [dreg:s7], $0x2FFFF;
	_ =	strace $0x9FFFFFFF  }
0xc3: {  	(tm) =	ssettm $0x7FFFFFFF  }
tec
execute0_lowered:
.L_overlay_start_1:
0x0: {  	(tag) =	ssettag $0x1  }
0x1: {  	s0 =	rddreg [dreg:$0x0]  }
0x2: {  	s3 =	rddreg [dreg:$0x1]  }
0x3: {  	s1 =	rddreg [dreg:$0x2];
	s2 =	simm.s32 $0x0  }
0x4: {  	s17 =	sadd.s32 $0x2200, s3;
	s15 =	sadd.s32 $0x16800, s3;
	s3 =	stileid.u32  }
0x5: {  	s4 =	srdreg.scid;
	s28 =	simm.s32 $0x3;
	s7 =	smul.u32 $0x4E000, s3  }
0x6: {  	s29 =	simm.s32 $0x4;
	s14 =	sand.u32 $0x1, s4;
	s20 =	smul.u32 $0x2700, s3  }
0x7: {  	s30 =	simm.s32 $0x0;
	[smem:$0x7FF] =	sst s2;
	s16 =	smul.u32 $0x27100, s14  }
0x8: {  	_ =	strace $0x8000004D;
	s4 =	ssub.s32 $0x2, s14;
	s19 =	smul.u32 $0x2710, s3  }
0x9: {  	s6 =	sshll.u32 s14, $0x4;
	s22 =	sshll.u32 s3, $0x6;
	s31 =	smul.u32 $0x271000, s14  }
0xa: {  	p0 =	sne.s32 s3, $0xF;
	s5 =	sshrl.u32 s4, $0x1;
	s8 =	sor.u32 s3, s6  }
0xb: {  	s6 =	sadd.s32 $0x27000, s0;
	s10 =	ssub.s32 s4, s5;
	s9 =	smul.u32 $0x2710, s8  }
0xc: {  	s21 =	sshrl.u32 s7, $0x2;
	s4 =	sadd.s32 s0, s20;
	s11 =	smul.u32 $0x138800, s8  }
0xd: {  	s5 =	sor.u32 $0x1C05, s22;
	s20 =	sadd.s32 $0x138000, s1;
	s12 =	smul.u32 $0x27100, s8  }
0xe: {  	s26 =	sadd.s32 s19, s16;
	s16 =	sadd.s32 s31, s15;
	s22 =	simm.s32 $0x1  }
0xf: {  	s18 =	sadd.s32 s21, s1;
	s10 =	smax.u32 s10, $0x1;
	s19 =	sadd.s32 $0x190, s26  }
0x10: {  	s21 =	smul.u32 $0x27100, s3;
	s20 =	sshrl.u32 @!p0 s20, $0x3;
	s23 =	sshrl.u32 s9, $0x3  }
0x11: {  	s24 =	sadd.s32 $0x50, s9;
	s11 =	sshrl.u32 s11, $0x3;
	s19 =	sshrl.u32 s19, $0x3  }
0x12: {  	s18 =	sshrl.u32 s18, $0x3;
	s7 =	sadd.s32 s17, s23;
	s9 =	sshrl.u32 s24, $0x3  }
0x13: {  	s25 =	sadd.s32 s15, s11;
	s11 =	sadd.s32 s15, s12;
	s0 =	sshll.u32 s24, $0x4  }
0x14: {  	s16 =	sadd.s32 s21, s16;
	s21 =	simm.s32 $0x80;
	s23 =	simm.s32 $0x50  }
.Ltmp0:
0x15: {  	s24 =	simm.s32 $0x100;
	s8 =	sadd.s32 s17, s9;
	(pc) =	sbr.rel .LBB2_1-.Ltmp0, $4  }
0x16: {  	s9 =	sadd.s32 $0x26C00, s25;
	s12 =	sadd.s32 $0x14, s7;
	s13 =	sadd.s32 s15, s0  }
0x17: {  	s14 =	sadd.s32 $0x1E, s7;
	s0 =	sadd.s32 $0x140, s26;
	s15 =	sadd.s32 s19, s17  }
0x18: {  	s16 =	sadd.s32 $0xF00, s16;
	s19 =	simm.s32 $0x5;
	s0 =	sshrl.u32 s0, $0x3  }
0x19: {  	s25 =	simm.s32 $0x2;
	s26 =	simm.s32 $0x2900;
	s17 =	sadd.s32 s0, s17  }
.LBB2_4:
0x1a: {  	_ =	swait.ge [sflag:s28], $0x2800  }
0x1b: {  	[sflag:s28] =	ssyncset.done $0x0  }
0x1c: {  	[sflag:s28] =	ssyncadd.s32 $0xFFFFD800  }
0x1d: {  	_ =	swait.ge [sflag:s22], $0x50  }
0x1e: {  	[sflag:s22] =	ssyncset.done $0x0  }
0x1f: {  	[sflag:s22] =	ssyncadd.s32 $0xFFFFFFB0  }
0x20: {  	[tilespmem:s24], [sflag:$0x5] =	stream.indirect.gather [spmem:s1], $0x80, s2, s23, $0xb8;
	[tilespmem:$0x18980] =	vst v63  }
0x21: {  	_ =	swait.ge [sflag:s19], $0x2800  }
0x22: {  	[sflag:s19] =	ssyncset.done $0x0  }
0x23: {  	s30 =	sadd.s32 $0x1, s30;
	[sflag:s19] =	ssyncadd.s32 $0xFFFFD800  }
0x24: {  	[hbm4b:s9+s2] =	stream.linear.scatter [tilespmem:s24], [sflag:$0x3], $0x2800, $0x38;
	[tilespmem:$0x18980] =	vst v63  }
0x25: {  	p1 =	sne.s32 s30, s10;
	_ =	swait.ge [sflag:s28], $0x2800  }
.Ltmp1:
0x26: {  	[sflag:s28] =	ssyncset.done $0x0;
	(pc) =	sbr.rel @!p1 .LBB2_5-.Ltmp1, $4  }
0x27: {  	[sflag:s28] =	ssyncadd.s32 $0xFFFFD800  }
0x28: {  	_ =	swait.ge [sflag:s29], $0x2800  }
0x29: {  	[sflag:s29] =	ssyncset.done $0x0  }
0x2a: {  	[sflag:s29] =	ssyncadd.s32 $0xFFFFD800  }
.LBB2_1:
0x2b: {  	[spmem:s18], [sflag:s5] =	dma.local [hbm:s4], $0x2700  }
0x2c: {  	_ =	swait.ge [sflag:s19], $0x2700  }
0x2d: {  	[sflag:s19] =	ssyncset.done $0x0  }
0x2e: {  	s0 =	simm.s32 @!p0 $0x5;
	[sflag:s19] =	ssyncadd.s32 $0xFFFFD900  }
0x2f: {  	[spmem:s20], [sflag:s5] =	dma.local @!p0 [hbm:s6], $0x100  }
0x30: {  	_ =	swait.ge @!p0 [sflag:s0], $0x100  }
0x31: {  	[sflag:s0] =	ssyncset.done @!p0 $0x0  }
0x32: {  	[sflag:s0] =	ssyncadd.s32 @!p0 $0xFFFFFF00  }
0x33: {  	[bflag:$0x0] =	sbarrier.arrive $0xFFFF  }
0x34: {  	[tilespmem:s2], [sflag:$0x1] =	stream.linear.gather [hbm4b:s7+s2], $0x50, $0x38;
	[tilespmem:$0x18980] =	vst v63  }
0x35: {  	_ = 	snop  }
0x36: {  	[tilespmem:s21], [sflag:$0x2] =	stream.linear.gather [hbm4b:s8+s2], $0x50, $0x38;
	[tilespmem:$0x18980] =	vst v63  }
0x37: {  	_ =	swait.ge [sflag:s22], $0x50  }
0x38: {  	[sflag:s22] =	ssyncset.done $0x0  }
0x39: {  	[sflag:s22] =	ssyncadd.s32 $0xFFFFFFB0  }
0x3a: {  	[tilespmem:s24], [sflag:$0x5] =	stream.indirect.gather [spmem:s1], $0x80, s2, s23, $0xb8;
	[tilespmem:$0x18980] =	vst v63  }
0x3b: {  	_ =	swait.ge [sflag:s19], $0x2800  }
0x3c: {  	[sflag:s19] =	ssyncset.done $0x0  }
0x3d: {  	[sflag:s19] =	ssyncadd.s32 $0xFFFFD800  }
0x3e: {  	[hbm4b:s11+s2] =	stream.linear.scatter [tilespmem:s24], [sflag:$0x3], $0x2800, $0x38;
	[tilespmem:$0x18980] =	vst v63  }
0x3f: {  	_ = 	snop  }
0x40: {  	[tilespmem:s2], [sflag:$0x1] =	stream.linear.gather [hbm4b:s12+s2], $0x50, $0x38;
	[tilespmem:$0x18980] =	vst v63  }
0x41: {  	_ =	swait.ge [sflag:s25], $0x50  }
0x42: {  	[sflag:s25] =	ssyncset.done $0x0  }
0x43: {  	[sflag:s25] =	ssyncadd.s32 $0xFFFFFFB0  }
0x44: {  	[tilespmem:s26], [sflag:$0x5] =	stream.indirect.gather [spmem:s1], $0x80, s21, s23, $0xb8;
	[tilespmem:$0x18980] =	vst v63  }
0x45: {  	_ =	swait.ge [sflag:s19], $0x2800  }
0x46: {  	[sflag:s19] =	ssyncset.done $0x0  }
0x47: {  	[sflag:s19] =	ssyncadd.s32 $0xFFFFD800  }
0x48: {  	[hbm4b:s13+s2] =	stream.linear.scatter [tilespmem:s26], [sflag:$0x4], $0x2800, $0x38;
	[tilespmem:$0x18980] =	vst v63  }
0x49: {  	s31 =	smov.u32 s16;
	s0 =	simm.s32 $0x0  }
0x4a: {  	[tilespmem:s21], [sflag:$0x2] =	stream.linear.gather [hbm4b:s14+s2], $0x50, $0x38;
	[tilespmem:$0x18980] =	vst v63  }
.LBB2_2:
0x4b: {  	_ =	swait.ge [sflag:s28], $0x2800  }
0x4c: {  	[sflag:s28] =	ssyncset.done $0x0  }
0x4d: {  	[sflag:s28] =	ssyncadd.s32 $0xFFFFD800  }
0x4e: {  	_ =	swait.ge [sflag:s22], $0x50  }
0x4f: {  	[sflag:s22] =	ssyncset.done $0x0  }
0x50: {  	[sflag:s22] =	ssyncadd.s32 $0xFFFFFFB0  }
0x51: {  	[tilespmem:s24], [sflag:$0x5] =	stream.indirect.gather [spmem:s1], $0x80, s2, s23, $0xb8;
	[tilespmem:$0x18980] =	vst v63  }
0x52: {  	_ =	swait.ge [sflag:s19], $0x2800  }
0x53: {  	[sflag:s19] =	ssyncset.done $0x0  }
0x54: {  	s3 =	sadd.s32 $0xFFFFFB00, s31;
	[sflag:s19] =	ssyncadd.s32 $0xFFFFD800  }
0x55: {  	[hbm4b:s3+s2] =	stream.linear.scatter [tilespmem:s24], [sflag:$0x3], $0x2800, $0x38;
	[tilespmem:$0x18980] =	vst v63  }
0x56: {  	s3 =	sadd.s32 s0, s17  }
0x57: {  	[tilespmem:s2], [sflag:$0x1] =	stream.linear.gather [hbm4b:s3+s2], $0x50, $0x38;
	[tilespmem:$0x18980] =	vst v63  }
0x58: {  	_ =	swait.ge [sflag:s29], $0x2800  }
0x59: {  	[sflag:s29] =	ssyncset.done $0x0  }
0x5a: {  	[sflag:s29] =	ssyncadd.s32 $0xFFFFD800  }
0x5b: {  	_ =	swait.ge [sflag:s25], $0x50  }
0x5c: {  	[sflag:s25] =	ssyncset.done $0x0  }
0x5d: {  	p1 =	seq.s32 s0, $0x4B0;
	[sflag:s25] =	ssyncadd.s32 $0xFFFFFFB0  }
0x5e: {  	[tilespmem:s26], [sflag:$0x5] =	stream.indirect.gather [spmem:s1], $0x80, s21, s23, $0xb8;
	[tilespmem:$0x18980] =	vst v63  }
.Ltmp2:
0x5f: {  	_ = 	snop;
	(pc) =	sbr.rel @p1 .LBB2_4-.Ltmp2, $4  }
0x60: {  	_ =	swait.ge [sflag:s19], $0x2800  }
0x61: {  	[sflag:s19] =	ssyncset.done $0x0  }
0x62: {  	[sflag:s19] =	ssyncadd.s32 $0xFFFFD800  }
0x63: {  	[hbm4b:s31+s2] =	stream.linear.scatter [tilespmem:s26], [sflag:$0x4], $0x2800, $0x38;
	[tilespmem:$0x18980] =	vst v63  }
.Ltmp3:
0x64: {  	(pc) =	sbr.rel .LBB2_2-.Ltmp3, $3  }
0x65: {  	_ =	sdelay $0x1  }
0x66: {  	s3 =	sadd.s32 s0, s15;
	s0 =	sadd.s32 $0x14, s0;
	s31 =	sadd.s32 $0xA00, s31  }
0x67: {  	[tilespmem:s21], [sflag:$0x2] =	stream.linear.gather [hbm4b:s3+s2], $0x50, $0x38;
	[tilespmem:$0x18980] =	vst v63  }
.LBB2_5:
0x68: {  	_ =	sfence.sel $0x180000  }
0x69: {  	[bflag:$0x0] =	sbarrier.arrive $0xFFFF  }
0x6a: {  	_ =	strace $0x9000004D  }
0x6b: {  	s0 =	stileid.u32;
	[bflag:$0x2] =	sbarrier.arrive $0xFFFF  }
0x6c: {  	p0 =	sne.s32 s0, $0x0;
	s0 =	rddreg [dreg:$0x3]  }
0x6d: {  	s0 =	sadd.s32 @!p0 $0x100000, s0  }
0x6e: {  	[sflag:s0] =	ssyncadd.tile.s32 @!p0 $0x1;
	_ =	shalt  }
.Lfunc_end2:
_tile_overlayer_lowered:
.L_overlay_start_2:
0x6f: {  	(tag) =	ssettag $0x2  }
0x70: {  	s0 =	rddreg [dreg:$0x0];
	s2 =	stileid.u32  }
0x71: {  	s1 =	rddreg [dreg:$0x1];
	p0 =	sne.s32 s2, $0x0  }
0x72: {  	s3 =	rddreg [dreg:$0x2];
	[bflag:$0x3] =	sbarrier.arrive $0xFFFF;
	s2 =	simm.s32 @!p0 $0x1C05  }
0x73: {  	[timem:s3], [sflag:s2] =	dma.local @!p0 [hbm:s0], s1  }
0x74: {  	s0 =	simm.s32 @!p0 $0x5  }
0x75: {  	_ =	swait.ge @!p0 [sflag:s0], s1  }
0x76: {  	s1 =	ssub.s32 @!p0 $0x0, s1;
	[sflag:s0] =	ssyncset.done @!p0 $0x0  }
0x77: {  	[sflag:s0] =	ssyncadd.s32 @!p0 s1  }
0x78: {  	[bflag:$0x3] =	sbarrier.arrive $0xFFFF  }
0x79: {  	_ =	shalt  }

// kernel: kernel.19.cloned.1.call-start
scs
__scs_entry_jumppad:
0x0: {  	(pc) =	sbr.rel $0x88, $3  }
0x1: {  	(tag) =	ssettag $0x0;
	lr =	simm.s32 $0x1  }
0x2: {  	[smem:$0x3F9B] =	sst lr;
	_ =	strace $0xD0000000  }
0x3: {  	_ = 	snop  }
0x4: {  	_ = 	snop  }
0x5: {  	_ = 	snop  }
0x6: {  	_ = 	snop  }
0x7: {  	_ = 	snop  }
__scs_overlays_trampoline_lowered:
0x8: {  	[smem:$0x3FAA] =	sst s0  }
0x9: {  	[smem:$0x3FAB] =	sst s1  }
0xa: {  	[smem:$0x3FAC] =	sst s2  }
0xb: {  	[smem:$0x3FAD] =	sst s3  }
0xc: {  	[smem:$0x3FAE] =	sst s4  }
0xd: {  	[smem:$0x3FAF] =	sst s5  }
0xe: {  	[smem:$0x3FB0] =	sst s6  }
0xf: {  	[smem:$0x3FB1] =	sst s7  }
0x10: {  	[smem:$0x3FB2] =	sst s8  }
0x11: {  	[smem:$0x3FB3] =	sst s9;
	s0 =	simm.s32 @!p0 $0x0  }
0x12: {  	s1 =	sld [smem:$0x3F99];
	s0 =	simm.s32 @p0 $0x1  }
0x13: {  	[smem:$0x3FB4] =	sst s0;
	s0 =	simm.s32 @!p1 $0x0  }
0x14: {  	s2 =	sld [smem:$0x3F98];
	s0 =	simm.s32 @p1 $0x1  }
0x15: {  	[smem:$0x3FB5] =	sst s0;
	s0 =	simm.s32 @!p2 $0x0  }
0x16: {  	s3 =	sld [smem:$0x3FDB];
	s0 =	simm.s32 @p2 $0x1  }
0x17: {  	s4 =	simm.s32 $0x1BF5;
	[smem:$0x3FB7] =	sst s0  }
0x18: {  	s0 =	sld [smem:$0x3F9A];
	_ =	swait.ge [sflag:s4], $0x0  }
0x19: {  	s7 =	sld [smem:$0x3F9B]  }
0x1a: {  	s8 =	sadd.s32 $0xFFFFE003, lr  }
0x1b: {  	s9 =	sadd.s32 $0xFFFFFEF7, lr;
	s5 =	simm.s32 $0xFFFFFFFF;
	p2 =	slt.u32 s8, $0xFFFFF086  }
0x1c: {  	p1 =	slt.u32 s9, $0xF7A;
	s5 =	simm.s32 @!p2 $0x0  }
0x1d: {  	s5 =	simm.s32 @p1 $0x1;
	p0 =	seq.s32 s7, s2  }
0x1e: {  	s7 =	smul.u32 @!p0 $0xF7A, s2;
	p2 =	seq.s32 @!p0 s5, $0x0  }
0x1f: {  	s9 =	smul.u32 $0xF7A, s1;
	s8 =	simm.s32 @!p0 $0x1BF5;
	p2 =	por !p2, p0  }
0x20: {  	[sflag:s8] =	ssyncset.s32 @!p0 $0xFFFFF086;
	s6 =	sadd.s32 @!p0 s3, s7;
	s7 =	simm.s32 @!p0 $0x108  }
0x21: {  	s3 =	sadd.s32 s3, s9;
	s6 =	sadd.s32 @!p0 $0x88, s6;
	s7 =	simm.s32 @p2 $0x1082  }
0x22: {  	[simem:s7], [sflag:s8] =	dma.local @!p0 [hbm:s6], $0xF7A  }
0x23: {  	s9 =	sor.u32 $0xD0000000, s2;
	s6 =	simm.s32 $0x108;
	_ =	swait.ge @!p0 [sflag:s8], $0x0  }
0x24: {  	s3 =	sadd.s32 $0x88, s3;
	s6 =	simm.s32 @!p1 $0x1082;
	[sflag:s4] =	ssyncset.s32 $0xFFFFF086  }
0x25: {  	[simem:s6], [sflag:s4] =	dma.local [hbm:s3], $0xF7A  }
0x26: {  	[smem:$0x3F9B] =	sst s1;
	(tag) =	ssettag s2;
	_ =	strace s9  }
0x27: {  	s1 =	sld [smem:$0x3FAB]  }
0x28: {  	s2 =	sld [smem:$0x3FAC]  }
0x29: {  	s4 =	sld [smem:$0x3FAE]  }
0x2a: {  	p0 =	seq.s32 s5, $0x0;
	s5 =	sld [smem:$0x3FAF]  }
0x2b: {  	s6 =	sld [smem:$0x3FB0]  }
0x2c: {  	s7 =	sld [smem:$0x3FB1]  }
0x2d: {  	s3 =	simm.s32 $0x108;
	s8 =	sld [smem:$0x3FB2]  }
0x2e: {  	s3 =	simm.s32 @!p0 $0x1082;
	s9 =	sld [smem:$0x3FB3]  }
0x2f: {  	lr =	sadd.s32 s0, s3;
	s0 =	sld [smem:$0x3FAA]  }
0x30: {  	s3 =	sld [smem:$0x3FAD]  }
0x31: {  	[smem:$0x3FB6] =	sst s10  }
0x32: {  	s10 =	sld [smem:$0x3FB4];
	_ =	sdelay $0x3  }
0x33: {  	p0 =	seq.s32 s10, $0x1;
	s10 =	sld [smem:$0x3FB6];
	_ =	sdelay $0x3  }
0x34: {  	[smem:$0x3FB6] =	sst s10  }
0x35: {  	s10 =	sld [smem:$0x3FB5];
	_ =	sdelay $0x3  }
0x36: {  	p1 =	seq.s32 s10, $0x1;
	s10 =	sld [smem:$0x3FB6];
	_ =	sdelay $0x3  }
0x37: {  	[smem:$0x3FB6] =	sst s10  }
0x38: {  	s10 =	sld [smem:$0x3FB7]  }
0x39: {  	_ = 	snop;
	(pc) =	sbr.ind lr, $3  }
0x3a: {  	_ = 	snop  }
0x3b: {  	_ = 	snop  }
0x3c: {  	p2 =	seq.s32 s10, $0x1;
	s10 =	sld [smem:$0x3FB6]  }
0x3d: {  	_ =	shalt  }
0x3e: {  	_ =	shalt  }
0x3f: {  	_ =	shalt  }
0x40: {  	_ =	shalt  }
0x41: {  	_ =	shalt  }
0x42: {  	_ =	shalt  }
0x43: {  	_ =	shalt  }
0x44: {  	_ =	shalt  }
0x45: {  	_ =	shalt  }
0x46: {  	_ =	shalt  }
0x47: {  	_ =	shalt  }
0x48: {  	_ =	shalt  }
0x49: {  	_ =	shalt  }
0x4a: {  	_ =	shalt  }
0x4b: {  	_ =	shalt  }
0x4c: {  	_ =	shalt  }
0x4d: {  	_ =	shalt  }
0x4e: {  	_ =	shalt  }
0x4f: {  	_ =	shalt  }
0x50: {  	_ =	shalt  }
0x51: {  	_ =	shalt  }
0x52: {  	_ =	shalt  }
0x53: {  	_ =	shalt  }
0x54: {  	_ =	shalt  }
0x55: {  	_ =	shalt  }
0x56: {  	_ =	shalt  }
0x57: {  	_ =	shalt  }
0x58: {  	_ =	shalt  }
0x59: {  	_ =	shalt  }
0x5a: {  	_ =	shalt  }
0x5b: {  	_ =	shalt  }
0x5c: {  	_ =	shalt  }
0x5d: {  	_ =	shalt  }
0x5e: {  	_ =	shalt  }
0x5f: {  	_ =	shalt  }
0x60: {  	_ =	shalt  }
0x61: {  	_ =	shalt  }
0x62: {  	_ =	shalt  }
0x63: {  	_ =	shalt  }
0x64: {  	_ =	shalt  }
0x65: {  	_ =	shalt  }
0x66: {  	_ =	shalt  }
0x67: {  	_ =	shalt  }
0x68: {  	_ =	shalt  }
0x69: {  	_ =	shalt  }
0x6a: {  	_ =	shalt  }
0x6b: {  	_ =	shalt  }
0x6c: {  	_ =	shalt  }
0x6d: {  	_ =	shalt  }
0x6e: {  	_ =	shalt  }
0x6f: {  	_ =	shalt  }
0x70: {  	_ =	shalt  }
0x71: {  	_ =	shalt  }
0x72: {  	_ =	shalt  }
0x73: {  	_ =	shalt  }
0x74: {  	_ =	shalt  }
0x75: {  	_ =	shalt  }
0x76: {  	_ =	shalt  }
0x77: {  	_ =	shalt  }
0x78: {  	_ =	shalt  }
0x79: {  	_ =	shalt  }
0x7a: {  	_ =	shalt  }
0x7b: {  	_ =	shalt  }
0x7c: {  	_ =	shalt  }
0x7d: {  	_ =	shalt  }
0x7e: {  	_ =	shalt  }
0x7f: {  	_ =	shalt  }
0x80: {  	_ =	shalt  }
0x81: {  	_ =	shalt  }
0x82: {  	_ =	shalt  }
0x83: {  	_ =	shalt  }
0x84: {  	_ =	shalt  }
0x85: {  	_ =	shalt  }
0x86: {  	_ =	shalt  }
0x87: {  	_ =	shalt  }
.Lfunc_end0:
.L_simem_size_0:
called_computation.3_lowered:
.L_overlay_start_0:
0x88: {  	s2 =	sld [smem:$0x3FD9]  }
0x89: {  	s3 =	sld [smem:$0x3FFE];
	_ =	sdelay $0x1  }
0x8a: {  	s1 =	srdreg.scid  }
0x8b: {  	s0 =	sand.u32 $0x1, s1  }
0x8c: {  	s16 =	sshll.u32 s0, $0xA;
	s2 =	sadd.s32 s3, s2  }
0x8d: {  	s2 =	sadd.s32 s2, s16  }
0x8e: {  	[smem:$0x3FC2] =	sst s2  }
0x8f: {  	_ = 	snop  }
0x90: {  	(tm) =	ssettm $0x1  }
0x91: {  	s17 =	sld [smem:$0x3FFB];
	_ =	sdelay $0x3  }
0x92: {  	_ =	strace s17  }
0x93: {  	s2 =	sld [smem:$0x3FFC];
	_ =	sdelay $0x3  }
0x94: {  	_ =	strace s2  }
0x95: {  	s2 =	sld [smem:$0x3FFD];
	_ =	sdelay $0x3  }
0x96: {  	_ =	strace s2  }
0x97: {  	_ =	strace $0x8FFFFFFF  }
0x98: {  	s18 =	sld [smem:$0x3FDB];
	_ =	sdelay $0x1  }
0x99: {  	s19 =	simm.s32 $_scs_section_size  }
0x9a: {  	s4 =	simm.s32 $_size__tile_overlayer_lowered;
	s5 =	simm.s32 $_tile_overlayer_lowered  }
0x9b: {  	s22 =	simm.s32 $0x1BFF;
	s21 =	sshll.u32 s5, $0x1;
	s2 =	sadd.s32 s19, s18  }
0x9c: {  	s6 =	simm.s32 $0x0;
	s20 =	sshll.u32 s4, $0x1;
	s4 =	sadd.s32 s21, s2  }
0x9d: {  	[timem:s6], [sflag:s22] =	dma.local [hbm:s4], s20  }
0x9e: {  	_ =	swait.ge [sflag:s22], s20  }
0x9f: {  	s3 =	ssub.s32 $0x0, s20;
	[sflag:s22] =	ssyncset.done $0x0  }
0xa0: {  	[sflag:s22] =	ssyncadd.s32 s3;
	_ =	sdelay $0x1  }
0xa1: {  	s23 =	simm.s32 $0x1B8B  }
0xa2: {  	_ =	swait.ge [sflag:s23], $0x1  }
0xa3: {  	[sflag:s23] =	ssyncset.done $0x0  }
0xa4: {  	s25 =	simm.s32 $0x1B8E;
	s24 =	sld [smem:$0x3FFE];
	[sflag:s23] =	ssyncadd.s32 $0xFFFFFFFF  }
0xa5: {  	s26 =	simm.s32 $execute0_lowered;
	[smem:$0x3FD2] =	sst s25  }
0xa6: {  	s4 =	sshll.u32 s26, $0x1;
	_ =	strace $0x8000004F;
	[dreg:$0x1] =	wrdreg $0xFFFFFFFF  }
0xa7: {  	s28 =	simm.s32 $_size_execute0_lowered;
	s2 =	sadd.s32 s2, s4;
	[dreg:$0x0] =	wrdreg $0x0  }
0xa8: {  	s4 =	sshll.u32 s28, $0x1;
	[dreg:$0x2] =	wrdreg s2  }
0xa9: {  	[dreg:$0x3] =	wrdreg s4  }
0xaa: {  	[dreg:$0x4] =	wrdreg $0xC0  }
0xab: {  	_ =	task [dreg:s6], $0x5FFFF  }
0xac: {  	[dreg:$0x1] =	wrdreg $0xFFFFFFFF  }
0xad: {  	[dreg:$0x0] =	wrdreg $0x60  }
0xae: {  	[dreg:$0x2] =	wrdreg s24  }
0xaf: {  	[dreg:$0x3] =	wrdreg $0xA2000  }
0xb0: {  	[dreg:$0x4] =	wrdreg $0x9  }
0xb1: {  	_ =	task.clear_ibuf [dreg:s6], $0x5FFFF;
	_ =	strace $0x9000004F  }
0xb2: {  	s29 =	simm.s32 $0x9;
	_ =	strace $0x80000051  }
0xb3: {  	_ =	swait.ge [sflag:s29], $0x1  }
0xb4: {  	[sflag:s29] =	ssyncadd.s32 $0xFFFFFFFF  }
0xb5: {  	_ =	strace $0x90000051  }
0xb6: {  	_ =	sfence  }
0xb7: {  	s30 =	sld [smem:$0x0];
	_ =	sdelay $0x2  }
0xb8: {  	s31 =	sshll.u32 s1, $0xD;
	s1 =	sshrl.u32 s1, $0x2  }
0xb9: {  	s3 =	sand.u32 $0x4000, s31;
	s1 =	sadd.s32 s1, s30  }
0xba: {  	s0 =	sor.u32 s3, s0;
	s1 =	sshll.u32 s1, $0x11  }
0xbb: {  	s0 =	sor.u32 s1, s0  }
0xbc: {  	s0 =	sadd.s32 $0x8F2B, s0  }
0xbd: {  	[sflag:s0] =	ssyncadd.remote.s32 $0x1  }
0xbe: {  	_ =	sfence.sel $0xFFFF  }
0xbf: {  	[dreg:$0x0] =	wrdreg $0xFFFFFFFF;
	(pc) =	sbr.abs _section_cstart, $3  }
0xc0: {  	[dreg:$0x1] =	wrdreg $0xFFFFFFFF  }
0xc1: {  	_ =	task.clear_ibuf [dreg:s6], $0x2FFFF;
	_ =	strace $0x9FFFFFFF  }
0xc2: {  	(tm) =	ssettm $0x7FFFFFFF  }
0xc3: {  	_ =	shalt  }
tec
execute0_lowered:
.L_overlay_start_1:
0x0: {  	(tag) =	ssettag $0x1  }
0x1: {  	s0 =	rddreg [dreg:$0x0]  }
0x2: {  	s1 =	rddreg [dreg:$0x1];
	s2 =	simm.s32 $0x0;
	s5 =	srdreg.scid  }
0x3: {  	s13 =	stileid.u32;
	s28 =	simm.s32 $0xA000;
	s29 =	simm.s32 $0xA080  }
0x4: {  	s30 =	simm.s32 $0x2800;
	s31 =	simm.s32 $0xA100;
	[smem:$0x7FF] =	sst s2  }
0x5: {  	s3 =	sadd.s32 $0x4F8800, s0;
	s4 =	sadd.s32 $0xC000, s0;
	s12 =	smul.u32 $0x4E000, s13  }
0x6: {  	s6 =	sand.u32 $0x1, s5;
	s0 =	sadd.s32 $0x15E00, s0;
	p0 =	sne.s32 s13, $0xF  }
0x7: {  	_ =	strace $0x80000050;
	s7 =	ssub.s32 $0x2, s6;
	s5 =	sshrl.u32 s12, $0x2  }
0x8: {  	s8 =	sshll.u32 s6, $0x4;
	s11 =	smul.u32 $0x138800, s6;
	s18 =	sadd.s32 s5, s1  }
0x9: {  	s26 =	smul.u32 $0x271000, s6;
	s5 =	sadd.s32 $0x2800, s18;
	[dreg:$0x3] =	wrdreg s18  }
0xa: {  	s6 =	smul.u32 $0x27100, s6;
	s15 =	sadd.s32 $0x5000, s18;
	[dreg:$0x4] =	wrdreg s5  }
0xb: {  	s9 =	sshrl.u32 s7, $0x1;
	s16 =	sadd.s32 $0x7800, s18;
	[dreg:$0x5] =	wrdreg s15  }
0xc: {  	s8 =	sor.u32 s13, s8;
	s17 =	sadd.s32 $0xA000, s18;
	[dreg:$0x6] =	wrdreg s16  }
0xd: {  	s12 =	smul.u32 $0x13800, s13;
	s19 =	sadd.s32 $0xC800, s18;
	[dreg:$0x7] =	wrdreg s17  }
0xe: {  	s14 =	smul.u32 $0x2710, s8;
	s20 =	sadd.s32 $0xF000, s18;
	[dreg:$0x8] =	wrdreg s19  }
0xf: {  	s8 =	smul.u32 $0x27100, s8;
	s21 =	sadd.s32 $0x11800, s18;
	[dreg:$0x9] =	wrdreg s20  }
0x10: {  	s7 =	ssub.s32 s7, s9;
	[dreg:$0xa] =	wrdreg s21;
	s20 =	sadd.s32 $0x138000, s1  }
0x11: {  	s10 =	sshrl.u32 s14, $0x3;
	s9 =	sadd.s32 $0x50, s14;
	s24 =	sadd.s32 s3, s8  }
0x12: {  	s14 =	sadd.s32 s12, s11;
	s15 =	smul.u32 $0x27100, s13;
	s11 =	sshrl.u32 s11, $0x3  }
0x13: {  	s17 =	smul.u32 $0x2710, s13;
	s21 =	sadd.s32 s26, s3;
	s8 =	simm.s32 $0xA180  }
0x14: {  	s12 =	simm.s32 $0x9;
	s22 =	sadd.s32 s4, s10;
	[dreg:$0xd] =	wrdreg s24  }
0x15: {  	s23 =	sshrl.u32 s9, $0x3;
	s9 =	sshll.u32 s9, $0x4;
	[dreg:$0xb] =	wrdreg s20  }
0x16: {  	s10 =	sshrl.u32 s14, $0x3;
	s14 =	simm.s32 $0x3;
	[dreg:$0xc] =	wrdreg s22  }
0x17: {  	s25 =	sadd.s32 s4, s23;
	s16 =	sadd.s32 s0, s10;
	s0 =	sadd.s32 s0, s11  }
0x18: {  	s19 =	sadd.s32 s3, s9;
	s22 =	smax.u32 s7, $0x1;
	s21 =	sadd.s32 s15, s21  }
0x19: {  	s23 =	sadd.s32 s17, s6;
	s7 =	simm.s32 $0x50;
	[dreg:$0xe] =	wrdreg s25  }
0x1a: {  	s9 =	simm.s32 $0x7800;
	s10 =	simm.s32 $0x2;
	[dreg:$0xf] =	wrdreg s16  }
0x1b: {  	s11 =	simm.s32 $0x6;
	s15 =	simm.s32 $0x7;
	[dreg:$0x10] =	wrdreg s19  }
0x1c: {  	s17 =	simm.s32 $0x8;
	s0 =	sadd.s32 $0x27000, s0;
	[dreg:$0x12] =	wrdreg s22  }
0x1d: {  	s24 =	sadd.s32 $0x140, s23;
	s25 =	sadd.s32 $0x190, s23;
	s6 =	sadd.s32 $0xF0, s23  }
0x1e: {  	s22 =	simm.s32 $0xD;
	s16 =	simm.s32 $0x4;
	[dreg:$0x11] =	wrdreg s0  }
0x1f: {  	s19 =	simm.s32 $0x0;
	[dreg:$0x13] =	wrdreg s24;
	s3 =	sshrl.u32 s25, $0x3  }
0x20: {  	s6 =	sshrl.u32 s6, $0x3;
	s0 =	sadd.s32 $0xA0, s23;
	s3 =	sadd.s32 s3, s4  }
0x21: {  	s26 =	sadd.s32 s6, s4;
	s0 =	sshrl.u32 s0, $0x3;
	[dreg:$0x14] =	wrdreg s3  }
0x22: {  	s6 =	simm.s32 $0x5;
	[dreg:$0x15] =	wrdreg s26;
	s0 =	sadd.s32 s0, s4  }
0x23: {  	v0 =	vimm.f32 $0.0e+00;
	s3 =	simm.s32 $0x1;
	[dreg:$0x16] =	wrdreg s0;
	s0 =	simm.s32 $0x5000  }
.LBB2_1:
0x24: {  	[dreg:$0x17] =	wrdreg s19;
	s13 =	simm.s32 $0x0;
	s19 =	simm.s32 $0x200  }
.LBB2_2:
0x25: {  	p1 =	sne.s32 s19, $0x9E00;
	[tilespmem:s13+$0x70] =	vst v0  }
0x26: {  	[tilespmem:s13+$0x0] =	vst v0  }
0x27: {  	[tilespmem:s13+$0x10] =	vst v0  }
.Ltmp0:
0x28: {  	[tilespmem:s13+$0x20] =	vst v0;
	(pc) =	sbr.rel @p1 .LBB2_2-.Ltmp0, $4  }
0x29: {  	[tilespmem:s13+$0x30] =	vst v0  }
0x2a: {  	[tilespmem:s13+$0x40] =	vst v0  }
0x2b: {  	[tilespmem:s13+$0x50] =	vst v0  }
0x2c: {  	[tilespmem:s13+$0x60] =	vst v0;
	s13 =	sshra.s32 s19, $0x2;
	s19 =	sadd.s32 $0x200, s19  }
0x2d: {  	[tilespmem:s13+$0x70] =	vst v0  }
0x2e: {  	[tilespmem:s13+$0x0] =	vst v0  }
0x2f: {  	[tilespmem:s13+$0x10] =	vst v0  }
0x30: {  	[tilespmem:s13+$0x20] =	vst v0  }
0x31: {  	[tilespmem:s13+$0x30] =	vst v0  }
0x32: {  	[tilespmem:s13+$0x40] =	vst v0  }
0x33: {  	[tilespmem:s13+$0x50] =	vst v0  }
0x34: {  	[tilespmem:s13+$0x60] =	vst v0  }
0x35: {  	[spmem:s18] =	stream.linear.scatter [tilespmem:s2], [sflag:$0xD], $0x2800, $0x38;
	[tilespmem:$0x1DA80] =	vst v63  }
0x36: {  	_ =	swait.ge [sflag:s22], $0x2800  }
0x37: {  	[sflag:s22] =	ssyncset.done $0x0  }
0x38: {  	s5 =	rddreg [dreg:$0x4];
	[sflag:s22] =	ssyncadd.s32 $0xFFFFD800  }
0x39: {  	[spmem:s5] =	stream.linear.scatter [tilespmem:s2], [sflag:$0xD], $0x2800, $0x38;
	[tilespmem:$0x1DA80] =	vst v63  }
0x3a: {  	_ =	swait.ge [sflag:s22], $0x2800  }
0x3b: {  	[sflag:s22] =	ssyncset.done $0x0  }
0x3c: {  	s26 =	rddreg [dreg:$0x5];
	[sflag:s22] =	ssyncadd.s32 $0xFFFFD800  }
0x3d: {  	[spmem:s26] =	stream.linear.scatter [tilespmem:s2], [sflag:$0xD], $0x2800, $0x38;
	[tilespmem:$0x1DA80] =	vst v63  }
0x3e: {  	_ =	swait.ge [sflag:s22], $0x2800  }
0x3f: {  	[sflag:s22] =	ssyncset.done $0x0  }
0x40: {  	s13 =	rddreg [dreg:$0x6];
	[sflag:s22] =	ssyncadd.s32 $0xFFFFD800  }
0x41: {  	[spmem:s13] =	stream.linear.scatter [tilespmem:s2], [sflag:$0xD], $0x2800, $0x38;
	[tilespmem:$0x1DA80] =	vst v63  }
0x42: {  	_ =	swait.ge [sflag:s22], $0x2800  }
0x43: {  	[sflag:s22] =	ssyncset.done $0x0  }
0x44: {  	s18 =	rddreg [dreg:$0x7];
	[sflag:s22] =	ssyncadd.s32 $0xFFFFD800  }
0x45: {  	[spmem:s18] =	stream.linear.scatter [tilespmem:s2], [sflag:$0xD], $0x2800, $0x38;
	[tilespmem:$0x1DA80] =	vst v63  }
0x46: {  	_ =	swait.ge [sflag:s22], $0x2800  }
0x47: {  	[sflag:s22] =	ssyncset.done $0x0  }
0x48: {  	s19 =	rddreg [dreg:$0x8];
	[sflag:s22] =	ssyncadd.s32 $0xFFFFD800  }
0x49: {  	[spmem:s19] =	stream.linear.scatter [tilespmem:s2], [sflag:$0xD], $0x2800, $0x38;
	[tilespmem:$0x1DA80] =	vst v63  }
0x4a: {  	_ =	swait.ge [sflag:s22], $0x2800  }
0x4b: {  	[sflag:s22] =	ssyncset.done $0x0  }
0x4c: {  	s23 =	rddreg [dreg:$0x9];
	[sflag:s22] =	ssyncadd.s32 $0xFFFFD800  }
0x4d: {  	[spmem:s23] =	stream.linear.scatter [tilespmem:s2], [sflag:$0xD], $0x2800, $0x38;
	[tilespmem:$0x1DA80] =	vst v63  }
0x4e: {  	_ =	swait.ge [sflag:s22], $0x2800  }
0x4f: {  	[sflag:s22] =	ssyncset.done $0x0  }
0x50: {  	s24 =	rddreg [dreg:$0xa];
	[sflag:s22] =	ssyncadd.s32 $0xFFFFD800  }
0x51: {  	[spmem:s24] =	stream.linear.scatter [tilespmem:s2], [sflag:$0xD], $0x2000, $0x38;
	[tilespmem:$0x1DA80] =	vst v63  }
0x52: {  	_ =	swait.ge [sflag:s22], $0x2000  }
0x53: {  	[sflag:s22] =	ssyncset.done $0x0  }
0x54: {  	s13 =	simm.s32 @!p0 $0x0;
	[sflag:s22] =	ssyncadd.s32 $0xFFFFE000  }
0x55: {  	[spmem:s20] =	stream.linear.scatter @!p0 [tilespmem:s13], [sflag:$0xD], $0x800, $0x38;
	[tilespmem:$0x1DA80] =	vst v63  }
0x56: {  	s13 =	simm.s32 @!p0 $0xD  }
0x57: {  	_ =	swait.ge @!p0 [sflag:s13], $0x800  }
0x58: {  	[sflag:s13] =	ssyncset.done @!p0 $0x0  }
0x59: {  	[sflag:s13] =	ssyncadd.s32 @!p0 $0xFFFFF800  }
0x5a: {  	[bflag:$0x0] =	sbarrier.arrive $0xFFFF  }
0x5b: {  	s25 =	simm.s32 $0x0;
	s26 =	rddreg [dreg:$0xc]  }
0x5c: {  	[tilespmem:s28], [sflag:$0x1] =	stream.linear.gather [hbm4b:s26+s25], $0x50, $0x38;
	[tilespmem:$0x1DA80] =	vst v63  }
0x5d: {  	p1 =	por $0x1, $0x1;
	s18 =	rddreg [dreg:$0xd]  }
0x5e: {  	[tilespmem:s25], [sflag:$0x5] =	stream.linear.gather [hbm4b:s18+s25], $0x2800, $0x38;
	[tilespmem:$0x1DA80] =	vst v63  }
0x5f: {  	p1 =	por p1, p1;
	s19 =	rddreg [dreg:$0xe]  }
0x60: {  	[tilespmem:s29], [sflag:$0x2] =	stream.linear.gather [hbm4b:s19+s25], $0x50, $0x38;
	[tilespmem:$0x1DA80] =	vst v63  }
0x61: {  	s13 =	simm.s32 @!p1 $0xB;
	s20 =	rddreg [dreg:$0x10]  }
0x62: {  	[tilespmem:s30], [sflag:$0x6] =	stream.linear.gather [hbm4b:s20+s25], $0x2800, $0x38;
	[tilespmem:$0x1DA80] =	vst v63  }
0x63: {  	_ =	swait.ge @!p1 [sflag:s13], $0x2800  }
0x64: {  	[sflag:s13] =	ssyncset.done @!p1 $0x0  }
0x65: {  	s22 =	sadd.s32 $0x0, s21;
	s25 =	rddreg [dreg:$0x16];
	[sflag:s13] =	ssyncadd.s32 @!p1 $0xFFFFD800  }
0x66: {  	[tilespmem:s31], [sflag:$0x3] =	stream.linear.gather [hbm4b:s25+s2], $0x50, $0x38;
	[tilespmem:$0x1DA80] =	vst v63  }
0x67: {  	s19 =	sadd.s32 $0xA00, s22  }
0x68: {  	[tilespmem:s0], [sflag:$0x7] =	stream.linear.gather [hbm4b:s19+s2], $0x2800, $0x38;
	[tilespmem:$0x1DA80] =	vst v63  }
0x69: {  	_ =	swait.ge [sflag:s3], $0x50  }
0x6a: {  	[sflag:s3] =	ssyncset.done $0x0  }
0x6b: {  	[sflag:s3] =	ssyncadd.s32 $0xFFFFFFB0  }
0x6c: {  	_ =	swait.ge [sflag:s6], $0x2800  }
0x6d: {  	[sflag:s6] =	ssyncset.done $0x0  }
0x6e: {  	s19 =	simm.s32 @!p1 $0xC;
	[sflag:s6] =	ssyncadd.s32 $0xFFFFD800  }
0x6f: {  	[spmem:s1] =	stream.indirect.scatter.add.f32 [tilespmem:s2], [sflag:$0x9], $0x80, s28, s7, $0xb8;
	[tilespmem:$0x1DA80] =	vst v63  }
0x70: {  	_ =	swait.ge @!p1 [sflag:s19], $0x2800  }
0x71: {  	[sflag:s19] =	ssyncset.done @!p1 $0x0  }
0x72: {  	s23 =	rddreg [dreg:$0x15];
	[sflag:s19] =	ssyncadd.s32 @!p1 $0xFFFFD800  }
0x73: {  	[tilespmem:s8], [sflag:$0x4] =	stream.linear.gather [hbm4b:s23+s2], $0x50, $0x38;
	[tilespmem:$0x1DA80] =	vst v63  }
0x74: {  	s24 =	sadd.s32 $0xF00, s22  }
0x75: {  	[tilespmem:s9], [sflag:$0x8] =	stream.linear.gather [hbm4b:s24+s2], $0x2800, $0x38;
	[tilespmem:$0x1DA80] =	vst v63  }
0x76: {  	_ =	swait.ge [sflag:s10], $0x50  }
0x77: {  	[sflag:s10] =	ssyncset.done $0x0  }
0x78: {  	[sflag:s10] =	ssyncadd.s32 $0xFFFFFFB0  }
0x79: {  	_ =	swait.ge [sflag:s11], $0x2800  }
0x7a: {  	[sflag:s11] =	ssyncset.done $0x0  }
0x7b: {  	[sflag:s11] =	ssyncadd.s32 $0xFFFFD800  }
0x7c: {  	[spmem:s1] =	stream.indirect.scatter.add.f32 [tilespmem:s30], [sflag:$0xA], $0x80, s29, s7, $0xb8;
	[tilespmem:$0x1DA80] =	vst v63  }
0x7d: {  	_ =	swait.ge [sflag:s12], $0x2800  }
0x7e: {  	s5 =	rddreg [dreg:$0x13]  }
0x7f: {  	[sflag:s12] =	ssyncset.done $0x0;
	s26 =	sshrl.u32 s5, $0x3  }
0x80: {  	[sflag:s12] =	ssyncadd.s32 $0xFFFFD800;
	s19 =	sadd.s32 s4, s26  }
0x81: {  	[tilespmem:s28], [sflag:$0x1] =	stream.linear.gather [hbm4b:s19+s2], $0x50, $0x38;
	[tilespmem:$0x1DA80] =	vst v63  }
0x82: {  	s13 =	sadd.s32 $0x1400, s22  }
0x83: {  	[tilespmem:s2], [sflag:$0x5] =	stream.linear.gather [hbm4b:s13+s2], $0x2800, $0x38;
	[tilespmem:$0x1DA80] =	vst v63  }
0x84: {  	_ =	swait.ge [sflag:s14], $0x50  }
0x85: {  	[sflag:s14] =	ssyncset.done $0x0  }
0x86: {  	[sflag:s14] =	ssyncadd.s32 $0xFFFFFFB0  }
0x87: {  	_ =	swait.ge [sflag:s15], $0x2800  }
0x88: {  	p1 =	por $0x0, $0x0;
	[sflag:s15] =	ssyncset.done $0x0  }
0x89: {  	s13 =	simm.s32 @!p1 $0xA;
	[sflag:s15] =	ssyncadd.s32 $0xFFFFD800  }
0x8a: {  	[spmem:s1] =	stream.indirect.scatter.add.f32 [tilespmem:s0], [sflag:$0xB], $0x80, s31, s7, $0xb8;
	[tilespmem:$0x1DA80] =	vst v63  }
0x8b: {  	_ =	swait.ge @!p1 [sflag:s13], $0x2800  }
0x8c: {  	s20 =	simm.s32 @!p1 $0x0;
	s22 =	simm.s32 @!p1 $0xA080;
	[sflag:s13] =	ssyncset.done @!p1 $0x0  }
0x8d: {  	s19 =	sadd.s32 @!p1 $0x0, s21;
	s18 =	rddreg [dreg:$0x14];
	[sflag:s13] =	ssyncadd.s32 @!p1 $0xFFFFD800  }
0x8e: {  	[tilespmem:s22], [sflag:$0x2] =	stream.linear.gather @!p1 [hbm4b:s18+s20], $0x50, $0x38;
	[tilespmem:$0x1DA80] =	vst v63  }
0x8f: {  	s13 =	sadd.s32 @!p1 $0x1900, s19;
	s19 =	simm.s32 @!p1 $0x2800  }
0x90: {  	[tilespmem:s19], [sflag:$0x6] =	stream.linear.gather @!p1 [hbm4b:s13+s20], $0x2800, $0x38;
	[tilespmem:$0x1DA80] =	vst v63  }
0x91: {  	_ =	swait.ge [sflag:s16], $0x50  }
0x92: {  	p6 =	por $0x0, $0x0;
	s24 =	simm.s32 $0x2800;
	[sflag:s16] =	ssyncset.done $0x0  }
0x93: {  	s22 =	sadd.s32 $0x28, s23;
	s23 =	sadd.s32 $0x28, s25;
	[sflag:s16] =	ssyncadd.s32 $0xFFFFFFB0  }
0x94: {  	s19 =	simm.s32 $0x1400;
	p1 =	por p6, p6;
	_ =	swait.ge [sflag:s17], $0x2800  }
0x95: {  	s13 =	sadd.s32 $0x140, s5;
	s20 =	sadd.s32 $0x28, s18;
	[sflag:s17] =	ssyncset.done $0x0  }
.LBB2_4:
0x96: {  	p3 =	seq.s32 s24, $0x0;
	s5 =	simm.s32 @!p1 $0xB;
	[sflag:s17] =	ssyncadd.s32 $0xFFFFD800  }
0x97: {  	[spmem:s1] =	stream.indirect.scatter.add.f32 [tilespmem:s9], [sflag:$0xC], $0x80, s8, s7, $0xb8;
	[tilespmem:$0x1DA80] =	vst v63  }
0x98: {  	s25 =	smov.u32 s24;
	s24 =	sadd.s32 $0x1400, s24;
	_ =	swait.ge @!p1 [sflag:s5], $0x2800  }
0x99: {  	p2 =	sne.s32 s24, $0x26C00;
	[sflag:s5] =	ssyncset.done @!p1 $0x0  }
0x9a: {  	[sflag:s5] =	ssyncadd.s32 @!p1 $0xFFFFD800;
	s5 =	sadd.s32 s19, s21  }
0x9b: {  	[tilespmem:s31], [sflag:$0x3] =	stream.linear.gather [hbm4b:s23+s2], $0x50, $0x38;
	[tilespmem:$0x1DA80] =	vst v63  }
0x9c: {  	s18 =	sadd.s32 $0xA00, s5  }
0x9d: {  	[tilespmem:s0], [sflag:$0x7] =	stream.linear.gather [hbm4b:s18+s2], $0x2800, $0x38;
	[tilespmem:$0x1DA80] =	vst v63  }
0x9e: {  	_ =	swait.ge [sflag:s3], $0x50  }
0x9f: {  	[sflag:s3] =	ssyncset.done $0x0  }
0xa0: {  	[sflag:s3] =	ssyncadd.s32 $0xFFFFFFB0  }
0xa1: {  	_ =	swait.ge [sflag:s6], $0x2800  }
0xa2: {  	[sflag:s6] =	ssyncset.done $0x0  }
0xa3: {  	s18 =	simm.s32 @!p1 $0xC;
	[sflag:s6] =	ssyncadd.s32 $0xFFFFD800  }
0xa4: {  	[spmem:s1] =	stream.indirect.scatter.add.f32 [tilespmem:s2], [sflag:$0x9], $0x80, s28, s7, $0xb8;
	[tilespmem:$0x1DA80] =	vst v63  }
0xa5: {  	_ =	swait.ge @!p1 [sflag:s18], $0x2800  }
0xa6: {  	[sflag:s18] =	ssyncset.done @!p1 $0x0  }
0xa7: {  	[sflag:s18] =	ssyncadd.s32 @!p1 $0xFFFFD800;
	p1 =	por p3, p3  }
0xa8: {  	[tilespmem:s8], [sflag:$0x4] =	stream.linear.gather [hbm4b:s22+s2], $0x50, $0x38;
	[tilespmem:$0x1DA80] =	vst v63  }
0xa9: {  	s18 =	sadd.s32 $0xF00, s5  }
0xaa: {  	[tilespmem:s9], [sflag:$0x8] =	stream.linear.gather [hbm4b:s18+s2], $0x2800, $0x38;
	[tilespmem:$0x1DA80] =	vst v63  }
0xab: {  	_ =	swait.ge [sflag:s10], $0x50  }
0xac: {  	[sflag:s10] =	ssyncset.done $0x0  }
0xad: {  	[sflag:s10] =	ssyncadd.s32 $0xFFFFFFB0  }
0xae: {  	_ =	swait.ge [sflag:s11], $0x2800  }
0xaf: {  	[sflag:s11] =	ssyncset.done $0x0  }
0xb0: {  	[sflag:s11] =	ssyncadd.s32 $0xFFFFD800  }
0xb1: {  	[spmem:s1] =	stream.indirect.scatter.add.f32 [tilespmem:s30], [sflag:$0xA], $0x80, s29, s7, $0xb8;
	[tilespmem:$0x1DA80] =	vst v63  }
0xb2: {  	_ =	swait.ge [sflag:s12], $0x2800  }
0xb3: {  	s18 =	sshrl.u32 s13, $0x3;
	[sflag:s12] =	ssyncset.done $0x0  }
0xb4: {  	s18 =	sadd.s32 s4, s18;
	[sflag:s12] =	ssyncadd.s32 $0xFFFFD800  }
0xb5: {  	[tilespmem:s28], [sflag:$0x1] =	stream.linear.gather [hbm4b:s18+s2], $0x50, $0x38;
	[tilespmem:$0x1DA80] =	vst v63  }
0xb6: {  	s5 =	sadd.s32 $0x1400, s5  }
0xb7: {  	[tilespmem:s2], [sflag:$0x5] =	stream.linear.gather [hbm4b:s5+s2], $0x2800, $0x38;
	[tilespmem:$0x1DA80] =	vst v63  }
0xb8: {  	_ =	swait.ge [sflag:s14], $0x50  }
0xb9: {  	[sflag:s14] =	ssyncset.done $0x0  }
0xba: {  	[sflag:s14] =	ssyncadd.s32 $0xFFFFFFB0  }
0xbb: {  	_ =	swait.ge [sflag:s15], $0x2800  }
0xbc: {  	[sflag:s15] =	ssyncset.done $0x0  }
0xbd: {  	p3 =	seq.s32 s19, $0x25800;
	[sflag:s15] =	ssyncadd.s32 $0xFFFFD800  }
0xbe: {  	[spmem:s1] =	stream.indirect.scatter.add.f32 [tilespmem:s0], [sflag:$0xB], $0x80, s31, s7, $0xb8;
	[tilespmem:$0x1DA80] =	vst v63  }
0xbf: {  	s18 =	sadd.s32 @!p3 s19, s21;
	s19 =	smov.u32 s25;
	s5 =	simm.s32 @!p3 $0xA  }
0xc0: {  	s18 =	sadd.s32 @!p3 $0x1900, s18;
	_ =	swait.ge @!p3 [sflag:s5], $0x2800  }
0xc1: {  	s26 =	simm.s32 @!p3 $0xA080;
	s25 =	simm.s32 @!p3 $0x0;
	[sflag:s5] =	ssyncset.done @!p3 $0x0  }
0xc2: {  	[sflag:s5] =	ssyncadd.s32 @!p3 $0xFFFFD800;
	s5 =	simm.s32 @!p3 $0x2800  }
0xc3: {  	[tilespmem:s26], [sflag:$0x2] =	stream.linear.gather @!p3 [hbm4b:s20+s25], $0x50, $0x38;
	[tilespmem:$0x1DA80] =	vst v63  }
0xc4: {  	_ = 	snop  }
0xc5: {  	[tilespmem:s5], [sflag:$0x6] =	stream.linear.gather @!p3 [hbm4b:s18+s25], $0x2800, $0x38;
	[tilespmem:$0x1DA80] =	vst v63  }
.Ltmp1:
0xc6: {  	_ =	swait.ge [sflag:s16], $0x50;
	(pc) =	sbr.rel @p2 .LBB2_4-.Ltmp1, $4  }
0xc7: {  	[sflag:s16] =	ssyncset.done $0x0  }
0xc8: {  	[sflag:s16] =	ssyncadd.s32 $0xFFFFFFB0  }
0xc9: {  	s23 =	sadd.s32 $0x28, s23;
	s22 =	sadd.s32 $0x28, s22;
	_ =	swait.ge [sflag:s17], $0x2800  }
0xca: {  	s13 =	sadd.s32 $0x140, s13;
	s20 =	sadd.s32 $0x28, s20;
	[sflag:s17] =	ssyncset.done $0x0  }
0xcb: {  	s5 =	simm.s32 @!p1 $0xB;
	[sflag:s17] =	ssyncadd.s32 $0xFFFFD800  }
0xcc: {  	[spmem:s1] =	stream.indirect.scatter.add.f32 [tilespmem:s9], [sflag:$0xC], $0x80, s8, s7, $0xb8;
	[tilespmem:$0x1DA80] =	vst v63  }
0xcd: {  	_ =	swait.ge @!p1 [sflag:s5], $0x2800  }
0xce: {  	[sflag:s5] =	ssyncset.done @!p1 $0x0  }
0xcf: {  	s25 =	sadd.s32 s19, s21;
	[sflag:s5] =	ssyncadd.s32 @!p1 $0xFFFFD800  }
0xd0: {  	[tilespmem:s31], [sflag:$0x3] =	stream.linear.gather [hbm4b:s23+s2], $0x50, $0x38;
	[tilespmem:$0x1DA80] =	vst v63  }
0xd1: {  	s18 =	sadd.s32 $0xA00, s25  }
0xd2: {  	[tilespmem:s0], [sflag:$0x7] =	stream.linear.gather [hbm4b:s18+s2], $0x2800, $0x38;
	[tilespmem:$0x1DA80] =	vst v63  }
0xd3: {  	_ =	swait.ge [sflag:s3], $0x50  }
0xd4: {  	[sflag:s3] =	ssyncset.done $0x0  }
0xd5: {  	[sflag:s3] =	ssyncadd.s32 $0xFFFFFFB0  }
0xd6: {  	_ =	swait.ge [sflag:s6], $0x2800  }
0xd7: {  	[sflag:s6] =	ssyncset.done $0x0  }
0xd8: {  	s18 =	simm.s32 @!p1 $0xC;
	[sflag:s6] =	ssyncadd.s32 $0xFFFFD800  }
0xd9: {  	[spmem:s1] =	stream.indirect.scatter.add.f32 [tilespmem:s2], [sflag:$0x9], $0x80, s28, s7, $0xb8;
	[tilespmem:$0x1DA80] =	vst v63  }
0xda: {  	_ =	swait.ge @!p1 [sflag:s18], $0x2800  }
0xdb: {  	[sflag:s18] =	ssyncset.done @!p1 $0x0  }
0xdc: {  	[sflag:s18] =	ssyncadd.s32 @!p1 $0xFFFFD800  }
0xdd: {  	[tilespmem:s8], [sflag:$0x4] =	stream.linear.gather [hbm4b:s22+s2], $0x50, $0x38;
	[tilespmem:$0x1DA80] =	vst v63  }
0xde: {  	s26 =	sadd.s32 $0xF00, s25  }
0xdf: {  	[tilespmem:s9], [sflag:$0x8] =	stream.linear.gather [hbm4b:s26+s2], $0x2800, $0x38;
	[tilespmem:$0x1DA80] =	vst v63  }
0xe0: {  	_ =	swait.ge [sflag:s10], $0x50  }
0xe1: {  	[sflag:s10] =	ssyncset.done $0x0  }
0xe2: {  	[sflag:s10] =	ssyncadd.s32 $0xFFFFFFB0  }
0xe3: {  	_ =	swait.ge [sflag:s11], $0x2800  }
0xe4: {  	[sflag:s11] =	ssyncset.done $0x0  }
0xe5: {  	[sflag:s11] =	ssyncadd.s32 $0xFFFFD800  }
0xe6: {  	[spmem:s1] =	stream.indirect.scatter.add.f32 [tilespmem:s30], [sflag:$0xA], $0x80, s29, s7, $0xb8;
	[tilespmem:$0x1DA80] =	vst v63  }
0xe7: {  	_ =	swait.ge [sflag:s12], $0x2800  }
0xe8: {  	s13 =	sshrl.u32 s13, $0x3;
	[sflag:s12] =	ssyncset.done $0x0  }
0xe9: {  	s13 =	sadd.s32 s4, s13;
	[sflag:s12] =	ssyncadd.s32 $0xFFFFD800  }
0xea: {  	[tilespmem:s28], [sflag:$0x1] =	stream.linear.gather [hbm4b:s13+s2], $0x50, $0x38;
	[tilespmem:$0x1DA80] =	vst v63  }
0xeb: {  	s5 =	sadd.s32 $0x1400, s25  }
0xec: {  	[tilespmem:s2], [sflag:$0x5] =	stream.linear.gather [hbm4b:s5+s2], $0x2800, $0x38;
	[tilespmem:$0x1DA80] =	vst v63  }
0xed: {  	_ =	swait.ge [sflag:s14], $0x50  }
0xee: {  	[sflag:s14] =	ssyncset.done $0x0  }
0xef: {  	[sflag:s14] =	ssyncadd.s32 $0xFFFFFFB0  }
0xf0: {  	_ =	swait.ge [sflag:s15], $0x2800  }
0xf1: {  	p1 =	seq.s32 s19, $0x25800;
	[sflag:s15] =	ssyncset.done $0x0  }
0xf2: {  	s5 =	simm.s32 @!p1 $0xA;
	[sflag:s15] =	ssyncadd.s32 $0xFFFFD800  }
0xf3: {  	[spmem:s1] =	stream.indirect.scatter.add.f32 [tilespmem:s0], [sflag:$0xB], $0x80, s31, s7, $0xb8;
	[tilespmem:$0x1DA80] =	vst v63  }
0xf4: {  	_ =	swait.ge @!p1 [sflag:s5], $0x2800  }
0xf5: {  	[sflag:s5] =	ssyncset.done @!p1 $0x0  }
0xf6: {  	s13 =	simm.s32 @!p1 $0x0;
	[sflag:s5] =	ssyncadd.s32 @!p1 $0xFFFFD800;
	s5 =	simm.s32 @!p1 $0xA080  }
0xf7: {  	[tilespmem:s5], [sflag:$0x2] =	stream.linear.gather @!p1 [hbm4b:s20+s13], $0x50, $0x38;
	[tilespmem:$0x1DA80] =	vst v63  }
0xf8: {  	s5 =	sadd.s32 @!p1 s19, s21  }
0xf9: {  	s18 =	simm.s32 @!p1 $0x2800;
	s5 =	sadd.s32 @!p1 $0x1900, s5  }
0xfa: {  	[tilespmem:s18], [sflag:$0x6] =	stream.linear.gather @!p1 [hbm4b:s5+s13], $0x2800, $0x38;
	[tilespmem:$0x1DA80] =	vst v63  }
0xfb: {  	_ =	swait.ge [sflag:s16], $0x50  }
0xfc: {  	[sflag:s16] =	ssyncset.done $0x0  }
0xfd: {  	[sflag:s16] =	ssyncadd.s32 $0xFFFFFFB0  }
0xfe: {  	_ =	swait.ge [sflag:s17], $0x2800  }
0xff: {  	[sflag:s17] =	ssyncset.done $0x0  }
0x100: {  	[sflag:s17] =	ssyncadd.s32 $0xFFFFD800  }
0x101: {  	[spmem:s1] =	stream.indirect.scatter.add.f32 [tilespmem:s9], [sflag:$0xC], $0x80, s8, s7, $0xb8;
	[tilespmem:$0x1DA80] =	vst v63  }
0x102: {  	_ =	swait.ge [sflag:s3], $0x50  }
0x103: {  	[sflag:s3] =	ssyncset.done $0x0  }
0x104: {  	[sflag:s3] =	ssyncadd.s32 $0xFFFFFFB0  }
0x105: {  	_ =	swait.ge [sflag:s6], $0x2800  }
0x106: {  	[sflag:s6] =	ssyncset.done $0x0  }
0x107: {  	[sflag:s6] =	ssyncadd.s32 $0xFFFFD800  }
0x108: {  	[spmem:s1] =	stream.indirect.scatter.add.f32 [tilespmem:s2], [sflag:$0x9], $0x80, s28, s7, $0xb8;
	[tilespmem:$0x1DA80] =	vst v63  }
0x109: {  	_ =	swait.ge [sflag:s12], $0x2800  }
0x10a: {  	[sflag:s12] =	ssyncset.done $0x0  }
0x10b: {  	s18 =	simm.s32 $0xA;
	[sflag:s12] =	ssyncadd.s32 $0xFFFFD800  }
0x10c: {  	_ =	swait.ge [sflag:s18], $0x2800  }
0x10d: {  	[sflag:s18] =	ssyncset.done $0x0  }
0x10e: {  	s19 =	simm.s32 $0xB;
	[sflag:s18] =	ssyncadd.s32 $0xFFFFD800  }
0x10f: {  	_ =	swait.ge [sflag:s19], $0x2800  }
0x110: {  	[sflag:s19] =	ssyncset.done $0x0  }
0x111: {  	s20 =	simm.s32 $0xC;
	[sflag:s19] =	ssyncadd.s32 $0xFFFFD800  }
0x112: {  	_ =	swait.ge [sflag:s20], $0x2800  }
0x113: {  	[sflag:s20] =	ssyncset.done $0x0  }
0x114: {  	[sflag:s20] =	ssyncadd.s32 $0xFFFFD800  }
0x115: {  	s22 =	stileid.u32;
	[bflag:$0x0] =	sbarrier.arrive $0xFFFF  }
0x116: {  	s5 =	sshll.u32 s22, $0x6;
	s22 =	simm.s32 $0xD;
	s18 =	rddreg [dreg:$0x3]  }
0x117: {  	s5 =	sor.u32 $0x1C0D, s5;
	s24 =	rddreg [dreg:$0xf];
	s23 =	sshrl.u32 s18, $0x3  }
0x118: {  	[hbm:s24], [sflag:s5] =	dma.local [spmem:s23], $0x2700  }
0x119: {  	_ =	swait.ge [sflag:s22], $0x2700  }
0x11a: {  	[sflag:s22] =	ssyncset.done $0x0;
	s20 =	rddreg [dreg:$0xb]  }
0x11b: {  	s19 =	rddreg [dreg:$0x11];
	[sflag:s22] =	ssyncadd.s32 $0xFFFFD900;
	s13 =	sshrl.u32 @!p0 s20, $0x3  }
0x11c: {  	[hbm:s19], [sflag:s5] =	dma.local @!p0 [spmem:s13], $0x100  }
0x11d: {  	s5 =	simm.s32 @!p0 $0xD  }
0x11e: {  	_ =	swait.ge @!p0 [sflag:s5], $0x100  }
0x11f: {  	s25 =	rddreg [dreg:$0x17]  }
0x120: {  	s26 =	rddreg [dreg:$0x12];
	s19 =	sadd.s32 $0x1, s25  }
0x121: {  	p1 =	sne.s32 s19, s26  }
.Ltmp2:
0x122: {  	_ = 	snop;
	(pc) =	sbr.rel @p1 .LBB2_1-.Ltmp2, $3  }
0x123: {  	_ =	sdelay $0x1  }
0x124: {  	[sflag:s5] =	ssyncset.done @!p0 $0x0  }
0x125: {  	[sflag:s5] =	ssyncadd.s32 @!p0 $0xFFFFFF00  }
0x126: {  	_ =	sfence.sel $0x180000  }
0x127: {  	[bflag:$0x0] =	sbarrier.arrive $0xFFFF  }
0x128: {  	_ =	strace $0x90000050  }
0x129: {  	s0 =	stileid.u32;
	[bflag:$0x2] =	sbarrier.arrive $0xFFFF  }
0x12a: {  	p0 =	sne.s32 s0, $0x0;
	s0 =	rddreg [dreg:$0x2]  }
0x12b: {  	s0 =	sadd.s32 @!p0 $0x100000, s0  }
0x12c: {  	[sflag:s0] =	ssyncadd.tile.s32 @!p0 $0x1;
	_ =	shalt  }
.Lfunc_end2:
_tile_overlayer_lowered:
.L_overlay_start_2:
0x12d: {  	(tag) =	ssettag $0x2  }
0x12e: {  	s0 =	rddreg [dreg:$0x0];
	s2 =	stileid.u32  }
0x12f: {  	s1 =	rddreg [dreg:$0x1];
	p0 =	sne.s32 s2, $0x0  }
0x130: {  	s3 =	rddreg [dreg:$0x2];
	[bflag:$0x3] =	sbarrier.arrive $0xFFFF;
	s2 =	simm.s32 @!p0 $0x1C0D  }
0x131: {  	[timem:s3], [sflag:s2] =	dma.local @!p0 [hbm:s0], s1  }
0x132: {  	s0 =	simm.s32 @!p0 $0xD  }
0x133: {  	_ =	swait.ge @!p0 [sflag:s0], s1  }
0x134: {  	s1 =	ssub.s32 @!p0 $0x0, s1;
	[sflag:s0] =	ssyncset.done @!p0 $0x0  }
0x135: {  	[sflag:s0] =	ssyncadd.s32 @!p0 s1  }
0x136: {  	[bflag:$0x3] =	sbarrier.arrive $0xFFFF  }
0x137: {  	_ =	shalt  }

</sc_bundles>
